<compile_context>
chip_gen: v7x
topology: tpu7x:2x2x1
jax: 0.10.2.dev20260603
libtpu: 0.0.44.dev20260713+nightly
codegen_flags: <defaults>
</compile_context>

<pallas_src>
import functools

import jax
import jax.numpy as jnp
from jax import lax
from jax.experimental import pallas as pl
from jax.experimental.pallas import tpu as pltpu
from jax.experimental.pallas import tpu_sc as plsc

_N = 10000
_E = 320000
_D = 128
_H = _D // 2
_NC = 2
_NS = 16
_NW = _NC * _NS
_CH = 80

_DEPW = _E // _NW
_DNCH = _DEPW // _CH

_NST = 5
_SCH = _DNCH // _NST

_ZCH = 624
_ZLAST = _N - 15 * _ZCH

_MESH = plsc.VectorSubcoreMesh(core_axis_name="c", subcore_axis_name="s")


@functools.partial(
    pl.kernel,
    out_type=[jax.ShapeDtypeStruct((_N,), jnp.float32)] * 4,
    mesh=_MESH,
    scratch_types=[
        pltpu.VMEM((_DNCH, _CH), jnp.int32),
        pltpu.VMEM((_DNCH, _CH), jnp.int32),
        pltpu.VMEM((_ZLAST,), jnp.float32),
        pltpu.VMEM_SHARED((_N,), jnp.float32),
        pltpu.VMEM_SHARED((_N,), jnp.float32),
        pltpu.SemaphoreType.DMA,
        pltpu.SemaphoreType.DMA,
    ],
)
def _deg_kernel(esrc3, edst3, out_o0, out_o1, out_i0, out_i1,
                srcb, dstb, valb, shdego, shdegi, sem0, sem1):
    c = lax.axis_index("c")
    s = lax.axis_index("s")
    g = c * _NS + s

    @pl.loop(0, _ZLAST // 16)
    def _(i):
        valb[pl.ds(i * 16, 16)] = jnp.zeros((16,), jnp.float32)

    off = s * _ZCH

    @pl.when(s < 15)
    def _():
        pltpu.sync_copy(valb.at[pl.ds(0, _ZCH)], shdego.at[pl.ds(off, _ZCH)])
        pltpu.sync_copy(valb.at[pl.ds(0, _ZCH)], shdegi.at[pl.ds(off, _ZCH)])

    @pl.when(s == 15)
    def _():
        pltpu.sync_copy(valb.at[pl.ds(0, _ZLAST)], shdego.at[pl.ds(off, _ZLAST)])
        pltpu.sync_copy(valb.at[pl.ds(0, _ZLAST)], shdegi.at[pl.ds(off, _ZLAST)])

    pltpu.sync_copy(esrc3.at[g], srcb)
    pltpu.sync_copy(edst3.at[g], dstb)

    plsc.subcore_barrier()

    @pl.loop(0, _ZLAST // 16)
    def _(i):
        valb[pl.ds(i * 16, 16)] = jnp.ones((16,), jnp.float32)

    ones = valb.at[pl.ds(0, _CH)]
    pltpu.async_copy(ones, shdego.at[srcb.at[0]], sem0, add=True)
    pltpu.async_copy(ones, shdegi.at[dstb.at[0]], sem1, add=True)

    @pl.loop(0, _DNCH)
    def _(j):
        @pl.when(j + 1 < _DNCH)
        def _():
            pltpu.async_copy(ones, shdego.at[srcb.at[j + 1]], sem0, add=True)
            pltpu.async_copy(ones, shdegi.at[dstb.at[j + 1]], sem1, add=True)

        pltpu.make_async_copy(ones, shdego.at[srcb.at[j]], sem0).wait()
        pltpu.make_async_copy(ones, shdegi.at[dstb.at[j]], sem1).wait()

    plsc.subcore_barrier()

    sz_small = s < 15

    def _emit(oref, iref):
        @pl.when(sz_small)
        def _():
            pltpu.sync_copy(shdego.at[pl.ds(off, _ZCH)], valb.at[pl.ds(0, _ZCH)])
            pltpu.sync_copy(valb.at[pl.ds(0, _ZCH)], oref.at[pl.ds(off, _ZCH)])
            pltpu.sync_copy(shdegi.at[pl.ds(off, _ZCH)], valb.at[pl.ds(0, _ZCH)])
            pltpu.sync_copy(valb.at[pl.ds(0, _ZCH)], iref.at[pl.ds(off, _ZCH)])

        @pl.when(jnp.logical_not(sz_small))
        def _():
            pltpu.sync_copy(shdego.at[pl.ds(off, _ZLAST)], valb.at[pl.ds(0, _ZLAST)])
            pltpu.sync_copy(valb.at[pl.ds(0, _ZLAST)], oref.at[pl.ds(off, _ZLAST)])
            pltpu.sync_copy(shdegi.at[pl.ds(off, _ZLAST)], valb.at[pl.ds(0, _ZLAST)])
            pltpu.sync_copy(valb.at[pl.ds(0, _ZLAST)], iref.at[pl.ds(off, _ZLAST)])

    @pl.when(c == 0)
    def _():
        _emit(out_o0, out_i0)

    @pl.when(c == 1)
    def _():
        _emit(out_o1, out_i1)


@functools.partial(
    pl.kernel,
    out_type=jax.ShapeDtypeStruct((2, _N, _D), jnp.float32),
    mesh=_MESH,
    scratch_types=[
        pltpu.VMEM((_SCH, _CH), jnp.int32),
        pltpu.VMEM((_SCH, _CH), jnp.int32),
        pltpu.VMEM((_CH, _D), jnp.float32),
        pltpu.VMEM((_CH, _D), jnp.float32),
        pltpu.VMEM((_CH, _D), jnp.float32),
        pltpu.VMEM_SHARED((_N, _D), jnp.float32),
        pltpu.SemaphoreType.DMA,
        pltpu.SemaphoreType.DMA,
        pltpu.SemaphoreType.DMA,
        pltpu.SemaphoreType.DMA,
        pltpu.SemaphoreType.DMA,
        pltpu.SemaphoreType.DMA,
    ],
)
def _agg_kernel(t, esrc4, edst4, out, srcb, dstb, rows0, rows1, rows2, acc,
                gs0, gs1, gs2, ss0, ss1, ss2):
    c = lax.axis_index("c")
    s = lax.axis_index("s")
    g = c * _NS + s

    @pl.loop(0, _CH * (_D // 16))
    def _(k):
        i = k // (_D // 16)
        j = k % (_D // 16)
        rows0[i, pl.ds(j * 16, 16)] = jnp.zeros((16,), jnp.float32)

    @pl.when(s < 15)
    def _():
        @pl.loop(0, 7)
        def _(k):
            pltpu.sync_copy(
                rows0.at[pl.ds(0, _CH)],
                acc.at[pl.ds(s * _ZCH + k * _CH, _CH)],
            )

        pltpu.sync_copy(
            rows0.at[pl.ds(0, 64)],
            acc.at[pl.ds(s * _ZCH + 560, 64)],
        )

    @pl.when(s == 15)
    def _():
        @pl.loop(0, 8)
        def _(k):
            pltpu.sync_copy(
                rows0.at[pl.ds(0, _CH)],
                acc.at[pl.ds(15 * _ZCH + k * _CH, _CH)],
            )

    plsc.subcore_barrier()

    rows = (rows0, rows1, rows2)
    gsem = (gs0, gs1, gs2)
    ssem = (ss0, ss1, ss2)

    @pl.loop(0, _NST)
    def _(st):
        pltpu.sync_copy(esrc4.at[g, st], srcb)
        pltpu.sync_copy(edst4.at[g, st], dstb)

        pltpu.async_copy(t.at[srcb.at[0]], rows[0], gsem[0])
        pltpu.async_copy(t.at[srcb.at[1]], rows[1], gsem[1])

        @pl.loop(0, _SCH)
        def _(j):
            for b in range(3):
                @pl.when(j % 3 == b)
                def _(b=b):
                    pltpu.make_async_copy(t.at[srcb.at[j]], rows[b], gsem[b]).wait()
                    pltpu.async_copy(rows[b], acc.at[dstb.at[j]], ssem[b], add=True)

                    @pl.when(j + 2 < _SCH)
                    def _(b=b):
                        nb = (b + 2) % 3

                        @pl.when(j >= 1)
                        def _(nb=nb):
                            pltpu.make_async_copy(
                                rows[nb], acc.at[dstb.at[j - 1]], ssem[nb]
                            ).wait()

                        pltpu.async_copy(t.at[srcb.at[j + 2]], rows[nb], gsem[nb])

        for k in (_SCH - 3, _SCH - 2, _SCH - 1):
            pltpu.make_async_copy(rows[k % 3], acc.at[dstb.at[k]], ssem[k % 3]).wait()

    plsc.subcore_barrier()

    @pl.when(s < 15)
    def _():
        @pl.loop(0, 7)
        def _(k):
            roff = s * _ZCH + k * _CH
            pltpu.sync_copy(acc.at[pl.ds(roff, _CH)], rows0.at[pl.ds(0, _CH)])
            pltpu.sync_copy(rows0.at[pl.ds(0, _CH)], out.at[c, pl.ds(roff, _CH)])

        tl = s * _ZCH + 560
        pltpu.sync_copy(acc.at[pl.ds(tl, 64)], rows0.at[pl.ds(0, 64)])
        pltpu.sync_copy(rows0.at[pl.ds(0, 64)], out.at[c, pl.ds(tl, 64)])

    @pl.when(s == 15)
    def _():
        @pl.loop(0, 8)
        def _(k):
            roff = 15 * _ZCH + k * _CH
            pltpu.sync_copy(acc.at[pl.ds(roff, _CH)], rows0.at[pl.ds(0, _CH)])
            pltpu.sync_copy(rows0.at[pl.ds(0, _CH)], out.at[c, pl.ds(roff, _CH)])


_BLK = 1000


def _norm_src(deg_ref):
    d = deg_ref[:, 0:1] + deg_ref[:, 1:2]
    return lax.rsqrt(jnp.maximum(d, 1.0))


def _norm_dst(deg_ref):
    d = deg_ref[:, 2:3] + deg_ref[:, 3:4]
    return lax.rsqrt(jnp.maximum(d, 1.0))


def _mm1_body(x_ref, deg_ref, w_ref, o_ref):
    h = x_ref[...] * _norm_src(deg_ref)
    o_ref[...] = jnp.dot(h, w_ref[...], preferred_element_type=jnp.float32)


def _mid_body(agg_ref, deg_ref, b_ref, w_ref, o_ref):
    p = agg_ref[0] + agg_ref[1]
    h = jnp.maximum(p * _norm_dst(deg_ref) + b_ref[...], 0.0)
    h = h * _norm_src(deg_ref)
    o_ref[...] = jnp.dot(h, w_ref[...], preferred_element_type=jnp.float32)


def _final_body(agg_ref, deg_ref, b_ref, o_ref):
    p = agg_ref[0] + agg_ref[1]
    o_ref[...] = jnp.maximum(p * _norm_dst(deg_ref) + b_ref[...], 0.0)


_deg_spec = pl.BlockSpec((_BLK, 4), lambda i: (i, 0))
_row_spec = pl.BlockSpec((_BLK, _D), lambda i: (i, 0))
_agg_spec = pl.BlockSpec((2, _BLK, _D), lambda i: (0, i, 0))
_w_spec = pl.BlockSpec((_D, _D), lambda i: (0, 0))
_b_spec = pl.BlockSpec((1, _D), lambda i: (0, 0))
_out_full = jax.ShapeDtypeStruct((_N, _D), jnp.float32)

_mm1_call = pl.pallas_call(
    _mm1_body,
    grid=(_N // _BLK,),
    in_specs=[_row_spec, _deg_spec, _w_spec],
    out_specs=_row_spec,
    out_shape=_out_full,
)

_mid_call = pl.pallas_call(
    _mid_body,
    grid=(_N // _BLK,),
    in_specs=[_agg_spec, _deg_spec, _b_spec, _w_spec],
    out_specs=_row_spec,
    out_shape=_out_full,
)

_final_call = pl.pallas_call(
    _final_body,
    grid=(_N // _BLK,),
    in_specs=[_agg_spec, _deg_spec, _b_spec],
    out_specs=_row_spec,
    out_shape=_out_full,
)


@jax.jit
def kernel(x, edge_index, W1, b1, W2, b2):
    e32 = edge_index.reshape(2, _NW, _DNCH, _CH)
    e4 = edge_index.reshape(2, _NW, _NST, _SCH, _CH)
    do0, do1, di0, di1 = _deg_kernel(e32[0], e32[1])
    degs = jnp.stack([do0, do1, di0, di1], axis=1)
    t1 = _mm1_call(x, degs, W1)
    agg1 = _agg_kernel(t1, e4[0], e4[1])
    t2 = _mid_call(agg1, degs, b1.reshape(1, _D), W2)
    agg2 = _agg_kernel(t2, e4[0], e4[1])
    return _final_call(agg2, degs, b2.reshape(1, _D))

# --- scband reference (transcript-rebuilt; emitter-appended) ---
"""Pipeline reference for scband-stochastic-two-layer-gcn-65111704207519 (READ-ONLY COPY).

The authoritative reference and input builder live on the scoring server;
editing this copy changes nothing except your own understanding.
"""

import jax, jax.numpy as jnp
import numpy as np

N = 10000
E = 320000
D = 128


def setup_inputs(seed: int = 0) -> dict:
    key = jax.random.key(seed)
    k1, k2, k3, k4 = jax.random.split(key, 4)
    x = jax.random.normal(k1, (N, D), dtype=jnp.float32)
    edge_index = jax.random.randint(k2, (2, E), 0, N, dtype=jnp.int32)
    W1 = jax.random.normal(k3, (D, D), dtype=jnp.float32) * 0.05
    b1 = jnp.zeros((D,), dtype=jnp.float32)
    W2 = jax.random.normal(k4, (D, D), dtype=jnp.float32) * 0.05
    b2 = jnp.zeros((D,), dtype=jnp.float32)
    return {"x": x, "edge_index": edge_index, "W1": W1, "b1": b1, "W2": W2, "b2": b2}


def _graph_conv(h, src, dst, W, b):
    # DGL GraphConv with norm='both': D_dst^{-1/2} A D_src^{-1/2} X W + b
    n = h.shape[0]
    ones = jnp.ones((src.shape[0],), dtype=h.dtype)
    deg_out = jnp.zeros((n,), dtype=h.dtype).at[src].add(ones)
    deg_in = jnp.zeros((n,), dtype=h.dtype).at[dst].add(ones)
    norm_src = jax.lax.rsqrt(jnp.clip(deg_out, 1.0, None))
    norm_dst = jax.lax.rsqrt(jnp.clip(deg_in, 1.0, None))
    h = h * norm_src[:, None]
    # in_feats == out_feats -> weight applied before aggregation (mult_W_first path)
    h = h @ W
    msg = jnp.take(h, src, axis=0)
    agg = jnp.zeros((n, h.shape[1]), dtype=h.dtype).at[dst].add(msg)
    return agg * norm_dst[:, None] + b


def reference(x, edge_index, W1, b1, W2, b2):
    src = edge_index[0]
    dst = edge_index[1]
    h = jax.nn.relu(_graph_conv(x, src, dst, W1, b1))
    h = jax.nn.relu(_graph_conv(h, src, dst, W2, b2))
    return h

if __name__ == "__main__":
    import jax
    _d = setup_inputs()
    print(jax.jit(kernel)(*tuple(_d.values())))

</pallas_src>

<mosaic_0001>
#map = affine_map<(d0, d1) -> (0, 0)>
#map1 = affine_map<(d0, d1) -> (0, 0, 0, 0)>
#map2 = affine_map<(d0, d1) -> (0, 0, 0)>
module attributes {stable_mosaic.version = 14 : i64} {
  func.func @_agg_kernel(%arg0: i32, %arg1: i32, %arg2: memref<10000x128xf32, #tpu.memory_space<hbm>>, %arg3: memref<32x5x25x80xi32, #tpu.memory_space<hbm>>, %arg4: memref<32x5x25x80xi32, #tpu.memory_space<hbm>>, %arg5: memref<2x10000x128xf32, #tpu.memory_space<hbm>>, %arg6: memref<25x80xi32, #tpu.memory_space<vmem>>, %arg7: memref<25x80xi32, #tpu.memory_space<vmem>>, %arg8: memref<80x128xf32, #tpu.memory_space<vmem>>, %arg9: memref<80x128xf32, #tpu.memory_space<vmem>>, %arg10: memref<80x128xf32, #tpu.memory_space<vmem>>, %arg11: memref<10000x128xf32, #tpu.memory_space<vmem_shared>>, %arg12: memref<!tpu.dma_semaphore, #tpu.memory_space<semaphore_mem>>, %arg13: memref<!tpu.dma_semaphore, #tpu.memory_space<semaphore_mem>>, %arg14: memref<!tpu.dma_semaphore, #tpu.memory_space<semaphore_mem>>, %arg15: memref<!tpu.dma_semaphore, #tpu.memory_space<semaphore_mem>>, %arg16: memref<!tpu.dma_semaphore, #tpu.memory_space<semaphore_mem>>, %arg17: memref<!tpu.dma_semaphore, #tpu.memory_space<semaphore_mem>>) attributes {dimension_semantics = [#tpu.dimension_semantics<core_parallel>, #tpu.dimension_semantics<subcore_parallel>], iteration_bounds = array<i64: 2, 16>, scalar_prefetch = 0 : i64, scratch_operands = 12 : i64, tpu.core_type = #tpu.core_type<sc_vector_subcore>, window_params = [{transform_indices = #map}, {transform_indices = #map1}, {transform_indices = #map1}, {transform_indices = #map2}]} {
    %mul3A = arith.constant 16 : i32
    %mul3A_0 = arith.muli %arg0, %mul3A : i32
    %add3A = arith.addi %mul3A_0, %arg1 : i32
    %scan3A = arith.constant 0 : i32
    %scan3A_1 = arith.constant 640 : i32
    %scan3A_2 = arith.addi %scan3A, %scan3A_1 : i32
    %scan3A_3 = arith.constant 1 : i32
    scf.for %scan3A_27 = %scan3A to %scan3A_2 step %scan3A_3  : i32 {
      %mul3A_28 = arith.constant 1 : i32
      %mul3A_29 = arith.muli %scan3A_27, %mul3A_28 : i32
      %add3A_30 = arith.constant 0 : i32
      %add3A_31 = arith.addi %add3A_30, %mul3A_29 : i32
      %jit3A = arith.constant 8 : i32
      %div3A = arith.divsi %add3A_31, %jit3A : i32
      %sign3A = arith.constant 0 : i32
      %sign3A_32 = arith.cmpi sgt, %add3A_31, %sign3A : i32
      %sign3A_33 = arith.extui %sign3A_32 : i1 to i32
      %sign3A_34 = arith.constant 0 : i32
      %sign3A_35 = arith.cmpi slt, %add3A_31, %sign3A_34 : i32
      %sign3A_36 = arith.extui %sign3A_35 : i1 to i32
      %sign3A_37 = arith.subi %sign3A_33, %sign3A_36 : i32
      %sign3A_38 = arith.constant 0 : i32
      %sign3A_39 = arith.cmpi sgt, %jit3A, %sign3A_38 : i32
      %sign3A_40 = arith.extui %sign3A_39 : i1 to i32
      %sign3A_41 = arith.constant 0 : i32
      %sign3A_42 = arith.cmpi slt, %jit3A, %sign3A_41 : i32
      %sign3A_43 = arith.extui %sign3A_42 : i1 to i32
      %sign3A_44 = arith.subi %sign3A_40, %sign3A_43 : i32
      %ne3A = arith.cmpi ne, %sign3A_37, %sign3A_44 : i32
      %rem3A = arith.remsi %add3A_31, %jit3A : i32
      %ne3A_45 = arith.constant 0 : i32
      %ne3A_46 = arith.cmpi ne, %rem3A, %ne3A_45 : i32
      %and3A = arith.andi %ne3A, %ne3A_46 : i1
      %sub3A = arith.constant 1 : i32
      %sub3A_47 = arith.subi %div3A, %sub3A : i32
      %select_n3A = arith.select %and3A, %sub3A_47, %div3A : i32
      %jit3A_48 = arith.constant 8 : i32
      %eq3A_49 = arith.constant 0 : i32
      %eq3A_50 = arith.cmpi eq, %jit3A_48, %eq3A_49 : i32
      %jit3A_51 = arith.constant 1 : i32
      %select_n3A_52 = arith.select %eq3A_50, %jit3A_51, %jit3A_48 : i32
      %rem3A_53 = arith.remsi %add3A_31, %select_n3A_52 : i32
      %ne3A_54 = arith.constant 0 : i32
      %ne3A_55 = arith.cmpi ne, %rem3A_53, %ne3A_54 : i32
      %lt3A_56 = arith.constant 0 : i32
      %lt3A_57 = arith.cmpi slt, %rem3A_53, %lt3A_56 : i32
      %lt3A_58 = arith.constant 0 : i32
      %lt3A_59 = arith.cmpi slt, %select_n3A_52, %lt3A_58 : i32
      %ne3A_60 = arith.xori %lt3A_57, %lt3A_59 : i1
      %and3A_61 = arith.andi %ne3A_60, %ne3A_55 : i1
      %add3A_62 = arith.addi %rem3A_53, %select_n3A_52 : i32
      %select_n3A_63 = arith.select %and3A_61, %add3A_62, %rem3A_53 : i32
      %broadcast_in_dim3A = arith.constant 0.000000e+00 : f32
      %broadcast_in_dim3A_64 = vector.broadcast %broadcast_in_dim3A : f32 to vector<16xf32>
      %mul3A_65 = arith.constant 16 : i32
      %mul3A_66 = arith.muli %select_n3A_63, %mul3A_65 : i32
      %swap3A = arith.index_cast %select_n3A : i32 to index
      %swap3A_67 = arith.index_cast %mul3A_66 : i32 to index
      %swap3A_68 = tpu.vector_load %arg8[%swap3A, %swap3A_67] {strides = array<i32>} : memref<80x128xf32, #tpu.memory_space<vmem>>, vector<1x16xf32>,
      %swap3A_69 = vector.shape_cast %swap3A_68 : vector<1x16xf32> to vector<16xf32>
      %swap3A_70 = vector.shape_cast %broadcast_in_dim3A_64 : vector<16xf32> to vector<1x16xf32>
      tpu.vector_store %arg8[%swap3A, %swap3A_67], %swap3A_70 {strides = array<i32>} : memref<80x128xf32, #tpu.memory_space<vmem>>, vector<1x16xf32>,
    }
    %scan3A_4 = arith.constant 640 : i32
    %lt3A = arith.constant 15 : i32
    %lt3A_5 = arith.cmpi slt, %arg1, %lt3A : i32
    %convert_element_type3A = arith.extui %lt3A_5 : i1 to i32
    %cond3A = arith.constant 0 : i32
    %cond3A_6 = arith.cmpi ne, %convert_element_type3A, %cond3A : i32
    scf.if %cond3A_6 {
      %scan3A_27 = arith.constant 0 : i32
      %scan3A_28 = arith.constant 7 : i32
      %scan3A_29 = arith.addi %scan3A_27, %scan3A_28 : i32
      %scan3A_30 = arith.constant 1 : i32
      scf.for %scan3A_36 = %scan3A_27 to %scan3A_29 step %scan3A_30  : i32 {
        %mul3A_37 = arith.constant 1 : i32
        %mul3A_38 = arith.muli %scan3A_36, %mul3A_37 : i32
        %add3A_39 = arith.constant 0 : i32
        %add3A_40 = arith.addi %add3A_39, %mul3A_38 : i32
        %mul3A_41 = arith.constant 624 : i32
        %mul3A_42 = arith.muli %arg1, %mul3A_41 : i32
        %mul3A_43 = arith.constant 80 : i32
        %mul3A_44 = arith.muli %add3A_40, %mul3A_43 : i32
        %add3A_45 = arith.addi %mul3A_42, %mul3A_44 : i32
        "tpu.region"() ({
          %run_scoped3A = tpu.sem_alloc : memref<!tpu.dma_semaphore, #tpu.memory_space<semaphore_mem>>
          %dma_start3A = arith.constant 0 : i32
          %dma_start3A_46 = arith.constant 0 : i32
          %dma_start3A_47 = tpu.memref_slice %arg8[%dma_start3A, %dma_start3A_46] : memref<80x128xf32, #tpu.memory_space<vmem>> -> memref<80x128xf32, #tpu.memory_space<vmem>>
          %dma_start3A_48 = arith.constant 0 : i32
          %dma_start3A_49 = tpu.memref_slice %arg11[%add3A_45, %dma_start3A_48] : memref<10000x128xf32, #tpu.memory_space<vmem_shared>> -> memref<80x128xf32, #tpu.memory_space<vmem_shared>>
          %dma_start3A_50 = arith.constant 0 : i32
          %dma_start3A_51 = tpu.memref_slice %arg11[%add3A_45, %dma_start3A_50] : memref<10000x128xf32, #tpu.memory_space<vmem_shared>> -> memref<80x128xf32, #tpu.memory_space<vmem_shared>>
          %dma_start3A_52 = arith.constant 0 : i32
          %dma_start3A_53 = arith.constant 0 : i32
          %dma_start3A_54 = tpu.memref_slice %arg8[%dma_start3A_52, %dma_start3A_53] : memref<80x128xf32, #tpu.memory_space<vmem>> -> memref<80x128xf32, #tpu.memory_space<vmem>>
          tpu.enqueue_dma source(%dma_start3A_54 : memref<80x128xf32, #tpu.memory_space<vmem>>) target(%dma_start3A_51 : memref<80x128xf32, #tpu.memory_space<vmem_shared>>) target_semaphore(%run_scoped3A : memref<!tpu.dma_semaphore, #tpu.memory_space<semaphore_mem>>)
          %dma_wait3A = arith.constant 0 : i32
          %dma_wait3A_55 = arith.constant 0 : i32
          %dma_wait3A_56 = tpu.memref_slice %arg8[%dma_wait3A, %dma_wait3A_55] : memref<80x128xf32, #tpu.memory_space<vmem>> -> memref<80x128xf32, #tpu.memory_space<vmem>>
          %dma_wait3A_57 = arith.constant 0 : i32
          %dma_wait3A_58 = tpu.memref_slice %arg11[%add3A_45, %dma_wait3A_57] : memref<10000x128xf32, #tpu.memory_space<vmem_shared>> -> memref<80x128xf32, #tpu.memory_space<vmem_shared>>
          %dma_wait3A_59 = arith.constant 0 : i32
          %dma_wait3A_60 = tpu.memref_slice %arg11[%add3A_45, %dma_wait3A_59] : memref<10000x128xf32, #tpu.memory_space<vmem_shared>> -> memref<80x128xf32, #tpu.memory_space<vmem_shared>>
          %dma_wait3A_61 = arith.constant 0 : i32
          %dma_wait3A_62 = arith.constant 0 : i32
          %dma_wait3A_63 = tpu.memref_slice %arg8[%dma_wait3A_61, %dma_wait3A_62] : memref<80x128xf32, #tpu.memory_space<vmem>> -> memref<80x128xf32, #tpu.memory_space<vmem>>
          tpu.wait_dma2 semaphore(%run_scoped3A : memref<!tpu.dma_semaphore, #tpu.memory_space<semaphore_mem>>) src(%dma_wait3A_63 : memref<80x128xf32, #tpu.memory_space<vmem>>) dst(%dma_wait3A_60 : memref<80x128xf32, #tpu.memory_space<vmem_shared>>)
          tpu.yield
        }) : () -> ()
      }
      %scan3A_31 = arith.constant 7 : i32
      %mul3A_32 = arith.constant 624 : i32
      %mul3A_33 = arith.muli %arg1, %mul3A_32 : i32
      %add3A_34 = arith.constant 560 : i32
      %add3A_35 = arith.addi %mul3A_33, %add3A_34 : i32
      "tpu.region"() ({
        %run_scoped3A = tpu.sem_alloc : memref<!tpu.dma_semaphore, #tpu.memory_space<semaphore_mem>>
        %dma_start3A = arith.constant 0 : i32
        %dma_start3A_36 = arith.constant 0 : i32
        %dma_start3A_37 = tpu.memref_slice %arg8[%dma_start3A, %dma_start3A_36] : memref<80x128xf32, #tpu.memory_space<vmem>> -> memref<64x128xf32, #tpu.memory_space<vmem>>
        %dma_start3A_38 = arith.constant 0 : i32
        %dma_start3A_39 = tpu.memref_slice %arg11[%add3A_35, %dma_start3A_38] : memref<10000x128xf32, #tpu.memory_space<vmem_shared>> -> memref<64x128xf32, #tpu.memory_space<vmem_shared>>
        %dma_start3A_40 = arith.constant 0 : i32
        %dma_start3A_41 = tpu.memref_slice %arg11[%add3A_35, %dma_start3A_40] : memref<10000x128xf32, #tpu.memory_space<vmem_shared>> -> memref<64x128xf32, #tpu.memory_space<vmem_shared>>
        %dma_start3A_42 = arith.constant 0 : i32
        %dma_start3A_43 = arith.constant 0 : i32
        %dma_start3A_44 = tpu.memref_slice %arg8[%dma_start3A_42, %dma_start3A_43] : memref<80x128xf32, #tpu.memory_space<vmem>> -> memref<64x128xf32, #tpu.memory_space<vmem>>
        tpu.enqueue_dma source(%dma_start3A_44 : memref<64x128xf32, #tpu.memory_space<vmem>>) target(%dma_start3A_41 : memref<64x128xf32, #tpu.memory_space<vmem_shared>>) target_semaphore(%run_scoped3A : memref<!tpu.dma_semaphore, #tpu.memory_space<semaphore_mem>>)
        %dma_wait3A = arith.constant 0 : i32
        %dma_wait3A_45 = arith.constant 0 : i32
        %dma_wait3A_46 = tpu.memref_slice %arg8[%dma_wait3A, %dma_wait3A_45] : memref<80x128xf32, #tpu.memory_space<vmem>> -> memref<64x128xf32, #tpu.memory_space<vmem>>
        %dma_wait3A_47 = arith.constant 0 : i32
        %dma_wait3A_48 = tpu.memref_slice %arg11[%add3A_35, %dma_wait3A_47] : memref<10000x128xf32, #tpu.memory_space<vmem_shared>> -> memref<64x128xf32, #tpu.memory_space<vmem_shared>>
        %dma_wait3A_49 = arith.constant 0 : i32
        %dma_wait3A_50 = tpu.memref_slice %arg11[%add3A_35, %dma_wait3A_49] : memref<10000x128xf32, #tpu.memory_space<vmem_shared>> -> memref<64x128xf32, #tpu.memory_space<vmem_shared>>
        %dma_wait3A_51 = arith.constant 0 : i32
        %dma_wait3A_52 = arith.constant 0 : i32
        %dma_wait3A_53 = tpu.memref_slice %arg8[%dma_wait3A_51, %dma_wait3A_52] : memref<80x128xf32, #tpu.memory_space<vmem>> -> memref<64x128xf32, #tpu.memory_space<vmem>>
        tpu.wait_dma2 semaphore(%run_scoped3A : memref<!tpu.dma_semaphore, #tpu.memory_space<semaphore_mem>>) src(%dma_wait3A_53 : memref<64x128xf32, #tpu.memory_space<vmem>>) dst(%dma_wait3A_50 : memref<64x128xf32, #tpu.memory_space<vmem_shared>>)
        tpu.yield
      }) : () -> ()
    } else {
    }
    %eq3A = arith.constant 15 : i32
    %eq3A_7 = arith.cmpi eq, %arg1, %eq3A : i32
    %convert_element_type3A_8 = arith.extui %eq3A_7 : i1 to i32
    %cond3A_9 = arith.constant 0 : i32
    %cond3A_10 = arith.cmpi ne, %convert_element_type3A_8, %cond3A_9 : i32
    scf.if %cond3A_10 {
      %scan3A_27 = arith.constant 0 : i32
      %scan3A_28 = arith.constant 8 : i32
      %scan3A_29 = arith.addi %scan3A_27, %scan3A_28 : i32
      %scan3A_30 = arith.constant 1 : i32
      scf.for %scan3A_32 = %scan3A_27 to %scan3A_29 step %scan3A_30  : i32 {
        %mul3A_33 = arith.constant 1 : i32
        %mul3A_34 = arith.muli %scan3A_32, %mul3A_33 : i32
        %add3A_35 = arith.constant 0 : i32
        %add3A_36 = arith.addi %add3A_35, %mul3A_34 : i32
        %mul3A_37 = arith.constant 80 : i32
        %mul3A_38 = arith.muli %add3A_36, %mul3A_37 : i32
        %add3A_39 = arith.constant 9360 : i32
        %add3A_40 = arith.addi %add3A_39, %mul3A_38 : i32
        "tpu.region"() ({
          %run_scoped3A = tpu.sem_alloc : memref<!tpu.dma_semaphore, #tpu.memory_space<semaphore_mem>>
          %dma_start3A = arith.constant 0 : i32
          %dma_start3A_41 = arith.constant 0 : i32
          %dma_start3A_42 = tpu.memref_slice %arg8[%dma_start3A, %dma_start3A_41] : memref<80x128xf32, #tpu.memory_space<vmem>> -> memref<80x128xf32, #tpu.memory_space<vmem>>
          %dma_start3A_43 = arith.constant 0 : i32
          %dma_start3A_44 = tpu.memref_slice %arg11[%add3A_40, %dma_start3A_43] : memref<10000x128xf32, #tpu.memory_space<vmem_shared>> -> memref<80x128xf32, #tpu.memory_space<vmem_shared>>
          %dma_start3A_45 = arith.constant 0 : i32
          %dma_start3A_46 = tpu.memref_slice %arg11[%add3A_40, %dma_start3A_45] : memref<10000x128xf32, #tpu.memory_space<vmem_shared>> -> memref<80x128xf32, #tpu.memory_space<vmem_shared>>
          %dma_start3A_47 = arith.constant 0 : i32
          %dma_start3A_48 = arith.constant 0 : i32
          %dma_start3A_49 = tpu.memref_slice %arg8[%dma_start3A_47, %dma_start3A_48] : memref<80x128xf32, #tpu.memory_space<vmem>> -> memref<80x128xf32, #tpu.memory_space<vmem>>
          tpu.enqueue_dma source(%dma_start3A_49 : memref<80x128xf32, #tpu.memory_space<vmem>>) target(%dma_start3A_46 : memref<80x128xf32, #tpu.memory_space<vmem_shared>>) target_semaphore(%run_scoped3A : memref<!tpu.dma_semaphore, #tpu.memory_space<semaphore_mem>>)
          %dma_wait3A = arith.constant 0 : i32
          %dma_wait3A_50 = arith.constant 0 : i32
          %dma_wait3A_51 = tpu.memref_slice %arg8[%dma_wait3A, %dma_wait3A_50] : memref<80x128xf32, #tpu.memory_space<vmem>> -> memref<80x128xf32, #tpu.memory_space<vmem>>
          %dma_wait3A_52 = arith.constant 0 : i32
          %dma_wait3A_53 = tpu.memref_slice %arg11[%add3A_40, %dma_wait3A_52] : memref<10000x128xf32, #tpu.memory_space<vmem_shared>> -> memref<80x128xf32, #tpu.memory_space<vmem_shared>>
          %dma_wait3A_54 = arith.constant 0 : i32
          %dma_wait3A_55 = tpu.memref_slice %arg11[%add3A_40, %dma_wait3A_54] : memref<10000x128xf32, #tpu.memory_space<vmem_shared>> -> memref<80x128xf32, #tpu.memory_space<vmem_shared>>
          %dma_wait3A_56 = arith.constant 0 : i32
          %dma_wait3A_57 = arith.constant 0 : i32
          %dma_wait3A_58 = tpu.memref_slice %arg8[%dma_wait3A_56, %dma_wait3A_57] : memref<80x128xf32, #tpu.memory_space<vmem>> -> memref<80x128xf32, #tpu.memory_space<vmem>>
          tpu.wait_dma2 semaphore(%run_scoped3A : memref<!tpu.dma_semaphore, #tpu.memory_space<semaphore_mem>>) src(%dma_wait3A_58 : memref<80x128xf32, #tpu.memory_space<vmem>>) dst(%dma_wait3A_55 : memref<80x128xf32, #tpu.memory_space<vmem_shared>>)
          tpu.yield
        }) : () -> ()
      }
      %scan3A_31 = arith.constant 8 : i32
    } else {
    }
    %barrier3A = arith.constant 0 : index
    tpu.barrier barrier_id(%barrier3A)
    %scan3A_11 = arith.constant 0 : i32
    %scan3A_12 = arith.constant 5 : i32
    %scan3A_13 = arith.addi %scan3A_11, %scan3A_12 : i32
    %scan3A_14 = arith.constant 1 : i32
    scf.for %scan3A_27 = %scan3A_11 to %scan3A_13 step %scan3A_14  : i32 {
      %mul3A_28 = arith.constant 1 : i32
      %mul3A_29 = arith.muli %scan3A_27, %mul3A_28 : i32
      %add3A_30 = arith.constant 0 : i32
      %add3A_31 = arith.addi %add3A_30, %mul3A_29 : i32
      "tpu.region"() ({
        %run_scoped3A = tpu.sem_alloc : memref<!tpu.dma_semaphore, #tpu.memory_space<semaphore_mem>>
        %dma_start3A_70 = arith.constant 0 : i32
        %dma_start3A_71 = arith.constant 0 : i32
        %dma_start3A_72 = tpu.memref_slice %arg3[%add3A, %add3A_31, %dma_start3A_70, %dma_start3A_71] : memref<32x5x25x80xi32, #tpu.memory_space<hbm>> -> memref<1x1x25x80xi32, #tpu.memory_space<hbm>>
        %dma_start3A_73 = tpu.memref_squeeze %dma_start3A_72 : memref<1x1x25x80xi32, #tpu.memory_space<hbm>> -> memref<25x80xi32, #tpu.memory_space<hbm>>
        %dma_start3A_74 = arith.constant 0 : i32
        %dma_start3A_75 = arith.constant 0 : i32
        %dma_start3A_76 = tpu.memref_slice %arg3[%add3A, %add3A_31, %dma_start3A_74, %dma_start3A_75] : memref<32x5x25x80xi32, #tpu.memory_space<hbm>> -> memref<1x1x25x80xi32, #tpu.memory_space<hbm>>
        %dma_start3A_77 = tpu.memref_squeeze %dma_start3A_76 : memref<1x1x25x80xi32, #tpu.memory_space<hbm>> -> memref<25x80xi32, #tpu.memory_space<hbm>>
        tpu.enqueue_dma source(%dma_start3A_77 : memref<25x80xi32, #tpu.memory_space<hbm>>) target(%arg6 : memref<25x80xi32, #tpu.memory_space<vmem>>) target_semaphore(%run_scoped3A : memref<!tpu.dma_semaphore, #tpu.memory_space<semaphore_mem>>)
        %dma_wait3A_78 = arith.constant 0 : i32
        %dma_wait3A_79 = arith.constant 0 : i32
        %dma_wait3A_80 = tpu.memref_slice %arg3[%add3A, %add3A_31, %dma_wait3A_78, %dma_wait3A_79] : memref<32x5x25x80xi32, #tpu.memory_space<hbm>> -> memref<1x1x25x80xi32, #tpu.memory_space<hbm>>
        %dma_wait3A_81 = tpu.memref_squeeze %dma_wait3A_80 : memref<1x1x25x80xi32, #tpu.memory_space<hbm>> -> memref<25x80xi32, #tpu.memory_space<hbm>>
        %dma_wait3A_82 = arith.constant 0 : i32
        %dma_wait3A_83 = arith.constant 0 : i32
        %dma_wait3A_84 = tpu.memref_slice %arg3[%add3A, %add3A_31, %dma_wait3A_82, %dma_wait3A_83] : memref<32x5x25x80xi32, #tpu.memory_space<hbm>> -> memref<1x1x25x80xi32, #tpu.memory_space<hbm>>
        %dma_wait3A_85 = tpu.memref_squeeze %dma_wait3A_84 : memref<1x1x25x80xi32, #tpu.memory_space<hbm>> -> memref<25x80xi32, #tpu.memory_space<hbm>>
        tpu.wait_dma2 semaphore(%run_scoped3A : memref<!tpu.dma_semaphore, #tpu.memory_space<semaphore_mem>>) src(%dma_wait3A_85 : memref<25x80xi32, #tpu.memory_space<hbm>>) dst(%arg6 : memref<25x80xi32, #tpu.memory_space<vmem>>)
        tpu.yield
      }) : () -> ()
      "tpu.region"() ({
        %run_scoped3A = tpu.sem_alloc : memref<!tpu.dma_semaphore, #tpu.memory_space<semaphore_mem>>
        %dma_start3A_70 = arith.constant 0 : i32
        %dma_start3A_71 = arith.constant 0 : i32
        %dma_start3A_72 = tpu.memref_slice %arg4[%add3A, %add3A_31, %dma_start3A_70, %dma_start3A_71] : memref<32x5x25x80xi32, #tpu.memory_space<hbm>> -> memref<1x1x25x80xi32, #tpu.memory_space<hbm>>
        %dma_start3A_73 = tpu.memref_squeeze %dma_start3A_72 : memref<1x1x25x80xi32, #tpu.memory_space<hbm>> -> memref<25x80xi32, #tpu.memory_space<hbm>>
        %dma_start3A_74 = arith.constant 0 : i32
        %dma_start3A_75 = arith.constant 0 : i32
        %dma_start3A_76 = tpu.memref_slice %arg4[%add3A, %add3A_31, %dma_start3A_74, %dma_start3A_75] : memref<32x5x25x80xi32, #tpu.memory_space<hbm>> -> memref<1x1x25x80xi32, #tpu.memory_space<hbm>>
        %dma_start3A_77 = tpu.memref_squeeze %dma_start3A_76 : memref<1x1x25x80xi32, #tpu.memory_space<hbm>> -> memref<25x80xi32, #tpu.memory_space<hbm>>
        tpu.enqueue_dma source(%dma_start3A_77 : memref<25x80xi32, #tpu.memory_space<hbm>>) target(%arg7 : memref<25x80xi32, #tpu.memory_space<vmem>>) target_semaphore(%run_scoped3A : memref<!tpu.dma_semaphore, #tpu.memory_space<semaphore_mem>>)
        %dma_wait3A_78 = arith.constant 0 : i32
        %dma_wait3A_79 = arith.constant 0 : i32
        %dma_wait3A_80 = tpu.memref_slice %arg4[%add3A, %add3A_31, %dma_wait3A_78, %dma_wait3A_79] : memref<32x5x25x80xi32, #tpu.memory_space<hbm>> -> memref<1x1x25x80xi32, #tpu.memory_space<hbm>>
        %dma_wait3A_81 = tpu.memref_squeeze %dma_wait3A_80 : memref<1x1x25x80xi32, #tpu.memory_space<hbm>> -> memref<25x80xi32, #tpu.memory_space<hbm>>
        %dma_wait3A_82 = arith.constant 0 : i32
        %dma_wait3A_83 = arith.constant 0 : i32
        %dma_wait3A_84 = tpu.memref_slice %arg4[%add3A, %add3A_31, %dma_wait3A_82, %dma_wait3A_83] : memref<32x5x25x80xi32, #tpu.memory_space<hbm>> -> memref<1x1x25x80xi32, #tpu.memory_space<hbm>>
        %dma_wait3A_85 = tpu.memref_squeeze %dma_wait3A_84 : memref<1x1x25x80xi32, #tpu.memory_space<hbm>> -> memref<25x80xi32, #tpu.memory_space<hbm>>
        tpu.wait_dma2 semaphore(%run_scoped3A : memref<!tpu.dma_semaphore, #tpu.memory_space<semaphore_mem>>) src(%dma_wait3A_85 : memref<25x80xi32, #tpu.memory_space<hbm>>) dst(%arg7 : memref<25x80xi32, #tpu.memory_space<vmem>>)
        tpu.yield
      }) : () -> ()
      %dma_start3A = arith.constant 0 : i32
      %dma_start3A_32 = arith.constant 0 : i32
      %dma_start3A_33 = tpu.memref_slice %arg6[%dma_start3A, %dma_start3A_32] : memref<25x80xi32, #tpu.memory_space<vmem>> -> memref<1x80xi32, #tpu.memory_space<vmem>>
      %dma_start3A_34 = tpu.memref_squeeze %dma_start3A_33 : memref<1x80xi32, #tpu.memory_space<vmem>> -> memref<80xi32, #tpu.memory_space<vmem>>
      %dma_start3A_35 = arith.constant 0 : i32
      %dma_start3A_36 = arith.constant 0 : i32
      %dma_start3A_37 = tpu.memref_slice %arg2[%dma_start3A_35, %dma_start3A_36] : memref<10000x128xf32, #tpu.memory_space<hbm>> -> memref<10000x128xf32, #tpu.memory_space<hbm>>
      tpu.enqueue_indirect_dma source(%dma_start3A_37 : memref<10000x128xf32, #tpu.memory_space<hbm>>) target(%arg8 : memref<80x128xf32, #tpu.memory_space<vmem>>) offsets(%dma_start3A_34 : memref<80xi32, #tpu.memory_space<vmem>>) semaphore(%arg12 : memref<!tpu.dma_semaphore, #tpu.memory_space<semaphore_mem>>)
      %dma_start3A_38 = arith.constant 1 : i32
      %dma_start3A_39 = arith.constant 0 : i32
      %dma_start3A_40 = tpu.memref_slice %arg6[%dma_start3A_38, %dma_start3A_39] : memref<25x80xi32, #tpu.memory_space<vmem>> -> memref<1x80xi32, #tpu.memory_space<vmem>>
      %dma_start3A_41 = tpu.memref_squeeze %dma_start3A_40 : memref<1x80xi32, #tpu.memory_space<vmem>> -> memref<80xi32, #tpu.memory_space<vmem>>
      %dma_start3A_42 = arith.constant 0 : i32
      %dma_start3A_43 = arith.constant 0 : i32
      %dma_start3A_44 = tpu.memref_slice %arg2[%dma_start3A_42, %dma_start3A_43] : memref<10000x128xf32, #tpu.memory_space<hbm>> -> memref<10000x128xf32, #tpu.memory_space<hbm>>
      tpu.enqueue_indirect_dma source(%dma_start3A_44 : memref<10000x128xf32, #tpu.memory_space<hbm>>) target(%arg9 : memref<80x128xf32, #tpu.memory_space<vmem>>) offsets(%dma_start3A_41 : memref<80xi32, #tpu.memory_space<vmem>>) semaphore(%arg13 : memref<!tpu.dma_semaphore, #tpu.memory_space<semaphore_mem>>)
      %scan3A_45 = arith.constant 0 : i32
      %scan3A_46 = arith.constant 25 : i32
      %scan3A_47 = arith.addi %scan3A_45, %scan3A_46 : i32
      %scan3A_48 = arith.constant 1 : i32
      scf.for %scan3A_70 = %scan3A_45 to %scan3A_47 step %scan3A_48  : i32 {
        %mul3A_71 = arith.constant 1 : i32
        %mul3A_72 = arith.muli %scan3A_70, %mul3A_71 : i32
        %add3A_73 = arith.constant 0 : i32
        %add3A_74 = arith.addi %add3A_73, %mul3A_72 : i32
        %jit3A = arith.constant 3 : i32
        %eq3A_75 = arith.constant 0 : i32
        %eq3A_76 = arith.cmpi eq, %jit3A, %eq3A_75 : i32
        %jit3A_77 = arith.constant 1 : i32
        %select_n3A = arith.select %eq3A_76, %jit3A_77, %jit3A : i32
        %rem3A = arith.remsi %add3A_74, %select_n3A : i32
        %ne3A = arith.constant 0 : i32
        %ne3A_78 = arith.cmpi ne, %rem3A, %ne3A : i32
        %lt3A_79 = arith.constant 0 : i32
        %lt3A_80 = arith.cmpi slt, %rem3A, %lt3A_79 : i32
        %lt3A_81 = arith.constant 0 : i32
        %lt3A_82 = arith.cmpi slt, %select_n3A, %lt3A_81 : i32
        %ne3A_83 = arith.xori %lt3A_80, %lt3A_82 : i1
        %and3A = arith.andi %ne3A_83, %ne3A_78 : i1
        %add3A_84 = arith.addi %rem3A, %select_n3A : i32
        %select_n3A_85 = arith.select %and3A, %add3A_84, %rem3A : i32
        %eq3A_86 = arith.constant 0 : i32
        %eq3A_87 = arith.cmpi eq, %select_n3A_85, %eq3A_86 : i32
        %convert_element_type3A_88 = arith.extui %eq3A_87 : i1 to i32
        %cond3A_89 = arith.constant 0 : i32
        %cond3A_90 = arith.cmpi ne, %convert_element_type3A_88, %cond3A_89 : i32
        scf.if %cond3A_90 {
          %dma_wait3A_133 = arith.constant 0 : i32
          %dma_wait3A_134 = tpu.memref_slice %arg6[%add3A_74, %dma_wait3A_133] : memref<25x80xi32, #tpu.memory_space<vmem>> -> memref<1x80xi32, #tpu.memory_space<vmem>>
          %dma_wait3A_135 = tpu.memref_squeeze %dma_wait3A_134 : memref<1x80xi32, #tpu.memory_space<vmem>> -> memref<80xi32, #tpu.memory_space<vmem>>
          %dma_wait3A_136 = arith.constant 0 : i32
          %dma_wait3A_137 = arith.constant 0 : i32
          %dma_wait3A_138 = tpu.memref_slice %arg2[%dma_wait3A_136, %dma_wait3A_137] : memref<10000x128xf32, #tpu.memory_space<hbm>> -> memref<10000x128xf32, #tpu.memory_space<hbm>>
          tpu.wait_indirect_dma semaphore(%arg12 : memref<!tpu.dma_semaphore, #tpu.memory_space<semaphore_mem>>) src(%dma_wait3A_138 : memref<10000x128xf32, #tpu.memory_space<hbm>>) dst(%arg8 : memref<80x128xf32, #tpu.memory_space<vmem>>)
          %dma_start3A_139 = arith.constant 0 : i32
          %dma_start3A_140 = tpu.memref_slice %arg7[%add3A_74, %dma_start3A_139] : memref<25x80xi32, #tpu.memory_space<vmem>> -> memref<1x80xi32, #tpu.memory_space<vmem>>
          %dma_start3A_141 = tpu.memref_squeeze %dma_start3A_140 : memref<1x80xi32, #tpu.memory_space<vmem>> -> memref<80xi32, #tpu.memory_space<vmem>>
          %dma_start3A_142 = arith.constant 0 : i32
          %dma_start3A_143 = arith.constant 0 : i32
          %dma_start3A_144 = tpu.memref_slice %arg11[%dma_start3A_142, %dma_start3A_143] : memref<10000x128xf32, #tpu.memory_space<vmem_shared>> -> memref<10000x128xf32, #tpu.memory_space<vmem_shared>>
          tpu.enqueue_indirect_dma source(%arg8 : memref<80x128xf32, #tpu.memory_space<vmem>>) target(%dma_start3A_144 : memref<10000x128xf32, #tpu.memory_space<vmem_shared>>) offsets(%dma_start3A_141 : memref<80xi32, #tpu.memory_space<vmem>>) semaphore(%arg15 : memref<!tpu.dma_semaphore, #tpu.memory_space<semaphore_mem>>) {add = true}
          %add3A_145 = arith.constant 2 : i32
          %add3A_146 = arith.addi %add3A_74, %add3A_145 : i32
          %lt3A_147 = arith.constant 25 : i32
          %lt3A_148 = arith.cmpi slt, %add3A_146, %lt3A_147 : i32
          %convert_element_type3A_149 = arith.extui %lt3A_148 : i1 to i32
          %cond3A_150 = arith.constant 0 : i32
          %cond3A_151 = arith.cmpi ne, %convert_element_type3A_149, %cond3A_150 : i32
          scf.if %cond3A_151 {
            %ge3A = arith.constant 1 : i32
            %ge3A_152 = arith.cmpi sge, %add3A_74, %ge3A : i32
            %convert_element_type3A_153 = arith.extui %ge3A_152 : i1 to i32
            %cond3A_154 = arith.constant 0 : i32
            %cond3A_155 = arith.cmpi ne, %convert_element_type3A_153, %cond3A_154 : i32
            scf.if %cond3A_155 {
              %sub3A = arith.constant 1 : i32
              %sub3A_164 = arith.subi %add3A_74, %sub3A : i32
              %dma_wait3A_165 = arith.constant 0 : i32
              %dma_wait3A_166 = tpu.memref_slice %arg7[%sub3A_164, %dma_wait3A_165] : memref<25x80xi32, #tpu.memory_space<vmem>> -> memref<1x80xi32, #tpu.memory_space<vmem>>
              %dma_wait3A_167 = tpu.memref_squeeze %dma_wait3A_166 : memref<1x80xi32, #tpu.memory_space<vmem>> -> memref<80xi32, #tpu.memory_space<vmem>>
              %dma_wait3A_168 = arith.constant 0 : i32
              %dma_wait3A_169 = arith.constant 0 : i32
              %dma_wait3A_170 = tpu.memref_slice %arg11[%dma_wait3A_168, %dma_wait3A_169] : memref<10000x128xf32, #tpu.memory_space<vmem_shared>> -> memref<10000x128xf32, #tpu.memory_space<vmem_shared>>
              tpu.wait_indirect_dma semaphore(%arg17 : memref<!tpu.dma_semaphore, #tpu.memory_space<semaphore_mem>>) src(%arg10 : memref<80x128xf32, #tpu.memory_space<vmem>>) dst(%dma_wait3A_170 : memref<10000x128xf32, #tpu.memory_space<vmem_shared>>)
            } else {
            }
            %add3A_156 = arith.constant 2 : i32
            %add3A_157 = arith.addi %add3A_74, %add3A_156 : i32
            %dma_start3A_158 = arith.constant 0 : i32
            %dma_start3A_159 = tpu.memref_slice %arg6[%add3A_157, %dma_start3A_158] : memref<25x80xi32, #tpu.memory_space<vmem>> -> memref<1x80xi32, #tpu.memory_space<vmem>>
            %dma_start3A_160 = tpu.memref_squeeze %dma_start3A_159 : memref<1x80xi32, #tpu.memory_space<vmem>> -> memref<80xi32, #tpu.memory_space<vmem>>
            %dma_start3A_161 = arith.constant 0 : i32
            %dma_start3A_162 = arith.constant 0 : i32
            %dma_start3A_163 = tpu.memref_slice %arg2[%dma_start3A_161, %dma_start3A_162] : memref<10000x128xf32, #tpu.memory_space<hbm>> -> memref<10000x128xf32, #tpu.memory_space<hbm>>
            tpu.enqueue_indirect_dma source(%dma_start3A_163 : memref<10000x128xf32, #tpu.memory_space<hbm>>) target(%arg10 : memref<80x128xf32, #tpu.memory_space<vmem>>) offsets(%dma_start3A_160 : memref<80xi32, #tpu.memory_space<vmem>>) semaphore(%arg14 : memref<!tpu.dma_semaphore, #tpu.memory_space<semaphore_mem>>)
          } else {
          }
        } else {
        }
        %jit3A_91 = arith.constant 3 : i32
        %eq3A_92 = arith.constant 0 : i32
        %eq3A_93 = arith.cmpi eq, %jit3A_91, %eq3A_92 : i32
        %jit3A_94 = arith.constant 1 : i32
        %select_n3A_95 = arith.select %eq3A_93, %jit3A_94, %jit3A_91 : i32
        %rem3A_96 = arith.remsi %add3A_74, %select_n3A_95 : i32
        %ne3A_97 = arith.constant 0 : i32
        %ne3A_98 = arith.cmpi ne, %rem3A_96, %ne3A_97 : i32
        %lt3A_99 = arith.constant 0 : i32
        %lt3A_100 = arith.cmpi slt, %rem3A_96, %lt3A_99 : i32
        %lt3A_101 = arith.constant 0 : i32
        %lt3A_102 = arith.cmpi slt, %select_n3A_95, %lt3A_101 : i32
        %ne3A_103 = arith.xori %lt3A_100, %lt3A_102 : i1
        %and3A_104 = arith.andi %ne3A_103, %ne3A_98 : i1
        %add3A_105 = arith.addi %rem3A_96, %select_n3A_95 : i32
        %select_n3A_106 = arith.select %and3A_104, %add3A_105, %rem3A_96 : i32
        %eq3A_107 = arith.constant 1 : i32
        %eq3A_108 = arith.cmpi eq, %select_n3A_106, %eq3A_107 : i32
        %convert_element_type3A_109 = arith.extui %eq3A_108 : i1 to i32
        %cond3A_110 = arith.constant 0 : i32
        %cond3A_111 = arith.cmpi ne, %convert_element_type3A_109, %cond3A_110 : i32
        scf.if %cond3A_111 {
          %dma_wait3A_133 = arith.constant 0 : i32
          %dma_wait3A_134 = tpu.memref_slice %arg6[%add3A_74, %dma_wait3A_133] : memref<25x80xi32, #tpu.memory_space<vmem>> -> memref<1x80xi32, #tpu.memory_space<vmem>>
          %dma_wait3A_135 = tpu.memref_squeeze %dma_wait3A_134 : memref<1x80xi32, #tpu.memory_space<vmem>> -> memref<80xi32, #tpu.memory_space<vmem>>
          %dma_wait3A_136 = arith.constant 0 : i32
          %dma_wait3A_137 = arith.constant 0 : i32
          %dma_wait3A_138 = tpu.memref_slice %arg2[%dma_wait3A_136, %dma_wait3A_137] : memref<10000x128xf32, #tpu.memory_space<hbm>> -> memref<10000x128xf32, #tpu.memory_space<hbm>>
          tpu.wait_indirect_dma semaphore(%arg13 : memref<!tpu.dma_semaphore, #tpu.memory_space<semaphore_mem>>) src(%dma_wait3A_138 : memref<10000x128xf32, #tpu.memory_space<hbm>>) dst(%arg9 : memref<80x128xf32, #tpu.memory_space<vmem>>)
          %dma_start3A_139 = arith.constant 0 : i32
          %dma_start3A_140 = tpu.memref_slice %arg7[%add3A_74, %dma_start3A_139] : memref<25x80xi32, #tpu.memory_space<vmem>> -> memref<1x80xi32, #tpu.memory_space<vmem>>
          %dma_start3A_141 = tpu.memref_squeeze %dma_start3A_140 : memref<1x80xi32, #tpu.memory_space<vmem>> -> memref<80xi32, #tpu.memory_space<vmem>>
          %dma_start3A_142 = arith.constant 0 : i32
          %dma_start3A_143 = arith.constant 0 : i32
          %dma_start3A_144 = tpu.memref_slice %arg11[%dma_start3A_142, %dma_start3A_143] : memref<10000x128xf32, #tpu.memory_space<vmem_shared>> -> memref<10000x128xf32, #tpu.memory_space<vmem_shared>>
          tpu.enqueue_indirect_dma source(%arg9 : memref<80x128xf32, #tpu.memory_space<vmem>>) target(%dma_start3A_144 : memref<10000x128xf32, #tpu.memory_space<vmem_shared>>) offsets(%dma_start3A_141 : memref<80xi32, #tpu.memory_space<vmem>>) semaphore(%arg16 : memref<!tpu.dma_semaphore, #tpu.memory_space<semaphore_mem>>) {add = true}
          %add3A_145 = arith.constant 2 : i32
          %add3A_146 = arith.addi %add3A_74, %add3A_145 : i32
          %lt3A_147 = arith.constant 25 : i32
          %lt3A_148 = arith.cmpi slt, %add3A_146, %lt3A_147 : i32
          %convert_element_type3A_149 = arith.extui %lt3A_148 : i1 to i32
          %cond3A_150 = arith.constant 0 : i32
          %cond3A_151 = arith.cmpi ne, %convert_element_type3A_149, %cond3A_150 : i32
          scf.if %cond3A_151 {
            %ge3A = arith.constant 1 : i32
            %ge3A_152 = arith.cmpi sge, %add3A_74, %ge3A : i32
            %convert_element_type3A_153 = arith.extui %ge3A_152 : i1 to i32
            %cond3A_154 = arith.constant 0 : i32
            %cond3A_155 = arith.cmpi ne, %convert_element_type3A_153, %cond3A_154 : i32
            scf.if %cond3A_155 {
              %sub3A = arith.constant 1 : i32
              %sub3A_164 = arith.subi %add3A_74, %sub3A : i32
              %dma_wait3A_165 = arith.constant 0 : i32
              %dma_wait3A_166 = tpu.memref_slice %arg7[%sub3A_164, %dma_wait3A_165] : memref<25x80xi32, #tpu.memory_space<vmem>> -> memref<1x80xi32, #tpu.memory_space<vmem>>
              %dma_wait3A_167 = tpu.memref_squeeze %dma_wait3A_166 : memref<1x80xi32, #tpu.memory_space<vmem>> -> memref<80xi32, #tpu.memory_space<vmem>>
              %dma_wait3A_168 = arith.constant 0 : i32
              %dma_wait3A_169 = arith.constant 0 : i32
              %dma_wait3A_170 = tpu.memref_slice %arg11[%dma_wait3A_168, %dma_wait3A_169] : memref<10000x128xf32, #tpu.memory_space<vmem_shared>> -> memref<10000x128xf32, #tpu.memory_space<vmem_shared>>
              tpu.wait_indirect_dma semaphore(%arg15 : memref<!tpu.dma_semaphore, #tpu.memory_space<semaphore_mem>>) src(%arg8 : memref<80x128xf32, #tpu.memory_space<vmem>>) dst(%dma_wait3A_170 : memref<10000x128xf32, #tpu.memory_space<vmem_shared>>)
            } else {
            }
            %add3A_156 = arith.constant 2 : i32
            %add3A_157 = arith.addi %add3A_74, %add3A_156 : i32
            %dma_start3A_158 = arith.constant 0 : i32
            %dma_start3A_159 = tpu.memref_slice %arg6[%add3A_157, %dma_start3A_158] : memref<25x80xi32, #tpu.memory_space<vmem>> -> memref<1x80xi32, #tpu.memory_space<vmem>>
            %dma_start3A_160 = tpu.memref_squeeze %dma_start3A_159 : memref<1x80xi32, #tpu.memory_space<vmem>> -> memref<80xi32, #tpu.memory_space<vmem>>
            %dma_start3A_161 = arith.constant 0 : i32
            %dma_start3A_162 = arith.constant 0 : i32
            %dma_start3A_163 = tpu.memref_slice %arg2[%dma_start3A_161, %dma_start3A_162] : memref<10000x128xf32, #tpu.memory_space<hbm>> -> memref<10000x128xf32, #tpu.memory_space<hbm>>
            tpu.enqueue_indirect_dma source(%dma_start3A_163 : memref<10000x128xf32, #tpu.memory_space<hbm>>) target(%arg8 : memref<80x128xf32, #tpu.memory_space<vmem>>) offsets(%dma_start3A_160 : memref<80xi32, #tpu.memory_space<vmem>>) semaphore(%arg12 : memref<!tpu.dma_semaphore, #tpu.memory_space<semaphore_mem>>)
          } else {
          }
        } else {
        }
        %jit3A_112 = arith.constant 3 : i32
        %eq3A_113 = arith.constant 0 : i32
        %eq3A_114 = arith.cmpi eq, %jit3A_112, %eq3A_113 : i32
        %jit3A_115 = arith.constant 1 : i32
        %select_n3A_116 = arith.select %eq3A_114, %jit3A_115, %jit3A_112 : i32
        %rem3A_117 = arith.remsi %add3A_74, %select_n3A_116 : i32
        %ne3A_118 = arith.constant 0 : i32
        %ne3A_119 = arith.cmpi ne, %rem3A_117, %ne3A_118 : i32
        %lt3A_120 = arith.constant 0 : i32
        %lt3A_121 = arith.cmpi slt, %rem3A_117, %lt3A_120 : i32
        %lt3A_122 = arith.constant 0 : i32
        %lt3A_123 = arith.cmpi slt, %select_n3A_116, %lt3A_122 : i32
        %ne3A_124 = arith.xori %lt3A_121, %lt3A_123 : i1
        %and3A_125 = arith.andi %ne3A_124, %ne3A_119 : i1
        %add3A_126 = arith.addi %rem3A_117, %select_n3A_116 : i32
        %select_n3A_127 = arith.select %and3A_125, %add3A_126, %rem3A_117 : i32
        %eq3A_128 = arith.constant 2 : i32
        %eq3A_129 = arith.cmpi eq, %select_n3A_127, %eq3A_128 : i32
        %convert_element_type3A_130 = arith.extui %eq3A_129 : i1 to i32
        %cond3A_131 = arith.constant 0 : i32
        %cond3A_132 = arith.cmpi ne, %convert_element_type3A_130, %cond3A_131 : i32
        scf.if %cond3A_132 {
          %dma_wait3A_133 = arith.constant 0 : i32
          %dma_wait3A_134 = tpu.memref_slice %arg6[%add3A_74, %dma_wait3A_133] : memref<25x80xi32, #tpu.memory_space<vmem>> -> memref<1x80xi32, #tpu.memory_space<vmem>>
          %dma_wait3A_135 = tpu.memref_squeeze %dma_wait3A_134 : memref<1x80xi32, #tpu.memory_space<vmem>> -> memref<80xi32, #tpu.memory_space<vmem>>
          %dma_wait3A_136 = arith.constant 0 : i32
          %dma_wait3A_137 = arith.constant 0 : i32
          %dma_wait3A_138 = tpu.memref_slice %arg2[%dma_wait3A_136, %dma_wait3A_137] : memref<10000x128xf32, #tpu.memory_space<hbm>> -> memref<10000x128xf32, #tpu.memory_space<hbm>>
          tpu.wait_indirect_dma semaphore(%arg14 : memref<!tpu.dma_semaphore, #tpu.memory_space<semaphore_mem>>) src(%dma_wait3A_138 : memref<10000x128xf32, #tpu.memory_space<hbm>>) dst(%arg10 : memref<80x128xf32, #tpu.memory_space<vmem>>)
          %dma_start3A_139 = arith.constant 0 : i32
          %dma_start3A_140 = tpu.memref_slice %arg7[%add3A_74, %dma_start3A_139] : memref<25x80xi32, #tpu.memory_space<vmem>> -> memref<1x80xi32, #tpu.memory_space<vmem>>
          %dma_start3A_141 = tpu.memref_squeeze %dma_start3A_140 : memref<1x80xi32, #tpu.memory_space<vmem>> -> memref<80xi32, #tpu.memory_space<vmem>>
          %dma_start3A_142 = arith.constant 0 : i32
          %dma_start3A_143 = arith.constant 0 : i32
          %dma_start3A_144 = tpu.memref_slice %arg11[%dma_start3A_142, %dma_start3A_143] : memref<10000x128xf32, #tpu.memory_space<vmem_shared>> -> memref<10000x128xf32, #tpu.memory_space<vmem_shared>>
          tpu.enqueue_indirect_dma source(%arg10 : memref<80x128xf32, #tpu.memory_space<vmem>>) target(%dma_start3A_144 : memref<10000x128xf32, #tpu.memory_space<vmem_shared>>) offsets(%dma_start3A_141 : memref<80xi32, #tpu.memory_space<vmem>>) semaphore(%arg17 : memref<!tpu.dma_semaphore, #tpu.memory_space<semaphore_mem>>) {add = true}
          %add3A_145 = arith.constant 2 : i32
          %add3A_146 = arith.addi %add3A_74, %add3A_145 : i32
          %lt3A_147 = arith.constant 25 : i32
          %lt3A_148 = arith.cmpi slt, %add3A_146, %lt3A_147 : i32
          %convert_element_type3A_149 = arith.extui %lt3A_148 : i1 to i32
          %cond3A_150 = arith.constant 0 : i32
          %cond3A_151 = arith.cmpi ne, %convert_element_type3A_149, %cond3A_150 : i32
          scf.if %cond3A_151 {
            %ge3A = arith.constant 1 : i32
            %ge3A_152 = arith.cmpi sge, %add3A_74, %ge3A : i32
            %convert_element_type3A_153 = arith.extui %ge3A_152 : i1 to i32
            %cond3A_154 = arith.constant 0 : i32
            %cond3A_155 = arith.cmpi ne, %convert_element_type3A_153, %cond3A_154 : i32
            scf.if %cond3A_155 {
              %sub3A = arith.constant 1 : i32
              %sub3A_164 = arith.subi %add3A_74, %sub3A : i32
              %dma_wait3A_165 = arith.constant 0 : i32
              %dma_wait3A_166 = tpu.memref_slice %arg7[%sub3A_164, %dma_wait3A_165] : memref<25x80xi32, #tpu.memory_space<vmem>> -> memref<1x80xi32, #tpu.memory_space<vmem>>
              %dma_wait3A_167 = tpu.memref_squeeze %dma_wait3A_166 : memref<1x80xi32, #tpu.memory_space<vmem>> -> memref<80xi32, #tpu.memory_space<vmem>>
              %dma_wait3A_168 = arith.constant 0 : i32
              %dma_wait3A_169 = arith.constant 0 : i32
              %dma_wait3A_170 = tpu.memref_slice %arg11[%dma_wait3A_168, %dma_wait3A_169] : memref<10000x128xf32, #tpu.memory_space<vmem_shared>> -> memref<10000x128xf32, #tpu.memory_space<vmem_shared>>
              tpu.wait_indirect_dma semaphore(%arg16 : memref<!tpu.dma_semaphore, #tpu.memory_space<semaphore_mem>>) src(%arg9 : memref<80x128xf32, #tpu.memory_space<vmem>>) dst(%dma_wait3A_170 : memref<10000x128xf32, #tpu.memory_space<vmem_shared>>)
            } else {
            }
            %add3A_156 = arith.constant 2 : i32
            %add3A_157 = arith.addi %add3A_74, %add3A_156 : i32
            %dma_start3A_158 = arith.constant 0 : i32
            %dma_start3A_159 = tpu.memref_slice %arg6[%add3A_157, %dma_start3A_158] : memref<25x80xi32, #tpu.memory_space<vmem>> -> memref<1x80xi32, #tpu.memory_space<vmem>>
            %dma_start3A_160 = tpu.memref_squeeze %dma_start3A_159 : memref<1x80xi32, #tpu.memory_space<vmem>> -> memref<80xi32, #tpu.memory_space<vmem>>
            %dma_start3A_161 = arith.constant 0 : i32
            %dma_start3A_162 = arith.constant 0 : i32
            %dma_start3A_163 = tpu.memref_slice %arg2[%dma_start3A_161, %dma_start3A_162] : memref<10000x128xf32, #tpu.memory_space<hbm>> -> memref<10000x128xf32, #tpu.memory_space<hbm>>
            tpu.enqueue_indirect_dma source(%dma_start3A_163 : memref<10000x128xf32, #tpu.memory_space<hbm>>) target(%arg9 : memref<80x128xf32, #tpu.memory_space<vmem>>) offsets(%dma_start3A_160 : memref<80xi32, #tpu.memory_space<vmem>>) semaphore(%arg13 : memref<!tpu.dma_semaphore, #tpu.memory_space<semaphore_mem>>)
          } else {
          }
        } else {
        }
      }
      %scan3A_49 = arith.constant 25 : i32
      %dma_wait3A = arith.constant 22 : i32
      %dma_wait3A_50 = arith.constant 0 : i32
      %dma_wait3A_51 = tpu.memref_slice %arg7[%dma_wait3A, %dma_wait3A_50] : memref<25x80xi32, #tpu.memory_space<vmem>> -> memref<1x80xi32, #tpu.memory_space<vmem>>
      %dma_wait3A_52 = tpu.memref_squeeze %dma_wait3A_51 : memref<1x80xi32, #tpu.memory_space<vmem>> -> memref<80xi32, #tpu.memory_space<vmem>>
      %dma_wait3A_53 = arith.constant 0 : i32
      %dma_wait3A_54 = arith.constant 0 : i32
      %dma_wait3A_55 = tpu.memref_slice %arg11[%dma_wait3A_53, %dma_wait3A_54] : memref<10000x128xf32, #tpu.memory_space<vmem_shared>> -> memref<10000x128xf32, #tpu.memory_space<vmem_shared>>
      tpu.wait_indirect_dma semaphore(%arg16 : memref<!tpu.dma_semaphore, #tpu.memory_space<semaphore_mem>>) src(%arg9 : memref<80x128xf32, #tpu.memory_space<vmem>>) dst(%dma_wait3A_55 : memref<10000x128xf32, #tpu.memory_space<vmem_shared>>)
      %dma_wait3A_56 = arith.constant 23 : i32
      %dma_wait3A_57 = arith.constant 0 : i32
      %dma_wait3A_58 = tpu.memref_slice %arg7[%dma_wait3A_56, %dma_wait3A_57] : memref<25x80xi32, #tpu.memory_space<vmem>> -> memref<1x80xi32, #tpu.memory_space<vmem>>
      %dma_wait3A_59 = tpu.memref_squeeze %dma_wait3A_58 : memref<1x80xi32, #tpu.memory_space<vmem>> -> memref<80xi32, #tpu.memory_space<vmem>>
      %dma_wait3A_60 = arith.constant 0 : i32
      %dma_wait3A_61 = arith.constant 0 : i32
      %dma_wait3A_62 = tpu.memref_slice %arg11[%dma_wait3A_60, %dma_wait3A_61] : memref<10000x128xf32, #tpu.memory_space<vmem_shared>> -> memref<10000x128xf32, #tpu.memory_space<vmem_shared>>
      tpu.wait_indirect_dma semaphore(%arg17 : memref<!tpu.dma_semaphore, #tpu.memory_space<semaphore_mem>>) src(%arg10 : memref<80x128xf32, #tpu.memory_space<vmem>>) dst(%dma_wait3A_62 : memref<10000x128xf32, #tpu.memory_space<vmem_shared>>)
      %dma_wait3A_63 = arith.constant 24 : i32
      %dma_wait3A_64 = arith.constant 0 : i32
      %dma_wait3A_65 = tpu.memref_slice %arg7[%dma_wait3A_63, %dma_wait3A_64] : memref<25x80xi32, #tpu.memory_space<vmem>> -> memref<1x80xi32, #tpu.memory_space<vmem>>
      %dma_wait3A_66 = tpu.memref_squeeze %dma_wait3A_65 : memref<1x80xi32, #tpu.memory_space<vmem>> -> memref<80xi32, #tpu.memory_space<vmem>>
      %dma_wait3A_67 = arith.constant 0 : i32
      %dma_wait3A_68 = arith.constant 0 : i32
      %dma_wait3A_69 = tpu.memref_slice %arg11[%dma_wait3A_67, %dma_wait3A_68] : memref<10000x128xf32, #tpu.memory_space<vmem_shared>> -> memref<10000x128xf32, #tpu.memory_space<vmem_shared>>
      tpu.wait_indirect_dma semaphore(%arg15 : memref<!tpu.dma_semaphore, #tpu.memory_space<semaphore_mem>>) src(%arg8 : memref<80x128xf32, #tpu.memory_space<vmem>>) dst(%dma_wait3A_69 : memref<10000x128xf32, #tpu.memory_space<vmem_shared>>)
    }
    %scan3A_15 = arith.constant 5 : i32
    %barrier3A_16 = arith.constant 0 : index
    tpu.barrier barrier_id(%barrier3A_16)
    %lt3A_17 = arith.constant 15 : i32
    %lt3A_18 = arith.cmpi slt, %arg1, %lt3A_17 : i32
    %convert_element_type3A_19 = arith.extui %lt3A_18 : i1 to i32
    %cond3A_20 = arith.constant 0 : i32
    %cond3A_21 = arith.cmpi ne, %convert_element_type3A_19, %cond3A_20 : i32
    scf.if %cond3A_21 {
      %scan3A_27 = arith.constant 0 : i32
      %scan3A_28 = arith.constant 7 : i32
      %scan3A_29 = arith.addi %scan3A_27, %scan3A_28 : i32
      %scan3A_30 = arith.constant 1 : i32
      scf.for %scan3A_36 = %scan3A_27 to %scan3A_29 step %scan3A_30  : i32 {
        %mul3A_37 = arith.constant 1 : i32
        %mul3A_38 = arith.muli %scan3A_36, %mul3A_37 : i32
        %add3A_39 = arith.constant 0 : i32
        %add3A_40 = arith.addi %add3A_39, %mul3A_38 : i32
        %mul3A_41 = arith.constant 624 : i32
        %mul3A_42 = arith.muli %arg1, %mul3A_41 : i32
        %mul3A_43 = arith.constant 80 : i32
        %mul3A_44 = arith.muli %add3A_40, %mul3A_43 : i32
        %add3A_45 = arith.addi %mul3A_42, %mul3A_44 : i32
        "tpu.region"() ({
          %run_scoped3A = tpu.sem_alloc : memref<!tpu.dma_semaphore, #tpu.memory_space<semaphore_mem>>
          %dma_start3A = arith.constant 0 : i32
          %dma_start3A_46 = arith.constant 0 : i32
          %dma_start3A_47 = tpu.memref_slice %arg8[%dma_start3A, %dma_start3A_46] : memref<80x128xf32, #tpu.memory_space<vmem>> -> memref<80x128xf32, #tpu.memory_space<vmem>>
          %dma_start3A_48 = arith.constant 0 : i32
          %dma_start3A_49 = tpu.memref_slice %arg11[%add3A_45, %dma_start3A_48] : memref<10000x128xf32, #tpu.memory_space<vmem_shared>> -> memref<80x128xf32, #tpu.memory_space<vmem_shared>>
          %dma_start3A_50 = arith.constant 0 : i32
          %dma_start3A_51 = arith.constant 0 : i32
          %dma_start3A_52 = tpu.memref_slice %arg8[%dma_start3A_50, %dma_start3A_51] : memref<80x128xf32, #tpu.memory_space<vmem>> -> memref<80x128xf32, #tpu.memory_space<vmem>>
          %dma_start3A_53 = arith.constant 0 : i32
          %dma_start3A_54 = tpu.memref_slice %arg11[%add3A_45, %dma_start3A_53] : memref<10000x128xf32, #tpu.memory_space<vmem_shared>> -> memref<80x128xf32, #tpu.memory_space<vmem_shared>>
          tpu.enqueue_dma source(%dma_start3A_54 : memref<80x128xf32, #tpu.memory_space<vmem_shared>>) target(%dma_start3A_52 : memref<80x128xf32, #tpu.memory_space<vmem>>) target_semaphore(%run_scoped3A : memref<!tpu.dma_semaphore, #tpu.memory_space<semaphore_mem>>)
          %dma_wait3A = arith.constant 0 : i32
          %dma_wait3A_55 = arith.constant 0 : i32
          %dma_wait3A_56 = tpu.memref_slice %arg8[%dma_wait3A, %dma_wait3A_55] : memref<80x128xf32, #tpu.memory_space<vmem>> -> memref<80x128xf32, #tpu.memory_space<vmem>>
          %dma_wait3A_57 = arith.constant 0 : i32
          %dma_wait3A_58 = tpu.memref_slice %arg11[%add3A_45, %dma_wait3A_57] : memref<10000x128xf32, #tpu.memory_space<vmem_shared>> -> memref<80x128xf32, #tpu.memory_space<vmem_shared>>
          %dma_wait3A_59 = arith.constant 0 : i32
          %dma_wait3A_60 = arith.constant 0 : i32
          %dma_wait3A_61 = tpu.memref_slice %arg8[%dma_wait3A_59, %dma_wait3A_60] : memref<80x128xf32, #tpu.memory_space<vmem>> -> memref<80x128xf32, #tpu.memory_space<vmem>>
          %dma_wait3A_62 = arith.constant 0 : i32
          %dma_wait3A_63 = tpu.memref_slice %arg11[%add3A_45, %dma_wait3A_62] : memref<10000x128xf32, #tpu.memory_space<vmem_shared>> -> memref<80x128xf32, #tpu.memory_space<vmem_shared>>
          tpu.wait_dma2 semaphore(%run_scoped3A : memref<!tpu.dma_semaphore, #tpu.memory_space<semaphore_mem>>) src(%dma_wait3A_63 : memref<80x128xf32, #tpu.memory_space<vmem_shared>>) dst(%dma_wait3A_61 : memref<80x128xf32, #tpu.memory_space<vmem>>)
          tpu.yield
        }) : () -> ()
        "tpu.region"() ({
          %run_scoped3A = tpu.sem_alloc : memref<!tpu.dma_semaphore, #tpu.memory_space<semaphore_mem>>
          %dma_start3A = arith.constant 0 : i32
          %dma_start3A_46 = arith.constant 0 : i32
          %dma_start3A_47 = tpu.memref_slice %arg8[%dma_start3A, %dma_start3A_46] : memref<80x128xf32, #tpu.memory_space<vmem>> -> memref<80x128xf32, #tpu.memory_space<vmem>>
          %dma_start3A_48 = arith.constant 0 : i32
          %dma_start3A_49 = tpu.memref_slice %arg5[%arg0, %add3A_45, %dma_start3A_48] : memref<2x10000x128xf32, #tpu.memory_space<hbm>> -> memref<1x80x128xf32, #tpu.memory_space<hbm>>
          %dma_start3A_50 = tpu.memref_squeeze %dma_start3A_49 : memref<1x80x128xf32, #tpu.memory_space<hbm>> -> memref<80x128xf32, #tpu.memory_space<hbm>>
          %dma_start3A_51 = arith.constant 0 : i32
          %dma_start3A_52 = tpu.memref_slice %arg5[%arg0, %add3A_45, %dma_start3A_51] : memref<2x10000x128xf32, #tpu.memory_space<hbm>> -> memref<1x80x128xf32, #tpu.memory_space<hbm>>
          %dma_start3A_53 = tpu.memref_squeeze %dma_start3A_52 : memref<1x80x128xf32, #tpu.memory_space<hbm>> -> memref<80x128xf32, #tpu.memory_space<hbm>>
          %dma_start3A_54 = arith.constant 0 : i32
          %dma_start3A_55 = arith.constant 0 : i32
          %dma_start3A_56 = tpu.memref_slice %arg8[%dma_start3A_54, %dma_start3A_55] : memref<80x128xf32, #tpu.memory_space<vmem>> -> memref<80x128xf32, #tpu.memory_space<vmem>>
          tpu.enqueue_dma source(%dma_start3A_56 : memref<80x128xf32, #tpu.memory_space<vmem>>) target(%dma_start3A_53 : memref<80x128xf32, #tpu.memory_space<hbm>>) target_semaphore(%run_scoped3A : memref<!tpu.dma_semaphore, #tpu.memory_space<semaphore_mem>>)
          %dma_wait3A = arith.constant 0 : i32
          %dma_wait3A_57 = arith.constant 0 : i32
          %dma_wait3A_58 = tpu.memref_slice %arg8[%dma_wait3A, %dma_wait3A_57] : memref<80x128xf32, #tpu.memory_space<vmem>> -> memref<80x128xf32, #tpu.memory_space<vmem>>
          %dma_wait3A_59 = arith.constant 0 : i32
          %dma_wait3A_60 = tpu.memref_slice %arg5[%arg0, %add3A_45, %dma_wait3A_59] : memref<2x10000x128xf32, #tpu.memory_space<hbm>> -> memref<1x80x128xf32, #tpu.memory_space<hbm>>
          %dma_wait3A_61 = tpu.memref_squeeze %dma_wait3A_60 : memref<1x80x128xf32, #tpu.memory_space<hbm>> -> memref<80x128xf32, #tpu.memory_space<hbm>>
          %dma_wait3A_62 = arith.constant 0 : i32
          %dma_wait3A_63 = tpu.memref_slice %arg5[%arg0, %add3A_45, %dma_wait3A_62] : memref<2x10000x128xf32, #tpu.memory_space<hbm>> -> memref<1x80x128xf32, #tpu.memory_space<hbm>>
          %dma_wait3A_64 = tpu.memref_squeeze %dma_wait3A_63 : memref<1x80x128xf32, #tpu.memory_space<hbm>> -> memref<80x128xf32, #tpu.memory_space<hbm>>
          %dma_wait3A_65 = arith.constant 0 : i32
          %dma_wait3A_66 = arith.constant 0 : i32
          %dma_wait3A_67 = tpu.memref_slice %arg8[%dma_wait3A_65, %dma_wait3A_66] : memref<80x128xf32, #tpu.memory_space<vmem>> -> memref<80x128xf32, #tpu.memory_space<vmem>>
          tpu.wait_dma2 semaphore(%run_scoped3A : memref<!tpu.dma_semaphore, #tpu.memory_space<semaphore_mem>>) src(%dma_wait3A_67 : memref<80x128xf32, #tpu.memory_space<vmem>>) dst(%dma_wait3A_64 : memref<80x128xf32, #tpu.memory_space<hbm>>)
          tpu.yield
        }) : () -> ()
      }
      %scan3A_31 = arith.constant 7 : i32
      %mul3A_32 = arith.constant 624 : i32
      %mul3A_33 = arith.muli %arg1, %mul3A_32 : i32
      %add3A_34 = arith.constant 560 : i32
      %add3A_35 = arith.addi %mul3A_33, %add3A_34 : i32
      "tpu.region"() ({
        %run_scoped3A = tpu.sem_alloc : memref<!tpu.dma_semaphore, #tpu.memory_space<semaphore_mem>>
        %dma_start3A = arith.constant 0 : i32
        %dma_start3A_36 = arith.constant 0 : i32
        %dma_start3A_37 = tpu.memref_slice %arg8[%dma_start3A, %dma_start3A_36] : memref<80x128xf32, #tpu.memory_space<vmem>> -> memref<64x128xf32, #tpu.memory_space<vmem>>
        %dma_start3A_38 = arith.constant 0 : i32
        %dma_start3A_39 = tpu.memref_slice %arg11[%add3A_35, %dma_start3A_38] : memref<10000x128xf32, #tpu.memory_space<vmem_shared>> -> memref<64x128xf32, #tpu.memory_space<vmem_shared>>
        %dma_start3A_40 = arith.constant 0 : i32
        %dma_start3A_41 = arith.constant 0 : i32
        %dma_start3A_42 = tpu.memref_slice %arg8[%dma_start3A_40, %dma_start3A_41] : memref<80x128xf32, #tpu.memory_space<vmem>> -> memref<64x128xf32, #tpu.memory_space<vmem>>
        %dma_start3A_43 = arith.constant 0 : i32
        %dma_start3A_44 = tpu.memref_slice %arg11[%add3A_35, %dma_start3A_43] : memref<10000x128xf32, #tpu.memory_space<vmem_shared>> -> memref<64x128xf32, #tpu.memory_space<vmem_shared>>
        tpu.enqueue_dma source(%dma_start3A_44 : memref<64x128xf32, #tpu.memory_space<vmem_shared>>) target(%dma_start3A_42 : memref<64x128xf32, #tpu.memory_space<vmem>>) target_semaphore(%run_scoped3A : memref<!tpu.dma_semaphore, #tpu.memory_space<semaphore_mem>>)
        %dma_wait3A = arith.constant 0 : i32
        %dma_wait3A_45 = arith.constant 0 : i32
        %dma_wait3A_46 = tpu.memref_slice %arg8[%dma_wait3A, %dma_wait3A_45] : memref<80x128xf32, #tpu.memory_space<vmem>> -> memref<64x128xf32, #tpu.memory_space<vmem>>
        %dma_wait3A_47 = arith.constant 0 : i32
        %dma_wait3A_48 = tpu.memref_slice %arg11[%add3A_35, %dma_wait3A_47] : memref<10000x128xf32, #tpu.memory_space<vmem_shared>> -> memref<64x128xf32, #tpu.memory_space<vmem_shared>>
        %dma_wait3A_49 = arith.constant 0 : i32
        %dma_wait3A_50 = arith.constant 0 : i32
        %dma_wait3A_51 = tpu.memref_slice %arg8[%dma_wait3A_49, %dma_wait3A_50] : memref<80x128xf32, #tpu.memory_space<vmem>> -> memref<64x128xf32, #tpu.memory_space<vmem>>
        %dma_wait3A_52 = arith.constant 0 : i32
        %dma_wait3A_53 = tpu.memref_slice %arg11[%add3A_35, %dma_wait3A_52] : memref<10000x128xf32, #tpu.memory_space<vmem_shared>> -> memref<64x128xf32, #tpu.memory_space<vmem_shared>>
        tpu.wait_dma2 semaphore(%run_scoped3A : memref<!tpu.dma_semaphore, #tpu.memory_space<semaphore_mem>>) src(%dma_wait3A_53 : memref<64x128xf32, #tpu.memory_space<vmem_shared>>) dst(%dma_wait3A_51 : memref<64x128xf32, #tpu.memory_space<vmem>>)
        tpu.yield
      }) : () -> ()
      "tpu.region"() ({
        %run_scoped3A = tpu.sem_alloc : memref<!tpu.dma_semaphore, #tpu.memory_space<semaphore_mem>>
        %dma_start3A = arith.constant 0 : i32
        %dma_start3A_36 = arith.constant 0 : i32
        %dma_start3A_37 = tpu.memref_slice %arg8[%dma_start3A, %dma_start3A_36] : memref<80x128xf32, #tpu.memory_space<vmem>> -> memref<64x128xf32, #tpu.memory_space<vmem>>
        %dma_start3A_38 = arith.constant 0 : i32
        %dma_start3A_39 = tpu.memref_slice %arg5[%arg0, %add3A_35, %dma_start3A_38] : memref<2x10000x128xf32, #tpu.memory_space<hbm>> -> memref<1x64x128xf32, #tpu.memory_space<hbm>>
        %dma_start3A_40 = tpu.memref_squeeze %dma_start3A_39 : memref<1x64x128xf32, #tpu.memory_space<hbm>> -> memref<64x128xf32, #tpu.memory_space<hbm>>
        %dma_start3A_41 = arith.constant 0 : i32
        %dma_start3A_42 = tpu.memref_slice %arg5[%arg0, %add3A_35, %dma_start3A_41] : memref<2x10000x128xf32, #tpu.memory_space<hbm>> -> memref<1x64x128xf32, #tpu.memory_space<hbm>>
        %dma_start3A_43 = tpu.memref_squeeze %dma_start3A_42 : memref<1x64x128xf32, #tpu.memory_space<hbm>> -> memref<64x128xf32, #tpu.memory_space<hbm>>
        %dma_start3A_44 = arith.constant 0 : i32
        %dma_start3A_45 = arith.constant 0 : i32
        %dma_start3A_46 = tpu.memref_slice %arg8[%dma_start3A_44, %dma_start3A_45] : memref<80x128xf32, #tpu.memory_space<vmem>> -> memref<64x128xf32, #tpu.memory_space<vmem>>
        tpu.enqueue_dma source(%dma_start3A_46 : memref<64x128xf32, #tpu.memory_space<vmem>>) target(%dma_start3A_43 : memref<64x128xf32, #tpu.memory_space<hbm>>) target_semaphore(%run_scoped3A : memref<!tpu.dma_semaphore, #tpu.memory_space<semaphore_mem>>)
        %dma_wait3A = arith.constant 0 : i32
        %dma_wait3A_47 = arith.constant 0 : i32
        %dma_wait3A_48 = tpu.memref_slice %arg8[%dma_wait3A, %dma_wait3A_47] : memref<80x128xf32, #tpu.memory_space<vmem>> -> memref<64x128xf32, #tpu.memory_space<vmem>>
        %dma_wait3A_49 = arith.constant 0 : i32
        %dma_wait3A_50 = tpu.memref_slice %arg5[%arg0, %add3A_35, %dma_wait3A_49] : memref<2x10000x128xf32, #tpu.memory_space<hbm>> -> memref<1x64x128xf32, #tpu.memory_space<hbm>>
        %dma_wait3A_51 = tpu.memref_squeeze %dma_wait3A_50 : memref<1x64x128xf32, #tpu.memory_space<hbm>> -> memref<64x128xf32, #tpu.memory_space<hbm>>
        %dma_wait3A_52 = arith.constant 0 : i32
        %dma_wait3A_53 = tpu.memref_slice %arg5[%arg0, %add3A_35, %dma_wait3A_52] : memref<2x10000x128xf32, #tpu.memory_space<hbm>> -> memref<1x64x128xf32, #tpu.memory_space<hbm>>
        %dma_wait3A_54 = tpu.memref_squeeze %dma_wait3A_53 : memref<1x64x128xf32, #tpu.memory_space<hbm>> -> memref<64x128xf32, #tpu.memory_space<hbm>>
        %dma_wait3A_55 = arith.constant 0 : i32
        %dma_wait3A_56 = arith.constant 0 : i32
        %dma_wait3A_57 = tpu.memref_slice %arg8[%dma_wait3A_55, %dma_wait3A_56] : memref<80x128xf32, #tpu.memory_space<vmem>> -> memref<64x128xf32, #tpu.memory_space<vmem>>
        tpu.wait_dma2 semaphore(%run_scoped3A : memref<!tpu.dma_semaphore, #tpu.memory_space<semaphore_mem>>) src(%dma_wait3A_57 : memref<64x128xf32, #tpu.memory_space<vmem>>) dst(%dma_wait3A_54 : memref<64x128xf32, #tpu.memory_space<hbm>>)
        tpu.yield
      }) : () -> ()
    } else {
    }
    %eq3A_22 = arith.constant 15 : i32
    %eq3A_23 = arith.cmpi eq, %arg1, %eq3A_22 : i32
    %convert_element_type3A_24 = arith.extui %eq3A_23 : i1 to i32
    %cond3A_25 = arith.constant 0 : i32
    %cond3A_26 = arith.cmpi ne, %convert_element_type3A_24, %cond3A_25 : i32
    scf.if %cond3A_26 {
      %scan3A_27 = arith.constant 0 : i32
      %scan3A_28 = arith.constant 8 : i32
      %scan3A_29 = arith.addi %scan3A_27, %scan3A_28 : i32
      %scan3A_30 = arith.constant 1 : i32
      scf.for %scan3A_32 = %scan3A_27 to %scan3A_29 step %scan3A_30  : i32 {
        %mul3A_33 = arith.constant 1 : i32
        %mul3A_34 = arith.muli %scan3A_32, %mul3A_33 : i32
        %add3A_35 = arith.constant 0 : i32
        %add3A_36 = arith.addi %add3A_35, %mul3A_34 : i32
        %mul3A_37 = arith.constant 80 : i32
        %mul3A_38 = arith.muli %add3A_36, %mul3A_37 : i32
        %add3A_39 = arith.constant 9360 : i32
        %add3A_40 = arith.addi %add3A_39, %mul3A_38 : i32
        "tpu.region"() ({
          %run_scoped3A = tpu.sem_alloc : memref<!tpu.dma_semaphore, #tpu.memory_space<semaphore_mem>>
          %dma_start3A = arith.constant 0 : i32
          %dma_start3A_41 = arith.constant 0 : i32
          %dma_start3A_42 = tpu.memref_slice %arg8[%dma_start3A, %dma_start3A_41] : memref<80x128xf32, #tpu.memory_space<vmem>> -> memref<80x128xf32, #tpu.memory_space<vmem>>
          %dma_start3A_43 = arith.constant 0 : i32
          %dma_start3A_44 = tpu.memref_slice %arg11[%add3A_40, %dma_start3A_43] : memref<10000x128xf32, #tpu.memory_space<vmem_shared>> -> memref<80x128xf32, #tpu.memory_space<vmem_shared>>
          %dma_start3A_45 = arith.constant 0 : i32
          %dma_start3A_46 = arith.constant 0 : i32
          %dma_start3A_47 = tpu.memref_slice %arg8[%dma_start3A_45, %dma_start3A_46] : memref<80x128xf32, #tpu.memory_space<vmem>> -> memref<80x128xf32, #tpu.memory_space<vmem>>
          %dma_start3A_48 = arith.constant 0 : i32
          %dma_start3A_49 = tpu.memref_slice %arg11[%add3A_40, %dma_start3A_48] : memref<10000x128xf32, #tpu.memory_space<vmem_shared>> -> memref<80x128xf32, #tpu.memory_space<vmem_shared>>
          tpu.enqueue_dma source(%dma_start3A_49 : memref<80x128xf32, #tpu.memory_space<vmem_shared>>) target(%dma_start3A_47 : memref<80x128xf32, #tpu.memory_space<vmem>>) target_semaphore(%run_scoped3A : memref<!tpu.dma_semaphore, #tpu.memory_space<semaphore_mem>>)
          %dma_wait3A = arith.constant 0 : i32
          %dma_wait3A_50 = arith.constant 0 : i32
          %dma_wait3A_51 = tpu.memref_slice %arg8[%dma_wait3A, %dma_wait3A_50] : memref<80x128xf32, #tpu.memory_space<vmem>> -> memref<80x128xf32, #tpu.memory_space<vmem>>
          %dma_wait3A_52 = arith.constant 0 : i32
          %dma_wait3A_53 = tpu.memref_slice %arg11[%add3A_40, %dma_wait3A_52] : memref<10000x128xf32, #tpu.memory_space<vmem_shared>> -> memref<80x128xf32, #tpu.memory_space<vmem_shared>>
          %dma_wait3A_54 = arith.constant 0 : i32
          %dma_wait3A_55 = arith.constant 0 : i32
          %dma_wait3A_56 = tpu.memref_slice %arg8[%dma_wait3A_54, %dma_wait3A_55] : memref<80x128xf32, #tpu.memory_space<vmem>> -> memref<80x128xf32, #tpu.memory_space<vmem>>
          %dma_wait3A_57 = arith.constant 0 : i32
          %dma_wait3A_58 = tpu.memref_slice %arg11[%add3A_40, %dma_wait3A_57] : memref<10000x128xf32, #tpu.memory_space<vmem_shared>> -> memref<80x128xf32, #tpu.memory_space<vmem_shared>>
          tpu.wait_dma2 semaphore(%run_scoped3A : memref<!tpu.dma_semaphore, #tpu.memory_space<semaphore_mem>>) src(%dma_wait3A_58 : memref<80x128xf32, #tpu.memory_space<vmem_shared>>) dst(%dma_wait3A_56 : memref<80x128xf32, #tpu.memory_space<vmem>>)
          tpu.yield
        }) : () -> ()
        "tpu.region"() ({
          %run_scoped3A = tpu.sem_alloc : memref<!tpu.dma_semaphore, #tpu.memory_space<semaphore_mem>>
          %dma_start3A = arith.constant 0 : i32
          %dma_start3A_41 = arith.constant 0 : i32
          %dma_start3A_42 = tpu.memref_slice %arg8[%dma_start3A, %dma_start3A_41] : memref<80x128xf32, #tpu.memory_space<vmem>> -> memref<80x128xf32, #tpu.memory_space<vmem>>
          %dma_start3A_43 = arith.constant 0 : i32
          %dma_start3A_44 = tpu.memref_slice %arg5[%arg0, %add3A_40, %dma_start3A_43] : memref<2x10000x128xf32, #tpu.memory_space<hbm>> -> memref<1x80x128xf32, #tpu.memory_space<hbm>>
          %dma_start3A_45 = tpu.memref_squeeze %dma_start3A_44 : memref<1x80x128xf32, #tpu.memory_space<hbm>> -> memref<80x128xf32, #tpu.memory_space<hbm>>
          %dma_start3A_46 = arith.constant 0 : i32
          %dma_start3A_47 = tpu.memref_slice %arg5[%arg0, %add3A_40, %dma_start3A_46] : memref<2x10000x128xf32, #tpu.memory_space<hbm>> -> memref<1x80x128xf32, #tpu.memory_space<hbm>>
          %dma_start3A_48 = tpu.memref_squeeze %dma_start3A_47 : memref<1x80x128xf32, #tpu.memory_space<hbm>> -> memref<80x128xf32, #tpu.memory_space<hbm>>
          %dma_start3A_49 = arith.constant 0 : i32
          %dma_start3A_50 = arith.constant 0 : i32
          %dma_start3A_51 = tpu.memref_slice %arg8[%dma_start3A_49, %dma_start3A_50] : memref<80x128xf32, #tpu.memory_space<vmem>> -> memref<80x128xf32, #tpu.memory_space<vmem>>
          tpu.enqueue_dma source(%dma_start3A_51 : memref<80x128xf32, #tpu.memory_space<vmem>>) target(%dma_start3A_48 : memref<80x128xf32, #tpu.memory_space<hbm>>) target_semaphore(%run_scoped3A : memref<!tpu.dma_semaphore, #tpu.memory_space<semaphore_mem>>)
          %dma_wait3A = arith.constant 0 : i32
          %dma_wait3A_52 = arith.constant 0 : i32
          %dma_wait3A_53 = tpu.memref_slice %arg8[%dma_wait3A, %dma_wait3A_52] : memref<80x128xf32, #tpu.memory_space<vmem>> -> memref<80x128xf32, #tpu.memory_space<vmem>>
          %dma_wait3A_54 = arith.constant 0 : i32
          %dma_wait3A_55 = tpu.memref_slice %arg5[%arg0, %add3A_40, %dma_wait3A_54] : memref<2x10000x128xf32, #tpu.memory_space<hbm>> -> memref<1x80x128xf32, #tpu.memory_space<hbm>>
          %dma_wait3A_56 = tpu.memref_squeeze %dma_wait3A_55 : memref<1x80x128xf32, #tpu.memory_space<hbm>> -> memref<80x128xf32, #tpu.memory_space<hbm>>
          %dma_wait3A_57 = arith.constant 0 : i32
          %dma_wait3A_58 = tpu.memref_slice %arg5[%arg0, %add3A_40, %dma_wait3A_57] : memref<2x10000x128xf32, #tpu.memory_space<hbm>> -> memref<1x80x128xf32, #tpu.memory_space<hbm>>
          %dma_wait3A_59 = tpu.memref_squeeze %dma_wait3A_58 : memref<1x80x128xf32, #tpu.memory_space<hbm>> -> memref<80x128xf32, #tpu.memory_space<hbm>>
          %dma_wait3A_60 = arith.constant 0 : i32
          %dma_wait3A_61 = arith.constant 0 : i32
          %dma_wait3A_62 = tpu.memref_slice %arg8[%dma_wait3A_60, %dma_wait3A_61] : memref<80x128xf32, #tpu.memory_space<vmem>> -> memref<80x128xf32, #tpu.memory_space<vmem>>
          tpu.wait_dma2 semaphore(%run_scoped3A : memref<!tpu.dma_semaphore, #tpu.memory_space<semaphore_mem>>) src(%dma_wait3A_62 : memref<80x128xf32, #tpu.memory_space<vmem>>) dst(%dma_wait3A_59 : memref<80x128xf32, #tpu.memory_space<hbm>>)
          tpu.yield
        }) : () -> ()
      }
      %scan3A_31 = arith.constant 8 : i32
    } else {
    }
    return
  }
}

#map = affine_map<(d0, d1) -> (0, 0)>
#map1 = affine_map<(d0, d1) -> (0, 0, 0, 0)>
#map2 = affine_map<(d0, d1) -> (0, 0, 0)>
module attributes {stable_mosaic.version = 14 : i64} {
  func.func @_agg_kernel(%arg0: i32, %arg1: i32, %arg2: memref<10000x128xf32, #tpu.memory_space<hbm>>, %arg3: memref<32x5x25x80xi32, #tpu.memory_space<hbm>>, %arg4: memref<32x5x25x80xi32, #tpu.memory_space<hbm>>, %arg5: memref<2x10000x128xf32, #tpu.memory_space<hbm>>, %arg6: memref<25x80xi32, #tpu.memory_space<vmem>>, %arg7: memref<25x80xi32, #tpu.memory_space<vmem>>, %arg8: memref<80x128xf32, #tpu.memory_space<vmem>>, %arg9: memref<80x128xf32, #tpu.memory_space<vmem>>, %arg10: memref<80x128xf32, #tpu.memory_space<vmem>>, %arg11: memref<10000x128xf32, #tpu.memory_space<vmem_shared>>, %arg12: memref<!tpu.dma_semaphore, #tpu.memory_space<semaphore_mem>>, %arg13: memref<!tpu.dma_semaphore, #tpu.memory_space<semaphore_mem>>, %arg14: memref<!tpu.dma_semaphore, #tpu.memory_space<semaphore_mem>>, %arg15: memref<!tpu.dma_semaphore, #tpu.memory_space<semaphore_mem>>, %arg16: memref<!tpu.dma_semaphore, #tpu.memory_space<semaphore_mem>>, %arg17: memref<!tpu.dma_semaphore, #tpu.memory_space<semaphore_mem>>) attributes {dimension_semantics = [#tpu.dimension_semantics<core_parallel>, #tpu.dimension_semantics<subcore_parallel>], iteration_bounds = array<i64: 2, 16>, scalar_prefetch = 0 : i64, scratch_operands = 12 : i64, tpu.core_type = #tpu.core_type<sc_vector_subcore>, window_params = [{transform_indices = #map}, {transform_indices = #map1}, {transform_indices = #map1}, {transform_indices = #map2}]} {
    %mul3A = arith.constant 16 : i32
    %mul3A_0 = arith.muli %arg0, %mul3A : i32
    %add3A = arith.addi %mul3A_0, %arg1 : i32
    %scan3A = arith.constant 0 : i32
    %scan3A_1 = arith.constant 640 : i32
    %scan3A_2 = arith.addi %scan3A, %scan3A_1 : i32
    %scan3A_3 = arith.constant 1 : i32
    scf.for %scan3A_27 = %scan3A to %scan3A_2 step %scan3A_3  : i32 {
      %mul3A_28 = arith.constant 1 : i32
      %mul3A_29 = arith.muli %scan3A_27, %mul3A_28 : i32
      %add3A_30 = arith.constant 0 : i32
      %add3A_31 = arith.addi %add3A_30, %mul3A_29 : i32
      %jit3A = arith.constant 8 : i32
      %div3A = arith.divsi %add3A_31, %jit3A : i32
      %sign3A = arith.constant 0 : i32
      %sign3A_32 = arith.cmpi sgt, %add3A_31, %sign3A : i32
      %sign3A_33 = arith.extui %sign3A_32 : i1 to i32
      %sign3A_34 = arith.constant 0 : i32
      %sign3A_35 = arith.cmpi slt, %add3A_31, %sign3A_34 : i32
      %sign3A_36 = arith.extui %sign3A_35 : i1 to i32
      %sign3A_37 = arith.subi %sign3A_33, %sign3A_36 : i32
      %sign3A_38 = arith.constant 0 : i32
      %sign3A_39 = arith.cmpi sgt, %jit3A, %sign3A_38 : i32
      %sign3A_40 = arith.extui %sign3A_39 : i1 to i32
      %sign3A_41 = arith.constant 0 : i32
      %sign3A_42 = arith.cmpi slt, %jit3A, %sign3A_41 : i32
      %sign3A_43 = arith.extui %sign3A_42 : i1 to i32
      %sign3A_44 = arith.subi %sign3A_40, %sign3A_43 : i32
      %ne3A = arith.cmpi ne, %sign3A_37, %sign3A_44 : i32
      %rem3A = arith.remsi %add3A_31, %jit3A : i32
      %ne3A_45 = arith.constant 0 : i32
      %ne3A_46 = arith.cmpi ne, %rem3A, %ne3A_45 : i32
      %and3A = arith.andi %ne3A, %ne3A_46 : i1
      %sub3A = arith.constant 1 : i32
      %sub3A_47 = arith.subi %div3A, %sub3A : i32
      %select_n3A = arith.select %and3A, %sub3A_47, %div3A : i32
      %jit3A_48 = arith.constant 8 : i32
      %eq3A_49 = arith.constant 0 : i32
      %eq3A_50 = arith.cmpi eq, %jit3A_48, %eq3A_49 : i32
      %jit3A_51 = arith.constant 1 : i32
      %select_n3A_52 = arith.select %eq3A_50, %jit3A_51, %jit3A_48 : i32
      %rem3A_53 = arith.remsi %add3A_31, %select_n3A_52 : i32
      %ne3A_54 = arith.constant 0 : i32
      %ne3A_55 = arith.cmpi ne, %rem3A_53, %ne3A_54 : i32
      %lt3A_56 = arith.constant 0 : i32
      %lt3A_57 = arith.cmpi slt, %rem3A_53, %lt3A_56 : i32
      %lt3A_58 = arith.constant 0 : i32
      %lt3A_59 = arith.cmpi slt, %select_n3A_52, %lt3A_58 : i32
      %ne3A_60 = arith.xori %lt3A_57, %lt3A_59 : i1
      %and3A_61 = arith.andi %ne3A_60, %ne3A_55 : i1
      %add3A_62 = arith.addi %rem3A_53, %select_n3A_52 : i32
      %select_n3A_63 = arith.select %and3A_61, %add3A_62, %rem3A_53 : i32
      %broadcast_in_dim3A = arith.constant 0.000000e+00 : f32
      %broadcast_in_dim3A_64 = vector.broadcast %broadcast_in_dim3A : f32 to vector<16xf32>
      %mul3A_65 = arith.constant 16 : i32
      %mul3A_66 = arith.muli %select_n3A_63, %mul3A_65 : i32
      %swap3A = arith.index_cast %select_n3A : i32 to index
      %swap3A_67 = arith.index_cast %mul3A_66 : i32 to index
      %swap3A_68 = tpu.vector_load %arg8[%swap3A, %swap3A_67] {strides = array<i32>} : memref<80x128xf32, #tpu.memory_space<vmem>>, vector<1x16xf32>,
      %swap3A_69 = vector.shape_cast %swap3A_68 : vector<1x16xf32> to vector<16xf32>
      %swap3A_70 = vector.shape_cast %broadcast_in_dim3A_64 : vector<16xf32> to vector<1x16xf32>
      tpu.vector_store %arg8[%swap3A, %swap3A_67], %swap3A_70 {strides = array<i32>} : memref<80x128xf32, #tpu.memory_space<vmem>>, vector<1x16xf32>,
    }
    %scan3A_4 = arith.constant 640 : i32
    %lt3A = arith.constant 15 : i32
    %lt3A_5 = arith.cmpi slt, %arg1, %lt3A : i32
    %convert_element_type3A = arith.extui %lt3A_5 : i1 to i32
    %cond3A = arith.constant 0 : i32
    %cond3A_6 = arith.cmpi ne, %convert_element_type3A, %cond3A : i32
    scf.if %cond3A_6 {
      %scan3A_27 = arith.constant 0 : i32
      %scan3A_28 = arith.constant 7 : i32
      %scan3A_29 = arith.addi %scan3A_27, %scan3A_28 : i32
      %scan3A_30 = arith.constant 1 : i32
      scf.for %scan3A_36 = %scan3A_27 to %scan3A_29 step %scan3A_30  : i32 {
        %mul3A_37 = arith.constant 1 : i32
        %mul3A_38 = arith.muli %scan3A_36, %mul3A_37 : i32
        %add3A_39 = arith.constant 0 : i32
        %add3A_40 = arith.addi %add3A_39, %mul3A_38 : i32
        %mul3A_41 = arith.constant 624 : i32
        %mul3A_42 = arith.muli %arg1, %mul3A_41 : i32
        %mul3A_43 = arith.constant 80 : i32
        %mul3A_44 = arith.muli %add3A_40, %mul3A_43 : i32
        %add3A_45 = arith.addi %mul3A_42, %mul3A_44 : i32
        "tpu.region"() ({
          %run_scoped3A = tpu.sem_alloc : memref<!tpu.dma_semaphore, #tpu.memory_space<semaphore_mem>>
          %dma_start3A = arith.constant 0 : i32
          %dma_start3A_46 = arith.constant 0 : i32
          %dma_start3A_47 = tpu.memref_slice %arg8[%dma_start3A, %dma_start3A_46] : memref<80x128xf32, #tpu.memory_space<vmem>> -> memref<80x128xf32, #tpu.memory_space<vmem>>
          %dma_start3A_48 = arith.constant 0 : i32
          %dma_start3A_49 = tpu.memref_slice %arg11[%add3A_45, %dma_start3A_48] : memref<10000x128xf32, #tpu.memory_space<vmem_shared>> -> memref<80x128xf32, #tpu.memory_space<vmem_shared>>
          %dma_start3A_50 = arith.constant 0 : i32
          %dma_start3A_51 = tpu.memref_slice %arg11[%add3A_45, %dma_start3A_50] : memref<10000x128xf32, #tpu.memory_space<vmem_shared>> -> memref<80x128xf32, #tpu.memory_space<vmem_shared>>
          %dma_start3A_52 = arith.constant 0 : i32
          %dma_start3A_53 = arith.constant 0 : i32
          %dma_start3A_54 = tpu.memref_slice %arg8[%dma_start3A_52, %dma_start3A_53] : memref<80x128xf32, #tpu.memory_space<vmem>> -> memref<80x128xf32, #tpu.memory_space<vmem>>
          tpu.enqueue_dma source(%dma_start3A_54 : memref<80x128xf32, #tpu.memory_space<vmem>>) target(%dma_start3A_51 : memref<80x128xf32, #tpu.memory_space<vmem_shared>>) target_semaphore(%run_scoped3A : memref<!tpu.dma_semaphore, #tpu.memory_space<semaphore_mem>>)
          %dma_wait3A = arith.constant 0 : i32
          %dma_wait3A_55 = arith.constant 0 : i32
          %dma_wait3A_56 = tpu.memref_slice %arg8[%dma_wait3A, %dma_wait3A_55] : memref<80x128xf32, #tpu.memory_space<vmem>> -> memref<80x128xf32, #tpu.memory_space<vmem>>
          %dma_wait3A_57 = arith.constant 0 : i32
          %dma_wait3A_58 = tpu.memref_slice %arg11[%add3A_45, %dma_wait3A_57] : memref<10000x128xf32, #tpu.memory_space<vmem_shared>> -> memref<80x128xf32, #tpu.memory_space<vmem_shared>>
          %dma_wait3A_59 = arith.constant 0 : i32
          %dma_wait3A_60 = tpu.memref_slice %arg11[%add3A_45, %dma_wait3A_59] : memref<10000x128xf32, #tpu.memory_space<vmem_shared>> -> memref<80x128xf32, #tpu.memory_space<vmem_shared>>
          %dma_wait3A_61 = arith.constant 0 : i32
          %dma_wait3A_62 = arith.constant 0 : i32
          %dma_wait3A_63 = tpu.memref_slice %arg8[%dma_wait3A_61, %dma_wait3A_62] : memref<80x128xf32, #tpu.memory_space<vmem>> -> memref<80x128xf32, #tpu.memory_space<vmem>>
          tpu.wait_dma2 semaphore(%run_scoped3A : memref<!tpu.dma_semaphore, #tpu.memory_space<semaphore_mem>>) src(%dma_wait3A_63 : memref<80x128xf32, #tpu.memory_space<vmem>>) dst(%dma_wait3A_60 : memref<80x128xf32, #tpu.memory_space<vmem_shared>>)
          tpu.yield
        }) : () -> ()
      }
      %scan3A_31 = arith.constant 7 : i32
      %mul3A_32 = arith.constant 624 : i32
      %mul3A_33 = arith.muli %arg1, %mul3A_32 : i32
      %add3A_34 = arith.constant 560 : i32
      %add3A_35 = arith.addi %mul3A_33, %add3A_34 : i32
      "tpu.region"() ({
        %run_scoped3A = tpu.sem_alloc : memref<!tpu.dma_semaphore, #tpu.memory_space<semaphore_mem>>
        %dma_start3A = arith.constant 0 : i32
        %dma_start3A_36 = arith.constant 0 : i32
        %dma_start3A_37 = tpu.memref_slice %arg8[%dma_start3A, %dma_start3A_36] : memref<80x128xf32, #tpu.memory_space<vmem>> -> memref<64x128xf32, #tpu.memory_space<vmem>>
        %dma_start3A_38 = arith.constant 0 : i32
        %dma_start3A_39 = tpu.memref_slice %arg11[%add3A_35, %dma_start3A_38] : memref<10000x128xf32, #tpu.memory_space<vmem_shared>> -> memref<64x128xf32, #tpu.memory_space<vmem_shared>>
        %dma_start3A_40 = arith.constant 0 : i32
        %dma_start3A_41 = tpu.memref_slice %arg11[%add3A_35, %dma_start3A_40] : memref<10000x128xf32, #tpu.memory_space<vmem_shared>> -> memref<64x128xf32, #tpu.memory_space<vmem_shared>>
        %dma_start3A_42 = arith.constant 0 : i32
        %dma_start3A_43 = arith.constant 0 : i32
        %dma_start3A_44 = tpu.memref_slice %arg8[%dma_start3A_42, %dma_start3A_43] : memref<80x128xf32, #tpu.memory_space<vmem>> -> memref<64x128xf32, #tpu.memory_space<vmem>>
        tpu.enqueue_dma source(%dma_start3A_44 : memref<64x128xf32, #tpu.memory_space<vmem>>) target(%dma_start3A_41 : memref<64x128xf32, #tpu.memory_space<vmem_shared>>) target_semaphore(%run_scoped3A : memref<!tpu.dma_semaphore, #tpu.memory_space<semaphore_mem>>)
        %dma_wait3A = arith.constant 0 : i32
        %dma_wait3A_45 = arith.constant 0 : i32
        %dma_wait3A_46 = tpu.memref_slice %arg8[%dma_wait3A, %dma_wait3A_45] : memref<80x128xf32, #tpu.memory_space<vmem>> -> memref<64x128xf32, #tpu.memory_space<vmem>>
        %dma_wait3A_47 = arith.constant 0 : i32
        %dma_wait3A_48 = tpu.memref_slice %arg11[%add3A_35, %dma_wait3A_47] : memref<10000x128xf32, #tpu.memory_space<vmem_shared>> -> memref<64x128xf32, #tpu.memory_space<vmem_shared>>
        %dma_wait3A_49 = arith.constant 0 : i32
        %dma_wait3A_50 = tpu.memref_slice %arg11[%add3A_35, %dma_wait3A_49] : memref<10000x128xf32, #tpu.memory_space<vmem_shared>> -> memref<64x128xf32, #tpu.memory_space<vmem_shared>>
        %dma_wait3A_51 = arith.constant 0 : i32
        %dma_wait3A_52 = arith.constant 0 : i32
        %dma_wait3A_53 = tpu.memref_slice %arg8[%dma_wait3A_51, %dma_wait3A_52] : memref<80x128xf32, #tpu.memory_space<vmem>> -> memref<64x128xf32, #tpu.memory_space<vmem>>
        tpu.wait_dma2 semaphore(%run_scoped3A : memref<!tpu.dma_semaphore, #tpu.memory_space<semaphore_mem>>) src(%dma_wait3A_53 : memref<64x128xf32, #tpu.memory_space<vmem>>) dst(%dma_wait3A_50 : memref<64x128xf32, #tpu.memory_space<vmem_shared>>)
        tpu.yield
      }) : () -> ()
    } else {
    }
    %eq3A = arith.constant 15 : i32
    %eq3A_7 = arith.cmpi eq, %arg1, %eq3A : i32
    %convert_element_type3A_8 = arith.extui %eq3A_7 : i1 to i32
    %cond3A_9 = arith.constant 0 : i32
    %cond3A_10 = arith.cmpi ne, %convert_element_type3A_8, %cond3A_9 : i32
    scf.if %cond3A_10 {
      %scan3A_27 = arith.constant 0 : i32
      %scan3A_28 = arith.constant 8 : i32
      %scan3A_29 = arith.addi %scan3A_27, %scan3A_28 : i32
      %scan3A_30 = arith.constant 1 : i32
      scf.for %scan3A_32 = %scan3A_27 to %scan3A_29 step %scan3A_30  : i32 {
        %mul3A_33 = arith.constant 1 : i32
        %mul3A_34 = arith.muli %scan3A_32, %mul3A_33 : i32
        %add3A_35 = arith.constant 0 : i32
        %add3A_36 = arith.addi %add3A_35, %mul3A_34 : i32
        %mul3A_37 = arith.constant 80 : i32
        %mul3A_38 = arith.muli %add3A_36, %mul3A_37 : i32
        %add3A_39 = arith.constant 9360 : i32
        %add3A_40 = arith.addi %add3A_39, %mul3A_38 : i32
        "tpu.region"() ({
          %run_scoped3A = tpu.sem_alloc : memref<!tpu.dma_semaphore, #tpu.memory_space<semaphore_mem>>
          %dma_start3A = arith.constant 0 : i32
          %dma_start3A_41 = arith.constant 0 : i32
          %dma_start3A_42 = tpu.memref_slice %arg8[%dma_start3A, %dma_start3A_41] : memref<80x128xf32, #tpu.memory_space<vmem>> -> memref<80x128xf32, #tpu.memory_space<vmem>>
          %dma_start3A_43 = arith.constant 0 : i32
          %dma_start3A_44 = tpu.memref_slice %arg11[%add3A_40, %dma_start3A_43] : memref<10000x128xf32, #tpu.memory_space<vmem_shared>> -> memref<80x128xf32, #tpu.memory_space<vmem_shared>>
          %dma_start3A_45 = arith.constant 0 : i32
          %dma_start3A_46 = tpu.memref_slice %arg11[%add3A_40, %dma_start3A_45] : memref<10000x128xf32, #tpu.memory_space<vmem_shared>> -> memref<80x128xf32, #tpu.memory_space<vmem_shared>>
          %dma_start3A_47 = arith.constant 0 : i32
          %dma_start3A_48 = arith.constant 0 : i32
          %dma_start3A_49 = tpu.memref_slice %arg8[%dma_start3A_47, %dma_start3A_48] : memref<80x128xf32, #tpu.memory_space<vmem>> -> memref<80x128xf32, #tpu.memory_space<vmem>>
          tpu.enqueue_dma source(%dma_start3A_49 : memref<80x128xf32, #tpu.memory_space<vmem>>) target(%dma_start3A_46 : memref<80x128xf32, #tpu.memory_space<vmem_shared>>) target_semaphore(%run_scoped3A : memref<!tpu.dma_semaphore, #tpu.memory_space<semaphore_mem>>)
          %dma_wait3A = arith.constant 0 : i32
          %dma_wait3A_50 = arith.constant 0 : i32
          %dma_wait3A_51 = tpu.memref_slice %arg8[%dma_wait3A, %dma_wait3A_50] : memref<80x128xf32, #tpu.memory_space<vmem>> -> memref<80x128xf32, #tpu.memory_space<vmem>>
          %dma_wait3A_52 = arith.constant 0 : i32
          %dma_wait3A_53 = tpu.memref_slice %arg11[%add3A_40, %dma_wait3A_52] : memref<10000x128xf32, #tpu.memory_space<vmem_shared>> -> memref<80x128xf32, #tpu.memory_space<vmem_shared>>
          %dma_wait3A_54 = arith.constant 0 : i32
          %dma_wait3A_55 = tpu.memref_slice %arg11[%add3A_40, %dma_wait3A_54] : memref<10000x128xf32, #tpu.memory_space<vmem_shared>> -> memref<80x128xf32, #tpu.memory_space<vmem_shared>>
          %dma_wait3A_56 = arith.constant 0 : i32
          %dma_wait3A_57 = arith.constant 0 : i32
          %dma_wait3A_58 = tpu.memref_slice %arg8[%dma_wait3A_56, %dma_wait3A_57] : memref<80x128xf32, #tpu.memory_space<vmem>> -> memref<80x128xf32, #tpu.memory_space<vmem>>
          tpu.wait_dma2 semaphore(%run_scoped3A : memref<!tpu.dma_semaphore, #tpu.memory_space<semaphore_mem>>) src(%dma_wait3A_58 : memref<80x128xf32, #tpu.memory_space<vmem>>) dst(%dma_wait3A_55 : memref<80x128xf32, #tpu.memory_space<vmem_shared>>)
          tpu.yield
        }) : () -> ()
      }
      %scan3A_31 = arith.constant 8 : i32
    } else {
    }
    %barrier3A = arith.constant 0 : index
    tpu.barrier barrier_id(%barrier3A)
    %scan3A_11 = arith.constant 0 : i32
    %scan3A_12 = arith.constant 5 : i32
    %scan3A_13 = arith.addi %scan3A_11, %scan3A_12 : i32
    %scan3A_14 = arith.constant 1 : i32
    scf.for %scan3A_27 = %scan3A_11 to %scan3A_13 step %scan3A_14  : i32 {
      %mul3A_28 = arith.constant 1 : i32
      %mul3A_29 = arith.muli %scan3A_27, %mul3A_28 : i32
      %add3A_30 = arith.constant 0 : i32
      %add3A_31 = arith.addi %add3A_30, %mul3A_29 : i32
      "tpu.region"() ({
        %run_scoped3A = tpu.sem_alloc : memref<!tpu.dma_semaphore, #tpu.memory_space<semaphore_mem>>
        %dma_start3A_70 = arith.constant 0 : i32
        %dma_start3A_71 = arith.constant 0 : i32
        %dma_start3A_72 = tpu.memref_slice %arg3[%add3A, %add3A_31, %dma_start3A_70, %dma_start3A_71] : memref<32x5x25x80xi32, #tpu.memory_space<hbm>> -> memref<1x1x25x80xi32, #tpu.memory_space<hbm>>
        %dma_start3A_73 = tpu.memref_squeeze %dma_start3A_72 : memref<1x1x25x80xi32, #tpu.memory_space<hbm>> -> memref<25x80xi32, #tpu.memory_space<hbm>>
        %dma_start3A_74 = arith.constant 0 : i32
        %dma_start3A_75 = arith.constant 0 : i32
        %dma_start3A_76 = tpu.memref_slice %arg3[%add3A, %add3A_31, %dma_start3A_74, %dma_start3A_75] : memref<32x5x25x80xi32, #tpu.memory_space<hbm>> -> memref<1x1x25x80xi32, #tpu.memory_space<hbm>>
        %dma_start3A_77 = tpu.memref_squeeze %dma_start3A_76 : memref<1x1x25x80xi32, #tpu.memory_space<hbm>> -> memref<25x80xi32, #tpu.memory_space<hbm>>
        tpu.enqueue_dma source(%dma_start3A_77 : memref<25x80xi32, #tpu.memory_space<hbm>>) target(%arg6 : memref<25x80xi32, #tpu.memory_space<vmem>>) target_semaphore(%run_scoped3A : memref<!tpu.dma_semaphore, #tpu.memory_space<semaphore_mem>>)
        %dma_wait3A_78 = arith.constant 0 : i32
        %dma_wait3A_79 = arith.constant 0 : i32
        %dma_wait3A_80 = tpu.memref_slice %arg3[%add3A, %add3A_31, %dma_wait3A_78, %dma_wait3A_79] : memref<32x5x25x80xi32, #tpu.memory_space<hbm>> -> memref<1x1x25x80xi32, #tpu.memory_space<hbm>>
        %dma_wait3A_81 = tpu.memref_squeeze %dma_wait3A_80 : memref<1x1x25x80xi32, #tpu.memory_space<hbm>> -> memref<25x80xi32, #tpu.memory_space<hbm>>
        %dma_wait3A_82 = arith.constant 0 : i32
        %dma_wait3A_83 = arith.constant 0 : i32
        %dma_wait3A_84 = tpu.memref_slice %arg3[%add3A, %add3A_31, %dma_wait3A_82, %dma_wait3A_83] : memref<32x5x25x80xi32, #tpu.memory_space<hbm>> -> memref<1x1x25x80xi32, #tpu.memory_space<hbm>>
        %dma_wait3A_85 = tpu.memref_squeeze %dma_wait3A_84 : memref<1x1x25x80xi32, #tpu.memory_space<hbm>> -> memref<25x80xi32, #tpu.memory_space<hbm>>
        tpu.wait_dma2 semaphore(%run_scoped3A : memref<!tpu.dma_semaphore, #tpu.memory_space<semaphore_mem>>) src(%dma_wait3A_85 : memref<25x80xi32, #tpu.memory_space<hbm>>) dst(%arg6 : memref<25x80xi32, #tpu.memory_space<vmem>>)
        tpu.yield
      }) : () -> ()
      "tpu.region"() ({
        %run_scoped3A = tpu.sem_alloc : memref<!tpu.dma_semaphore, #tpu.memory_space<semaphore_mem>>
        %dma_start3A_70 = arith.constant 0 : i32
        %dma_start3A_71 = arith.constant 0 : i32
        %dma_start3A_72 = tpu.memref_slice %arg4[%add3A, %add3A_31, %dma_start3A_70, %dma_start3A_71] : memref<32x5x25x80xi32, #tpu.memory_space<hbm>> -> memref<1x1x25x80xi32, #tpu.memory_space<hbm>>
        %dma_start3A_73 = tpu.memref_squeeze %dma_start3A_72 : memref<1x1x25x80xi32, #tpu.memory_space<hbm>> -> memref<25x80xi32, #tpu.memory_space<hbm>>
        %dma_start3A_74 = arith.constant 0 : i32
        %dma_start3A_75 = arith.constant 0 : i32
        %dma_start3A_76 = tpu.memref_slice %arg4[%add3A, %add3A_31, %dma_start3A_74, %dma_start3A_75] : memref<32x5x25x80xi32, #tpu.memory_space<hbm>> -> memref<1x1x25x80xi32, #tpu.memory_space<hbm>>
        %dma_start3A_77 = tpu.memref_squeeze %dma_start3A_76 : memref<1x1x25x80xi32, #tpu.memory_space<hbm>> -> memref<25x80xi32, #tpu.memory_space<hbm>>
        tpu.enqueue_dma source(%dma_start3A_77 : memref<25x80xi32, #tpu.memory_space<hbm>>) target(%arg7 : memref<25x80xi32, #tpu.memory_space<vmem>>) target_semaphore(%run_scoped3A : memref<!tpu.dma_semaphore, #tpu.memory_space<semaphore_mem>>)
        %dma_wait3A_78 = arith.constant 0 : i32
        %dma_wait3A_79 = arith.constant 0 : i32
        %dma_wait3A_80 = tpu.memref_slice %arg4[%add3A, %add3A_31, %dma_wait3A_78, %dma_wait3A_79] : memref<32x5x25x80xi32, #tpu.memory_space<hbm>> -> memref<1x1x25x80xi32, #tpu.memory_space<hbm>>
        %dma_wait3A_81 = tpu.memref_squeeze %dma_wait3A_80 : memref<1x1x25x80xi32, #tpu.memory_space<hbm>> -> memref<25x80xi32, #tpu.memory_space<hbm>>
        %dma_wait3A_82 = arith.constant 0 : i32
        %dma_wait3A_83 = arith.constant 0 : i32
        %dma_wait3A_84 = tpu.memref_slice %arg4[%add3A, %add3A_31, %dma_wait3A_82, %dma_wait3A_83] : memref<32x5x25x80xi32, #tpu.memory_space<hbm>> -> memref<1x1x25x80xi32, #tpu.memory_space<hbm>>
        %dma_wait3A_85 = tpu.memref_squeeze %dma_wait3A_84 : memref<1x1x25x80xi32, #tpu.memory_space<hbm>> -> memref<25x80xi32, #tpu.memory_space<hbm>>
        tpu.wait_dma2 semaphore(%run_scoped3A : memref<!tpu.dma_semaphore, #tpu.memory_space<semaphore_mem>>) src(%dma_wait3A_85 : memref<25x80xi32, #tpu.memory_space<hbm>>) dst(%arg7 : memref<25x80xi32, #tpu.memory_space<vmem>>)
        tpu.yield
      }) : () -> ()
      %dma_start3A = arith.constant 0 : i32
      %dma_start3A_32 = arith.constant 0 : i32
      %dma_start3A_33 = tpu.memref_slice %arg6[%dma_start3A, %dma_start3A_32] : memref<25x80xi32, #tpu.memory_space<vmem>> -> memref<1x80xi32, #tpu.memory_space<vmem>>
      %dma_start3A_34 = tpu.memref_squeeze %dma_start3A_33 : memref<1x80xi32, #tpu.memory_space<vmem>> -> memref<80xi32, #tpu.memory_space<vmem>>
      %dma_start3A_35 = arith.constant 0 : i32
      %dma_start3A_36 = arith.constant 0 : i32
      %dma_start3A_37 = tpu.memref_slice %arg2[%dma_start3A_35, %dma_start3A_36] : memref<10000x128xf32, #tpu.memory_space<hbm>> -> memref<10000x128xf32, #tpu.memory_space<hbm>>
      tpu.enqueue_indirect_dma source(%dma_start3A_37 : memref<10000x128xf32, #tpu.memory_space<hbm>>) target(%arg8 : memref<80x128xf32, #tpu.memory_space<vmem>>) offsets(%dma_start3A_34 : memref<80xi32, #tpu.memory_space<vmem>>) semaphore(%arg12 : memref<!tpu.dma_semaphore, #tpu.memory_space<semaphore_mem>>)
      %dma_start3A_38 = arith.constant 1 : i32
      %dma_start3A_39 = arith.constant 0 : i32
      %dma_start3A_40 = tpu.memref_slice %arg6[%dma_start3A_38, %dma_start3A_39] : memref<25x80xi32, #tpu.memory_space<vmem>> -> memref<1x80xi32, #tpu.memory_space<vmem>>
      %dma_start3A_41 = tpu.memref_squeeze %dma_start3A_40 : memref<1x80xi32, #tpu.memory_space<vmem>> -> memref<80xi32, #tpu.memory_space<vmem>>
      %dma_start3A_42 = arith.constant 0 : i32
      %dma_start3A_43 = arith.constant 0 : i32
      %dma_start3A_44 = tpu.memref_slice %arg2[%dma_start3A_42, %dma_start3A_43] : memref<10000x128xf32, #tpu.memory_space<hbm>> -> memref<10000x128xf32, #tpu.memory_space<hbm>>
      tpu.enqueue_indirect_dma source(%dma_start3A_44 : memref<10000x128xf32, #tpu.memory_space<hbm>>) target(%arg9 : memref<80x128xf32, #tpu.memory_space<vmem>>) offsets(%dma_start3A_41 : memref<80xi32, #tpu.memory_space<vmem>>) semaphore(%arg13 : memref<!tpu.dma_semaphore, #tpu.memory_space<semaphore_mem>>)
      %scan3A_45 = arith.constant 0 : i32
      %scan3A_46 = arith.constant 25 : i32
      %scan3A_47 = arith.addi %scan3A_45, %scan3A_46 : i32
      %scan3A_48 = arith.constant 1 : i32
      scf.for %scan3A_70 = %scan3A_45 to %scan3A_47 step %scan3A_48  : i32 {
        %mul3A_71 = arith.constant 1 : i32
        %mul3A_72 = arith.muli %scan3A_70, %mul3A_71 : i32
        %add3A_73 = arith.constant 0 : i32
        %add3A_74 = arith.addi %add3A_73, %mul3A_72 : i32
        %jit3A = arith.constant 3 : i32
        %eq3A_75 = arith.constant 0 : i32
        %eq3A_76 = arith.cmpi eq, %jit3A, %eq3A_75 : i32
        %jit3A_77 = arith.constant 1 : i32
        %select_n3A = arith.select %eq3A_76, %jit3A_77, %jit3A : i32
        %rem3A = arith.remsi %add3A_74, %select_n3A : i32
        %ne3A = arith.constant 0 : i32
        %ne3A_78 = arith.cmpi ne, %rem3A, %ne3A : i32
        %lt3A_79 = arith.constant 0 : i32
        %lt3A_80 = arith.cmpi slt, %rem3A, %lt3A_79 : i32
        %lt3A_81 = arith.constant 0 : i32
        %lt3A_82 = arith.cmpi slt, %select_n3A, %lt3A_81 : i32
        %ne3A_83 = arith.xori %lt3A_80, %lt3A_82 : i1
        %and3A = arith.andi %ne3A_83, %ne3A_78 : i1
        %add3A_84 = arith.addi %rem3A, %select_n3A : i32
        %select_n3A_85 = arith.select %and3A, %add3A_84, %rem3A : i32
        %eq3A_86 = arith.constant 0 : i32
        %eq3A_87 = arith.cmpi eq, %select_n3A_85, %eq3A_86 : i32
        %convert_element_type3A_88 = arith.extui %eq3A_87 : i1 to i32
        %cond3A_89 = arith.constant 0 : i32
        %cond3A_90 = arith.cmpi ne, %convert_element_type3A_88, %cond3A_89 : i32
        scf.if %cond3A_90 {
          %dma_wait3A_133 = arith.constant 0 : i32
          %dma_wait3A_134 = tpu.memref_slice %arg6[%add3A_74, %dma_wait3A_133] : memref<25x80xi32, #tpu.memory_space<vmem>> -> memref<1x80xi32, #tpu.memory_space<vmem>>
          %dma_wait3A_135 = tpu.memref_squeeze %dma_wait3A_134 : memref<1x80xi32, #tpu.memory_space<vmem>> -> memref<80xi32, #tpu.memory_space<vmem>>
          %dma_wait3A_136 = arith.constant 0 : i32
          %dma_wait3A_137 = arith.constant 0 : i32
          %dma_wait3A_138 = tpu.memref_slice %arg2[%dma_wait3A_136, %dma_wait3A_137] : memref<10000x128xf32, #tpu.memory_space<hbm>> -> memref<10000x128xf32, #tpu.memory_space<hbm>>
          tpu.wait_indirect_dma semaphore(%arg12 : memref<!tpu.dma_semaphore, #tpu.memory_space<semaphore_mem>>) src(%dma_wait3A_138 : memref<10000x128xf32, #tpu.memory_space<hbm>>) dst(%arg8 : memref<80x128xf32, #tpu.memory_space<vmem>>)
          %dma_start3A_139 = arith.constant 0 : i32
          %dma_start3A_140 = tpu.memref_slice %arg7[%add3A_74, %dma_start3A_139] : memref<25x80xi32, #tpu.memory_space<vmem>> -> memref<1x80xi32, #tpu.memory_space<vmem>>
          %dma_start3A_141 = tpu.memref_squeeze %dma_start3A_140 : memref<1x80xi32, #tpu.memory_space<vmem>> -> memref<80xi32, #tpu.memory_space<vmem>>
          %dma_start3A_142 = arith.constant 0 : i32
          %dma_start3A_143 = arith.constant 0 : i32
          %dma_start3A_144 = tpu.memref_slice %arg11[%dma_start3A_142, %dma_start3A_143] : memref<10000x128xf32, #tpu.memory_space<vmem_shared>> -> memref<10000x128xf32, #tpu.memory_space<vmem_shared>>
          tpu.enqueue_indirect_dma source(%arg8 : memref<80x128xf32, #tpu.memory_space<vmem>>) target(%dma_start3A_144 : memref<10000x128xf32, #tpu.memory_space<vmem_shared>>) offsets(%dma_start3A_141 : memref<80xi32, #tpu.memory_space<vmem>>) semaphore(%arg15 : memref<!tpu.dma_semaphore, #tpu.memory_space<semaphore_mem>>) {add = true}
          %add3A_145 = arith.constant 2 : i32
          %add3A_146 = arith.addi %add3A_74, %add3A_145 : i32
          %lt3A_147 = arith.constant 25 : i32
          %lt3A_148 = arith.cmpi slt, %add3A_146, %lt3A_147 : i32
          %convert_element_type3A_149 = arith.extui %lt3A_148 : i1 to i32
          %cond3A_150 = arith.constant 0 : i32
          %cond3A_151 = arith.cmpi ne, %convert_element_type3A_149, %cond3A_150 : i32
          scf.if %cond3A_151 {
            %ge3A = arith.constant 1 : i32
            %ge3A_152 = arith.cmpi sge, %add3A_74, %ge3A : i32
            %convert_element_type3A_153 = arith.extui %ge3A_152 : i1 to i32
            %cond3A_154 = arith.constant 0 : i32
            %cond3A_155 = arith.cmpi ne, %convert_element_type3A_153, %cond3A_154 : i32
            scf.if %cond3A_155 {
              %sub3A = arith.constant 1 : i32
              %sub3A_164 = arith.subi %add3A_74, %sub3A : i32
              %dma_wait3A_165 = arith.constant 0 : i32
              %dma_wait3A_166 = tpu.memref_slice %arg7[%sub3A_164, %dma_wait3A_165] : memref<25x80xi32, #tpu.memory_space<vmem>> -> memref<1x80xi32, #tpu.memory_space<vmem>>
              %dma_wait3A_167 = tpu.memref_squeeze %dma_wait3A_166 : memref<1x80xi32, #tpu.memory_space<vmem>> -> memref<80xi32, #tpu.memory_space<vmem>>
              %dma_wait3A_168 = arith.constant 0 : i32
              %dma_wait3A_169 = arith.constant 0 : i32
              %dma_wait3A_170 = tpu.memref_slice %arg11[%dma_wait3A_168, %dma_wait3A_169] : memref<10000x128xf32, #tpu.memory_space<vmem_shared>> -> memref<10000x128xf32, #tpu.memory_space<vmem_shared>>
              tpu.wait_indirect_dma semaphore(%arg17 : memref<!tpu.dma_semaphore, #tpu.memory_space<semaphore_mem>>) src(%arg10 : memref<80x128xf32, #tpu.memory_space<vmem>>) dst(%dma_wait3A_170 : memref<10000x128xf32, #tpu.memory_space<vmem_shared>>)
            } else {
            }
            %add3A_156 = arith.constant 2 : i32
            %add3A_157 = arith.addi %add3A_74, %add3A_156 : i32
            %dma_start3A_158 = arith.constant 0 : i32
            %dma_start3A_159 = tpu.memref_slice %arg6[%add3A_157, %dma_start3A_158] : memref<25x80xi32, #tpu.memory_space<vmem>> -> memref<1x80xi32, #tpu.memory_space<vmem>>
            %dma_start3A_160 = tpu.memref_squeeze %dma_start3A_159 : memref<1x80xi32, #tpu.memory_space<vmem>> -> memref<80xi32, #tpu.memory_space<vmem>>
            %dma_start3A_161 = arith.constant 0 : i32
            %dma_start3A_162 = arith.constant 0 : i32
            %dma_start3A_163 = tpu.memref_slice %arg2[%dma_start3A_161, %dma_start3A_162] : memref<10000x128xf32, #tpu.memory_space<hbm>> -> memref<10000x128xf32, #tpu.memory_space<hbm>>
            tpu.enqueue_indirect_dma source(%dma_start3A_163 : memref<10000x128xf32, #tpu.memory_space<hbm>>) target(%arg10 : memref<80x128xf32, #tpu.memory_space<vmem>>) offsets(%dma_start3A_160 : memref<80xi32, #tpu.memory_space<vmem>>) semaphore(%arg14 : memref<!tpu.dma_semaphore, #tpu.memory_space<semaphore_mem>>)
          } else {
          }
        } else {
        }
        %jit3A_91 = arith.constant 3 : i32
        %eq3A_92 = arith.constant 0 : i32
        %eq3A_93 = arith.cmpi eq, %jit3A_91, %eq3A_92 : i32
        %jit3A_94 = arith.constant 1 : i32
        %select_n3A_95 = arith.select %eq3A_93, %jit3A_94, %jit3A_91 : i32
        %rem3A_96 = arith.remsi %add3A_74, %select_n3A_95 : i32
        %ne3A_97 = arith.constant 0 : i32
        %ne3A_98 = arith.cmpi ne, %rem3A_96, %ne3A_97 : i32
        %lt3A_99 = arith.constant 0 : i32
        %lt3A_100 = arith.cmpi slt, %rem3A_96, %lt3A_99 : i32
        %lt3A_101 = arith.constant 0 : i32
        %lt3A_102 = arith.cmpi slt, %select_n3A_95, %lt3A_101 : i32
        %ne3A_103 = arith.xori %lt3A_100, %lt3A_102 : i1
        %and3A_104 = arith.andi %ne3A_103, %ne3A_98 : i1
        %add3A_105 = arith.addi %rem3A_96, %select_n3A_95 : i32
        %select_n3A_106 = arith.select %and3A_104, %add3A_105, %rem3A_96 : i32
        %eq3A_107 = arith.constant 1 : i32
        %eq3A_108 = arith.cmpi eq, %select_n3A_106, %eq3A_107 : i32
        %convert_element_type3A_109 = arith.extui %eq3A_108 : i1 to i32
        %cond3A_110 = arith.constant 0 : i32
        %cond3A_111 = arith.cmpi ne, %convert_element_type3A_109, %cond3A_110 : i32
        scf.if %cond3A_111 {
          %dma_wait3A_133 = arith.constant 0 : i32
          %dma_wait3A_134 = tpu.memref_slice %arg6[%add3A_74, %dma_wait3A_133] : memref<25x80xi32, #tpu.memory_space<vmem>> -> memref<1x80xi32, #tpu.memory_space<vmem>>
          %dma_wait3A_135 = tpu.memref_squeeze %dma_wait3A_134 : memref<1x80xi32, #tpu.memory_space<vmem>> -> memref<80xi32, #tpu.memory_space<vmem>>
          %dma_wait3A_136 = arith.constant 0 : i32
          %dma_wait3A_137 = arith.constant 0 : i32
          %dma_wait3A_138 = tpu.memref_slice %arg2[%dma_wait3A_136, %dma_wait3A_137] : memref<10000x128xf32, #tpu.memory_space<hbm>> -> memref<10000x128xf32, #tpu.memory_space<hbm>>
          tpu.wait_indirect_dma semaphore(%arg13 : memref<!tpu.dma_semaphore, #tpu.memory_space<semaphore_mem>>) src(%dma_wait3A_138 : memref<10000x128xf32, #tpu.memory_space<hbm>>) dst(%arg9 : memref<80x128xf32, #tpu.memory_space<vmem>>)
          %dma_start3A_139 = arith.constant 0 : i32
          %dma_start3A_140 = tpu.memref_slice %arg7[%add3A_74, %dma_start3A_139] : memref<25x80xi32, #tpu.memory_space<vmem>> -> memref<1x80xi32, #tpu.memory_space<vmem>>
          %dma_start3A_141 = tpu.memref_squeeze %dma_start3A_140 : memref<1x80xi32, #tpu.memory_space<vmem>> -> memref<80xi32, #tpu.memory_space<vmem>>
          %dma_start3A_142 = arith.constant 0 : i32
          %dma_start3A_143 = arith.constant 0 : i32
          %dma_start3A_144 = tpu.memref_slice %arg11[%dma_start3A_142, %dma_start3A_143] : memref<10000x128xf32, #tpu.memory_space<vmem_shared>> -> memref<10000x128xf32, #tpu.memory_space<vmem_shared>>
          tpu.enqueue_indirect_dma source(%arg9 : memref<80x128xf32, #tpu.memory_space<vmem>>) target(%dma_start3A_144 : memref<10000x128xf32, #tpu.memory_space<vmem_shared>>) offsets(%dma_start3A_141 : memref<80xi32, #tpu.memory_space<vmem>>) semaphore(%arg16 : memref<!tpu.dma_semaphore, #tpu.memory_space<semaphore_mem>>) {add = true}
          %add3A_145 = arith.constant 2 : i32
          %add3A_146 = arith.addi %add3A_74, %add3A_145 : i32
          %lt3A_147 = arith.constant 25 : i32
          %lt3A_148 = arith.cmpi slt, %add3A_146, %lt3A_147 : i32
          %convert_element_type3A_149 = arith.extui %lt3A_148 : i1 to i32
          %cond3A_150 = arith.constant 0 : i32
          %cond3A_151 = arith.cmpi ne, %convert_element_type3A_149, %cond3A_150 : i32
          scf.if %cond3A_151 {
            %ge3A = arith.constant 1 : i32
            %ge3A_152 = arith.cmpi sge, %add3A_74, %ge3A : i32
            %convert_element_type3A_153 = arith.extui %ge3A_152 : i1 to i32
            %cond3A_154 = arith.constant 0 : i32
            %cond3A_155 = arith.cmpi ne, %convert_element_type3A_153, %cond3A_154 : i32
            scf.if %cond3A_155 {
              %sub3A = arith.constant 1 : i32
              %sub3A_164 = arith.subi %add3A_74, %sub3A : i32
              %dma_wait3A_165 = arith.constant 0 : i32
              %dma_wait3A_166 = tpu.memref_slice %arg7[%sub3A_164, %dma_wait3A_165] : memref<25x80xi32, #tpu.memory_space<vmem>> -> memref<1x80xi32, #tpu.memory_space<vmem>>
              %dma_wait3A_167 = tpu.memref_squeeze %dma_wait3A_166 : memref<1x80xi32, #tpu.memory_space<vmem>> -> memref<80xi32, #tpu.memory_space<vmem>>
              %dma_wait3A_168 = arith.constant 0 : i32
              %dma_wait3A_169 = arith.constant 0 : i32
              %dma_wait3A_170 = tpu.memref_slice %arg11[%dma_wait3A_168, %dma_wait3A_169] : memref<10000x128xf32, #tpu.memory_space<vmem_shared>> -> memref<10000x128xf32, #tpu.memory_space<vmem_shared>>
              tpu.wait_indirect_dma semaphore(%arg15 : memref<!tpu.dma_semaphore, #tpu.memory_space<semaphore_mem>>) src(%arg8 : memref<80x128xf32, #tpu.memory_space<vmem>>) dst(%dma_wait3A_170 : memref<10000x128xf32, #tpu.memory_space<vmem_shared>>)
            } else {
            }
            %add3A_156 = arith.constant 2 : i32
            %add3A_157 = arith.addi %add3A_74, %add3A_156 : i32
            %dma_start3A_158 = arith.constant 0 : i32
            %dma_start3A_159 = tpu.memref_slice %arg6[%add3A_157, %dma_start3A_158] : memref<25x80xi32, #tpu.memory_space<vmem>> -> memref<1x80xi32, #tpu.memory_space<vmem>>
            %dma_start3A_160 = tpu.memref_squeeze %dma_start3A_159 : memref<1x80xi32, #tpu.memory_space<vmem>> -> memref<80xi32, #tpu.memory_space<vmem>>
            %dma_start3A_161 = arith.constant 0 : i32
            %dma_start3A_162 = arith.constant 0 : i32
            %dma_start3A_163 = tpu.memref_slice %arg2[%dma_start3A_161, %dma_start3A_162] : memref<10000x128xf32, #tpu.memory_space<hbm>> -> memref<10000x128xf32, #tpu.memory_space<hbm>>
            tpu.enqueue_indirect_dma source(%dma_start3A_163 : memref<10000x128xf32, #tpu.memory_space<hbm>>) target(%arg8 : memref<80x128xf32, #tpu.memory_space<vmem>>) offsets(%dma_start3A_160 : memref<80xi32, #tpu.memory_space<vmem>>) semaphore(%arg12 : memref<!tpu.dma_semaphore, #tpu.memory_space<semaphore_mem>>)
          } else {
          }
        } else {
        }
        %jit3A_112 = arith.constant 3 : i32
        %eq3A_113 = arith.constant 0 : i32
        %eq3A_114 = arith.cmpi eq, %jit3A_112, %eq3A_113 : i32
        %jit3A_115 = arith.constant 1 : i32
        %select_n3A_116 = arith.select %eq3A_114, %jit3A_115, %jit3A_112 : i32
        %rem3A_117 = arith.remsi %add3A_74, %select_n3A_116 : i32
        %ne3A_118 = arith.constant 0 : i32
        %ne3A_119 = arith.cmpi ne, %rem3A_117, %ne3A_118 : i32
        %lt3A_120 = arith.constant 0 : i32
        %lt3A_121 = arith.cmpi slt, %rem3A_117, %lt3A_120 : i32
        %lt3A_122 = arith.constant 0 : i32
        %lt3A_123 = arith.cmpi slt, %select_n3A_116, %lt3A_122 : i32
        %ne3A_124 = arith.xori %lt3A_121, %lt3A_123 : i1
        %and3A_125 = arith.andi %ne3A_124, %ne3A_119 : i1
        %add3A_126 = arith.addi %rem3A_117, %select_n3A_116 : i32
        %select_n3A_127 = arith.select %and3A_125, %add3A_126, %rem3A_117 : i32
        %eq3A_128 = arith.constant 2 : i32
        %eq3A_129 = arith.cmpi eq, %select_n3A_127, %eq3A_128 : i32
        %convert_element_type3A_130 = arith.extui %eq3A_129 : i1 to i32
        %cond3A_131 = arith.constant 0 : i32
        %cond3A_132 = arith.cmpi ne, %convert_element_type3A_130, %cond3A_131 : i32
        scf.if %cond3A_132 {
          %dma_wait3A_133 = arith.constant 0 : i32
          %dma_wait3A_134 = tpu.memref_slice %arg6[%add3A_74, %dma_wait3A_133] : memref<25x80xi32, #tpu.memory_space<vmem>> -> memref<1x80xi32, #tpu.memory_space<vmem>>
          %dma_wait3A_135 = tpu.memref_squeeze %dma_wait3A_134 : memref<1x80xi32, #tpu.memory_space<vmem>> -> memref<80xi32, #tpu.memory_space<vmem>>
          %dma_wait3A_136 = arith.constant 0 : i32
          %dma_wait3A_137 = arith.constant 0 : i32
          %dma_wait3A_138 = tpu.memref_slice %arg2[%dma_wait3A_136, %dma_wait3A_137] : memref<10000x128xf32, #tpu.memory_space<hbm>> -> memref<10000x128xf32, #tpu.memory_space<hbm>>
          tpu.wait_indirect_dma semaphore(%arg14 : memref<!tpu.dma_semaphore, #tpu.memory_space<semaphore_mem>>) src(%dma_wait3A_138 : memref<10000x128xf32, #tpu.memory_space<hbm>>) dst(%arg10 : memref<80x128xf32, #tpu.memory_space<vmem>>)
          %dma_start3A_139 = arith.constant 0 : i32
          %dma_start3A_140 = tpu.memref_slice %arg7[%add3A_74, %dma_start3A_139] : memref<25x80xi32, #tpu.memory_space<vmem>> -> memref<1x80xi32, #tpu.memory_space<vmem>>
          %dma_start3A_141 = tpu.memref_squeeze %dma_start3A_140 : memref<1x80xi32, #tpu.memory_space<vmem>> -> memref<80xi32, #tpu.memory_space<vmem>>
          %dma_start3A_142 = arith.constant 0 : i32
          %dma_start3A_143 = arith.constant 0 : i32
          %dma_start3A_144 = tpu.memref_slice %arg11[%dma_start3A_142, %dma_start3A_143] : memref<10000x128xf32, #tpu.memory_space<vmem_shared>> -> memref<10000x128xf32, #tpu.memory_space<vmem_shared>>
          tpu.enqueue_indirect_dma source(%arg10 : memref<80x128xf32, #tpu.memory_space<vmem>>) target(%dma_start3A_144 : memref<10000x128xf32, #tpu.memory_space<vmem_shared>>) offsets(%dma_start3A_141 : memref<80xi32, #tpu.memory_space<vmem>>) semaphore(%arg17 : memref<!tpu.dma_semaphore, #tpu.memory_space<semaphore_mem>>) {add = true}
          %add3A_145 = arith.constant 2 : i32
          %add3A_146 = arith.addi %add3A_74, %add3A_145 : i32
          %lt3A_147 = arith.constant 25 : i32
          %lt3A_148 = arith.cmpi slt, %add3A_146, %lt3A_147 : i32
          %convert_element_type3A_149 = arith.extui %lt3A_148 : i1 to i32
          %cond3A_150 = arith.constant 0 : i32
          %cond3A_151 = arith.cmpi ne, %convert_element_type3A_149, %cond3A_150 : i32
          scf.if %cond3A_151 {
            %ge3A = arith.constant 1 : i32
            %ge3A_152 = arith.cmpi sge, %add3A_74, %ge3A : i32
            %convert_element_type3A_153 = arith.extui %ge3A_152 : i1 to i32
            %cond3A_154 = arith.constant 0 : i32
            %cond3A_155 = arith.cmpi ne, %convert_element_type3A_153, %cond3A_154 : i32
            scf.if %cond3A_155 {
              %sub3A = arith.constant 1 : i32
              %sub3A_164 = arith.subi %add3A_74, %sub3A : i32
              %dma_wait3A_165 = arith.constant 0 : i32
              %dma_wait3A_166 = tpu.memref_slice %arg7[%sub3A_164, %dma_wait3A_165] : memref<25x80xi32, #tpu.memory_space<vmem>> -> memref<1x80xi32, #tpu.memory_space<vmem>>
              %dma_wait3A_167 = tpu.memref_squeeze %dma_wait3A_166 : memref<1x80xi32, #tpu.memory_space<vmem>> -> memref<80xi32, #tpu.memory_space<vmem>>
              %dma_wait3A_168 = arith.constant 0 : i32
              %dma_wait3A_169 = arith.constant 0 : i32
              %dma_wait3A_170 = tpu.memref_slice %arg11[%dma_wait3A_168, %dma_wait3A_169] : memref<10000x128xf32, #tpu.memory_space<vmem_shared>> -> memref<10000x128xf32, #tpu.memory_space<vmem_shared>>
              tpu.wait_indirect_dma semaphore(%arg16 : memref<!tpu.dma_semaphore, #tpu.memory_space<semaphore_mem>>) src(%arg9 : memref<80x128xf32, #tpu.memory_space<vmem>>) dst(%dma_wait3A_170 : memref<10000x128xf32, #tpu.memory_space<vmem_shared>>)
            } else {
            }
            %add3A_156 = arith.constant 2 : i32
            %add3A_157 = arith.addi %add3A_74, %add3A_156 : i32
            %dma_start3A_158 = arith.constant 0 : i32
            %dma_start3A_159 = tpu.memref_slice %arg6[%add3A_157, %dma_start3A_158] : memref<25x80xi32, #tpu.memory_space<vmem>> -> memref<1x80xi32, #tpu.memory_space<vmem>>
            %dma_start3A_160 = tpu.memref_squeeze %dma_start3A_159 : memref<1x80xi32, #tpu.memory_space<vmem>> -> memref<80xi32, #tpu.memory_space<vmem>>
            %dma_start3A_161 = arith.constant 0 : i32
            %dma_start3A_162 = arith.constant 0 : i32
            %dma_start3A_163 = tpu.memref_slice %arg2[%dma_start3A_161, %dma_start3A_162] : memref<10000x128xf32, #tpu.memory_space<hbm>> -> memref<10000x128xf32, #tpu.memory_space<hbm>>
            tpu.enqueue_indirect_dma source(%dma_start3A_163 : memref<10000x128xf32, #tpu.memory_space<hbm>>) target(%arg9 : memref<80x128xf32, #tpu.memory_space<vmem>>) offsets(%dma_start3A_160 : memref<80xi32, #tpu.memory_space<vmem>>) semaphore(%arg13 : memref<!tpu.dma_semaphore, #tpu.memory_space<semaphore_mem>>)
          } else {
          }
        } else {
        }
      }
      %scan3A_49 = arith.constant 25 : i32
      %dma_wait3A = arith.constant 22 : i32
      %dma_wait3A_50 = arith.constant 0 : i32
      %dma_wait3A_51 = tpu.memref_slice %arg7[%dma_wait3A, %dma_wait3A_50] : memref<25x80xi32, #tpu.memory_space<vmem>> -> memref<1x80xi32, #tpu.memory_space<vmem>>
      %dma_wait3A_52 = tpu.memref_squeeze %dma_wait3A_51 : memref<1x80xi32, #tpu.memory_space<vmem>> -> memref<80xi32, #tpu.memory_space<vmem>>
      %dma_wait3A_53 = arith.constant 0 : i32
      %dma_wait3A_54 = arith.constant 0 : i32
      %dma_wait3A_55 = tpu.memref_slice %arg11[%dma_wait3A_53, %dma_wait3A_54] : memref<10000x128xf32, #tpu.memory_space<vmem_shared>> -> memref<10000x128xf32, #tpu.memory_space<vmem_shared>>
      tpu.wait_indirect_dma semaphore(%arg16 : memref<!tpu.dma_semaphore, #tpu.memory_space<semaphore_mem>>) src(%arg9 : memref<80x128xf32, #tpu.memory_space<vmem>>) dst(%dma_wait3A_55 : memref<10000x128xf32, #tpu.memory_space<vmem_shared>>)
      %dma_wait3A_56 = arith.constant 23 : i32
      %dma_wait3A_57 = arith.constant 0 : i32
      %dma_wait3A_58 = tpu.memref_slice %arg7[%dma_wait3A_56, %dma_wait3A_57] : memref<25x80xi32, #tpu.memory_space<vmem>> -> memref<1x80xi32, #tpu.memory_space<vmem>>
      %dma_wait3A_59 = tpu.memref_squeeze %dma_wait3A_58 : memref<1x80xi32, #tpu.memory_space<vmem>> -> memref<80xi32, #tpu.memory_space<vmem>>
      %dma_wait3A_60 = arith.constant 0 : i32
      %dma_wait3A_61 = arith.constant 0 : i32
      %dma_wait3A_62 = tpu.memref_slice %arg11[%dma_wait3A_60, %dma_wait3A_61] : memref<10000x128xf32, #tpu.memory_space<vmem_shared>> -> memref<10000x128xf32, #tpu.memory_space<vmem_shared>>
      tpu.wait_indirect_dma semaphore(%arg17 : memref<!tpu.dma_semaphore, #tpu.memory_space<semaphore_mem>>) src(%arg10 : memref<80x128xf32, #tpu.memory_space<vmem>>) dst(%dma_wait3A_62 : memref<10000x128xf32, #tpu.memory_space<vmem_shared>>)
      %dma_wait3A_63 = arith.constant 24 : i32
      %dma_wait3A_64 = arith.constant 0 : i32
      %dma_wait3A_65 = tpu.memref_slice %arg7[%dma_wait3A_63, %dma_wait3A_64] : memref<25x80xi32, #tpu.memory_space<vmem>> -> memref<1x80xi32, #tpu.memory_space<vmem>>
      %dma_wait3A_66 = tpu.memref_squeeze %dma_wait3A_65 : memref<1x80xi32, #tpu.memory_space<vmem>> -> memref<80xi32, #tpu.memory_space<vmem>>
      %dma_wait3A_67 = arith.constant 0 : i32
      %dma_wait3A_68 = arith.constant 0 : i32
      %dma_wait3A_69 = tpu.memref_slice %arg11[%dma_wait3A_67, %dma_wait3A_68] : memref<10000x128xf32, #tpu.memory_space<vmem_shared>> -> memref<10000x128xf32, #tpu.memory_space<vmem_shared>>
      tpu.wait_indirect_dma semaphore(%arg15 : memref<!tpu.dma_semaphore, #tpu.memory_space<semaphore_mem>>) src(%arg8 : memref<80x128xf32, #tpu.memory_space<vmem>>) dst(%dma_wait3A_69 : memref<10000x128xf32, #tpu.memory_space<vmem_shared>>)
    }
    %scan3A_15 = arith.constant 5 : i32
    %barrier3A_16 = arith.constant 0 : index
    tpu.barrier barrier_id(%barrier3A_16)
    %lt3A_17 = arith.constant 15 : i32
    %lt3A_18 = arith.cmpi slt, %arg1, %lt3A_17 : i32
    %convert_element_type3A_19 = arith.extui %lt3A_18 : i1 to i32
    %cond3A_20 = arith.constant 0 : i32
    %cond3A_21 = arith.cmpi ne, %convert_element_type3A_19, %cond3A_20 : i32
    scf.if %cond3A_21 {
      %scan3A_27 = arith.constant 0 : i32
      %scan3A_28 = arith.constant 7 : i32
      %scan3A_29 = arith.addi %scan3A_27, %scan3A_28 : i32
      %scan3A_30 = arith.constant 1 : i32
      scf.for %scan3A_36 = %scan3A_27 to %scan3A_29 step %scan3A_30  : i32 {
        %mul3A_37 = arith.constant 1 : i32
        %mul3A_38 = arith.muli %scan3A_36, %mul3A_37 : i32
        %add3A_39 = arith.constant 0 : i32
        %add3A_40 = arith.addi %add3A_39, %mul3A_38 : i32
        %mul3A_41 = arith.constant 624 : i32
        %mul3A_42 = arith.muli %arg1, %mul3A_41 : i32
        %mul3A_43 = arith.constant 80 : i32
        %mul3A_44 = arith.muli %add3A_40, %mul3A_43 : i32
        %add3A_45 = arith.addi %mul3A_42, %mul3A_44 : i32
        "tpu.region"() ({
          %run_scoped3A = tpu.sem_alloc : memref<!tpu.dma_semaphore, #tpu.memory_space<semaphore_mem>>
          %dma_start3A = arith.constant 0 : i32
          %dma_start3A_46 = arith.constant 0 : i32
          %dma_start3A_47 = tpu.memref_slice %arg8[%dma_start3A, %dma_start3A_46] : memref<80x128xf32, #tpu.memory_space<vmem>> -> memref<80x128xf32, #tpu.memory_space<vmem>>
          %dma_start3A_48 = arith.constant 0 : i32
          %dma_start3A_49 = tpu.memref_slice %arg11[%add3A_45, %dma_start3A_48] : memref<10000x128xf32, #tpu.memory_space<vmem_shared>> -> memref<80x128xf32, #tpu.memory_space<vmem_shared>>
          %dma_start3A_50 = arith.constant 0 : i32
          %dma_start3A_51 = arith.constant 0 : i32
          %dma_start3A_52 = tpu.memref_slice %arg8[%dma_start3A_50, %dma_start3A_51] : memref<80x128xf32, #tpu.memory_space<vmem>> -> memref<80x128xf32, #tpu.memory_space<vmem>>
          %dma_start3A_53 = arith.constant 0 : i32
          %dma_start3A_54 = tpu.memref_slice %arg11[%add3A_45, %dma_start3A_53] : memref<10000x128xf32, #tpu.memory_space<vmem_shared>> -> memref<80x128xf32, #tpu.memory_space<vmem_shared>>
          tpu.enqueue_dma source(%dma_start3A_54 : memref<80x128xf32, #tpu.memory_space<vmem_shared>>) target(%dma_start3A_52 : memref<80x128xf32, #tpu.memory_space<vmem>>) target_semaphore(%run_scoped3A : memref<!tpu.dma_semaphore, #tpu.memory_space<semaphore_mem>>)
          %dma_wait3A = arith.constant 0 : i32
          %dma_wait3A_55 = arith.constant 0 : i32
          %dma_wait3A_56 = tpu.memref_slice %arg8[%dma_wait3A, %dma_wait3A_55] : memref<80x128xf32, #tpu.memory_space<vmem>> -> memref<80x128xf32, #tpu.memory_space<vmem>>
          %dma_wait3A_57 = arith.constant 0 : i32
          %dma_wait3A_58 = tpu.memref_slice %arg11[%add3A_45, %dma_wait3A_57] : memref<10000x128xf32, #tpu.memory_space<vmem_shared>> -> memref<80x128xf32, #tpu.memory_space<vmem_shared>>
          %dma_wait3A_59 = arith.constant 0 : i32
          %dma_wait3A_60 = arith.constant 0 : i32
          %dma_wait3A_61 = tpu.memref_slice %arg8[%dma_wait3A_59, %dma_wait3A_60] : memref<80x128xf32, #tpu.memory_space<vmem>> -> memref<80x128xf32, #tpu.memory_space<vmem>>
          %dma_wait3A_62 = arith.constant 0 : i32
          %dma_wait3A_63 = tpu.memref_slice %arg11[%add3A_45, %dma_wait3A_62] : memref<10000x128xf32, #tpu.memory_space<vmem_shared>> -> memref<80x128xf32, #tpu.memory_space<vmem_shared>>
          tpu.wait_dma2 semaphore(%run_scoped3A : memref<!tpu.dma_semaphore, #tpu.memory_space<semaphore_mem>>) src(%dma_wait3A_63 : memref<80x128xf32, #tpu.memory_space<vmem_shared>>) dst(%dma_wait3A_61 : memref<80x128xf32, #tpu.memory_space<vmem>>)
          tpu.yield
        }) : () -> ()
        "tpu.region"() ({
          %run_scoped3A = tpu.sem_alloc : memref<!tpu.dma_semaphore, #tpu.memory_space<semaphore_mem>>
          %dma_start3A = arith.constant 0 : i32
          %dma_start3A_46 = arith.constant 0 : i32
          %dma_start3A_47 = tpu.memref_slice %arg8[%dma_start3A, %dma_start3A_46] : memref<80x128xf32, #tpu.memory_space<vmem>> -> memref<80x128xf32, #tpu.memory_space<vmem>>
          %dma_start3A_48 = arith.constant 0 : i32
          %dma_start3A_49 = tpu.memref_slice %arg5[%arg0, %add3A_45, %dma_start3A_48] : memref<2x10000x128xf32, #tpu.memory_space<hbm>> -> memref<1x80x128xf32, #tpu.memory_space<hbm>>
          %dma_start3A_50 = tpu.memref_squeeze %dma_start3A_49 : memref<1x80x128xf32, #tpu.memory_space<hbm>> -> memref<80x128xf32, #tpu.memory_space<hbm>>
          %dma_start3A_51 = arith.constant 0 : i32
          %dma_start3A_52 = tpu.memref_slice %arg5[%arg0, %add3A_45, %dma_start3A_51] : memref<2x10000x128xf32, #tpu.memory_space<hbm>> -> memref<1x80x128xf32, #tpu.memory_space<hbm>>
          %dma_start3A_53 = tpu.memref_squeeze %dma_start3A_52 : memref<1x80x128xf32, #tpu.memory_space<hbm>> -> memref<80x128xf32, #tpu.memory_space<hbm>>
          %dma_start3A_54 = arith.constant 0 : i32
          %dma_start3A_55 = arith.constant 0 : i32
          %dma_start3A_56 = tpu.memref_slice %arg8[%dma_start3A_54, %dma_start3A_55] : memref<80x128xf32, #tpu.memory_space<vmem>> -> memref<80x128xf32, #tpu.memory_space<vmem>>
          tpu.enqueue_dma source(%dma_start3A_56 : memref<80x128xf32, #tpu.memory_space<vmem>>) target(%dma_start3A_53 : memref<80x128xf32, #tpu.memory_space<hbm>>) target_semaphore(%run_scoped3A : memref<!tpu.dma_semaphore, #tpu.memory_space<semaphore_mem>>)
          %dma_wait3A = arith.constant 0 : i32
          %dma_wait3A_57 = arith.constant 0 : i32
          %dma_wait3A_58 = tpu.memref_slice %arg8[%dma_wait3A, %dma_wait3A_57] : memref<80x128xf32, #tpu.memory_space<vmem>> -> memref<80x128xf32, #tpu.memory_space<vmem>>
          %dma_wait3A_59 = arith.constant 0 : i32
          %dma_wait3A_60 = tpu.memref_slice %arg5[%arg0, %add3A_45, %dma_wait3A_59] : memref<2x10000x128xf32, #tpu.memory_space<hbm>> -> memref<1x80x128xf32, #tpu.memory_space<hbm>>
          %dma_wait3A_61 = tpu.memref_squeeze %dma_wait3A_60 : memref<1x80x128xf32, #tpu.memory_space<hbm>> -> memref<80x128xf32, #tpu.memory_space<hbm>>
          %dma_wait3A_62 = arith.constant 0 : i32
          %dma_wait3A_63 = tpu.memref_slice %arg5[%arg0, %add3A_45, %dma_wait3A_62] : memref<2x10000x128xf32, #tpu.memory_space<hbm>> -> memref<1x80x128xf32, #tpu.memory_space<hbm>>
          %dma_wait3A_64 = tpu.memref_squeeze %dma_wait3A_63 : memref<1x80x128xf32, #tpu.memory_space<hbm>> -> memref<80x128xf32, #tpu.memory_space<hbm>>
          %dma_wait3A_65 = arith.constant 0 : i32
          %dma_wait3A_66 = arith.constant 0 : i32
          %dma_wait3A_67 = tpu.memref_slice %arg8[%dma_wait3A_65, %dma_wait3A_66] : memref<80x128xf32, #tpu.memory_space<vmem>> -> memref<80x128xf32, #tpu.memory_space<vmem>>
          tpu.wait_dma2 semaphore(%run_scoped3A : memref<!tpu.dma_semaphore, #tpu.memory_space<semaphore_mem>>) src(%dma_wait3A_67 : memref<80x128xf32, #tpu.memory_space<vmem>>) dst(%dma_wait3A_64 : memref<80x128xf32, #tpu.memory_space<hbm>>)
          tpu.yield
        }) : () -> ()
      }
      %scan3A_31 = arith.constant 7 : i32
      %mul3A_32 = arith.constant 624 : i32
      %mul3A_33 = arith.muli %arg1, %mul3A_32 : i32
      %add3A_34 = arith.constant 560 : i32
      %add3A_35 = arith.addi %mul3A_33, %add3A_34 : i32
      "tpu.region"() ({
        %run_scoped3A = tpu.sem_alloc : memref<!tpu.dma_semaphore, #tpu.memory_space<semaphore_mem>>
        %dma_start3A = arith.constant 0 : i32
        %dma_start3A_36 = arith.constant 0 : i32
        %dma_start3A_37 = tpu.memref_slice %arg8[%dma_start3A, %dma_start3A_36] : memref<80x128xf32, #tpu.memory_space<vmem>> -> memref<64x128xf32, #tpu.memory_space<vmem>>
        %dma_start3A_38 = arith.constant 0 : i32
        %dma_start3A_39 = tpu.memref_slice %arg11[%add3A_35, %dma_start3A_38] : memref<10000x128xf32, #tpu.memory_space<vmem_shared>> -> memref<64x128xf32, #tpu.memory_space<vmem_shared>>
        %dma_start3A_40 = arith.constant 0 : i32
        %dma_start3A_41 = arith.constant 0 : i32
        %dma_start3A_42 = tpu.memref_slice %arg8[%dma_start3A_40, %dma_start3A_41] : memref<80x128xf32, #tpu.memory_space<vmem>> -> memref<64x128xf32, #tpu.memory_space<vmem>>
        %dma_start3A_43 = arith.constant 0 : i32
        %dma_start3A_44 = tpu.memref_slice %arg11[%add3A_35, %dma_start3A_43] : memref<10000x128xf32, #tpu.memory_space<vmem_shared>> -> memref<64x128xf32, #tpu.memory_space<vmem_shared>>
        tpu.enqueue_dma source(%dma_start3A_44 : memref<64x128xf32, #tpu.memory_space<vmem_shared>>) target(%dma_start3A_42 : memref<64x128xf32, #tpu.memory_space<vmem>>) target_semaphore(%run_scoped3A : memref<!tpu.dma_semaphore, #tpu.memory_space<semaphore_mem>>)
        %dma_wait3A = arith.constant 0 : i32
        %dma_wait3A_45 = arith.constant 0 : i32
        %dma_wait3A_46 = tpu.memref_slice %arg8[%dma_wait3A, %dma_wait3A_45] : memref<80x128xf32, #tpu.memory_space<vmem>> -> memref<64x128xf32, #tpu.memory_space<vmem>>
        %dma_wait3A_47 = arith.constant 0 : i32
        %dma_wait3A_48 = tpu.memref_slice %arg11[%add3A_35, %dma_wait3A_47] : memref<10000x128xf32, #tpu.memory_space<vmem_shared>> -> memref<64x128xf32, #tpu.memory_space<vmem_shared>>
        %dma_wait3A_49 = arith.constant 0 : i32
        %dma_wait3A_50 = arith.constant 0 : i32
        %dma_wait3A_51 = tpu.memref_slice %arg8[%dma_wait3A_49, %dma_wait3A_50] : memref<80x128xf32, #tpu.memory_space<vmem>> -> memref<64x128xf32, #tpu.memory_space<vmem>>
        %dma_wait3A_52 = arith.constant 0 : i32
        %dma_wait3A_53 = tpu.memref_slice %arg11[%add3A_35, %dma_wait3A_52] : memref<10000x128xf32, #tpu.memory_space<vmem_shared>> -> memref<64x128xf32, #tpu.memory_space<vmem_shared>>
        tpu.wait_dma2 semaphore(%run_scoped3A : memref<!tpu.dma_semaphore, #tpu.memory_space<semaphore_mem>>) src(%dma_wait3A_53 : memref<64x128xf32, #tpu.memory_space<vmem_shared>>) dst(%dma_wait3A_51 : memref<64x128xf32, #tpu.memory_space<vmem>>)
        tpu.yield
      }) : () -> ()
      "tpu.region"() ({
        %run_scoped3A = tpu.sem_alloc : memref<!tpu.dma_semaphore, #tpu.memory_space<semaphore_mem>>
        %dma_start3A = arith.constant 0 : i32
        %dma_start3A_36 = arith.constant 0 : i32
        %dma_start3A_37 = tpu.memref_slice %arg8[%dma_start3A, %dma_start3A_36] : memref<80x128xf32, #tpu.memory_space<vmem>> -> memref<64x128xf32, #tpu.memory_space<vmem>>
        %dma_start3A_38 = arith.constant 0 : i32
        %dma_start3A_39 = tpu.memref_slice %arg5[%arg0, %add3A_35, %dma_start3A_38] : memref<2x10000x128xf32, #tpu.memory_space<hbm>> -> memref<1x64x128xf32, #tpu.memory_space<hbm>>
        %dma_start3A_40 = tpu.memref_squeeze %dma_start3A_39 : memref<1x64x128xf32, #tpu.memory_space<hbm>> -> memref<64x128xf32, #tpu.memory_space<hbm>>
        %dma_start3A_41 = arith.constant 0 : i32
        %dma_start3A_42 = tpu.memref_slice %arg5[%arg0, %add3A_35, %dma_start3A_41] : memref<2x10000x128xf32, #tpu.memory_space<hbm>> -> memref<1x64x128xf32, #tpu.memory_space<hbm>>
        %dma_start3A_43 = tpu.memref_squeeze %dma_start3A_42 : memref<1x64x128xf32, #tpu.memory_space<hbm>> -> memref<64x128xf32, #tpu.memory_space<hbm>>
        %dma_start3A_44 = arith.constant 0 : i32
        %dma_start3A_45 = arith.constant 0 : i32
        %dma_start3A_46 = tpu.memref_slice %arg8[%dma_start3A_44, %dma_start3A_45] : memref<80x128xf32, #tpu.memory_space<vmem>> -> memref<64x128xf32, #tpu.memory_space<vmem>>
        tpu.enqueue_dma source(%dma_start3A_46 : memref<64x128xf32, #tpu.memory_space<vmem>>) target(%dma_start3A_43 : memref<64x128xf32, #tpu.memory_space<hbm>>) target_semaphore(%run_scoped3A : memref<!tpu.dma_semaphore, #tpu.memory_space<semaphore_mem>>)
        %dma_wait3A = arith.constant 0 : i32
        %dma_wait3A_47 = arith.constant 0 : i32
        %dma_wait3A_48 = tpu.memref_slice %arg8[%dma_wait3A, %dma_wait3A_47] : memref<80x128xf32, #tpu.memory_space<vmem>> -> memref<64x128xf32, #tpu.memory_space<vmem>>
        %dma_wait3A_49 = arith.constant 0 : i32
        %dma_wait3A_50 = tpu.memref_slice %arg5[%arg0, %add3A_35, %dma_wait3A_49] : memref<2x10000x128xf32, #tpu.memory_space<hbm>> -> memref<1x64x128xf32, #tpu.memory_space<hbm>>
        %dma_wait3A_51 = tpu.memref_squeeze %dma_wait3A_50 : memref<1x64x128xf32, #tpu.memory_space<hbm>> -> memref<64x128xf32, #tpu.memory_space<hbm>>
        %dma_wait3A_52 = arith.constant 0 : i32
        %dma_wait3A_53 = tpu.memref_slice %arg5[%arg0, %add3A_35, %dma_wait3A_52] : memref<2x10000x128xf32, #tpu.memory_space<hbm>> -> memref<1x64x128xf32, #tpu.memory_space<hbm>>
        %dma_wait3A_54 = tpu.memref_squeeze %dma_wait3A_53 : memref<1x64x128xf32, #tpu.memory_space<hbm>> -> memref<64x128xf32, #tpu.memory_space<hbm>>
        %dma_wait3A_55 = arith.constant 0 : i32
        %dma_wait3A_56 = arith.constant 0 : i32
        %dma_wait3A_57 = tpu.memref_slice %arg8[%dma_wait3A_55, %dma_wait3A_56] : memref<80x128xf32, #tpu.memory_space<vmem>> -> memref<64x128xf32, #tpu.memory_space<vmem>>
        tpu.wait_dma2 semaphore(%run_scoped3A : memref<!tpu.dma_semaphore, #tpu.memory_space<semaphore_mem>>) src(%dma_wait3A_57 : memref<64x128xf32, #tpu.memory_space<vmem>>) dst(%dma_wait3A_54 : memref<64x128xf32, #tpu.memory_space<hbm>>)
        tpu.yield
      }) : () -> ()
    } else {
    }
    %eq3A_22 = arith.constant 15 : i32
    %eq3A_23 = arith.cmpi eq, %arg1, %eq3A_22 : i32
    %convert_element_type3A_24 = arith.extui %eq3A_23 : i1 to i32
    %cond3A_25 = arith.constant 0 : i32
    %cond3A_26 = arith.cmpi ne, %convert_element_type3A_24, %cond3A_25 : i32
    scf.if %cond3A_26 {
      %scan3A_27 = arith.constant 0 : i32
      %scan3A_28 = arith.constant 8 : i32
      %scan3A_29 = arith.addi %scan3A_27, %scan3A_28 : i32
      %scan3A_30 = arith.constant 1 : i32
      scf.for %scan3A_32 = %scan3A_27 to %scan3A_29 step %scan3A_30  : i32 {
        %mul3A_33 = arith.constant 1 : i32
        %mul3A_34 = arith.muli %scan3A_32, %mul3A_33 : i32
        %add3A_35 = arith.constant 0 : i32
        %add3A_36 = arith.addi %add3A_35, %mul3A_34 : i32
        %mul3A_37 = arith.constant 80 : i32
        %mul3A_38 = arith.muli %add3A_36, %mul3A_37 : i32
        %add3A_39 = arith.constant 9360 : i32
        %add3A_40 = arith.addi %add3A_39, %mul3A_38 : i32
        "tpu.region"() ({
          %run_scoped3A = tpu.sem_alloc : memref<!tpu.dma_semaphore, #tpu.memory_space<semaphore_mem>>
          %dma_start3A = arith.constant 0 : i32
          %dma_start3A_41 = arith.constant 0 : i32
          %dma_start3A_42 = tpu.memref_slice %arg8[%dma_start3A, %dma_start3A_41] : memref<80x128xf32, #tpu.memory_space<vmem>> -> memref<80x128xf32, #tpu.memory_space<vmem>>
          %dma_start3A_43 = arith.constant 0 : i32
          %dma_start3A_44 = tpu.memref_slice %arg11[%add3A_40, %dma_start3A_43] : memref<10000x128xf32, #tpu.memory_space<vmem_shared>> -> memref<80x128xf32, #tpu.memory_space<vmem_shared>>
          %dma_start3A_45 = arith.constant 0 : i32
          %dma_start3A_46 = arith.constant 0 : i32
          %dma_start3A_47 = tpu.memref_slice %arg8[%dma_start3A_45, %dma_start3A_46] : memref<80x128xf32, #tpu.memory_space<vmem>> -> memref<80x128xf32, #tpu.memory_space<vmem>>
          %dma_start3A_48 = arith.constant 0 : i32
          %dma_start3A_49 = tpu.memref_slice %arg11[%add3A_40, %dma_start3A_48] : memref<10000x128xf32, #tpu.memory_space<vmem_shared>> -> memref<80x128xf32, #tpu.memory_space<vmem_shared>>
          tpu.enqueue_dma source(%dma_start3A_49 : memref<80x128xf32, #tpu.memory_space<vmem_shared>>) target(%dma_start3A_47 : memref<80x128xf32, #tpu.memory_space<vmem>>) target_semaphore(%run_scoped3A : memref<!tpu.dma_semaphore, #tpu.memory_space<semaphore_mem>>)
          %dma_wait3A = arith.constant 0 : i32
          %dma_wait3A_50 = arith.constant 0 : i32
          %dma_wait3A_51 = tpu.memref_slice %arg8[%dma_wait3A, %dma_wait3A_50] : memref<80x128xf32, #tpu.memory_space<vmem>> -> memref<80x128xf32, #tpu.memory_space<vmem>>
          %dma_wait3A_52 = arith.constant 0 : i32
          %dma_wait3A_53 = tpu.memref_slice %arg11[%add3A_40, %dma_wait3A_52] : memref<10000x128xf32, #tpu.memory_space<vmem_shared>> -> memref<80x128xf32, #tpu.memory_space<vmem_shared>>
          %dma_wait3A_54 = arith.constant 0 : i32
          %dma_wait3A_55 = arith.constant 0 : i32
          %dma_wait3A_56 = tpu.memref_slice %arg8[%dma_wait3A_54, %dma_wait3A_55] : memref<80x128xf32, #tpu.memory_space<vmem>> -> memref<80x128xf32, #tpu.memory_space<vmem>>
          %dma_wait3A_57 = arith.constant 0 : i32
          %dma_wait3A_58 = tpu.memref_slice %arg11[%add3A_40, %dma_wait3A_57] : memref<10000x128xf32, #tpu.memory_space<vmem_shared>> -> memref<80x128xf32, #tpu.memory_space<vmem_shared>>
          tpu.wait_dma2 semaphore(%run_scoped3A : memref<!tpu.dma_semaphore, #tpu.memory_space<semaphore_mem>>) src(%dma_wait3A_58 : memref<80x128xf32, #tpu.memory_space<vmem_shared>>) dst(%dma_wait3A_56 : memref<80x128xf32, #tpu.memory_space<vmem>>)
          tpu.yield
        }) : () -> ()
        "tpu.region"() ({
          %run_scoped3A = tpu.sem_alloc : memref<!tpu.dma_semaphore, #tpu.memory_space<semaphore_mem>>
          %dma_start3A = arith.constant 0 : i32
          %dma_start3A_41 = arith.constant 0 : i32
          %dma_start3A_42 = tpu.memref_slice %arg8[%dma_start3A, %dma_start3A_41] : memref<80x128xf32, #tpu.memory_space<vmem>> -> memref<80x128xf32, #tpu.memory_space<vmem>>
          %dma_start3A_43 = arith.constant 0 : i32
          %dma_start3A_44 = tpu.memref_slice %arg5[%arg0, %add3A_40, %dma_start3A_43] : memref<2x10000x128xf32, #tpu.memory_space<hbm>> -> memref<1x80x128xf32, #tpu.memory_space<hbm>>
          %dma_start3A_45 = tpu.memref_squeeze %dma_start3A_44 : memref<1x80x128xf32, #tpu.memory_space<hbm>> -> memref<80x128xf32, #tpu.memory_space<hbm>>
          %dma_start3A_46 = arith.constant 0 : i32
          %dma_start3A_47 = tpu.memref_slice %arg5[%arg0, %add3A_40, %dma_start3A_46] : memref<2x10000x128xf32, #tpu.memory_space<hbm>> -> memref<1x80x128xf32, #tpu.memory_space<hbm>>
          %dma_start3A_48 = tpu.memref_squeeze %dma_start3A_47 : memref<1x80x128xf32, #tpu.memory_space<hbm>> -> memref<80x128xf32, #tpu.memory_space<hbm>>
          %dma_start3A_49 = arith.constant 0 : i32
          %dma_start3A_50 = arith.constant 0 : i32
          %dma_start3A_51 = tpu.memref_slice %arg8[%dma_start3A_49, %dma_start3A_50] : memref<80x128xf32, #tpu.memory_space<vmem>> -> memref<80x128xf32, #tpu.memory_space<vmem>>
          tpu.enqueue_dma source(%dma_start3A_51 : memref<80x128xf32, #tpu.memory_space<vmem>>) target(%dma_start3A_48 : memref<80x128xf32, #tpu.memory_space<hbm>>) target_semaphore(%run_scoped3A : memref<!tpu.dma_semaphore, #tpu.memory_space<semaphore_mem>>)
          %dma_wait3A = arith.constant 0 : i32
          %dma_wait3A_52 = arith.constant 0 : i32
          %dma_wait3A_53 = tpu.memref_slice %arg8[%dma_wait3A, %dma_wait3A_52] : memref<80x128xf32, #tpu.memory_space<vmem>> -> memref<80x128xf32, #tpu.memory_space<vmem>>
          %dma_wait3A_54 = arith.constant 0 : i32
          %dma_wait3A_55 = tpu.memref_slice %arg5[%arg0, %add3A_40, %dma_wait3A_54] : memref<2x10000x128xf32, #tpu.memory_space<hbm>> -> memref<1x80x128xf32, #tpu.memory_space<hbm>>
          %dma_wait3A_56 = tpu.memref_squeeze %dma_wait3A_55 : memref<1x80x128xf32, #tpu.memory_space<hbm>> -> memref<80x128xf32, #tpu.memory_space<hbm>>
          %dma_wait3A_57 = arith.constant 0 : i32
          %dma_wait3A_58 = tpu.memref_slice %arg5[%arg0, %add3A_40, %dma_wait3A_57] : memref<2x10000x128xf32, #tpu.memory_space<hbm>> -> memref<1x80x128xf32, #tpu.memory_space<hbm>>
          %dma_wait3A_59 = tpu.memref_squeeze %dma_wait3A_58 : memref<1x80x128xf32, #tpu.memory_space<hbm>> -> memref<80x128xf32, #tpu.memory_space<hbm>>
          %dma_wait3A_60 = arith.constant 0 : i32
          %dma_wait3A_61 = arith.constant 0 : i32
          %dma_wait3A_62 = tpu.memref_slice %arg8[%dma_wait3A_60, %dma_wait3A_61] : memref<80x128xf32, #tpu.memory_space<vmem>> -> memref<80x128xf32, #tpu.memory_space<vmem>>
          tpu.wait_dma2 semaphore(%run_scoped3A : memref<!tpu.dma_semaphore, #tpu.memory_space<semaphore_mem>>) src(%dma_wait3A_62 : memref<80x128xf32, #tpu.memory_space<vmem>>) dst(%dma_wait3A_59 : memref<80x128xf32, #tpu.memory_space<hbm>>)
          tpu.yield
        }) : () -> ()
      }
      %scan3A_31 = arith.constant 8 : i32
    } else {
    }
    return
  }
}

#map = affine_map<(d0, d1) -> (0, 0, 0)>
#map1 = affine_map<(d0, d1) -> (0)>
module attributes {stable_mosaic.version = 14 : i64} {
  func.func @_deg_kernel(%arg0: i32, %arg1: i32, %arg2: memref<32x125x80xi32, #tpu.memory_space<hbm>>, %arg3: memref<32x125x80xi32, #tpu.memory_space<hbm>>, %arg4: memref<10000xf32, #tpu.memory_space<hbm>>, %arg5: memref<10000xf32, #tpu.memory_space<hbm>>, %arg6: memref<10000xf32, #tpu.memory_space<hbm>>, %arg7: memref<10000xf32, #tpu.memory_space<hbm>>, %arg8: memref<125x80xi32, #tpu.memory_space<vmem>>, %arg9: memref<125x80xi32, #tpu.memory_space<vmem>>, %arg10: memref<640xf32, #tpu.memory_space<vmem>>, %arg11: memref<10000xf32, #tpu.memory_space<vmem_shared>>, %arg12: memref<10000xf32, #tpu.memory_space<vmem_shared>>, %arg13: memref<!tpu.dma_semaphore, #tpu.memory_space<semaphore_mem>>, %arg14: memref<!tpu.dma_semaphore, #tpu.memory_space<semaphore_mem>>) attributes {dimension_semantics = [#tpu.dimension_semantics<core_parallel>, #tpu.dimension_semantics<subcore_parallel>], iteration_bounds = array<i64: 2, 16>, scalar_prefetch = 0 : i64, scratch_operands = 7 : i64, tpu.core_type = #tpu.core_type<sc_vector_subcore>, window_params = [{transform_indices = #map}, {transform_indices = #map}, {transform_indices = #map1}, {transform_indices = #map1}, {transform_indices = #map1}, {transform_indices = #map1}]} {
    %mul3A = arith.constant 16 : i32
    %mul3A_0 = arith.muli %arg0, %mul3A : i32
    %add3A = arith.addi %mul3A_0, %arg1 : i32
    %scan3A = arith.constant 0 : i32
    %scan3A_1 = arith.constant 40 : i32
    %scan3A_2 = arith.addi %scan3A, %scan3A_1 : i32
    %scan3A_3 = arith.constant 1 : i32
    scf.for %scan3A_51 = %scan3A to %scan3A_2 step %scan3A_3  : i32 {
      %mul3A_52 = arith.constant 1 : i32
      %mul3A_53 = arith.muli %scan3A_51, %mul3A_52 : i32
      %add3A_54 = arith.constant 0 : i32
      %add3A_55 = arith.addi %add3A_54, %mul3A_53 : i32
      %broadcast_in_dim3A = arith.constant 0.000000e+00 : f32
      %broadcast_in_dim3A_56 = vector.broadcast %broadcast_in_dim3A : f32 to vector<16xf32>
      %mul3A_57 = arith.constant 16 : i32
      %mul3A_58 = arith.muli %add3A_55, %mul3A_57 : i32
      %swap3A = arith.index_cast %mul3A_58 : i32 to index
      %swap3A_59 = tpu.vector_load %arg10[%swap3A] {strides = array<i32>} : memref<640xf32, #tpu.memory_space<vmem>>, vector<16xf32>,
      %swap3A_60 = vector.shape_cast %swap3A_59 : vector<16xf32> to vector<16xf32>
      %swap3A_61 = vector.shape_cast %broadcast_in_dim3A_56 : vector<16xf32> to vector<16xf32>
      tpu.vector_store %arg10[%swap3A], %swap3A_61 {strides = array<i32>} : memref<640xf32, #tpu.memory_space<vmem>>, vector<16xf32>,
    }
    %scan3A_4 = arith.constant 40 : i32
    %mul3A_5 = arith.constant 624 : i32
    %mul3A_6 = arith.muli %arg1, %mul3A_5 : i32
    %lt3A = arith.constant 15 : i32
    %lt3A_7 = arith.cmpi slt, %arg1, %lt3A : i32
    %convert_element_type3A = arith.extui %lt3A_7 : i1 to i32
    %cond3A = arith.constant 0 : i32
    %cond3A_8 = arith.cmpi ne, %convert_element_type3A, %cond3A : i32
    scf.if %cond3A_8 {
      "tpu.region"() ({
        %run_scoped3A = tpu.sem_alloc : memref<!tpu.dma_semaphore, #tpu.memory_space<semaphore_mem>>
        %dma_start3A_51 = arith.constant 0 : i32
        %dma_start3A_52 = tpu.memref_slice %arg10[%dma_start3A_51] : memref<640xf32, #tpu.memory_space<vmem>> -> memref<624xf32, #tpu.memory_space<vmem>>
        %dma_start3A_53 = tpu.memref_slice %arg11[%mul3A_6] : memref<10000xf32, #tpu.memory_space<vmem_shared>> -> memref<624xf32, #tpu.memory_space<vmem_shared>>
        %dma_start3A_54 = tpu.memref_slice %arg11[%mul3A_6] : memref<10000xf32, #tpu.memory_space<vmem_shared>> -> memref<624xf32, #tpu.memory_space<vmem_shared>>
        %dma_start3A_55 = arith.constant 0 : i32
        %dma_start3A_56 = tpu.memref_slice %arg10[%dma_start3A_55] : memref<640xf32, #tpu.memory_space<vmem>> -> memref<624xf32, #tpu.memory_space<vmem>>
        tpu.enqueue_dma source(%dma_start3A_56 : memref<624xf32, #tpu.memory_space<vmem>>) target(%dma_start3A_54 : memref<624xf32, #tpu.memory_space<vmem_shared>>) target_semaphore(%run_scoped3A : memref<!tpu.dma_semaphore, #tpu.memory_space<semaphore_mem>>)
        %dma_wait3A = arith.constant 0 : i32
        %dma_wait3A_57 = tpu.memref_slice %arg10[%dma_wait3A] : memref<640xf32, #tpu.memory_space<vmem>> -> memref<624xf32, #tpu.memory_space<vmem>>
        %dma_wait3A_58 = tpu.memref_slice %arg11[%mul3A_6] : memref<10000xf32, #tpu.memory_space<vmem_shared>> -> memref<624xf32, #tpu.memory_space<vmem_shared>>
        %dma_wait3A_59 = tpu.memref_slice %arg11[%mul3A_6] : memref<10000xf32, #tpu.memory_space<vmem_shared>> -> memref<624xf32, #tpu.memory_space<vmem_shared>>
        %dma_wait3A_60 = arith.constant 0 : i32
        %dma_wait3A_61 = tpu.memref_slice %arg10[%dma_wait3A_60] : memref<640xf32, #tpu.memory_space<vmem>> -> memref<624xf32, #tpu.memory_space<vmem>>
        tpu.wait_dma2 semaphore(%run_scoped3A : memref<!tpu.dma_semaphore, #tpu.memory_space<semaphore_mem>>) src(%dma_wait3A_61 : memref<624xf32, #tpu.memory_space<vmem>>) dst(%dma_wait3A_59 : memref<624xf32, #tpu.memory_space<vmem_shared>>)
        tpu.yield
      }) : () -> ()
      "tpu.region"() ({
        %run_scoped3A = tpu.sem_alloc : memref<!tpu.dma_semaphore, #tpu.memory_space<semaphore_mem>>
        %dma_start3A_51 = arith.constant 0 : i32
        %dma_start3A_52 = tpu.memref_slice %arg10[%dma_start3A_51] : memref<640xf32, #tpu.memory_space<vmem>> -> memref<624xf32, #tpu.memory_space<vmem>>
        %dma_start3A_53 = tpu.memref_slice %arg12[%mul3A_6] : memref<10000xf32, #tpu.memory_space<vmem_shared>> -> memref<624xf32, #tpu.memory_space<vmem_shared>>
        %dma_start3A_54 = tpu.memref_slice %arg12[%mul3A_6] : memref<10000xf32, #tpu.memory_space<vmem_shared>> -> memref<624xf32, #tpu.memory_space<vmem_shared>>
        %dma_start3A_55 = arith.constant 0 : i32
        %dma_start3A_56 = tpu.memref_slice %arg10[%dma_start3A_55] : memref<640xf32, #tpu.memory_space<vmem>> -> memref<624xf32, #tpu.memory_space<vmem>>
        tpu.enqueue_dma source(%dma_start3A_56 : memref<624xf32, #tpu.memory_space<vmem>>) target(%dma_start3A_54 : memref<624xf32, #tpu.memory_space<vmem_shared>>) target_semaphore(%run_scoped3A : memref<!tpu.dma_semaphore, #tpu.memory_space<semaphore_mem>>)
        %dma_wait3A = arith.constant 0 : i32
        %dma_wait3A_57 = tpu.memref_slice %arg10[%dma_wait3A] : memref<640xf32, #tpu.memory_space<vmem>> -> memref<624xf32, #tpu.memory_space<vmem>>
        %dma_wait3A_58 = tpu.memref_slice %arg12[%mul3A_6] : memref<10000xf32, #tpu.memory_space<vmem_shared>> -> memref<624xf32, #tpu.memory_space<vmem_shared>>
        %dma_wait3A_59 = tpu.memref_slice %arg12[%mul3A_6] : memref<10000xf32, #tpu.memory_space<vmem_shared>> -> memref<624xf32, #tpu.memory_space<vmem_shared>>
        %dma_wait3A_60 = arith.constant 0 : i32
        %dma_wait3A_61 = tpu.memref_slice %arg10[%dma_wait3A_60] : memref<640xf32, #tpu.memory_space<vmem>> -> memref<624xf32, #tpu.memory_space<vmem>>
        tpu.wait_dma2 semaphore(%run_scoped3A : memref<!tpu.dma_semaphore, #tpu.memory_space<semaphore_mem>>) src(%dma_wait3A_61 : memref<624xf32, #tpu.memory_space<vmem>>) dst(%dma_wait3A_59 : memref<624xf32, #tpu.memory_space<vmem_shared>>)
        tpu.yield
      }) : () -> ()
    } else {
    }
    %eq3A = arith.constant 15 : i32
    %eq3A_9 = arith.cmpi eq, %arg1, %eq3A : i32
    %convert_element_type3A_10 = arith.extui %eq3A_9 : i1 to i32
    %cond3A_11 = arith.constant 0 : i32
    %cond3A_12 = arith.cmpi ne, %convert_element_type3A_10, %cond3A_11 : i32
    scf.if %cond3A_12 {
      "tpu.region"() ({
        %run_scoped3A = tpu.sem_alloc : memref<!tpu.dma_semaphore, #tpu.memory_space<semaphore_mem>>
        %dma_start3A_51 = arith.constant 0 : i32
        %dma_start3A_52 = tpu.memref_slice %arg10[%dma_start3A_51] : memref<640xf32, #tpu.memory_space<vmem>> -> memref<640xf32, #tpu.memory_space<vmem>>
        %dma_start3A_53 = tpu.memref_slice %arg11[%mul3A_6] : memref<10000xf32, #tpu.memory_space<vmem_shared>> -> memref<640xf32, #tpu.memory_space<vmem_shared>>
        %dma_start3A_54 = tpu.memref_slice %arg11[%mul3A_6] : memref<10000xf32, #tpu.memory_space<vmem_shared>> -> memref<640xf32, #tpu.memory_space<vmem_shared>>
        %dma_start3A_55 = arith.constant 0 : i32
        %dma_start3A_56 = tpu.memref_slice %arg10[%dma_start3A_55] : memref<640xf32, #tpu.memory_space<vmem>> -> memref<640xf32, #tpu.memory_space<vmem>>
        tpu.enqueue_dma source(%dma_start3A_56 : memref<640xf32, #tpu.memory_space<vmem>>) target(%dma_start3A_54 : memref<640xf32, #tpu.memory_space<vmem_shared>>) target_semaphore(%run_scoped3A : memref<!tpu.dma_semaphore, #tpu.memory_space<semaphore_mem>>)
        %dma_wait3A = arith.constant 0 : i32
        %dma_wait3A_57 = tpu.memref_slice %arg10[%dma_wait3A] : memref<640xf32, #tpu.memory_space<vmem>> -> memref<640xf32, #tpu.memory_space<vmem>>
        %dma_wait3A_58 = tpu.memref_slice %arg11[%mul3A_6] : memref<10000xf32, #tpu.memory_space<vmem_shared>> -> memref<640xf32, #tpu.memory_space<vmem_shared>>
        %dma_wait3A_59 = tpu.memref_slice %arg11[%mul3A_6] : memref<10000xf32, #tpu.memory_space<vmem_shared>> -> memref<640xf32, #tpu.memory_space<vmem_shared>>
        %dma_wait3A_60 = arith.constant 0 : i32
        %dma_wait3A_61 = tpu.memref_slice %arg10[%dma_wait3A_60] : memref<640xf32, #tpu.memory_space<vmem>> -> memref<640xf32, #tpu.memory_space<vmem>>
        tpu.wait_dma2 semaphore(%run_scoped3A : memref<!tpu.dma_semaphore, #tpu.memory_space<semaphore_mem>>) src(%dma_wait3A_61 : memref<640xf32, #tpu.memory_space<vmem>>) dst(%dma_wait3A_59 : memref<640xf32, #tpu.memory_space<vmem_shared>>)
        tpu.yield
      }) : () -> ()
      "tpu.region"() ({
        %run_scoped3A = tpu.sem_alloc : memref<!tpu.dma_semaphore, #tpu.memory_space<semaphore_mem>>
        %dma_start3A_51 = arith.constant 0 : i32
        %dma_start3A_52 = tpu.memref_slice %arg10[%dma_start3A_51] : memref<640xf32, #tpu.memory_space<vmem>> -> memref<640xf32, #tpu.memory_space<vmem>>
        %dma_start3A_53 = tpu.memref_slice %arg12[%mul3A_6] : memref<10000xf32, #tpu.memory_space<vmem_shared>> -> memref<640xf32, #tpu.memory_space<vmem_shared>>
        %dma_start3A_54 = tpu.memref_slice %arg12[%mul3A_6] : memref<10000xf32, #tpu.memory_space<vmem_shared>> -> memref<640xf32, #tpu.memory_space<vmem_shared>>
        %dma_start3A_55 = arith.constant 0 : i32
        %dma_start3A_56 = tpu.memref_slice %arg10[%dma_start3A_55] : memref<640xf32, #tpu.memory_space<vmem>> -> memref<640xf32, #tpu.memory_space<vmem>>
        tpu.enqueue_dma source(%dma_start3A_56 : memref<640xf32, #tpu.memory_space<vmem>>) target(%dma_start3A_54 : memref<640xf32, #tpu.memory_space<vmem_shared>>) target_semaphore(%run_scoped3A : memref<!tpu.dma_semaphore, #tpu.memory_space<semaphore_mem>>)
        %dma_wait3A = arith.constant 0 : i32
        %dma_wait3A_57 = tpu.memref_slice %arg10[%dma_wait3A] : memref<640xf32, #tpu.memory_space<vmem>> -> memref<640xf32, #tpu.memory_space<vmem>>
        %dma_wait3A_58 = tpu.memref_slice %arg12[%mul3A_6] : memref<10000xf32, #tpu.memory_space<vmem_shared>> -> memref<640xf32, #tpu.memory_space<vmem_shared>>
        %dma_wait3A_59 = tpu.memref_slice %arg12[%mul3A_6] : memref<10000xf32, #tpu.memory_space<vmem_shared>> -> memref<640xf32, #tpu.memory_space<vmem_shared>>
        %dma_wait3A_60 = arith.constant 0 : i32
        %dma_wait3A_61 = tpu.memref_slice %arg10[%dma_wait3A_60] : memref<640xf32, #tpu.memory_space<vmem>> -> memref<640xf32, #tpu.memory_space<vmem>>
        tpu.wait_dma2 semaphore(%run_scoped3A : memref<!tpu.dma_semaphore, #tpu.memory_space<semaphore_mem>>) src(%dma_wait3A_61 : memref<640xf32, #tpu.memory_space<vmem>>) dst(%dma_wait3A_59 : memref<640xf32, #tpu.memory_space<vmem_shared>>)
        tpu.yield
      }) : () -> ()
    } else {
    }
    "tpu.region"() ({
      %run_scoped3A = tpu.sem_alloc : memref<!tpu.dma_semaphore, #tpu.memory_space<semaphore_mem>>
      %dma_start3A_51 = arith.constant 0 : i32
      %dma_start3A_52 = arith.constant 0 : i32
      %dma_start3A_53 = tpu.memref_slice %arg2[%add3A, %dma_start3A_51, %dma_start3A_52] : memref<32x125x80xi32, #tpu.memory_space<hbm>> -> memref<1x125x80xi32, #tpu.memory_space<hbm>>
      %dma_start3A_54 = tpu.memref_squeeze %dma_start3A_53 : memref<1x125x80xi32, #tpu.memory_space<hbm>> -> memref<125x80xi32, #tpu.memory_space<hbm>>
      %dma_start3A_55 = arith.constant 0 : i32
      %dma_start3A_56 = arith.constant 0 : i32
      %dma_start3A_57 = tpu.memref_slice %arg2[%add3A, %dma_start3A_55, %dma_start3A_56] : memref<32x125x80xi32, #tpu.memory_space<hbm>> -> memref<1x125x80xi32, #tpu.memory_space<hbm>>
      %dma_start3A_58 = tpu.memref_squeeze %dma_start3A_57 : memref<1x125x80xi32, #tpu.memory_space<hbm>> -> memref<125x80xi32, #tpu.memory_space<hbm>>
      tpu.enqueue_dma source(%dma_start3A_58 : memref<125x80xi32, #tpu.memory_space<hbm>>) target(%arg8 : memref<125x80xi32, #tpu.memory_space<vmem>>) target_semaphore(%run_scoped3A : memref<!tpu.dma_semaphore, #tpu.memory_space<semaphore_mem>>)
      %dma_wait3A = arith.constant 0 : i32
      %dma_wait3A_59 = arith.constant 0 : i32
      %dma_wait3A_60 = tpu.memref_slice %arg2[%add3A, %dma_wait3A, %dma_wait3A_59] : memref<32x125x80xi32, #tpu.memory_space<hbm>> -> memref<1x125x80xi32, #tpu.memory_space<hbm>>
      %dma_wait3A_61 = tpu.memref_squeeze %dma_wait3A_60 : memref<1x125x80xi32, #tpu.memory_space<hbm>> -> memref<125x80xi32, #tpu.memory_space<hbm>>
      %dma_wait3A_62 = arith.constant 0 : i32
      %dma_wait3A_63 = arith.constant 0 : i32
      %dma_wait3A_64 = tpu.memref_slice %arg2[%add3A, %dma_wait3A_62, %dma_wait3A_63] : memref<32x125x80xi32, #tpu.memory_space<hbm>> -> memref<1x125x80xi32, #tpu.memory_space<hbm>>
      %dma_wait3A_65 = tpu.memref_squeeze %dma_wait3A_64 : memref<1x125x80xi32, #tpu.memory_space<hbm>> -> memref<125x80xi32, #tpu.memory_space<hbm>>
      tpu.wait_dma2 semaphore(%run_scoped3A : memref<!tpu.dma_semaphore, #tpu.memory_space<semaphore_mem>>) src(%dma_wait3A_65 : memref<125x80xi32, #tpu.memory_space<hbm>>) dst(%arg8 : memref<125x80xi32, #tpu.memory_space<vmem>>)
      tpu.yield
    }) : () -> ()
    "tpu.region"() ({
      %run_scoped3A = tpu.sem_alloc : memref<!tpu.dma_semaphore, #tpu.memory_space<semaphore_mem>>
      %dma_start3A_51 = arith.constant 0 : i32
      %dma_start3A_52 = arith.constant 0 : i32
      %dma_start3A_53 = tpu.memref_slice %arg3[%add3A, %dma_start3A_51, %dma_start3A_52] : memref<32x125x80xi32, #tpu.memory_space<hbm>> -> memref<1x125x80xi32, #tpu.memory_space<hbm>>
      %dma_start3A_54 = tpu.memref_squeeze %dma_start3A_53 : memref<1x125x80xi32, #tpu.memory_space<hbm>> -> memref<125x80xi32, #tpu.memory_space<hbm>>
      %dma_start3A_55 = arith.constant 0 : i32
      %dma_start3A_56 = arith.constant 0 : i32
      %dma_start3A_57 = tpu.memref_slice %arg3[%add3A, %dma_start3A_55, %dma_start3A_56] : memref<32x125x80xi32, #tpu.memory_space<hbm>> -> memref<1x125x80xi32, #tpu.memory_space<hbm>>
      %dma_start3A_58 = tpu.memref_squeeze %dma_start3A_57 : memref<1x125x80xi32, #tpu.memory_space<hbm>> -> memref<125x80xi32, #tpu.memory_space<hbm>>
      tpu.enqueue_dma source(%dma_start3A_58 : memref<125x80xi32, #tpu.memory_space<hbm>>) target(%arg9 : memref<125x80xi32, #tpu.memory_space<vmem>>) target_semaphore(%run_scoped3A : memref<!tpu.dma_semaphore, #tpu.memory_space<semaphore_mem>>)
      %dma_wait3A = arith.constant 0 : i32
      %dma_wait3A_59 = arith.constant 0 : i32
      %dma_wait3A_60 = tpu.memref_slice %arg3[%add3A, %dma_wait3A, %dma_wait3A_59] : memref<32x125x80xi32, #tpu.memory_space<hbm>> -> memref<1x125x80xi32, #tpu.memory_space<hbm>>
      %dma_wait3A_61 = tpu.memref_squeeze %dma_wait3A_60 : memref<1x125x80xi32, #tpu.memory_space<hbm>> -> memref<125x80xi32, #tpu.memory_space<hbm>>
      %dma_wait3A_62 = arith.constant 0 : i32
      %dma_wait3A_63 = arith.constant 0 : i32
      %dma_wait3A_64 = tpu.memref_slice %arg3[%add3A, %dma_wait3A_62, %dma_wait3A_63] : memref<32x125x80xi32, #tpu.memory_space<hbm>> -> memref<1x125x80xi32, #tpu.memory_space<hbm>>
      %dma_wait3A_65 = tpu.memref_squeeze %dma_wait3A_64 : memref<1x125x80xi32, #tpu.memory_space<hbm>> -> memref<125x80xi32, #tpu.memory_space<hbm>>
      tpu.wait_dma2 semaphore(%run_scoped3A : memref<!tpu.dma_semaphore, #tpu.memory_space<semaphore_mem>>) src(%dma_wait3A_65 : memref<125x80xi32, #tpu.memory_space<hbm>>) dst(%arg9 : memref<125x80xi32, #tpu.memory_space<vmem>>)
      tpu.yield
    }) : () -> ()
    %barrier3A = arith.constant 0 : index
    tpu.barrier barrier_id(%barrier3A)
    %scan3A_13 = arith.constant 0 : i32
    %scan3A_14 = arith.constant 40 : i32
    %scan3A_15 = arith.addi %scan3A_13, %scan3A_14 : i32
    %scan3A_16 = arith.constant 1 : i32
    scf.for %scan3A_51 = %scan3A_13 to %scan3A_15 step %scan3A_16  : i32 {
      %mul3A_52 = arith.constant 1 : i32
      %mul3A_53 = arith.muli %scan3A_51, %mul3A_52 : i32
      %add3A_54 = arith.constant 0 : i32
      %add3A_55 = arith.addi %add3A_54, %mul3A_53 : i32
      %broadcast_in_dim3A = arith.constant 1.000000e+00 : f32
      %broadcast_in_dim3A_56 = vector.broadcast %broadcast_in_dim3A : f32 to vector<16xf32>
      %mul3A_57 = arith.constant 16 : i32
      %mul3A_58 = arith.muli %add3A_55, %mul3A_57 : i32
      %swap3A = arith.index_cast %mul3A_58 : i32 to index
      %swap3A_59 = tpu.vector_load %arg10[%swap3A] {strides = array<i32>} : memref<640xf32, #tpu.memory_space<vmem>>, vector<16xf32>,
      %swap3A_60 = vector.shape_cast %swap3A_59 : vector<16xf32> to vector<16xf32>
      %swap3A_61 = vector.shape_cast %broadcast_in_dim3A_56 : vector<16xf32> to vector<16xf32>
      tpu.vector_store %arg10[%swap3A], %swap3A_61 {strides = array<i32>} : memref<640xf32, #tpu.memory_space<vmem>>, vector<16xf32>,
    }
    %scan3A_17 = arith.constant 40 : i32
    %dma_start3A = arith.constant 0 : i32
    %dma_start3A_18 = arith.constant 0 : i32
    %dma_start3A_19 = tpu.memref_slice %arg10[%dma_start3A_18] : memref<640xf32, #tpu.memory_space<vmem>> -> memref<80xf32, #tpu.memory_space<vmem>>
    %dma_start3A_20 = arith.constant 0 : i32
    %dma_start3A_21 = tpu.memref_slice %arg8[%dma_start3A, %dma_start3A_20] : memref<125x80xi32, #tpu.memory_space<vmem>> -> memref<1x80xi32, #tpu.memory_space<vmem>>
    %dma_start3A_22 = tpu.memref_squeeze %dma_start3A_21 : memref<1x80xi32, #tpu.memory_space<vmem>> -> memref<80xi32, #tpu.memory_space<vmem>>
    %dma_start3A_23 = arith.constant 0 : i32
    %dma_start3A_24 = tpu.memref_slice %arg11[%dma_start3A_23] : memref<10000xf32, #tpu.memory_space<vmem_shared>> -> memref<10000xf32, #tpu.memory_space<vmem_shared>>
    tpu.enqueue_indirect_dma source(%dma_start3A_19 : memref<80xf32, #tpu.memory_space<vmem>>) target(%dma_start3A_24 : memref<10000xf32, #tpu.memory_space<vmem_shared>>) offsets(%dma_start3A_22 : memref<80xi32, #tpu.memory_space<vmem>>) semaphore(%arg13 : memref<!tpu.dma_semaphore, #tpu.memory_space<semaphore_mem>>) {add = true}
    %dma_start3A_25 = arith.constant 0 : i32
    %dma_start3A_26 = arith.constant 0 : i32
    %dma_start3A_27 = tpu.memref_slice %arg10[%dma_start3A_26] : memref<640xf32, #tpu.memory_space<vmem>> -> memref<80xf32, #tpu.memory_space<vmem>>
    %dma_start3A_28 = arith.constant 0 : i32
    %dma_start3A_29 = tpu.memref_slice %arg9[%dma_start3A_25, %dma_start3A_28] : memref<125x80xi32, #tpu.memory_space<vmem>> -> memref<1x80xi32, #tpu.memory_space<vmem>>
    %dma_start3A_30 = tpu.memref_squeeze %dma_start3A_29 : memref<1x80xi32, #tpu.memory_space<vmem>> -> memref<80xi32, #tpu.memory_space<vmem>>
    %dma_start3A_31 = arith.constant 0 : i32
    %dma_start3A_32 = tpu.memref_slice %arg12[%dma_start3A_31] : memref<10000xf32, #tpu.memory_space<vmem_shared>> -> memref<10000xf32, #tpu.memory_space<vmem_shared>>
    tpu.enqueue_indirect_dma source(%dma_start3A_27 : memref<80xf32, #tpu.memory_space<vmem>>) target(%dma_start3A_32 : memref<10000xf32, #tpu.memory_space<vmem_shared>>) offsets(%dma_start3A_30 : memref<80xi32, #tpu.memory_space<vmem>>) semaphore(%arg14 : memref<!tpu.dma_semaphore, #tpu.memory_space<semaphore_mem>>) {add = true}
    %scan3A_33 = arith.constant 0 : i32
    %scan3A_34 = arith.constant 125 : i32
    %scan3A_35 = arith.addi %scan3A_33, %scan3A_34 : i32
    %scan3A_36 = arith.constant 1 : i32
    scf.for %scan3A_51 = %scan3A_33 to %scan3A_35 step %scan3A_36  : i32 {
      %mul3A_52 = arith.constant 1 : i32
      %mul3A_53 = arith.muli %scan3A_51, %mul3A_52 : i32
      %add3A_54 = arith.constant 0 : i32
      %add3A_55 = arith.addi %add3A_54, %mul3A_53 : i32
      %add3A_56 = arith.constant 1 : i32
      %add3A_57 = arith.addi %add3A_55, %add3A_56 : i32
      %lt3A_58 = arith.constant 125 : i32
      %lt3A_59 = arith.cmpi slt, %add3A_57, %lt3A_58 : i32
      %convert_element_type3A_60 = arith.extui %lt3A_59 : i1 to i32
      %cond3A_61 = arith.constant 0 : i32
      %cond3A_62 = arith.cmpi ne, %convert_element_type3A_60, %cond3A_61 : i32
      scf.if %cond3A_62 {
        %add3A_76 = arith.constant 1 : i32
        %add3A_77 = arith.addi %add3A_55, %add3A_76 : i32
        %dma_start3A_78 = arith.constant 0 : i32
        %dma_start3A_79 = tpu.memref_slice %arg10[%dma_start3A_78] : memref<640xf32, #tpu.memory_space<vmem>> -> memref<80xf32, #tpu.memory_space<vmem>>
        %dma_start3A_80 = arith.constant 0 : i32
        %dma_start3A_81 = tpu.memref_slice %arg8[%add3A_77, %dma_start3A_80] : memref<125x80xi32, #tpu.memory_space<vmem>> -> memref<1x80xi32, #tpu.memory_space<vmem>>
        %dma_start3A_82 = tpu.memref_squeeze %dma_start3A_81 : memref<1x80xi32, #tpu.memory_space<vmem>> -> memref<80xi32, #tpu.memory_space<vmem>>
        %dma_start3A_83 = arith.constant 0 : i32
        %dma_start3A_84 = tpu.memref_slice %arg11[%dma_start3A_83] : memref<10000xf32, #tpu.memory_space<vmem_shared>> -> memref<10000xf32, #tpu.memory_space<vmem_shared>>
        tpu.enqueue_indirect_dma source(%dma_start3A_79 : memref<80xf32, #tpu.memory_space<vmem>>) target(%dma_start3A_84 : memref<10000xf32, #tpu.memory_space<vmem_shared>>) offsets(%dma_start3A_82 : memref<80xi32, #tpu.memory_space<vmem>>) semaphore(%arg13 : memref<!tpu.dma_semaphore, #tpu.memory_space<semaphore_mem>>) {add = true}
        %add3A_85 = arith.constant 1 : i32
        %add3A_86 = arith.addi %add3A_55, %add3A_85 : i32
        %dma_start3A_87 = arith.constant 0 : i32
        %dma_start3A_88 = tpu.memref_slice %arg10[%dma_start3A_87] : memref<640xf32, #tpu.memory_space<vmem>> -> memref<80xf32, #tpu.memory_space<vmem>>
        %dma_start3A_89 = arith.constant 0 : i32
        %dma_start3A_90 = tpu.memref_slice %arg9[%add3A_86, %dma_start3A_89] : memref<125x80xi32, #tpu.memory_space<vmem>> -> memref<1x80xi32, #tpu.memory_space<vmem>>
        %dma_start3A_91 = tpu.memref_squeeze %dma_start3A_90 : memref<1x80xi32, #tpu.memory_space<vmem>> -> memref<80xi32, #tpu.memory_space<vmem>>
        %dma_start3A_92 = arith.constant 0 : i32
        %dma_start3A_93 = tpu.memref_slice %arg12[%dma_start3A_92] : memref<10000xf32, #tpu.memory_space<vmem_shared>> -> memref<10000xf32, #tpu.memory_space<vmem_shared>>
        tpu.enqueue_indirect_dma source(%dma_start3A_88 : memref<80xf32, #tpu.memory_space<vmem>>) target(%dma_start3A_93 : memref<10000xf32, #tpu.memory_space<vmem_shared>>) offsets(%dma_start3A_91 : memref<80xi32, #tpu.memory_space<vmem>>) semaphore(%arg14 : memref<!tpu.dma_semaphore, #tpu.memory_space<semaphore_mem>>) {add = true}
      } else {
      }
      %dma_wait3A = arith.constant 0 : i32
      %dma_wait3A_63 = tpu.memref_slice %arg10[%dma_wait3A] : memref<640xf32, #tpu.memory_space<vmem>> -> memref<80xf32, #tpu.memory_space<vmem>>
      %dma_wait3A_64 = arith.constant 0 : i32
      %dma_wait3A_65 = tpu.memref_slice %arg8[%add3A_55, %dma_wait3A_64] : memref<125x80xi32, #tpu.memory_space<vmem>> -> memref<1x80xi32, #tpu.memory_space<vmem>>
      %dma_wait3A_66 = tpu.memref_squeeze %dma_wait3A_65 : memref<1x80xi32, #tpu.memory_space<vmem>> -> memref<80xi32, #tpu.memory_space<vmem>>
      %dma_wait3A_67 = arith.constant 0 : i32
      %dma_wait3A_68 = tpu.memref_slice %arg11[%dma_wait3A_67] : memref<10000xf32, #tpu.memory_space<vmem_shared>> -> memref<10000xf32, #tpu.memory_space<vmem_shared>>
      tpu.wait_indirect_dma semaphore(%arg13 : memref<!tpu.dma_semaphore, #tpu.memory_space<semaphore_mem>>) src(%dma_wait3A_63 : memref<80xf32, #tpu.memory_space<vmem>>) dst(%dma_wait3A_68 : memref<10000xf32, #tpu.memory_space<vmem_shared>>)
      %dma_wait3A_69 = arith.constant 0 : i32
      %dma_wait3A_70 = tpu.memref_slice %arg10[%dma_wait3A_69] : memref<640xf32, #tpu.memory_space<vmem>> -> memref<80xf32, #tpu.memory_space<vmem>>
      %dma_wait3A_71 = arith.constant 0 : i32
      %dma_wait3A_72 = tpu.memref_slice %arg9[%add3A_55, %dma_wait3A_71] : memref<125x80xi32, #tpu.memory_space<vmem>> -> memref<1x80xi32, #tpu.memory_space<vmem>>
      %dma_wait3A_73 = tpu.memref_squeeze %dma_wait3A_72 : memref<1x80xi32, #tpu.memory_space<vmem>> -> memref<80xi32, #tpu.memory_space<vmem>>
      %dma_wait3A_74 = arith.constant 0 : i32
      %dma_wait3A_75 = tpu.memref_slice %arg12[%dma_wait3A_74] : memref<10000xf32, #tpu.memory_space<vmem_shared>> -> memref<10000xf32, #tpu.memory_space<vmem_shared>>
      tpu.wait_indirect_dma semaphore(%arg14 : memref<!tpu.dma_semaphore, #tpu.memory_space<semaphore_mem>>) src(%dma_wait3A_70 : memref<80xf32, #tpu.memory_space<vmem>>) dst(%dma_wait3A_75 : memref<10000xf32, #tpu.memory_space<vmem_shared>>)
    }
    %scan3A_37 = arith.constant 125 : i32
    %barrier3A_38 = arith.constant 0 : index
    tpu.barrier barrier_id(%barrier3A_38)
    %lt3A_39 = arith.constant 15 : i32
    %lt3A_40 = arith.cmpi slt, %arg1, %lt3A_39 : i32
    %eq3A_41 = arith.constant 0 : i32
    %eq3A_42 = arith.cmpi eq, %arg0, %eq3A_41 : i32
    %convert_element_type3A_43 = arith.extui %eq3A_42 : i1 to i32
    %cond3A_44 = arith.constant 0 : i32
    %cond3A_45 = arith.cmpi ne, %convert_element_type3A_43, %cond3A_44 : i32
    scf.if %cond3A_45 {
      %convert_element_type3A_51 = arith.extui %lt3A_40 : i1 to i32
      %cond3A_52 = arith.constant 0 : i32
      %cond3A_53 = arith.cmpi ne, %convert_element_type3A_51, %cond3A_52 : i32
      scf.if %cond3A_53 {
        "tpu.region"() ({
          %run_scoped3A = tpu.sem_alloc : memref<!tpu.dma_semaphore, #tpu.memory_space<semaphore_mem>>
          %dma_start3A_58 = arith.constant 0 : i32
          %dma_start3A_59 = tpu.memref_slice %arg10[%dma_start3A_58] : memref<640xf32, #tpu.memory_space<vmem>> -> memref<624xf32, #tpu.memory_space<vmem>>
          %dma_start3A_60 = tpu.memref_slice %arg11[%mul3A_6] : memref<10000xf32, #tpu.memory_space<vmem_shared>> -> memref<624xf32, #tpu.memory_space<vmem_shared>>
          %dma_start3A_61 = arith.constant 0 : i32
          %dma_start3A_62 = tpu.memref_slice %arg10[%dma_start3A_61] : memref<640xf32, #tpu.memory_space<vmem>> -> memref<624xf32, #tpu.memory_space<vmem>>
          %dma_start3A_63 = tpu.memref_slice %arg11[%mul3A_6] : memref<10000xf32, #tpu.memory_space<vmem_shared>> -> memref<624xf32, #tpu.memory_space<vmem_shared>>
          tpu.enqueue_dma source(%dma_start3A_63 : memref<624xf32, #tpu.memory_space<vmem_shared>>) target(%dma_start3A_62 : memref<624xf32, #tpu.memory_space<vmem>>) target_semaphore(%run_scoped3A : memref<!tpu.dma_semaphore, #tpu.memory_space<semaphore_mem>>)
          %dma_wait3A = arith.constant 0 : i32
          %dma_wait3A_64 = tpu.memref_slice %arg10[%dma_wait3A] : memref<640xf32, #tpu.memory_space<vmem>> -> memref<624xf32, #tpu.memory_space<vmem>>
          %dma_wait3A_65 = tpu.memref_slice %arg11[%mul3A_6] : memref<10000xf32, #tpu.memory_space<vmem_shared>> -> memref<624xf32, #tpu.memory_space<vmem_shared>>
          %dma_wait3A_66 = arith.constant 0 : i32
          %dma_wait3A_67 = tpu.memref_slice %arg10[%dma_wait3A_66] : memref<640xf32, #tpu.memory_space<vmem>> -> memref<624xf32, #tpu.memory_space<vmem>>
          %dma_wait3A_68 = tpu.memref_slice %arg11[%mul3A_6] : memref<10000xf32, #tpu.memory_space<vmem_shared>> -> memref<624xf32, #tpu.memory_space<vmem_shared>>
          tpu.wait_dma2 semaphore(%run_scoped3A : memref<!tpu.dma_semaphore, #tpu.memory_space<semaphore_mem>>) src(%dma_wait3A_68 : memref<624xf32, #tpu.memory_space<vmem_shared>>) dst(%dma_wait3A_67 : memref<624xf32, #tpu.memory_space<vmem>>)
          tpu.yield
        }) : () -> ()
        "tpu.region"() ({
          %run_scoped3A = tpu.sem_alloc : memref<!tpu.dma_semaphore, #tpu.memory_space<semaphore_mem>>
          %dma_start3A_58 = arith.constant 0 : i32
          %dma_start3A_59 = tpu.memref_slice %arg10[%dma_start3A_58] : memref<640xf32, #tpu.memory_space<vmem>> -> memref<624xf32, #tpu.memory_space<vmem>>
          %dma_start3A_60 = tpu.memref_slice %arg4[%mul3A_6] : memref<10000xf32, #tpu.memory_space<hbm>> -> memref<624xf32, #tpu.memory_space<hbm>>
          %dma_start3A_61 = tpu.memref_slice %arg4[%mul3A_6] : memref<10000xf32, #tpu.memory_space<hbm>> -> memref<624xf32, #tpu.memory_space<hbm>>
          %dma_start3A_62 = arith.constant 0 : i32
          %dma_start3A_63 = tpu.memref_slice %arg10[%dma_start3A_62] : memref<640xf32, #tpu.memory_space<vmem>> -> memref<624xf32, #tpu.memory_space<vmem>>
          tpu.enqueue_dma source(%dma_start3A_63 : memref<624xf32, #tpu.memory_space<vmem>>) target(%dma_start3A_61 : memref<624xf32, #tpu.memory_space<hbm>>) target_semaphore(%run_scoped3A : memref<!tpu.dma_semaphore, #tpu.memory_space<semaphore_mem>>)
          %dma_wait3A = arith.constant 0 : i32
          %dma_wait3A_64 = tpu.memref_slice %arg10[%dma_wait3A] : memref<640xf32, #tpu.memory_space<vmem>> -> memref<624xf32, #tpu.memory_space<vmem>>
          %dma_wait3A_65 = tpu.memref_slice %arg4[%mul3A_6] : memref<10000xf32, #tpu.memory_space<hbm>> -> memref<624xf32, #tpu.memory_space<hbm>>
          %dma_wait3A_66 = tpu.memref_slice %arg4[%mul3A_6] : memref<10000xf32, #tpu.memory_space<hbm>> -> memref<624xf32, #tpu.memory_space<hbm>>
          %dma_wait3A_67 = arith.constant 0 : i32
          %dma_wait3A_68 = tpu.memref_slice %arg10[%dma_wait3A_67] : memref<640xf32, #tpu.memory_space<vmem>> -> memref<624xf32, #tpu.memory_space<vmem>>
          tpu.wait_dma2 semaphore(%run_scoped3A : memref<!tpu.dma_semaphore, #tpu.memory_space<semaphore_mem>>) src(%dma_wait3A_68 : memref<624xf32, #tpu.memory_space<vmem>>) dst(%dma_wait3A_66 : memref<624xf32, #tpu.memory_space<hbm>>)
          tpu.yield
        }) : () -> ()
        "tpu.region"() ({
          %run_scoped3A = tpu.sem_alloc : memref<!tpu.dma_semaphore, #tpu.memory_space<semaphore_mem>>
          %dma_start3A_58 = arith.constant 0 : i32
          %dma_start3A_59 = tpu.memref_slice %arg10[%dma_start3A_58] : memref<640xf32, #tpu.memory_space<vmem>> -> memref<624xf32, #tpu.memory_space<vmem>>
          %dma_start3A_60 = tpu.memref_slice %arg12[%mul3A_6] : memref<10000xf32, #tpu.memory_space<vmem_shared>> -> memref<624xf32, #tpu.memory_space<vmem_shared>>
          %dma_start3A_61 = arith.constant 0 : i32
          %dma_start3A_62 = tpu.memref_slice %arg10[%dma_start3A_61] : memref<640xf32, #tpu.memory_space<vmem>> -> memref<624xf32, #tpu.memory_space<vmem>>
          %dma_start3A_63 = tpu.memref_slice %arg12[%mul3A_6] : memref<10000xf32, #tpu.memory_space<vmem_shared>> -> memref<624xf32, #tpu.memory_space<vmem_shared>>
          tpu.enqueue_dma source(%dma_start3A_63 : memref<624xf32, #tpu.memory_space<vmem_shared>>) target(%dma_start3A_62 : memref<624xf32, #tpu.memory_space<vmem>>) target_semaphore(%run_scoped3A : memref<!tpu.dma_semaphore, #tpu.memory_space<semaphore_mem>>)
          %dma_wait3A = arith.constant 0 : i32
          %dma_wait3A_64 = tpu.memref_slice %arg10[%dma_wait3A] : memref<640xf32, #tpu.memory_space<vmem>> -> memref<624xf32, #tpu.memory_space<vmem>>
          %dma_wait3A_65 = tpu.memref_slice %arg12[%mul3A_6] : memref<10000xf32, #tpu.memory_space<vmem_shared>> -> memref<624xf32, #tpu.memory_space<vmem_shared>>
          %dma_wait3A_66 = arith.constant 0 : i32
          %dma_wait3A_67 = tpu.memref_slice %arg10[%dma_wait3A_66] : memref<640xf32, #tpu.memory_space<vmem>> -> memref<624xf32, #tpu.memory_space<vmem>>
          %dma_wait3A_68 = tpu.memref_slice %arg12[%mul3A_6] : memref<10000xf32, #tpu.memory_space<vmem_shared>> -> memref<624xf32, #tpu.memory_space<vmem_shared>>
          tpu.wait_dma2 semaphore(%run_scoped3A : memref<!tpu.dma_semaphore, #tpu.memory_space<semaphore_mem>>) src(%dma_wait3A_68 : memref<624xf32, #tpu.memory_space<vmem_shared>>) dst(%dma_wait3A_67 : memref<624xf32, #tpu.memory_space<vmem>>)
          tpu.yield
        }) : () -> ()
        "tpu.region"() ({
          %run_scoped3A = tpu.sem_alloc : memref<!tpu.dma_semaphore, #tpu.memory_space<semaphore_mem>>
          %dma_start3A_58 = arith.constant 0 : i32
          %dma_start3A_59 = tpu.memref_slice %arg10[%dma_start3A_58] : memref<640xf32, #tpu.memory_space<vmem>> -> memref<624xf32, #tpu.memory_space<vmem>>
          %dma_start3A_60 = tpu.memref_slice %arg6[%mul3A_6] : memref<10000xf32, #tpu.memory_space<hbm>> -> memref<624xf32, #tpu.memory_space<hbm>>
          %dma_start3A_61 = tpu.memref_slice %arg6[%mul3A_6] : memref<10000xf32, #tpu.memory_space<hbm>> -> memref<624xf32, #tpu.memory_space<hbm>>
          %dma_start3A_62 = arith.constant 0 : i32
          %dma_start3A_63 = tpu.memref_slice %arg10[%dma_start3A_62] : memref<640xf32, #tpu.memory_space<vmem>> -> memref<624xf32, #tpu.memory_space<vmem>>
          tpu.enqueue_dma source(%dma_start3A_63 : memref<624xf32, #tpu.memory_space<vmem>>) target(%dma_start3A_61 : memref<624xf32, #tpu.memory_space<hbm>>) target_semaphore(%run_scoped3A : memref<!tpu.dma_semaphore, #tpu.memory_space<semaphore_mem>>)
          %dma_wait3A = arith.constant 0 : i32
          %dma_wait3A_64 = tpu.memref_slice %arg10[%dma_wait3A] : memref<640xf32, #tpu.memory_space<vmem>> -> memref<624xf32, #tpu.memory_space<vmem>>
          %dma_wait3A_65 = tpu.memref_slice %arg6[%mul3A_6] : memref<10000xf32, #tpu.memory_space<hbm>> -> memref<624xf32, #tpu.memory_space<hbm>>
          %dma_wait3A_66 = tpu.memref_slice %arg6[%mul3A_6] : memref<10000xf32, #tpu.memory_space<hbm>> -> memref<624xf32, #tpu.memory_space<hbm>>
          %dma_wait3A_67 = arith.constant 0 : i32
          %dma_wait3A_68 = tpu.memref_slice %arg10[%dma_wait3A_67] : memref<640xf32, #tpu.memory_space<vmem>> -> memref<624xf32, #tpu.memory_space<vmem>>
          tpu.wait_dma2 semaphore(%run_scoped3A : memref<!tpu.dma_semaphore, #tpu.memory_space<semaphore_mem>>) src(%dma_wait3A_68 : memref<624xf32, #tpu.memory_space<vmem>>) dst(%dma_wait3A_66 : memref<624xf32, #tpu.memory_space<hbm>>)
          tpu.yield
        }) : () -> ()
      } else {
      }
      %not3A = arith.constant true
      %not3A_54 = arith.xori %lt3A_40, %not3A : i1
      %convert_element_type3A_55 = arith.extui %not3A_54 : i1 to i32
      %cond3A_56 = arith.constant 0 : i32
      %cond3A_57 = arith.cmpi ne, %convert_element_type3A_55, %cond3A_56 : i32
      scf.if %cond3A_57 {
        "tpu.region"() ({
          %run_scoped3A = tpu.sem_alloc : memref<!tpu.dma_semaphore, #tpu.memory_space<semaphore_mem>>
          %dma_start3A_58 = arith.constant 0 : i32
          %dma_start3A_59 = tpu.memref_slice %arg10[%dma_start3A_58] : memref<640xf32, #tpu.memory_space<vmem>> -> memref<640xf32, #tpu.memory_space<vmem>>
          %dma_start3A_60 = tpu.memref_slice %arg11[%mul3A_6] : memref<10000xf32, #tpu.memory_space<vmem_shared>> -> memref<640xf32, #tpu.memory_space<vmem_shared>>
          %dma_start3A_61 = arith.constant 0 : i32
          %dma_start3A_62 = tpu.memref_slice %arg10[%dma_start3A_61] : memref<640xf32, #tpu.memory_space<vmem>> -> memref<640xf32, #tpu.memory_space<vmem>>
          %dma_start3A_63 = tpu.memref_slice %arg11[%mul3A_6] : memref<10000xf32, #tpu.memory_space<vmem_shared>> -> memref<640xf32, #tpu.memory_space<vmem_shared>>
          tpu.enqueue_dma source(%dma_start3A_63 : memref<640xf32, #tpu.memory_space<vmem_shared>>) target(%dma_start3A_62 : memref<640xf32, #tpu.memory_space<vmem>>) target_semaphore(%run_scoped3A : memref<!tpu.dma_semaphore, #tpu.memory_space<semaphore_mem>>)
          %dma_wait3A = arith.constant 0 : i32
          %dma_wait3A_64 = tpu.memref_slice %arg10[%dma_wait3A] : memref<640xf32, #tpu.memory_space<vmem>> -> memref<640xf32, #tpu.memory_space<vmem>>
          %dma_wait3A_65 = tpu.memref_slice %arg11[%mul3A_6] : memref<10000xf32, #tpu.memory_space<vmem_shared>> -> memref<640xf32, #tpu.memory_space<vmem_shared>>
          %dma_wait3A_66 = arith.constant 0 : i32
          %dma_wait3A_67 = tpu.memref_slice %arg10[%dma_wait3A_66] : memref<640xf32, #tpu.memory_space<vmem>> -> memref<640xf32, #tpu.memory_space<vmem>>
          %dma_wait3A_68 = tpu.memref_slice %arg11[%mul3A_6] : memref<10000xf32, #tpu.memory_space<vmem_shared>> -> memref<640xf32, #tpu.memory_space<vmem_shared>>
          tpu.wait_dma2 semaphore(%run_scoped3A : memref<!tpu.dma_semaphore, #tpu.memory_space<semaphore_mem>>) src(%dma_wait3A_68 : memref<640xf32, #tpu.memory_space<vmem_shared>>) dst(%dma_wait3A_67 : memref<640xf32, #tpu.memory_space<vmem>>)
          tpu.yield
        }) : () -> ()
        "tpu.region"() ({
          %run_scoped3A = tpu.sem_alloc : memref<!tpu.dma_semaphore, #tpu.memory_space<semaphore_mem>>
          %dma_start3A_58 = arith.constant 0 : i32
          %dma_start3A_59 = tpu.memref_slice %arg10[%dma_start3A_58] : memref<640xf32, #tpu.memory_space<vmem>> -> memref<640xf32, #tpu.memory_space<vmem>>
          %dma_start3A_60 = tpu.memref_slice %arg4[%mul3A_6] : memref<10000xf32, #tpu.memory_space<hbm>> -> memref<640xf32, #tpu.memory_space<hbm>>
          %dma_start3A_61 = tpu.memref_slice %arg4[%mul3A_6] : memref<10000xf32, #tpu.memory_space<hbm>> -> memref<640xf32, #tpu.memory_space<hbm>>
          %dma_start3A_62 = arith.constant 0 : i32
          %dma_start3A_63 = tpu.memref_slice %arg10[%dma_start3A_62] : memref<640xf32, #tpu.memory_space<vmem>> -> memref<640xf32, #tpu.memory_space<vmem>>
          tpu.enqueue_dma source(%dma_start3A_63 : memref<640xf32, #tpu.memory_space<vmem>>) target(%dma_start3A_61 : memref<640xf32, #tpu.memory_space<hbm>>) target_semaphore(%run_scoped3A : memref<!tpu.dma_semaphore, #tpu.memory_space<semaphore_mem>>)
          %dma_wait3A = arith.constant 0 : i32
          %dma_wait3A_64 = tpu.memref_slice %arg10[%dma_wait3A] : memref<640xf32, #tpu.memory_space<vmem>> -> memref<640xf32, #tpu.memory_space<vmem>>
          %dma_wait3A_65 = tpu.memref_slice %arg4[%mul3A_6] : memref<10000xf32, #tpu.memory_space<hbm>> -> memref<640xf32, #tpu.memory_space<hbm>>
          %dma_wait3A_66 = tpu.memref_slice %arg4[%mul3A_6] : memref<10000xf32, #tpu.memory_space<hbm>> -> memref<640xf32, #tpu.memory_space<hbm>>
          %dma_wait3A_67 = arith.constant 0 : i32
          %dma_wait3A_68 = tpu.memref_slice %arg10[%dma_wait3A_67] : memref<640xf32, #tpu.memory_space<vmem>> -> memref<640xf32, #tpu.memory_space<vmem>>
          tpu.wait_dma2 semaphore(%run_scoped3A : memref<!tpu.dma_semaphore, #tpu.memory_space<semaphore_mem>>) src(%dma_wait3A_68 : memref<640xf32, #tpu.memory_space<vmem>>) dst(%dma_wait3A_66 : memref<640xf32, #tpu.memory_space<hbm>>)
          tpu.yield
        }) : () -> ()
        "tpu.region"() ({
          %run_scoped3A = tpu.sem_alloc : memref<!tpu.dma_semaphore, #tpu.memory_space<semaphore_mem>>
          %dma_start3A_58 = arith.constant 0 : i32
          %dma_start3A_59 = tpu.memref_slice %arg10[%dma_start3A_58] : memref<640xf32, #tpu.memory_space<vmem>> -> memref<640xf32, #tpu.memory_space<vmem>>
          %dma_start3A_60 = tpu.memref_slice %arg12[%mul3A_6] : memref<10000xf32, #tpu.memory_space<vmem_shared>> -> memref<640xf32, #tpu.memory_space<vmem_shared>>
          %dma_start3A_61 = arith.constant 0 : i32
          %dma_start3A_62 = tpu.memref_slice %arg10[%dma_start3A_61] : memref<640xf32, #tpu.memory_space<vmem>> -> memref<640xf32, #tpu.memory_space<vmem>>
          %dma_start3A_63 = tpu.memref_slice %arg12[%mul3A_6] : memref<10000xf32, #tpu.memory_space<vmem_shared>> -> memref<640xf32, #tpu.memory_space<vmem_shared>>
          tpu.enqueue_dma source(%dma_start3A_63 : memref<640xf32, #tpu.memory_space<vmem_shared>>) target(%dma_start3A_62 : memref<640xf32, #tpu.memory_space<vmem>>) target_semaphore(%run_scoped3A : memref<!tpu.dma_semaphore, #tpu.memory_space<semaphore_mem>>)
          %dma_wait3A = arith.constant 0 : i32
          %dma_wait3A_64 = tpu.memref_slice %arg10[%dma_wait3A] : memref<640xf32, #tpu.memory_space<vmem>> -> memref<640xf32, #tpu.memory_space<vmem>>
          %dma_wait3A_65 = tpu.memref_slice %arg12[%mul3A_6] : memref<10000xf32, #tpu.memory_space<vmem_shared>> -> memref<640xf32, #tpu.memory_space<vmem_shared>>
          %dma_wait3A_66 = arith.constant 0 : i32
          %dma_wait3A_67 = tpu.memref_slice %arg10[%dma_wait3A_66] : memref<640xf32, #tpu.memory_space<vmem>> -> memref<640xf32, #tpu.memory_space<vmem>>
          %dma_wait3A_68 = tpu.memref_slice %arg12[%mul3A_6] : memref<10000xf32, #tpu.memory_space<vmem_shared>> -> memref<640xf32, #tpu.memory_space<vmem_shared>>
          tpu.wait_dma2 semaphore(%run_scoped3A : memref<!tpu.dma_semaphore, #tpu.memory_space<semaphore_mem>>) src(%dma_wait3A_68 : memref<640xf32, #tpu.memory_space<vmem_shared>>) dst(%dma_wait3A_67 : memref<640xf32, #tpu.memory_space<vmem>>)
          tpu.yield
        }) : () -> ()
        "tpu.region"() ({
          %run_scoped3A = tpu.sem_alloc : memref<!tpu.dma_semaphore, #tpu.memory_space<semaphore_mem>>
          %dma_start3A_58 = arith.constant 0 : i32
          %dma_start3A_59 = tpu.memref_slice %arg10[%dma_start3A_58] : memref<640xf32, #tpu.memory_space<vmem>> -> memref<640xf32, #tpu.memory_space<vmem>>
          %dma_start3A_60 = tpu.memref_slice %arg6[%mul3A_6] : memref<10000xf32, #tpu.memory_space<hbm>> -> memref<640xf32, #tpu.memory_space<hbm>>
          %dma_start3A_61 = tpu.memref_slice %arg6[%mul3A_6] : memref<10000xf32, #tpu.memory_space<hbm>> -> memref<640xf32, #tpu.memory_space<hbm>>
          %dma_start3A_62 = arith.constant 0 : i32
          %dma_start3A_63 = tpu.memref_slice %arg10[%dma_start3A_62] : memref<640xf32, #tpu.memory_space<vmem>> -> memref<640xf32, #tpu.memory_space<vmem>>
          tpu.enqueue_dma source(%dma_start3A_63 : memref<640xf32, #tpu.memory_space<vmem>>) target(%dma_start3A_61 : memref<640xf32, #tpu.memory_space<hbm>>) target_semaphore(%run_scoped3A : memref<!tpu.dma_semaphore, #tpu.memory_space<semaphore_mem>>)
          %dma_wait3A = arith.constant 0 : i32
          %dma_wait3A_64 = tpu.memref_slice %arg10[%dma_wait3A] : memref<640xf32, #tpu.memory_space<vmem>> -> memref<640xf32, #tpu.memory_space<vmem>>
          %dma_wait3A_65 = tpu.memref_slice %arg6[%mul3A_6] : memref<10000xf32, #tpu.memory_space<hbm>> -> memref<640xf32, #tpu.memory_space<hbm>>
          %dma_wait3A_66 = tpu.memref_slice %arg6[%mul3A_6] : memref<10000xf32, #tpu.memory_space<hbm>> -> memref<640xf32, #tpu.memory_space<hbm>>
          %dma_wait3A_67 = arith.constant 0 : i32
          %dma_wait3A_68 = tpu.memref_slice %arg10[%dma_wait3A_67] : memref<640xf32, #tpu.memory_space<vmem>> -> memref<640xf32, #tpu.memory_space<vmem>>
          tpu.wait_dma2 semaphore(%run_scoped3A : memref<!tpu.dma_semaphore, #tpu.memory_space<semaphore_mem>>) src(%dma_wait3A_68 : memref<640xf32, #tpu.memory_space<vmem>>) dst(%dma_wait3A_66 : memref<640xf32, #tpu.memory_space<hbm>>)
          tpu.yield
        }) : () -> ()
      } else {
      }
    } else {
    }
    %eq3A_46 = arith.constant 1 : i32
    %eq3A_47 = arith.cmpi eq, %arg0, %eq3A_46 : i32
    %convert_element_type3A_48 = arith.extui %eq3A_47 : i1 to i32
    %cond3A_49 = arith.constant 0 : i32
    %cond3A_50 = arith.cmpi ne, %convert_element_type3A_48, %cond3A_49 : i32
    scf.if %cond3A_50 {
      %convert_element_type3A_51 = arith.extui %lt3A_40 : i1 to i32
      %cond3A_52 = arith.constant 0 : i32
      %cond3A_53 = arith.cmpi ne, %convert_element_type3A_51, %cond3A_52 : i32
      scf.if %cond3A_53 {
        "tpu.region"() ({
          %run_scoped3A = tpu.sem_alloc : memref<!tpu.dma_semaphore, #tpu.memory_space<semaphore_mem>>
          %dma_start3A_58 = arith.constant 0 : i32
          %dma_start3A_59 = tpu.memref_slice %arg10[%dma_start3A_58] : memref<640xf32, #tpu.memory_space<vmem>> -> memref<624xf32, #tpu.memory_space<vmem>>
          %dma_start3A_60 = tpu.memref_slice %arg11[%mul3A_6] : memref<10000xf32, #tpu.memory_space<vmem_shared>> -> memref<624xf32, #tpu.memory_space<vmem_shared>>
          %dma_start3A_61 = arith.constant 0 : i32
          %dma_start3A_62 = tpu.memref_slice %arg10[%dma_start3A_61] : memref<640xf32, #tpu.memory_space<vmem>> -> memref<624xf32, #tpu.memory_space<vmem>>
          %dma_start3A_63 = tpu.memref_slice %arg11[%mul3A_6] : memref<10000xf32, #tpu.memory_space<vmem_shared>> -> memref<624xf32, #tpu.memory_space<vmem_shared>>
          tpu.enqueue_dma source(%dma_start3A_63 : memref<624xf32, #tpu.memory_space<vmem_shared>>) target(%dma_start3A_62 : memref<624xf32, #tpu.memory_space<vmem>>) target_semaphore(%run_scoped3A : memref<!tpu.dma_semaphore, #tpu.memory_space<semaphore_mem>>)
          %dma_wait3A = arith.constant 0 : i32
          %dma_wait3A_64 = tpu.memref_slice %arg10[%dma_wait3A] : memref<640xf32, #tpu.memory_space<vmem>> -> memref<624xf32, #tpu.memory_space<vmem>>
          %dma_wait3A_65 = tpu.memref_slice %arg11[%mul3A_6] : memref<10000xf32, #tpu.memory_space<vmem_shared>> -> memref<624xf32, #tpu.memory_space<vmem_shared>>
          %dma_wait3A_66 = arith.constant 0 : i32
          %dma_wait3A_67 = tpu.memref_slice %arg10[%dma_wait3A_66] : memref<640xf32, #tpu.memory_space<vmem>> -> memref<624xf32, #tpu.memory_space<vmem>>
          %dma_wait3A_68 = tpu.memref_slice %arg11[%mul3A_6] : memref<10000xf32, #tpu.memory_space<vmem_shared>> -> memref<624xf32, #tpu.memory_space<vmem_shared>>
          tpu.wait_dma2 semaphore(%run_scoped3A : memref<!tpu.dma_semaphore, #tpu.memory_space<semaphore_mem>>) src(%dma_wait3A_68 : memref<624xf32, #tpu.memory_space<vmem_shared>>) dst(%dma_wait3A_67 : memref<624xf32, #tpu.memory_space<vmem>>)
          tpu.yield
        }) : () -> ()
        "tpu.region"() ({
          %run_scoped3A = tpu.sem_alloc : memref<!tpu.dma_semaphore, #tpu.memory_space<semaphore_mem>>
          %dma_start3A_58 = arith.constant 0 : i32
          %dma_start3A_59 = tpu.memref_slice %arg10[%dma_start3A_58] : memref<640xf32, #tpu.memory_space<vmem>> -> memref<624xf32, #tpu.memory_space<vmem>>
          %dma_start3A_60 = tpu.memref_slice %arg5[%mul3A_6] : memref<10000xf32, #tpu.memory_space<hbm>> -> memref<624xf32, #tpu.memory_space<hbm>>
          %dma_start3A_61 = tpu.memref_slice %arg5[%mul3A_6] : memref<10000xf32, #tpu.memory_space<hbm>> -> memref<624xf32, #tpu.memory_space<hbm>>
          %dma_start3A_62 = arith.constant 0 : i32
          %dma_start3A_63 = tpu.memref_slice %arg10[%dma_start3A_62] : memref<640xf32, #tpu.memory_space<vmem>> -> memref<624xf32, #tpu.memory_space<vmem>>
          tpu.enqueue_dma source(%dma_start3A_63 : memref<624xf32, #tpu.memory_space<vmem>>) target(%dma_start3A_61 : memref<624xf32, #tpu.memory_space<hbm>>) target_semaphore(%run_scoped3A : memref<!tpu.dma_semaphore, #tpu.memory_space<semaphore_mem>>)
          %dma_wait3A = arith.constant 0 : i32
          %dma_wait3A_64 = tpu.memref_slice %arg10[%dma_wait3A] : memref<640xf32, #tpu.memory_space<vmem>> -> memref<624xf32, #tpu.memory_space<vmem>>
          %dma_wait3A_65 = tpu.memref_slice %arg5[%mul3A_6] : memref<10000xf32, #tpu.memory_space<hbm>> -> memref<624xf32, #tpu.memory_space<hbm>>
          %dma_wait3A_66 = tpu.memref_slice %arg5[%mul3A_6] : memref<10000xf32, #tpu.memory_space<hbm>> -> memref<624xf32, #tpu.memory_space<hbm>>
          %dma_wait3A_67 = arith.constant 0 : i32
          %dma_wait3A_68 = tpu.memref_slice %arg10[%dma_wait3A_67] : memref<640xf32, #tpu.memory_space<vmem>> -> memref<624xf32, #tpu.memory_space<vmem>>
          tpu.wait_dma2 semaphore(%run_scoped3A : memref<!tpu.dma_semaphore, #tpu.memory_space<semaphore_mem>>) src(%dma_wait3A_68 : memref<624xf32, #tpu.memory_space<vmem>>) dst(%dma_wait3A_66 : memref<624xf32, #tpu.memory_space<hbm>>)
          tpu.yield
        }) : () -> ()
        "tpu.region"() ({
          %run_scoped3A = tpu.sem_alloc : memref<!tpu.dma_semaphore, #tpu.memory_space<semaphore_mem>>
          %dma_start3A_58 = arith.constant 0 : i32
          %dma_start3A_59 = tpu.memref_slice %arg10[%dma_start3A_58] : memref<640xf32, #tpu.memory_space<vmem>> -> memref<624xf32, #tpu.memory_space<vmem>>
          %dma_start3A_60 = tpu.memref_slice %arg12[%mul3A_6] : memref<10000xf32, #tpu.memory_space<vmem_shared>> -> memref<624xf32, #tpu.memory_space<vmem_shared>>
          %dma_start3A_61 = arith.constant 0 : i32
          %dma_start3A_62 = tpu.memref_slice %arg10[%dma_start3A_61] : memref<640xf32, #tpu.memory_space<vmem>> -> memref<624xf32, #tpu.memory_space<vmem>>
          %dma_start3A_63 = tpu.memref_slice %arg12[%mul3A_6] : memref<10000xf32, #tpu.memory_space<vmem_shared>> -> memref<624xf32, #tpu.memory_space<vmem_shared>>
          tpu.enqueue_dma source(%dma_start3A_63 : memref<624xf32, #tpu.memory_space<vmem_shared>>) target(%dma_start3A_62 : memref<624xf32, #tpu.memory_space<vmem>>) target_semaphore(%run_scoped3A : memref<!tpu.dma_semaphore, #tpu.memory_space<semaphore_mem>>)
          %dma_wait3A = arith.constant 0 : i32
          %dma_wait3A_64 = tpu.memref_slice %arg10[%dma_wait3A] : memref<640xf32, #tpu.memory_space<vmem>> -> memref<624xf32, #tpu.memory_space<vmem>>
          %dma_wait3A_65 = tpu.memref_slice %arg12[%mul3A_6] : memref<10000xf32, #tpu.memory_space<vmem_shared>> -> memref<624xf32, #tpu.memory_space<vmem_shared>>
          %dma_wait3A_66 = arith.constant 0 : i32
          %dma_wait3A_67 = tpu.memref_slice %arg10[%dma_wait3A_66] : memref<640xf32, #tpu.memory_space<vmem>> -> memref<624xf32, #tpu.memory_space<vmem>>
          %dma_wait3A_68 = tpu.memref_slice %arg12[%mul3A_6] : memref<10000xf32, #tpu.memory_space<vmem_shared>> -> memref<624xf32, #tpu.memory_space<vmem_shared>>
          tpu.wait_dma2 semaphore(%run_scoped3A : memref<!tpu.dma_semaphore, #tpu.memory_space<semaphore_mem>>) src(%dma_wait3A_68 : memref<624xf32, #tpu.memory_space<vmem_shared>>) dst(%dma_wait3A_67 : memref<624xf32, #tpu.memory_space<vmem>>)
          tpu.yield
        }) : () -> ()
        "tpu.region"() ({
          %run_scoped3A = tpu.sem_alloc : memref<!tpu.dma_semaphore, #tpu.memory_space<semaphore_mem>>
          %dma_start3A_58 = arith.constant 0 : i32
          %dma_start3A_59 = tpu.memref_slice %arg10[%dma_start3A_58] : memref<640xf32, #tpu.memory_space<vmem>> -> memref<624xf32, #tpu.memory_space<vmem>>
          %dma_start3A_60 = tpu.memref_slice %arg7[%mul3A_6] : memref<10000xf32, #tpu.memory_space<hbm>> -> memref<624xf32, #tpu.memory_space<hbm>>
          %dma_start3A_61 = tpu.memref_slice %arg7[%mul3A_6] : memref<10000xf32, #tpu.memory_space<hbm>> -> memref<624xf32, #tpu.memory_space<hbm>>
          %dma_start3A_62 = arith.constant 0 : i32
          %dma_start3A_63 = tpu.memref_slice %arg10[%dma_start3A_62] : memref<640xf32, #tpu.memory_space<vmem>> -> memref<624xf32, #tpu.memory_space<vmem>>
          tpu.enqueue_dma source(%dma_start3A_63 : memref<624xf32, #tpu.memory_space<vmem>>) target(%dma_start3A_61 : memref<624xf32, #tpu.memory_space<hbm>>) target_semaphore(%run_scoped3A : memref<!tpu.dma_semaphore, #tpu.memory_space<semaphore_mem>>)
          %dma_wait3A = arith.constant 0 : i32
          %dma_wait3A_64 = tpu.memref_slice %arg10[%dma_wait3A] : memref<640xf32, #tpu.memory_space<vmem>> -> memref<624xf32, #tpu.memory_space<vmem>>
          %dma_wait3A_65 = tpu.memref_slice %arg7[%mul3A_6] : memref<10000xf32, #tpu.memory_space<hbm>> -> memref<624xf32, #tpu.memory_space<hbm>>
          %dma_wait3A_66 = tpu.memref_slice %arg7[%mul3A_6] : memref<10000xf32, #tpu.memory_space<hbm>> -> memref<624xf32, #tpu.memory_space<hbm>>
          %dma_wait3A_67 = arith.constant 0 : i32
          %dma_wait3A_68 = tpu.memref_slice %arg10[%dma_wait3A_67] : memref<640xf32, #tpu.memory_space<vmem>> -> memref<624xf32, #tpu.memory_space<vmem>>
          tpu.wait_dma2 semaphore(%run_scoped3A : memref<!tpu.dma_semaphore, #tpu.memory_space<semaphore_mem>>) src(%dma_wait3A_68 : memref<624xf32, #tpu.memory_space<vmem>>) dst(%dma_wait3A_66 : memref<624xf32, #tpu.memory_space<hbm>>)
          tpu.yield
        }) : () -> ()
      } else {
      }
      %not3A = arith.constant true
      %not3A_54 = arith.xori %lt3A_40, %not3A : i1
      %convert_element_type3A_55 = arith.extui %not3A_54 : i1 to i32
      %cond3A_56 = arith.constant 0 : i32
      %cond3A_57 = arith.cmpi ne, %convert_element_type3A_55, %cond3A_56 : i32
      scf.if %cond3A_57 {
        "tpu.region"() ({
          %run_scoped3A = tpu.sem_alloc : memref<!tpu.dma_semaphore, #tpu.memory_space<semaphore_mem>>
          %dma_start3A_58 = arith.constant 0 : i32
          %dma_start3A_59 = tpu.memref_slice %arg10[%dma_start3A_58] : memref<640xf32, #tpu.memory_space<vmem>> -> memref<640xf32, #tpu.memory_space<vmem>>
          %dma_start3A_60 = tpu.memref_slice %arg11[%mul3A_6] : memref<10000xf32, #tpu.memory_space<vmem_shared>> -> memref<640xf32, #tpu.memory_space<vmem_shared>>
          %dma_start3A_61 = arith.constant 0 : i32
          %dma_start3A_62 = tpu.memref_slice %arg10[%dma_start3A_61] : memref<640xf32, #tpu.memory_space<vmem>> -> memref<640xf32, #tpu.memory_space<vmem>>
          %dma_start3A_63 = tpu.memref_slice %arg11[%mul3A_6] : memref<10000xf32, #tpu.memory_space<vmem_shared>> -> memref<640xf32, #tpu.memory_space<vmem_shared>>
          tpu.enqueue_dma source(%dma_start3A_63 : memref<640xf32, #tpu.memory_space<vmem_shared>>) target(%dma_start3A_62 : memref<640xf32, #tpu.memory_space<vmem>>) target_semaphore(%run_scoped3A : memref<!tpu.dma_semaphore, #tpu.memory_space<semaphore_mem>>)
          %dma_wait3A = arith.constant 0 : i32
          %dma_wait3A_64 = tpu.memref_slice %arg10[%dma_wait3A] : memref<640xf32, #tpu.memory_space<vmem>> -> memref<640xf32, #tpu.memory_space<vmem>>
          %dma_wait3A_65 = tpu.memref_slice %arg11[%mul3A_6] : memref<10000xf32, #tpu.memory_space<vmem_shared>> -> memref<640xf32, #tpu.memory_space<vmem_shared>>
          %dma_wait3A_66 = arith.constant 0 : i32
          %dma_wait3A_67 = tpu.memref_slice %arg10[%dma_wait3A_66] : memref<640xf32, #tpu.memory_space<vmem>> -> memref<640xf32, #tpu.memory_space<vmem>>
          %dma_wait3A_68 = tpu.memref_slice %arg11[%mul3A_6] : memref<10000xf32, #tpu.memory_space<vmem_shared>> -> memref<640xf32, #tpu.memory_space<vmem_shared>>
          tpu.wait_dma2 semaphore(%run_scoped3A : memref<!tpu.dma_semaphore, #tpu.memory_space<semaphore_mem>>) src(%dma_wait3A_68 : memref<640xf32, #tpu.memory_space<vmem_shared>>) dst(%dma_wait3A_67 : memref<640xf32, #tpu.memory_space<vmem>>)
          tpu.yield
        }) : () -> ()
        "tpu.region"() ({
          %run_scoped3A = tpu.sem_alloc : memref<!tpu.dma_semaphore, #tpu.memory_space<semaphore_mem>>
          %dma_start3A_58 = arith.constant 0 : i32
          %dma_start3A_59 = tpu.memref_slice %arg10[%dma_start3A_58] : memref<640xf32, #tpu.memory_space<vmem>> -> memref<640xf32, #tpu.memory_space<vmem>>
          %dma_start3A_60 = tpu.memref_slice %arg5[%mul3A_6] : memref<10000xf32, #tpu.memory_space<hbm>> -> memref<640xf32, #tpu.memory_space<hbm>>
          %dma_start3A_61 = tpu.memref_slice %arg5[%mul3A_6] : memref<10000xf32, #tpu.memory_space<hbm>> -> memref<640xf32, #tpu.memory_space<hbm>>
          %dma_start3A_62 = arith.constant 0 : i32
          %dma_start3A_63 = tpu.memref_slice %arg10[%dma_start3A_62] : memref<640xf32, #tpu.memory_space<vmem>> -> memref<640xf32, #tpu.memory_space<vmem>>
          tpu.enqueue_dma source(%dma_start3A_63 : memref<640xf32, #tpu.memory_space<vmem>>) target(%dma_start3A_61 : memref<640xf32, #tpu.memory_space<hbm>>) target_semaphore(%run_scoped3A : memref<!tpu.dma_semaphore, #tpu.memory_space<semaphore_mem>>)
          %dma_wait3A = arith.constant 0 : i32
          %dma_wait3A_64 = tpu.memref_slice %arg10[%dma_wait3A] : memref<640xf32, #tpu.memory_space<vmem>> -> memref<640xf32, #tpu.memory_space<vmem>>
          %dma_wait3A_65 = tpu.memref_slice %arg5[%mul3A_6] : memref<10000xf32, #tpu.memory_space<hbm>> -> memref<640xf32, #tpu.memory_space<hbm>>
          %dma_wait3A_66 = tpu.memref_slice %arg5[%mul3A_6] : memref<10000xf32, #tpu.memory_space<hbm>> -> memref<640xf32, #tpu.memory_space<hbm>>
          %dma_wait3A_67 = arith.constant 0 : i32
          %dma_wait3A_68 = tpu.memref_slice %arg10[%dma_wait3A_67] : memref<640xf32, #tpu.memory_space<vmem>> -> memref<640xf32, #tpu.memory_space<vmem>>
          tpu.wait_dma2 semaphore(%run_scoped3A : memref<!tpu.dma_semaphore, #tpu.memory_space<semaphore_mem>>) src(%dma_wait3A_68 : memref<640xf32, #tpu.memory_space<vmem>>) dst(%dma_wait3A_66 : memref<640xf32, #tpu.memory_space<hbm>>)
          tpu.yield
        }) : () -> ()
        "tpu.region"() ({
          %run_scoped3A = tpu.sem_alloc : memref<!tpu.dma_semaphore, #tpu.memory_space<semaphore_mem>>
          %dma_start3A_58 = arith.constant 0 : i32
          %dma_start3A_59 = tpu.memref_slice %arg10[%dma_start3A_58] : memref<640xf32, #tpu.memory_space<vmem>> -> memref<640xf32, #tpu.memory_space<vmem>>
          %dma_start3A_60 = tpu.memref_slice %arg12[%mul3A_6] : memref<10000xf32, #tpu.memory_space<vmem_shared>> -> memref<640xf32, #tpu.memory_space<vmem_shared>>
          %dma_start3A_61 = arith.constant 0 : i32
          %dma_start3A_62 = tpu.memref_slice %arg10[%dma_start3A_61] : memref<640xf32, #tpu.memory_space<vmem>> -> memref<640xf32, #tpu.memory_space<vmem>>
          %dma_start3A_63 = tpu.memref_slice %arg12[%mul3A_6] : memref<10000xf32, #tpu.memory_space<vmem_shared>> -> memref<640xf32, #tpu.memory_space<vmem_shared>>
          tpu.enqueue_dma source(%dma_start3A_63 : memref<640xf32, #tpu.memory_space<vmem_shared>>) target(%dma_start3A_62 : memref<640xf32, #tpu.memory_space<vmem>>) target_semaphore(%run_scoped3A : memref<!tpu.dma_semaphore, #tpu.memory_space<semaphore_mem>>)
          %dma_wait3A = arith.constant 0 : i32
          %dma_wait3A_64 = tpu.memref_slice %arg10[%dma_wait3A] : memref<640xf32, #tpu.memory_space<vmem>> -> memref<640xf32, #tpu.memory_space<vmem>>
          %dma_wait3A_65 = tpu.memref_slice %arg12[%mul3A_6] : memref<10000xf32, #tpu.memory_space<vmem_shared>> -> memref<640xf32, #tpu.memory_space<vmem_shared>>
          %dma_wait3A_66 = arith.constant 0 : i32
          %dma_wait3A_67 = tpu.memref_slice %arg10[%dma_wait3A_66] : memref<640xf32, #tpu.memory_space<vmem>> -> memref<640xf32, #tpu.memory_space<vmem>>
          %dma_wait3A_68 = tpu.memref_slice %arg12[%mul3A_6] : memref<10000xf32, #tpu.memory_space<vmem_shared>> -> memref<640xf32, #tpu.memory_space<vmem_shared>>
          tpu.wait_dma2 semaphore(%run_scoped3A : memref<!tpu.dma_semaphore, #tpu.memory_space<semaphore_mem>>) src(%dma_wait3A_68 : memref<640xf32, #tpu.memory_space<vmem_shared>>) dst(%dma_wait3A_67 : memref<640xf32, #tpu.memory_space<vmem>>)
          tpu.yield
        }) : () -> ()
        "tpu.region"() ({
          %run_scoped3A = tpu.sem_alloc : memref<!tpu.dma_semaphore, #tpu.memory_space<semaphore_mem>>
          %dma_start3A_58 = arith.constant 0 : i32
          %dma_start3A_59 = tpu.memref_slice %arg10[%dma_start3A_58] : memref<640xf32, #tpu.memory_space<vmem>> -> memref<640xf32, #tpu.memory_space<vmem>>
          %dma_start3A_60 = tpu.memref_slice %arg7[%mul3A_6] : memref<10000xf32, #tpu.memory_space<hbm>> -> memref<640xf32, #tpu.memory_space<hbm>>
          %dma_start3A_61 = tpu.memref_slice %arg7[%mul3A_6] : memref<10000xf32, #tpu.memory_space<hbm>> -> memref<640xf32, #tpu.memory_space<hbm>>
          %dma_start3A_62 = arith.constant 0 : i32
          %dma_start3A_63 = tpu.memref_slice %arg10[%dma_start3A_62] : memref<640xf32, #tpu.memory_space<vmem>> -> memref<640xf32, #tpu.memory_space<vmem>>
          tpu.enqueue_dma source(%dma_start3A_63 : memref<640xf32, #tpu.memory_space<vmem>>) target(%dma_start3A_61 : memref<640xf32, #tpu.memory_space<hbm>>) target_semaphore(%run_scoped3A : memref<!tpu.dma_semaphore, #tpu.memory_space<semaphore_mem>>)
          %dma_wait3A = arith.constant 0 : i32
          %dma_wait3A_64 = tpu.memref_slice %arg10[%dma_wait3A] : memref<640xf32, #tpu.memory_space<vmem>> -> memref<640xf32, #tpu.memory_space<vmem>>
          %dma_wait3A_65 = tpu.memref_slice %arg7[%mul3A_6] : memref<10000xf32, #tpu.memory_space<hbm>> -> memref<640xf32, #tpu.memory_space<hbm>>
          %dma_wait3A_66 = tpu.memref_slice %arg7[%mul3A_6] : memref<10000xf32, #tpu.memory_space<hbm>> -> memref<640xf32, #tpu.memory_space<hbm>>
          %dma_wait3A_67 = arith.constant 0 : i32
          %dma_wait3A_68 = tpu.memref_slice %arg10[%dma_wait3A_67] : memref<640xf32, #tpu.memory_space<vmem>> -> memref<640xf32, #tpu.memory_space<vmem>>
          tpu.wait_dma2 semaphore(%run_scoped3A : memref<!tpu.dma_semaphore, #tpu.memory_space<semaphore_mem>>) src(%dma_wait3A_68 : memref<640xf32, #tpu.memory_space<vmem>>) dst(%dma_wait3A_66 : memref<640xf32, #tpu.memory_space<hbm>>)
          tpu.yield
        }) : () -> ()
      } else {
      }
    } else {
    }
    return
  }
}

module attributes {stable_mosaic.version = 14 : i64} {
  func.func @_mm1_body(%arg0: i32, %arg1: memref<1000x128xf32, #tpu.memory_space<vmem>>, %arg2: memref<1000x4xf32, #tpu.memory_space<vmem>>, %arg3: memref<128x128xf32, #tpu.memory_space<vmem>>, %arg4: memref<1000x128xf32, #tpu.memory_space<vmem>>) attributes {dimension_semantics = [#tpu.dimension_semantics<arbitrary>], iteration_bounds = array<i64: 10>, scalar_prefetch = 0 : i64, scratch_operands = 0 : i64, tpu.core_type = #tpu.core_type<tc>, window_params = [{transform_indices = @transform_0, window_bounds = array<i64: 1000, 128>}, {transform_indices = @transform_1, window_bounds = array<i64: 1000, 4>}, {pipeline_mode = #tpu.pipeline_mode<synchronous>, transform_indices = @transform_2, window_bounds = array<i64: 128, 128>}, {transform_indices = @transform_3, window_bounds = array<i64: 1000, 128>}]} {
    %get3A = arith.constant 0 : index
    %get3A_0 = arith.constant 0 : index
    %get3A_1 = vector.load %arg1[%get3A, %get3A_0] : memref<1000x128xf32, #tpu.memory_space<vmem>>, vector<1000x128xf32>
    %get3A_2 = arith.constant 0 : index
    %get3A_3 = arith.constant 0 : index
    %get3A_4 = vector.load %arg2[%get3A_2, %get3A_3] : memref<1000x4xf32, #tpu.memory_space<vmem>>, vector<1000x1xf32>
    %get3A_5 = arith.constant 0 : index
    %get3A_6 = arith.constant 1 : index
    %get3A_7 = vector.load %arg2[%get3A_5, %get3A_6] : memref<1000x4xf32, #tpu.memory_space<vmem>>, vector<1000x1xf32>
    %add3A = arith.addf %get3A_4, %get3A_7 : vector<1000x1xf32>
    %max3A = arith.constant 1.000000e+00 : f32
    %max3A_8 = vector.broadcast %max3A : f32 to vector<1000x1xf32>
    %max3A_9 = arith.maximumf %add3A, %max3A_8 : vector<1000x1xf32>
    %rsqrt3A = math.rsqrt %max3A_9 : vector<1000x1xf32>
    %mul3A = vector.broadcast %rsqrt3A : vector<1000x1xf32> to vector<1000x128xf32>
    %mul3A_10 = arith.mulf %get3A_1, %mul3A : vector<1000x128xf32>
    %get3A_11 = arith.constant 0 : index
    %get3A_12 = arith.constant 0 : index
    %get3A_13 = vector.load %arg3[%get3A_11, %get3A_12] : memref<128x128xf32, #tpu.memory_space<vmem>>, vector<128x128xf32>
    %dot_general3A = arith.constant dense<0.000000e+00> : vector<1000x128xf32>
    %dot_general3A_14 = tpu.matmul %mul3A_10, %get3A_13, %dot_general3A {dimension_numbers = #tpu.dot_dimension_numbers<[1], [0], [0], [1], [0, 0, 1, 1], [], []>, transpose_lhs_hint = false} : vector<1000x128xf32>, vector<128x128xf32>, vector<1000x128xf32> -> vector<1000x128xf32>
    %swap3A = arith.constant 0 : index
    %swap3A_15 = arith.constant 0 : index
    %swap3A_16 = vector.load %arg4[%swap3A, %swap3A_15] : memref<1000x128xf32, #tpu.memory_space<vmem>>, vector<1000x128xf32>
    tpu.vector_store %arg4[%swap3A, %swap3A_15], %dot_general3A_14 {strides = array<i32>} : memref<1000x128xf32, #tpu.memory_space<vmem>>, vector<1000x128xf32>,
    return
  }
  func.func @transform_0(%arg0: i32) -> (i32, i32) {
    %c0_i32 = arith.constant 0 : i32
    %c0_i32_0 = arith.constant 0 : i32
    return %arg0, %c0_i32 : i32, i32
  }
  func.func @transform_1(%arg0: i32) -> (i32, i32) {
    %c0_i32 = arith.constant 0 : i32
    %c0_i32_0 = arith.constant 0 : i32
    return %arg0, %c0_i32 : i32, i32
  }
  func.func @transform_2(%arg0: i32) -> (i32, i32) {
    %c0_i32 = arith.constant 0 : i32
    %c0_i32_0 = arith.constant 0 : i32
    %c0_i32_1 = arith.constant 0 : i32
    return %c0_i32, %c0_i32_0 : i32, i32
  }
  func.func @transform_3(%arg0: i32) -> (i32, i32) {
    %c0_i32 = arith.constant 0 : i32
    %c0_i32_0 = arith.constant 0 : i32
    return %arg0, %c0_i32 : i32, i32
  }
}

module attributes {stable_mosaic.version = 14 : i64} {
  func.func @_mid_body(%arg0: i32, %arg1: memref<2x1000x128xf32, #tpu.memory_space<vmem>>, %arg2: memref<1000x4xf32, #tpu.memory_space<vmem>>, %arg3: memref<1x128xf32, #tpu.memory_space<vmem>>, %arg4: memref<128x128xf32, #tpu.memory_space<vmem>>, %arg5: memref<1000x128xf32, #tpu.memory_space<vmem>>) attributes {dimension_semantics = [#tpu.dimension_semantics<arbitrary>], iteration_bounds = array<i64: 10>, scalar_prefetch = 0 : i64, scratch_operands = 0 : i64, tpu.core_type = #tpu.core_type<tc>, window_params = [{transform_indices = @transform_0, window_bounds = array<i64: 2, 1000, 128>}, {transform_indices = @transform_1, window_bounds = array<i64: 1000, 4>}, {pipeline_mode = #tpu.pipeline_mode<synchronous>, transform_indices = @transform_2, window_bounds = array<i64: 1, 128>}, {pipeline_mode = #tpu.pipeline_mode<synchronous>, transform_indices = @transform_3, window_bounds = array<i64: 128, 128>}, {transform_indices = @transform_4, window_bounds = array<i64: 1000, 128>}]} {
    %get3A = arith.constant 0 : index
    %get3A_0 = arith.constant 0 : index
    %get3A_1 = arith.constant 0 : index
    %get3A_2 = vector.load %arg1[%get3A, %get3A_0, %get3A_1] : memref<2x1000x128xf32, #tpu.memory_space<vmem>>, vector<1x1000x128xf32>
    %get3A_3 = vector.shape_cast %get3A_2 : vector<1x1000x128xf32> to vector<1000x128xf32>
    %get3A_4 = arith.constant 1 : index
    %get3A_5 = arith.constant 0 : index
    %get3A_6 = arith.constant 0 : index
    %get3A_7 = vector.load %arg1[%get3A_4, %get3A_5, %get3A_6] : memref<2x1000x128xf32, #tpu.memory_space<vmem>>, vector<1x1000x128xf32>
    %get3A_8 = vector.shape_cast %get3A_7 : vector<1x1000x128xf32> to vector<1000x128xf32>
    %add3A = arith.addf %get3A_3, %get3A_8 : vector<1000x128xf32>
    %get3A_9 = arith.constant 0 : index
    %get3A_10 = arith.constant 2 : index
    %get3A_11 = vector.load %arg2[%get3A_9, %get3A_10] : memref<1000x4xf32, #tpu.memory_space<vmem>>, vector<1000x1xf32>
    %get3A_12 = arith.constant 0 : index
    %get3A_13 = arith.constant 3 : index
    %get3A_14 = vector.load %arg2[%get3A_12, %get3A_13] : memref<1000x4xf32, #tpu.memory_space<vmem>>, vector<1000x1xf32>
    %add3A_15 = arith.addf %get3A_11, %get3A_14 : vector<1000x1xf32>
    %max3A = arith.constant 1.000000e+00 : f32
    %max3A_16 = vector.broadcast %max3A : f32 to vector<1000x1xf32>
    %max3A_17 = arith.maximumf %add3A_15, %max3A_16 : vector<1000x1xf32>
    %rsqrt3A = math.rsqrt %max3A_17 : vector<1000x1xf32>
    %mul3A = vector.broadcast %rsqrt3A : vector<1000x1xf32> to vector<1000x128xf32>
    %mul3A_18 = arith.mulf %add3A, %mul3A : vector<1000x128xf32>
    %get3A_19 = arith.constant 0 : index
    %get3A_20 = arith.constant 0 : index
    %get3A_21 = vector.load %arg3[%get3A_19, %get3A_20] : memref<1x128xf32, #tpu.memory_space<vmem>>, vector<1x128xf32>
    %add3A_22 = vector.broadcast %get3A_21 : vector<1x128xf32> to vector<1000x128xf32>
    %add3A_23 = arith.addf %mul3A_18, %add3A_22 : vector<1000x128xf32>
    %max3A_24 = arith.constant 0.000000e+00 : f32
    %max3A_25 = vector.broadcast %max3A_24 : f32 to vector<1000x128xf32>
    %max3A_26 = arith.maximumf %add3A_23, %max3A_25 : vector<1000x128xf32>
    %get3A_27 = arith.constant 0 : index
    %get3A_28 = arith.constant 0 : index
    %get3A_29 = vector.load %arg2[%get3A_27, %get3A_28] : memref<1000x4xf32, #tpu.memory_space<vmem>>, vector<1000x1xf32>
    %get3A_30 = arith.constant 0 : index
    %get3A_31 = arith.constant 1 : index
    %get3A_32 = vector.load %arg2[%get3A_30, %get3A_31] : memref<1000x4xf32, #tpu.memory_space<vmem>>, vector<1000x1xf32>
    %add3A_33 = arith.addf %get3A_29, %get3A_32 : vector<1000x1xf32>
    %max3A_34 = arith.constant 1.000000e+00 : f32
    %max3A_35 = vector.broadcast %max3A_34 : f32 to vector<1000x1xf32>
    %max3A_36 = arith.maximumf %add3A_33, %max3A_35 : vector<1000x1xf32>
    %rsqrt3A_37 = math.rsqrt %max3A_36 : vector<1000x1xf32>
    %mul3A_38 = vector.broadcast %rsqrt3A_37 : vector<1000x1xf32> to vector<1000x128xf32>
    %mul3A_39 = arith.mulf %max3A_26, %mul3A_38 : vector<1000x128xf32>
    %get3A_40 = arith.constant 0 : index
    %get3A_41 = arith.constant 0 : index
    %get3A_42 = vector.load %arg4[%get3A_40, %get3A_41] : memref<128x128xf32, #tpu.memory_space<vmem>>, vector<128x128xf32>
    %dot_general3A = arith.constant dense<0.000000e+00> : vector<1000x128xf32>
    %dot_general3A_43 = tpu.matmul %mul3A_39, %get3A_42, %dot_general3A {dimension_numbers = #tpu.dot_dimension_numbers<[1], [0], [0], [1], [0, 0, 1, 1], [], []>, transpose_lhs_hint = false} : vector<1000x128xf32>, vector<128x128xf32>, vector<1000x128xf32> -> vector<1000x128xf32>
    %swap3A = arith.constant 0 : index
    %swap3A_44 = arith.constant 0 : index
    %swap3A_45 = vector.load %arg5[%swap3A, %swap3A_44] : memref<1000x128xf32, #tpu.memory_space<vmem>>, vector<1000x128xf32>
    tpu.vector_store %arg5[%swap3A, %swap3A_44], %dot_general3A_43 {strides = array<i32>} : memref<1000x128xf32, #tpu.memory_space<vmem>>, vector<1000x128xf32>,
    return
  }
  func.func @transform_0(%arg0: i32) -> (i32, i32, i32) {
    %c0_i32 = arith.constant 0 : i32
    %c0_i32_0 = arith.constant 0 : i32
    %c0_i32_1 = arith.constant 0 : i32
    return %c0_i32, %arg0, %c0_i32_0 : i32, i32, i32
  }
  func.func @transform_1(%arg0: i32) -> (i32, i32) {
    %c0_i32 = arith.constant 0 : i32
    %c0_i32_0 = arith.constant 0 : i32
    return %arg0, %c0_i32 : i32, i32
  }
  func.func @transform_2(%arg0: i32) -> (i32, i32) {
    %c0_i32 = arith.constant 0 : i32
    %c0_i32_0 = arith.constant 0 : i32
    %c0_i32_1 = arith.constant 0 : i32
    return %c0_i32, %c0_i32_0 : i32, i32
  }
  func.func @transform_3(%arg0: i32) -> (i32, i32) {
    %c0_i32 = arith.constant 0 : i32
    %c0_i32_0 = arith.constant 0 : i32
    %c0_i32_1 = arith.constant 0 : i32
    return %c0_i32, %c0_i32_0 : i32, i32
  }
  func.func @transform_4(%arg0: i32) -> (i32, i32) {
    %c0_i32 = arith.constant 0 : i32
    %c0_i32_0 = arith.constant 0 : i32
    return %arg0, %c0_i32 : i32, i32
  }
}

module attributes {stable_mosaic.version = 14 : i64} {
  func.func @_final_body(%arg0: i32, %arg1: memref<2x1000x128xf32, #tpu.memory_space<vmem>>, %arg2: memref<1000x4xf32, #tpu.memory_space<vmem>>, %arg3: memref<1x128xf32, #tpu.memory_space<vmem>>, %arg4: memref<1000x128xf32, #tpu.memory_space<vmem>>) attributes {dimension_semantics = [#tpu.dimension_semantics<arbitrary>], iteration_bounds = array<i64: 10>, scalar_prefetch = 0 : i64, scratch_operands = 0 : i64, tpu.core_type = #tpu.core_type<tc>, window_params = [{transform_indices = @transform_0, window_bounds = array<i64: 2, 1000, 128>}, {transform_indices = @transform_1, window_bounds = array<i64: 1000, 4>}, {pipeline_mode = #tpu.pipeline_mode<synchronous>, transform_indices = @transform_2, window_bounds = array<i64: 1, 128>}, {transform_indices = @transform_3, window_bounds = array<i64: 1000, 128>}]} {
    %get3A = arith.constant 0 : index
    %get3A_0 = arith.constant 0 : index
    %get3A_1 = arith.constant 0 : index
    %get3A_2 = vector.load %arg1[%get3A, %get3A_0, %get3A_1] : memref<2x1000x128xf32, #tpu.memory_space<vmem>>, vector<1x1000x128xf32>
    %get3A_3 = vector.shape_cast %get3A_2 : vector<1x1000x128xf32> to vector<1000x128xf32>
    %get3A_4 = arith.constant 1 : index
    %get3A_5 = arith.constant 0 : index
    %get3A_6 = arith.constant 0 : index
    %get3A_7 = vector.load %arg1[%get3A_4, %get3A_5, %get3A_6] : memref<2x1000x128xf32, #tpu.memory_space<vmem>>, vector<1x1000x128xf32>
    %get3A_8 = vector.shape_cast %get3A_7 : vector<1x1000x128xf32> to vector<1000x128xf32>
    %add3A = arith.addf %get3A_3, %get3A_8 : vector<1000x128xf32>
    %get3A_9 = arith.constant 0 : index
    %get3A_10 = arith.constant 2 : index
    %get3A_11 = vector.load %arg2[%get3A_9, %get3A_10] : memref<1000x4xf32, #tpu.memory_space<vmem>>, vector<1000x1xf32>
    %get3A_12 = arith.constant 0 : index
    %get3A_13 = arith.constant 3 : index
    %get3A_14 = vector.load %arg2[%get3A_12, %get3A_13] : memref<1000x4xf32, #tpu.memory_space<vmem>>, vector<1000x1xf32>
    %add3A_15 = arith.addf %get3A_11, %get3A_14 : vector<1000x1xf32>
    %max3A = arith.constant 1.000000e+00 : f32
    %max3A_16 = vector.broadcast %max3A : f32 to vector<1000x1xf32>
    %max3A_17 = arith.maximumf %add3A_15, %max3A_16 : vector<1000x1xf32>
    %rsqrt3A = math.rsqrt %max3A_17 : vector<1000x1xf32>
    %mul3A = vector.broadcast %rsqrt3A : vector<1000x1xf32> to vector<1000x128xf32>
    %mul3A_18 = arith.mulf %add3A, %mul3A : vector<1000x128xf32>
    %get3A_19 = arith.constant 0 : index
    %get3A_20 = arith.constant 0 : index
    %get3A_21 = vector.load %arg3[%get3A_19, %get3A_20] : memref<1x128xf32, #tpu.memory_space<vmem>>, vector<1x128xf32>
    %add3A_22 = vector.broadcast %get3A_21 : vector<1x128xf32> to vector<1000x128xf32>
    %add3A_23 = arith.addf %mul3A_18, %add3A_22 : vector<1000x128xf32>
    %max3A_24 = arith.constant 0.000000e+00 : f32
    %max3A_25 = vector.broadcast %max3A_24 : f32 to vector<1000x128xf32>
    %max3A_26 = arith.maximumf %add3A_23, %max3A_25 : vector<1000x128xf32>
    %swap3A = arith.constant 0 : index
    %swap3A_27 = arith.constant 0 : index
    %swap3A_28 = vector.load %arg4[%swap3A, %swap3A_27] : memref<1000x128xf32, #tpu.memory_space<vmem>>, vector<1000x128xf32>
    tpu.vector_store %arg4[%swap3A, %swap3A_27], %max3A_26 {strides = array<i32>} : memref<1000x128xf32, #tpu.memory_space<vmem>>, vector<1000x128xf32>,
    return
  }
  func.func @transform_0(%arg0: i32) -> (i32, i32, i32) {
    %c0_i32 = arith.constant 0 : i32
    %c0_i32_0 = arith.constant 0 : i32
    %c0_i32_1 = arith.constant 0 : i32
    return %c0_i32, %arg0, %c0_i32_0 : i32, i32, i32
  }
  func.func @transform_1(%arg0: i32) -> (i32, i32) {
    %c0_i32 = arith.constant 0 : i32
    %c0_i32_0 = arith.constant 0 : i32
    return %arg0, %c0_i32 : i32, i32
  }
  func.func @transform_2(%arg0: i32) -> (i32, i32) {
    %c0_i32 = arith.constant 0 : i32
    %c0_i32_0 = arith.constant 0 : i32
    %c0_i32_1 = arith.constant 0 : i32
    return %c0_i32, %c0_i32_0 : i32, i32
  }
  func.func @transform_3(%arg0: i32) -> (i32, i32) {
    %c0_i32 = arith.constant 0 : i32
    %c0_i32_0 = arith.constant 0 : i32
    return %arg0, %c0_i32 : i32, i32
  }
}

</mosaic_0001>

<sc_bundles>
// kernel: kernel.11.cloned.1.call-start
scs
__scs_entry_jumppad:
0x0: {  	(pc) =	sbr.rel $0x88, $3  }
0x1: {  	(tag) =	ssettag $0x0;
	lr =	simm.s32 $0x1  }
0x2: {  	[smem:$0x3F9B] =	sst lr;
	_ =	strace $0xD0000000  }
0x3: {  	_ = 	snop  }
0x4: {  	_ = 	snop  }
0x5: {  	_ = 	snop  }
0x6: {  	_ = 	snop  }
0x7: {  	_ = 	snop  }
__scs_overlays_trampoline_lowered:
0x8: {  	[smem:$0x3FAA] =	sst s0  }
0x9: {  	[smem:$0x3FAB] =	sst s1  }
0xa: {  	[smem:$0x3FAC] =	sst s2  }
0xb: {  	[smem:$0x3FAD] =	sst s3  }
0xc: {  	[smem:$0x3FAE] =	sst s4  }
0xd: {  	[smem:$0x3FAF] =	sst s5  }
0xe: {  	[smem:$0x3FB0] =	sst s6  }
0xf: {  	[smem:$0x3FB1] =	sst s7  }
0x10: {  	[smem:$0x3FB2] =	sst s8  }
0x11: {  	[smem:$0x3FB3] =	sst s9;
	s0 =	simm.s32 @!p0 $0x0  }
0x12: {  	s1 =	sld [smem:$0x3F99];
	s0 =	simm.s32 @p0 $0x1  }
0x13: {  	[smem:$0x3FB4] =	sst s0;
	s0 =	simm.s32 @!p1 $0x0  }
0x14: {  	s2 =	sld [smem:$0x3F98];
	s0 =	simm.s32 @p1 $0x1  }
0x15: {  	[smem:$0x3FB5] =	sst s0;
	s0 =	simm.s32 @!p2 $0x0  }
0x16: {  	s3 =	sld [smem:$0x3FDB];
	s0 =	simm.s32 @p2 $0x1  }
0x17: {  	s4 =	simm.s32 $0x1BF5;
	[smem:$0x3FB7] =	sst s0  }
0x18: {  	s0 =	sld [smem:$0x3F9A];
	_ =	swait.ge [sflag:s4], $0x0  }
0x19: {  	s7 =	sld [smem:$0x3F9B]  }
0x1a: {  	s8 =	sadd.s32 $0xFFFFE003, lr  }
0x1b: {  	s9 =	sadd.s32 $0xFFFFFEF7, lr;
	s5 =	simm.s32 $0xFFFFFFFF;
	p2 =	slt.u32 s8, $0xFFFFF086  }
0x1c: {  	p1 =	slt.u32 s9, $0xF7A;
	s5 =	simm.s32 @!p2 $0x0  }
0x1d: {  	s5 =	simm.s32 @p1 $0x1;
	p0 =	seq.s32 s7, s2  }
0x1e: {  	s7 =	smul.u32 @!p0 $0xF7A, s2;
	p2 =	seq.s32 @!p0 s5, $0x0  }
0x1f: {  	s9 =	smul.u32 $0xF7A, s1;
	s8 =	simm.s32 @!p0 $0x1BF5;
	p2 =	por !p2, p0  }
0x20: {  	[sflag:s8] =	ssyncset.s32 @!p0 $0xFFFFF086;
	s6 =	sadd.s32 @!p0 s3, s7;
	s7 =	simm.s32 @!p0 $0x108  }
0x21: {  	s3 =	sadd.s32 s3, s9;
	s6 =	sadd.s32 @!p0 $0x88, s6;
	s7 =	simm.s32 @p2 $0x1082  }
0x22: {  	[simem:s7], [sflag:s8] =	dma.local @!p0 [hbm:s6], $0xF7A  }
0x23: {  	s9 =	sor.u32 $0xD0000000, s2;
	s6 =	simm.s32 $0x108;
	_ =	swait.ge @!p0 [sflag:s8], $0x0  }
0x24: {  	s3 =	sadd.s32 $0x88, s3;
	s6 =	simm.s32 @!p1 $0x1082;
	[sflag:s4] =	ssyncset.s32 $0xFFFFF086  }
0x25: {  	[simem:s6], [sflag:s4] =	dma.local [hbm:s3], $0xF7A  }
0x26: {  	[smem:$0x3F9B] =	sst s1;
	(tag) =	ssettag s2;
	_ =	strace s9  }
0x27: {  	s1 =	sld [smem:$0x3FAB]  }
0x28: {  	s2 =	sld [smem:$0x3FAC]  }
0x29: {  	s4 =	sld [smem:$0x3FAE]  }
0x2a: {  	p0 =	seq.s32 s5, $0x0;
	s5 =	sld [smem:$0x3FAF]  }
0x2b: {  	s6 =	sld [smem:$0x3FB0]  }
0x2c: {  	s7 =	sld [smem:$0x3FB1]  }
0x2d: {  	s3 =	simm.s32 $0x108;
	s8 =	sld [smem:$0x3FB2]  }
0x2e: {  	s3 =	simm.s32 @!p0 $0x1082;
	s9 =	sld [smem:$0x3FB3]  }
0x2f: {  	lr =	sadd.s32 s0, s3;
	s0 =	sld [smem:$0x3FAA]  }
0x30: {  	s3 =	sld [smem:$0x3FAD]  }
0x31: {  	[smem:$0x3FB6] =	sst s10  }
0x32: {  	s10 =	sld [smem:$0x3FB4];
	_ =	sdelay $0x3  }
0x33: {  	p0 =	seq.s32 s10, $0x1;
	s10 =	sld [smem:$0x3FB6];
	_ =	sdelay $0x3  }
0x34: {  	[smem:$0x3FB6] =	sst s10  }
0x35: {  	s10 =	sld [smem:$0x3FB5];
	_ =	sdelay $0x3  }
0x36: {  	p1 =	seq.s32 s10, $0x1;
	s10 =	sld [smem:$0x3FB6];
	_ =	sdelay $0x3  }
0x37: {  	[smem:$0x3FB6] =	sst s10  }
0x38: {  	s10 =	sld [smem:$0x3FB7]  }
0x39: {  	_ = 	snop;
	(pc) =	sbr.ind lr, $3  }
0x3a: {  	_ = 	snop  }
0x3b: {  	_ = 	snop  }
0x3c: {  	p2 =	seq.s32 s10, $0x1;
	s10 =	sld [smem:$0x3FB6]  }
0x3d: {  	_ =	shalt  }
0x3e: {  	_ =	shalt  }
0x3f: {  	_ =	shalt  }
0x40: {  	_ =	shalt  }
0x41: {  	_ =	shalt  }
0x42: {  	_ =	shalt  }
0x43: {  	_ =	shalt  }
0x44: {  	_ =	shalt  }
0x45: {  	_ =	shalt  }
0x46: {  	_ =	shalt  }
0x47: {  	_ =	shalt  }
0x48: {  	_ =	shalt  }
0x49: {  	_ =	shalt  }
0x4a: {  	_ =	shalt  }
0x4b: {  	_ =	shalt  }
0x4c: {  	_ =	shalt  }
0x4d: {  	_ =	shalt  }
0x4e: {  	_ =	shalt  }
0x4f: {  	_ =	shalt  }
0x50: {  	_ =	shalt  }
0x51: {  	_ =	shalt  }
0x52: {  	_ =	shalt  }
0x53: {  	_ =	shalt  }
0x54: {  	_ =	shalt  }
0x55: {  	_ =	shalt  }
0x56: {  	_ =	shalt  }
0x57: {  	_ =	shalt  }
0x58: {  	_ =	shalt  }
0x59: {  	_ =	shalt  }
0x5a: {  	_ =	shalt  }
0x5b: {  	_ =	shalt  }
0x5c: {  	_ =	shalt  }
0x5d: {  	_ =	shalt  }
0x5e: {  	_ =	shalt  }
0x5f: {  	_ =	shalt  }
0x60: {  	_ =	shalt  }
0x61: {  	_ =	shalt  }
0x62: {  	_ =	shalt  }
0x63: {  	_ =	shalt  }
0x64: {  	_ =	shalt  }
0x65: {  	_ =	shalt  }
0x66: {  	_ =	shalt  }
0x67: {  	_ =	shalt  }
0x68: {  	_ =	shalt  }
0x69: {  	_ =	shalt  }
0x6a: {  	_ =	shalt  }
0x6b: {  	_ =	shalt  }
0x6c: {  	_ =	shalt  }
0x6d: {  	_ =	shalt  }
0x6e: {  	_ =	shalt  }
0x6f: {  	_ =	shalt  }
0x70: {  	_ =	shalt  }
0x71: {  	_ =	shalt  }
0x72: {  	_ =	shalt  }
0x73: {  	_ =	shalt  }
0x74: {  	_ =	shalt  }
0x75: {  	_ =	shalt  }
0x76: {  	_ =	shalt  }
0x77: {  	_ =	shalt  }
0x78: {  	_ =	shalt  }
0x79: {  	_ =	shalt  }
0x7a: {  	_ =	shalt  }
0x7b: {  	_ =	shalt  }
0x7c: {  	_ =	shalt  }
0x7d: {  	_ =	shalt  }
0x7e: {  	_ =	shalt  }
0x7f: {  	_ =	shalt  }
0x80: {  	_ =	shalt  }
0x81: {  	_ =	shalt  }
0x82: {  	_ =	shalt  }
0x83: {  	_ =	shalt  }
0x84: {  	_ =	shalt  }
0x85: {  	_ =	shalt  }
0x86: {  	_ =	shalt  }
0x87: {  	_ =	shalt  }
.Lfunc_end0:
.L_simem_size_0:
called_computation.1_lowered:
.L_overlay_start_0:
0x88: {  	s2 =	sld [smem:$0x3FD9]  }
0x89: {  	s3 =	sld [smem:$0x3FFE];
	_ =	sdelay $0x1  }
0x8a: {  	s1 =	srdreg.scid  }
0x8b: {  	s0 =	sand.u32 $0x1, s1  }
0x8c: {  	s17 =	sshll.u32 s0, $0xA;
	s2 =	sadd.s32 s3, s2  }
0x8d: {  	s2 =	sadd.s32 s2, s17  }
0x8e: {  	[smem:$0x3FC2] =	sst s2  }
0x8f: {  	_ = 	snop  }
0x90: {  	s2 =	sld [smem:$0x3FD0];
	(tm) =	ssettm $0x1  }
0x91: {  	s18 =	sld [smem:$0x3FFB];
	_ =	sdelay $0x3  }
0x92: {  	_ =	strace s18  }
0x93: {  	s3 =	sld [smem:$0x3FFC];
	_ =	sdelay $0x3  }
0x94: {  	_ =	strace s3  }
0x95: {  	s3 =	sld [smem:$0x3FFD];
	_ =	sdelay $0x3  }
0x96: {  	_ =	strace s3  }
0x97: {  	_ =	strace $0x8FFFFFFF  }
0x98: {  	s19 =	sld [smem:$0x3FDB];
	_ =	sdelay $0x1  }
0x99: {  	s4 =	simm.s32 $_scs_section_size  }
0x9a: {  	s5 =	simm.s32 $_size__tile_overlayer_lowered;
	s6 =	simm.s32 $_tile_overlayer_lowered  }
0x9b: {  	s22 =	simm.s32 $0x1BFF;
	s21 =	sshll.u32 s6, $0x1;
	s3 =	sadd.s32 s4, s19  }
0x9c: {  	s7 =	simm.s32 $0x0;
	s20 =	sshll.u32 s5, $0x1;
	s5 =	sadd.s32 s21, s3  }
0x9d: {  	[timem:s7], [sflag:s22] =	dma.local [hbm:s5], s20  }
0x9e: {  	_ =	swait.ge [sflag:s22], s20  }
0x9f: {  	s4 =	ssub.s32 $0x0, s20;
	[sflag:s22] =	ssyncset.done $0x0  }
0xa0: {  	[sflag:s22] =	ssyncadd.s32 s4;
	_ =	sdelay $0x1  }
0xa1: {  	s23 =	simm.s32 $0x1B8B  }
0xa2: {  	_ =	swait.ge [sflag:s23], $0x1  }
0xa3: {  	[sflag:s23] =	ssyncset.done $0x0  }
0xa4: {  	s25 =	simm.s32 $0x1B8E;
	s24 =	sld [smem:$0x3FFE];
	[sflag:s23] =	ssyncadd.s32 $0xFFFFFFFF  }
0xa5: {  	s26 =	simm.s32 $execute0_lowered;
	[smem:$0x3FD2] =	sst s25  }
0xa6: {  	s5 =	sshll.u32 s26, $0x1;
	_ =	strace $0x80000049;
	[dreg:$0x1] =	wrdreg $0xFFFFFFFF  }
0xa7: {  	s28 =	simm.s32 $_size_execute0_lowered;
	s3 =	sadd.s32 s3, s5;
	[dreg:$0x0] =	wrdreg $0x0  }
0xa8: {  	s5 =	sshll.u32 s28, $0x1;
	[dreg:$0x2] =	wrdreg s3  }
0xa9: {  	[dreg:$0x3] =	wrdreg s5  }
0xaa: {  	[dreg:$0x4] =	wrdreg $0xC0  }
0xab: {  	_ =	task [dreg:s7], $0x5FFFF  }
0xac: {  	[dreg:$0x1] =	wrdreg $0xFFFFFFFF  }
0xad: {  	[dreg:$0x0] =	wrdreg $0x60  }
0xae: {  	[dreg:$0x2] =	wrdreg s2  }
0xaf: {  	[dreg:$0x3] =	wrdreg s24  }
0xb0: {  	[dreg:$0x4] =	wrdreg $0x98000  }
0xb1: {  	[dreg:$0x5] =	wrdreg $0x9  }
0xb2: {  	_ =	task.clear_ibuf [dreg:s7], $0x6FFFF;
	_ =	strace $0x90000049  }
0xb3: {  	s29 =	simm.s32 $0x9;
	_ =	strace $0x8000004B  }
0xb4: {  	_ =	swait.ge [sflag:s29], $0x1  }
0xb5: {  	[sflag:s29] =	ssyncadd.s32 $0xFFFFFFFF  }
0xb6: {  	_ =	strace $0x9000004B  }
0xb7: {  	_ =	sfence  }
0xb8: {  	s30 =	sld [smem:$0x0];
	_ =	sdelay $0x2  }
0xb9: {  	s31 =	sshll.u32 s1, $0xD;
	s1 =	sshrl.u32 s1, $0x2  }
0xba: {  	s3 =	sand.u32 $0x4000, s31;
	s1 =	sadd.s32 s1, s30  }
0xbb: {  	s0 =	sor.u32 s3, s0;
	s1 =	sshll.u32 s1, $0x11  }
0xbc: {  	s0 =	sor.u32 s1, s0  }
0xbd: {  	s0 =	sadd.s32 $0x8F2B, s0  }
0xbe: {  	[sflag:s0] =	ssyncadd.remote.s32 $0x1  }
0xbf: {  	_ =	sfence.sel $0xFFFF  }
0xc0: {  	[dreg:$0x0] =	wrdreg $0xFFFFFFFF;
	(pc) =	sbr.abs _section_cstart, $3  }
0xc1: {  	[dreg:$0x1] =	wrdreg $0xFFFFFFFF  }
0xc2: {  	_ =	task.clear_ibuf [dreg:s7], $0x2FFFF;
	_ =	strace $0x9FFFFFFF  }
0xc3: {  	(tm) =	ssettm $0x7FFFFFFF  }
tec
execute0_lowered:
.L_overlay_start_1:
0x0: {  	(tag) =	ssettag $0x1  }
0x1: {  	s1 =	rddreg [dreg:$0x0]  }
0x2: {  	s0 =	rddreg [dreg:$0x1]  }
0x3: {  	s2 =	rddreg [dreg:$0x2];
	s4 =	simm.s32 $0x0;
	s3 =	srdreg.scid  }
0x4: {  	s21 =	stileid.u32;
	[smem:$0x7FF] =	sst s4  }
0x5: {  	s3 =	sand.u32 $0x1, s3;
	s6 =	smul.u32 $0x13800, s21;
	s7 =	sadd.s32 $0x3BE00, s0  }
0x6: {  	s10 =	smul.u32 $0x4E000, s21;
	p0 =	seq.s32 s21, $0xF;
	_ =	strace $0x8000004A  }
0x7: {  	s5 =	ssub.s32 $0x2, s3;
	s9 =	smul.u32 $0x138800, s3;
	s3 =	sshll.u32 s3, $0x4  }
0x8: {  	s8 =	sshrl.u32 s5, $0x1;
	s17 =	sadd.s32 $0x2800, s6;
	s3 =	sor.u32 s21, s3  }
0x9: {  	s26 =	sshrl.u32 s10, $0x2;
	s5 =	ssub.s32 s5, s8;
	s8 =	sadd.s32 $0x11800, s6  }
0xa: {  	s12 =	sadd.s32 s9, s6;
	s18 =	sadd.s32 s9, s17;
	s15 =	sadd.s32 s26, s2  }
0xb: {  	s11 =	sadd.s32 s9, s8;
	s12 =	sshrl.u32 s12, $0x3;
	s10 =	smax.u32 s5, $0x1  }
0xc: {  	s21 =	sadd.s32 $0xC800, s15;
	s11 =	sshrl.u32 s11, $0x3;
	[dreg:$0xd] =	wrdreg s10  }
0xd: {  	s16 =	sadd.s32 s7, s12;
	[smem:$0x7F8] =	sst s21;
	s11 =	sadd.s32 s7, s11  }
0xe: {  	s12 =	sadd.s32 $0x5000, s6;
	[dreg:$0x4] =	wrdreg s11;
	s11 =	sshrl.u32 s18, $0x3  }
0xf: {  	s19 =	sadd.s32 s9, s12;
	s18 =	sadd.s32 $0x7800, s6;
	s11 =	sadd.s32 s7, s11  }
0x10: {  	s13 =	sadd.s32 s9, s18;
	[dreg:$0x6] =	wrdreg s11;
	s11 =	sshrl.u32 s19, $0x3  }
0x11: {  	[dreg:$0x5] =	wrdreg s16;
	s13 =	sshrl.u32 s13, $0x3;
	s11 =	sadd.s32 s7, s11  }
0x12: {  	s19 =	sadd.s32 $0xA000, s6;
	s20 =	sadd.s32 s7, s13;
	[dreg:$0x7] =	wrdreg s11  }
0x13: {  	s22 =	sadd.s32 s9, s19;
	[dreg:$0x8] =	wrdreg s20  }
0x14: {  	s11 =	sshrl.u32 s22, $0x3;
	s20 =	sadd.s32 $0xC800, s6;
	s22 =	sadd.s32 s18, s2  }
0x15: {  	s6 =	sadd.s32 $0xF000, s6;
	s18 =	sadd.s32 $0x5000, s15;
	[dreg:$0x10] =	wrdreg s22  }
0x16: {  	s11 =	sadd.s32 s7, s11;
	s23 =	sadd.s32 s9, s20;
	[dreg:$0x1e] =	wrdreg s18  }
0x17: {  	s24 =	sadd.s32 s9, s6;
	s22 =	sadd.s32 $0x124800, s2;
	[dreg:$0x9] =	wrdreg s11  }
0x18: {  	s11 =	sshrl.u32 s23, $0x3;
	s23 =	sadd.s32 s19, s2;
	[smem:$0x7F9] =	sst s22  }
0x19: {  	s13 =	sshrl.u32 s24, $0x3;
	s24 =	sadd.s32 s20, s2;
	[dreg:$0x11] =	wrdreg s23  }
0x1a: {  	s19 =	sadd.s32 $0x7800, s15;
	[dreg:$0x12] =	wrdreg s24  }
0x1b: {  	s20 =	sadd.s32 $0xA000, s15;
	[dreg:$0x1f] =	wrdreg s19  }
0x1c: {  	s11 =	sadd.s32 s7, s11;
	[smem:$0x7F7] =	sst s20  }
0x1d: {  	s9 =	sshrl.u32 s9, $0x3;
	s25 =	sadd.s32 s7, s13;
	[dreg:$0xa] =	wrdreg s11  }
0x1e: {  	s7 =	sadd.s32 s7, s9;
	s9 =	sadd.s32 s8, s2;
	[dreg:$0xb] =	wrdreg s25  }
0x1f: {  	s23 =	sadd.s32 $0xF000, s15;
	[dreg:$0xc] =	wrdreg s9  }
0x20: {  	s28 =	simm.s32 $0x2000;
	s24 =	sadd.s32 $0x127000, s2;
	[smem:$0x7FA] =	sst s23  }
0x21: {  	s29 =	simm.s32 $0x80;
	s11 =	sadd.s32 s17, s2;
	[smem:$0x7FB] =	sst s24  }
0x22: {  	s30 =	simm.s32 $0x4800;
	s17 =	sadd.s32 s12, s2;
	[dreg:$0xe] =	wrdreg s11  }
0x23: {  	s31 =	simm.s32 $0x3;
	s25 =	sadd.s32 s6, s2;
	[dreg:$0xf] =	wrdreg s17  }
0x24: {  	s14 =	sadd.s32 $0x27E00, s0;
	s26 =	sadd.s32 $0x24900, s7;
	[dreg:$0x13] =	wrdreg s25  }
0x25: {  	s16 =	smul.u32 $0x5000, s3;
	s3 =	sadd.s32 $0x24E00, s7;
	[dreg:$0x14] =	wrdreg s26  }
0x26: {  	s21 =	sadd.s32 $0x12E800, s2;
	s5 =	sadd.s32 $0x25300, s7;
	[dreg:$0x15] =	wrdreg s3  }
0x27: {  	s18 =	simm.s32 $0x6;
	s6 =	sadd.s32 $0x25800, s7;
	[dreg:$0x16] =	wrdreg s5  }
0x28: {  	s22 =	sadd.s32 $0x131000, s2;
	s8 =	sadd.s32 $0x25D00, s7;
	[dreg:$0x17] =	wrdreg s6  }
0x29: {  	s13 =	sadd.s32 $0x13E00, s0;
	s9 =	sadd.s32 $0x26200, s7;
	[dreg:$0x18] =	wrdreg s8  }
0x2a: {  	s0 =	simm.s32 $0x7000;
	s10 =	sadd.s32 $0x26700, s7;
	[dreg:$0x19] =	wrdreg s9  }
0x2b: {  	s12 =	sadd.s32 $0x11800, s15;
	s23 =	sadd.s32 $0x133800, s2;
	[dreg:$0x1a] =	wrdreg s10  }
0x2c: {  	s24 =	sadd.s32 $0x136000, s2;
	s11 =	sadd.s32 $0x26C00, s7;
	[dreg:$0x1c] =	wrdreg s12  }
.Ltmp0:
0x2d: {  	s17 =	sadd.s32 $0x2800, s15;
	s25 =	sadd.s32 $0x129800, s2;
	(pc) =	sbr.rel .LBB2_1-.Ltmp0, $4  }
0x2e: {  	s26 =	sadd.s32 $0x12C000, s2;
	s3 =	simm.s32 $0x5;
	[dreg:$0x1b] =	wrdreg s11  }
0x2f: {  	s5 =	simm.s32 $0x4;
	s6 =	simm.s32 $0x2;
	[dreg:$0x1d] =	wrdreg s17  }
0x30: {  	s7 =	simm.s32 $0x1;
	s8 =	simm.s32 $0x0;
	[smem:$0x7FC] =	sst s25  }
0x31: {  	v0 =	vimm.f32 $0.0e+00;
	[smem:$0x7FD] =	sst s26;
	s25 =	simm.s32 $0x7;
	s26 =	simm.s32 $0x50  }
.LBB2_14:
0x32: {  	s9 =	sld [smem:$0x7F9];
	_ =	sdelay $0x2  }
0x33: {  	[tilespmem:s28], [sflag:$0x7] =	stream.linear.gather [spmem:s9], $0x2800, $0x38;
	[tilespmem:$0x1D080] =	vst v63  }
0x34: {  	_ =	swait.ge [sflag:s25], $0x2800  }
0x35: {  	[sflag:s25] =	ssyncset.done $0x0  }
0x36: {  	s11 =	rddreg [dreg:$0x14];
	[sflag:s25] =	ssyncadd.s32 $0xFFFFD800  }
0x37: {  	[hbm4b:s11+s4] =	stream.linear.scatter [tilespmem:s28], [sflag:$0x7], $0x2800, $0x38;
	[tilespmem:$0x1D080] =	vst v63  }
0x38: {  	_ =	swait.ge [sflag:s25], $0x2800  }
0x39: {  	s12 =	sld [smem:$0x7FB]  }
0x3a: {  	[sflag:s25] =	ssyncset.done $0x0  }
0x3b: {  	[sflag:s25] =	ssyncadd.s32 $0xFFFFD800  }
0x3c: {  	[tilespmem:s28], [sflag:$0x7] =	stream.linear.gather [spmem:s12], $0x2800, $0x38;
	[tilespmem:$0x1D080] =	vst v63  }
0x3d: {  	_ =	swait.ge [sflag:s25], $0x2800  }
0x3e: {  	[sflag:s25] =	ssyncset.done $0x0  }
0x3f: {  	s17 =	rddreg [dreg:$0x15];
	[sflag:s25] =	ssyncadd.s32 $0xFFFFD800  }
0x40: {  	[hbm4b:s17+s4] =	stream.linear.scatter [tilespmem:s28], [sflag:$0x7], $0x2800, $0x38;
	[tilespmem:$0x1D080] =	vst v63  }
0x41: {  	_ =	swait.ge [sflag:s25], $0x2800  }
0x42: {  	s19 =	sld [smem:$0x7FC]  }
0x43: {  	[sflag:s25] =	ssyncset.done $0x0  }
0x44: {  	[sflag:s25] =	ssyncadd.s32 $0xFFFFD800  }
0x45: {  	[tilespmem:s28], [sflag:$0x7] =	stream.linear.gather [spmem:s19], $0x2800, $0x38;
	[tilespmem:$0x1D080] =	vst v63  }
0x46: {  	_ =	swait.ge [sflag:s25], $0x2800  }
0x47: {  	[sflag:s25] =	ssyncset.done $0x0  }
0x48: {  	s20 =	rddreg [dreg:$0x16];
	[sflag:s25] =	ssyncadd.s32 $0xFFFFD800  }
0x49: {  	[hbm4b:s20+s4] =	stream.linear.scatter [tilespmem:s28], [sflag:$0x7], $0x2800, $0x38;
	[tilespmem:$0x1D080] =	vst v63  }
0x4a: {  	_ =	swait.ge [sflag:s25], $0x2800  }
0x4b: {  	s10 =	sld [smem:$0x7FD]  }
0x4c: {  	[sflag:s25] =	ssyncset.done $0x0  }
0x4d: {  	[sflag:s25] =	ssyncadd.s32 $0xFFFFD800  }
0x4e: {  	[tilespmem:s28], [sflag:$0x7] =	stream.linear.gather [spmem:s10], $0x2800, $0x38;
	[tilespmem:$0x1D080] =	vst v63  }
0x4f: {  	_ =	swait.ge [sflag:s25], $0x2800  }
0x50: {  	[sflag:s25] =	ssyncset.done $0x0  }
0x51: {  	s11 =	rddreg [dreg:$0x17];
	[sflag:s25] =	ssyncadd.s32 $0xFFFFD800  }
0x52: {  	[hbm4b:s11+s4] =	stream.linear.scatter [tilespmem:s28], [sflag:$0x7], $0x2800, $0x38;
	[tilespmem:$0x1D080] =	vst v63  }
0x53: {  	_ =	swait.ge [sflag:s25], $0x2800  }
0x54: {  	[sflag:s25] =	ssyncset.done $0x0  }
0x55: {  	[sflag:s25] =	ssyncadd.s32 $0xFFFFD800  }
0x56: {  	[tilespmem:s28], [sflag:$0x7] =	stream.linear.gather [spmem:s21], $0x2800, $0x38;
	[tilespmem:$0x1D080] =	vst v63  }
0x57: {  	_ =	swait.ge [sflag:s25], $0x2800  }
0x58: {  	[sflag:s25] =	ssyncset.done $0x0  }
0x59: {  	s12 =	rddreg [dreg:$0x18];
	[sflag:s25] =	ssyncadd.s32 $0xFFFFD800  }
0x5a: {  	[hbm4b:s12+s4] =	stream.linear.scatter [tilespmem:s28], [sflag:$0x7], $0x2800, $0x38;
	[tilespmem:$0x1D080] =	vst v63  }
0x5b: {  	_ =	swait.ge [sflag:s25], $0x2800  }
0x5c: {  	[sflag:s25] =	ssyncset.done $0x0  }
0x5d: {  	[sflag:s25] =	ssyncadd.s32 $0xFFFFD800  }
0x5e: {  	[tilespmem:s28], [sflag:$0x7] =	stream.linear.gather [spmem:s22], $0x2800, $0x38;
	[tilespmem:$0x1D080] =	vst v63  }
0x5f: {  	_ =	swait.ge [sflag:s25], $0x2800  }
0x60: {  	[sflag:s25] =	ssyncset.done $0x0  }
0x61: {  	s17 =	rddreg [dreg:$0x19];
	[sflag:s25] =	ssyncadd.s32 $0xFFFFD800  }
0x62: {  	[hbm4b:s17+s4] =	stream.linear.scatter [tilespmem:s28], [sflag:$0x7], $0x2800, $0x38;
	[tilespmem:$0x1D080] =	vst v63  }
0x63: {  	_ =	swait.ge [sflag:s25], $0x2800  }
0x64: {  	[sflag:s25] =	ssyncset.done $0x0  }
0x65: {  	[sflag:s25] =	ssyncadd.s32 $0xFFFFD800  }
0x66: {  	[tilespmem:s28], [sflag:$0x7] =	stream.linear.gather [spmem:s23], $0x2800, $0x38;
	[tilespmem:$0x1D080] =	vst v63  }
0x67: {  	_ =	swait.ge [sflag:s25], $0x2800  }
0x68: {  	[sflag:s25] =	ssyncset.done $0x0  }
0x69: {  	s19 =	rddreg [dreg:$0x1a];
	[sflag:s25] =	ssyncadd.s32 $0xFFFFD800  }
0x6a: {  	[hbm4b:s19+s4] =	stream.linear.scatter [tilespmem:s28], [sflag:$0x7], $0x2800, $0x38;
	[tilespmem:$0x1D080] =	vst v63  }
0x6b: {  	_ =	swait.ge [sflag:s25], $0x2800  }
0x6c: {  	[sflag:s25] =	ssyncset.done $0x0  }
0x6d: {  	[sflag:s25] =	ssyncadd.s32 $0xFFFFD800  }
0x6e: {  	[tilespmem:s28], [sflag:$0x7] =	stream.linear.gather [spmem:s24], $0x2800, $0x38;
	[tilespmem:$0x1D080] =	vst v63  }
0x6f: {  	_ =	swait.ge [sflag:s25], $0x2800  }
0x70: {  	[sflag:s25] =	ssyncset.done $0x0  }
0x71: {  	s20 =	rddreg [dreg:$0x1b];
	[sflag:s25] =	ssyncadd.s32 $0xFFFFD800  }
0x72: {  	[hbm4b:s20+s4] =	stream.linear.scatter [tilespmem:s28], [sflag:$0x7], $0x2800, $0x38;
	[tilespmem:$0x1D080] =	vst v63  }
0x73: {  	_ =	swait.ge [sflag:s25], $0x2800  }
0x74: {  	[sflag:s25] =	ssyncset.done $0x0  }
0x75: {  	[sflag:s25] =	ssyncadd.s32 $0xFFFFD800  }
.LBB2_15:
0x76: {  	s8 =	sadd.s32 $0x1, s8;
	s9 =	rddreg [dreg:$0xd]  }
0x77: {  	p1 =	sne.s32 s8, s9  }
.Ltmp1:
0x78: {  	_ = 	snop;
	(pc) =	sbr.rel @!p1 .LBB2_16-.Ltmp1, $1  }
0x79: {  	_ =	sdelay $0x3  }
.LBB2_1:
0x7a: {  	s9 =	sand.u32 $0xFE00, s4  }
0x7b: {  	s10 =	sand.u32 $0x70, s4;
	s11 =	sshrl.u32 s9, $0x2  }
0x7c: {  	s9 =	simm.s32 $0x40;
	s11 =	sor.u32 s10, s11;
	s10 =	simm.s32 $0x0  }
.LBB2_2:
0x7d: {  	p1 =	sne.s32 s9, $0x9FC0  }
0x7e: {  	[tilespmem:s11+$0x2000] =	vst v0;
	s10 =	sadd.s32 $0x10, s10;
	s11 =	smov.u32 s9;
	s9 =	sadd.s32 $0x40, s9  }
.Ltmp2:
0x7f: {  	(pc) =	sbr.rel @p1 .LBB2_2-.Ltmp2, $4  }
0x80: {  	_ = 	snop  }
0x81: {  	s11 =	sand.u32 $0xFE00, s11  }
0x82: {  	s12 =	sand.u32 $0x70, s10;
	s11 =	sshrl.u32 s11, $0x2  }
0x83: {  	s11 =	sor.u32 s12, s11  }
0x84: {  	s10 =	sld [smem:$0x7F9];
	_ =	sdelay $0x1  }
0x85: {  	[tilespmem:s11+$0x2000] =	vst v0;
	s9 =	simm.s32 @p0 $0x2000  }
0x86: {  	[spmem:s10] =	stream.linear.scatter @p0 [tilespmem:s9], [sflag:$0x7], $0x2800, $0x38;
	[tilespmem:$0x1D080] =	vst v63  }
0x87: {  	s10 =	simm.s32 @p0 $0x7  }
0x88: {  	_ =	swait.ge @p0 [sflag:s10], $0x2800  }
0x89: {  	s11 =	sld [smem:$0x7FB]  }
0x8a: {  	[sflag:s10] =	ssyncset.done @p0 $0x0  }
0x8b: {  	[sflag:s10] =	ssyncadd.s32 @p0 $0xFFFFD800  }
0x8c: {  	[spmem:s11] =	stream.linear.scatter @p0 [tilespmem:s9], [sflag:$0x7], $0x2800, $0x38;
	[tilespmem:$0x1D080] =	vst v63  }
0x8d: {  	_ =	swait.ge @p0 [sflag:s10], $0x2800  }
0x8e: {  	s11 =	sld [smem:$0x7FC]  }
0x8f: {  	[sflag:s10] =	ssyncset.done @p0 $0x0  }
0x90: {  	[sflag:s10] =	ssyncadd.s32 @p0 $0xFFFFD800  }
0x91: {  	[spmem:s11] =	stream.linear.scatter @p0 [tilespmem:s9], [sflag:$0x7], $0x2800, $0x38;
	[tilespmem:$0x1D080] =	vst v63  }
0x92: {  	_ =	swait.ge @p0 [sflag:s10], $0x2800  }
0x93: {  	s11 =	sld [smem:$0x7FD]  }
0x94: {  	[sflag:s10] =	ssyncset.done @p0 $0x0  }
0x95: {  	[sflag:s10] =	ssyncadd.s32 @p0 $0xFFFFD800  }
0x96: {  	[spmem:s11] =	stream.linear.scatter @p0 [tilespmem:s9], [sflag:$0x7], $0x2800, $0x38;
	[tilespmem:$0x1D080] =	vst v63  }
0x97: {  	_ =	swait.ge @p0 [sflag:s10], $0x2800  }
0x98: {  	[sflag:s10] =	ssyncset.done @p0 $0x0  }
0x99: {  	[sflag:s10] =	ssyncadd.s32 @p0 $0xFFFFD800  }
0x9a: {  	[spmem:s21] =	stream.linear.scatter @p0 [tilespmem:s9], [sflag:$0x7], $0x2800, $0x38;
	[tilespmem:$0x1D080] =	vst v63  }
0x9b: {  	_ =	swait.ge @p0 [sflag:s10], $0x2800  }
0x9c: {  	[sflag:s10] =	ssyncset.done @p0 $0x0  }
0x9d: {  	[sflag:s10] =	ssyncadd.s32 @p0 $0xFFFFD800  }
0x9e: {  	[spmem:s22] =	stream.linear.scatter @p0 [tilespmem:s9], [sflag:$0x7], $0x2800, $0x38;
	[tilespmem:$0x1D080] =	vst v63  }
0x9f: {  	_ =	swait.ge @p0 [sflag:s10], $0x2800  }
0xa0: {  	[sflag:s10] =	ssyncset.done @p0 $0x0  }
0xa1: {  	[sflag:s10] =	ssyncadd.s32 @p0 $0xFFFFD800  }
0xa2: {  	[spmem:s23] =	stream.linear.scatter @p0 [tilespmem:s9], [sflag:$0x7], $0x2800, $0x38;
	[tilespmem:$0x1D080] =	vst v63  }
0xa3: {  	_ =	swait.ge @p0 [sflag:s10], $0x2800  }
0xa4: {  	[sflag:s10] =	ssyncset.done @p0 $0x0  }
0xa5: {  	[sflag:s10] =	ssyncadd.s32 @p0 $0xFFFFD800  }
0xa6: {  	[spmem:s24] =	stream.linear.scatter @p0 [tilespmem:s9], [sflag:$0x7], $0x2800, $0x38;
	[tilespmem:$0x1D080] =	vst v63  }
0xa7: {  	_ =	swait.ge @p0 [sflag:s10], $0x2800  }
0xa8: {  	[sflag:s10] =	ssyncset.done @p0 $0x0  }
0xa9: {  	s9 =	simm.s32 @!p0 $0x2000;
	[sflag:s10] =	ssyncadd.s32 @p0 $0xFFFFD800;
	s10 =	simm.s32 @!p0 $0x7  }
0xaa: {  	[spmem:s15] =	stream.linear.scatter @!p0 [tilespmem:s9], [sflag:$0x7], $0x2800, $0x38;
	[tilespmem:$0x1D080] =	vst v63  }
0xab: {  	_ =	swait.ge @!p0 [sflag:s10], $0x2800  }
0xac: {  	[sflag:s10] =	ssyncset.done @!p0 $0x0  }
0xad: {  	s11 =	rddreg [dreg:$0x1d];
	[sflag:s10] =	ssyncadd.s32 @!p0 $0xFFFFD800  }
0xae: {  	[spmem:s11] =	stream.linear.scatter @!p0 [tilespmem:s9], [sflag:$0x7], $0x2800, $0x38;
	[tilespmem:$0x1D080] =	vst v63  }
0xaf: {  	_ =	swait.ge @!p0 [sflag:s10], $0x2800  }
0xb0: {  	[sflag:s10] =	ssyncset.done @!p0 $0x0  }
0xb1: {  	s11 =	rddreg [dreg:$0x1e];
	[sflag:s10] =	ssyncadd.s32 @!p0 $0xFFFFD800  }
0xb2: {  	[spmem:s11] =	stream.linear.scatter @!p0 [tilespmem:s9], [sflag:$0x7], $0x2800, $0x38;
	[tilespmem:$0x1D080] =	vst v63  }
0xb3: {  	_ =	swait.ge @!p0 [sflag:s10], $0x2800  }
0xb4: {  	[sflag:s10] =	ssyncset.done @!p0 $0x0  }
0xb5: {  	s11 =	rddreg [dreg:$0x1f];
	[sflag:s10] =	ssyncadd.s32 @!p0 $0xFFFFD800  }
0xb6: {  	[spmem:s11] =	stream.linear.scatter @!p0 [tilespmem:s9], [sflag:$0x7], $0x2800, $0x38;
	[tilespmem:$0x1D080] =	vst v63  }
0xb7: {  	_ =	swait.ge @!p0 [sflag:s10], $0x2800  }
0xb8: {  	s11 =	sld [smem:$0x7F7]  }
0xb9: {  	[sflag:s10] =	ssyncset.done @!p0 $0x0  }
0xba: {  	[sflag:s10] =	ssyncadd.s32 @!p0 $0xFFFFD800  }
0xbb: {  	[spmem:s11] =	stream.linear.scatter @!p0 [tilespmem:s9], [sflag:$0x7], $0x2800, $0x38;
	[tilespmem:$0x1D080] =	vst v63  }
0xbc: {  	_ =	swait.ge @!p0 [sflag:s10], $0x2800  }
0xbd: {  	s11 =	sld [smem:$0x7F8]  }
0xbe: {  	[sflag:s10] =	ssyncset.done @!p0 $0x0  }
0xbf: {  	[sflag:s10] =	ssyncadd.s32 @!p0 $0xFFFFD800  }
0xc0: {  	[spmem:s11] =	stream.linear.scatter @!p0 [tilespmem:s9], [sflag:$0x7], $0x2800, $0x38;
	[tilespmem:$0x1D080] =	vst v63  }
0xc1: {  	_ =	swait.ge @!p0 [sflag:s10], $0x2800  }
0xc2: {  	s11 =	sld [smem:$0x7FA]  }
0xc3: {  	[sflag:s10] =	ssyncset.done @!p0 $0x0  }
0xc4: {  	[sflag:s10] =	ssyncadd.s32 @!p0 $0xFFFFD800  }
0xc5: {  	[spmem:s11] =	stream.linear.scatter @!p0 [tilespmem:s9], [sflag:$0x7], $0x2800, $0x38;
	[tilespmem:$0x1D080] =	vst v63  }
0xc6: {  	_ =	swait.ge @!p0 [sflag:s10], $0x2800  }
0xc7: {  	[sflag:s10] =	ssyncset.done @!p0 $0x0  }
0xc8: {  	s11 =	rddreg [dreg:$0x1c];
	[sflag:s10] =	ssyncadd.s32 @!p0 $0xFFFFD800  }
0xc9: {  	[spmem:s11] =	stream.linear.scatter @!p0 [tilespmem:s9], [sflag:$0x7], $0x2000, $0x38;
	[tilespmem:$0x1D080] =	vst v63  }
.Ltmp3:
0xca: {  	_ =	swait.ge @!p0 [sflag:s10], $0x2000;
	(pc) =	sbr.rel .LBB2_4-.Ltmp3, $4  }
0xcb: {  	[sflag:s10] =	ssyncset.done @!p0 $0x0  }
0xcc: {  	[sflag:s10] =	ssyncadd.s32 @!p0 $0xFFFFE000  }
0xcd: {  	[bflag:$0x0] =	sbarrier.arrive $0xFFFF  }
0xce: {  	s9 =	simm.s32 $0x0;
	s10 =	simm.s32 $0x0  }
.LBB2_11:
0xcf: {  	_ =	swait.ge [sflag:s3], $0x2800  }
0xd0: {  	[sflag:s3] =	ssyncset.done $0x0  }
0xd1: {  	s10 =	sadd.s32 $0x1, s10;
	[sflag:s3] =	ssyncadd.s32 $0xFFFFD800  }
0xd2: {  	p1 =	sne.s32 s10, $0x5;
	_ =	swait.ge [sflag:s18], $0x2800  }
.Ltmp4:
0xd3: {  	[sflag:s18] =	ssyncset.done $0x0;
	(pc) =	sbr.rel @!p1 .LBB2_12-.Ltmp4, $4  }
0xd4: {  	[sflag:s18] =	ssyncadd.s32 $0xFFFFD800  }
0xd5: {  	_ =	swait.ge [sflag:s5], $0x2800  }
0xd6: {  	[sflag:s5] =	ssyncset.done $0x0  }
0xd7: {  	[sflag:s5] =	ssyncadd.s32 $0xFFFFD800  }
.LBB2_4:
0xd8: {  	s11 =	sshll.u32 s10, $0xC  }
0xd9: {  	s11 =	sadd.s32 s16, s11  }
0xda: {  	s11 =	sshrl.u32 s11, $0x3  }
0xdb: {  	s12 =	sadd.s32 s13, s11  }
0xdc: {  	[tilespmem:s9], [sflag:$0x7] =	stream.linear.gather [hbm4b:s12+s9], $0xC80, $0x38;
	[tilespmem:$0x1D080] =	vst v63  }
0xdd: {  	_ =	swait.ge [sflag:s25], $0xC80  }
0xde: {  	[sflag:s25] =	ssyncset.done $0x0  }
0xdf: {  	s11 =	sadd.s32 s14, s11;
	s12 =	simm.s32 $0x1000;
	[sflag:s25] =	ssyncadd.s32 $0xFFFFF380  }
0xe0: {  	[tilespmem:s12], [sflag:$0x7] =	stream.linear.gather [hbm4b:s11+s9], $0xC80, $0x38;
	[tilespmem:$0x1D080] =	vst v63  }
0xe1: {  	_ =	swait.ge [sflag:s25], $0xC80  }
.Ltmp5:
0xe2: {  	[sflag:s25] =	ssyncset.done $0x0;
	(pc) =	sbr.rel .LBB2_5-.Ltmp5, $4  }
0xe3: {  	[sflag:s25] =	ssyncadd.s32 $0xFFFFF380  }
0xe4: {  	[tilespmem:s28], [sflag:$0x1] =	stream.indirect.gather [hbm4b:s1+s26], $0x80, s9, s26, $0xb8;
	[tilespmem:$0x1D080] =	vst v63  }
0xe5: {  	s17 =	simm.s32 $0x0;
	s11 =	simm.s32 $0x100  }
0xe6: {  	[tilespmem:s30], [sflag:$0x2] =	stream.indirect.gather [hbm4b:s1+s26], $0x80, s29, s26, $0xb8;
	[tilespmem:$0x1D080] =	vst v63  }
.LBB2_9:
0xe7: {  	_ =	swait.ge [sflag:s31], $0x2800  }
0xe8: {  	p1 =	sgt.u32 s17, $0x16;
	[sflag:s31] =	ssyncset.done $0x0  }
0xe9: {  	s19 =	simm.s32 @!p1 $0x5;
	[sflag:s31] =	ssyncadd.s32 $0xFFFFD800  }
0xea: {  	[spmem:s2] =	stream.indirect.scatter.add.f32 [tilespmem:s0], [sflag:$0x6], $0x80, s12, s26, $0xb8;
	[tilespmem:$0x1D080] =	vst v63  }
0xeb: {  	_ =	swait.ge @!p1 [sflag:s19], $0x2800  }
0xec: {  	[sflag:s19] =	ssyncset.done @!p1 $0x0  }
0xed: {  	s20 =	simm.s32 @!p1 $0x4800;
	[sflag:s19] =	ssyncadd.s32 @!p1 $0xFFFFD800;
	s19 =	simm.s32 @!p1 $0x50  }
0xee: {  	[tilespmem:s20], [sflag:$0x2] =	stream.indirect.gather @!p1 [hbm4b:s1+s19], $0x80, s11, s19, $0xb8;
	[tilespmem:$0x1D080] =	vst v63  }
.LBB2_10:
0xef: {  	s17 =	sadd.s32 $0x1, s17  }
0xf0: {  	p1 =	sne.s32 s17, $0x19  }
.Ltmp6:
0xf1: {  	_ = 	snop;
	(pc) =	sbr.rel @!p1 .LBB2_11-.Ltmp6, $2  }
0xf2: {  	_ =	sdelay $0x2  }
0xf3: {  	s11 =	sadd.s32 $0x80, s11;
	s12 =	sadd.s32 $0x80, s12  }
.LBB2_5:
0xf4: {  	s19 =	smul.u32 $0xAB, s17;
	_ =	sdelay $0x1  }
0xf5: {  	s19 =	sshrl.u32 s19, $0x9  }
0xf6: {  	s19 =	sand.u32 $0x7F, s19  }
0xf7: {  	s19 =	smul.u32 $0x3, s19;
	_ =	sdelay $0x1  }
0xf8: {  	s19 =	ssub.s32 s17, s19  }
0xf9: {  	s19 =	sand.u32 $0xFF, s19  }
0xfa: {  	p1 =	seq.s32 s19, $0x2  }
.Ltmp7:
0xfb: {  	_ = 	snop;
	(pc) =	sbr.rel @p1 .LBB2_9-.Ltmp7, $1  }
0xfc: {  	_ =	sdelay $0x3  }
0xfd: {  	p1 =	seq.s32 s19, $0x1  }
.Ltmp8:
0xfe: {  	_ = 	snop;
	(pc) =	sbr.rel @!p1 .LBB2_7-.Ltmp8, $1  }
0xff: {  	_ =	sdelay $0x3  }
0x100: {  	_ =	swait.ge [sflag:s6], $0x2800  }
0x101: {  	[sflag:s6] =	ssyncset.done $0x0  }
0x102: {  	p1 =	sgt.u32 s17, $0x16;
	[sflag:s6] =	ssyncadd.s32 $0xFFFFD800  }
0x103: {  	[spmem:s2] =	stream.indirect.scatter.add.f32 [tilespmem:s30], [sflag:$0x5], $0x80, s12, s26, $0xb8;
	[tilespmem:$0x1D080] =	vst v63  }
.Ltmp9:
0x104: {  	s19 =	simm.s32 @!p1 $0x4;
	(pc) =	sbr.rel .LBB2_10-.Ltmp9, $4  }
0x105: {  	_ =	swait.ge @!p1 [sflag:s19], $0x2800  }
0x106: {  	[sflag:s19] =	ssyncset.done @!p1 $0x0  }
0x107: {  	s20 =	simm.s32 @!p1 $0x2000;
	[sflag:s19] =	ssyncadd.s32 @!p1 $0xFFFFD800;
	s19 =	simm.s32 @!p1 $0x50  }
0x108: {  	[tilespmem:s20], [sflag:$0x1] =	stream.indirect.gather @!p1 [hbm4b:s1+s19], $0x80, s11, s19, $0xb8;
	[tilespmem:$0x1D080] =	vst v63  }
.LBB2_7:
0x109: {  	_ =	swait.ge [sflag:s7], $0x2800;
	p1 =	sgt.u32 s17, $0x16  }
0x10a: {  	[sflag:s7] =	ssyncset.done $0x0;
	p2 =	seq.s32 @!p1 s17, $0x0  }
0x10b: {  	[sflag:s7] =	ssyncadd.s32 $0xFFFFD800;
	p2 =	por p2, p1  }
0x10c: {  	[spmem:s2] =	stream.indirect.scatter.add.f32 [tilespmem:s28], [sflag:$0x4], $0x80, s12, s26, $0xb8;
	[tilespmem:$0x1D080] =	vst v63  }
.Ltmp10:
0x10d: {  	s19 =	simm.s32 @!p2 $0x6;
	(pc) =	sbr.rel .LBB2_10-.Ltmp10, $4  }
0x10e: {  	_ =	swait.ge @!p2 [sflag:s19], $0x2800  }
0x10f: {  	[sflag:s19] =	ssyncset.done @!p2 $0x0  }
0x110: {  	s20 =	simm.s32 @!p1 $0x7000;
	[sflag:s19] =	ssyncadd.s32 @!p2 $0xFFFFD800;
	s19 =	simm.s32 @!p1 $0x50  }
0x111: {  	[tilespmem:s20], [sflag:$0x3] =	stream.indirect.gather @!p1 [hbm4b:s1+s19], $0x80, s11, s19, $0xb8;
	[tilespmem:$0x1D080] =	vst v63  }
.LBB2_12:
.Ltmp11:
0x112: {  	(pc) =	sbr.rel @p0 .LBB2_14-.Ltmp11, $2  }
0x113: {  	_ =	sdelay $0x1  }
0x114: {  	[bflag:$0x0] =	sbarrier.arrive $0xFFFF;
	_ =	sdelay $0x1  }
0x115: {  	[tilespmem:s28], [sflag:$0x7] =	stream.linear.gather [spmem:s15], $0x2800, $0x38;
	[tilespmem:$0x1D080] =	vst v63  }
0x116: {  	_ =	swait.ge [sflag:s25], $0x2800  }
0x117: {  	[sflag:s25] =	ssyncset.done $0x0  }
0x118: {  	s9 =	rddreg [dreg:$0x5];
	[sflag:s25] =	ssyncadd.s32 $0xFFFFD800  }
0x119: {  	[hbm4b:s9+s4] =	stream.linear.scatter [tilespmem:s28], [sflag:$0x7], $0x2800, $0x38;
	[tilespmem:$0x1D080] =	vst v63  }
0x11a: {  	_ =	swait.ge [sflag:s25], $0x2800  }
0x11b: {  	[sflag:s25] =	ssyncset.done $0x0  }
0x11c: {  	s19 =	rddreg [dreg:$0xe];
	[sflag:s25] =	ssyncadd.s32 $0xFFFFD800  }
0x11d: {  	[tilespmem:s28], [sflag:$0x7] =	stream.linear.gather [spmem:s19], $0x2800, $0x38;
	[tilespmem:$0x1D080] =	vst v63  }
0x11e: {  	_ =	swait.ge [sflag:s25], $0x2800  }
0x11f: {  	[sflag:s25] =	ssyncset.done $0x0  }
0x120: {  	s20 =	rddreg [dreg:$0x6];
	[sflag:s25] =	ssyncadd.s32 $0xFFFFD800  }
0x121: {  	[hbm4b:s20+s4] =	stream.linear.scatter [tilespmem:s28], [sflag:$0x7], $0x2800, $0x38;
	[tilespmem:$0x1D080] =	vst v63  }
0x122: {  	_ =	swait.ge [sflag:s25], $0x2800  }
0x123: {  	[sflag:s25] =	ssyncset.done $0x0  }
0x124: {  	s10 =	rddreg [dreg:$0xf];
	[sflag:s25] =	ssyncadd.s32 $0xFFFFD800  }
0x125: {  	[tilespmem:s28], [sflag:$0x7] =	stream.linear.gather [spmem:s10], $0x2800, $0x38;
	[tilespmem:$0x1D080] =	vst v63  }
0x126: {  	_ =	swait.ge [sflag:s25], $0x2800  }
0x127: {  	[sflag:s25] =	ssyncset.done $0x0  }
0x128: {  	s11 =	rddreg [dreg:$0x7];
	[sflag:s25] =	ssyncadd.s32 $0xFFFFD800  }
0x129: {  	[hbm4b:s11+s4] =	stream.linear.scatter [tilespmem:s28], [sflag:$0x7], $0x2800, $0x38;
	[tilespmem:$0x1D080] =	vst v63  }
0x12a: {  	_ =	swait.ge [sflag:s25], $0x2800  }
0x12b: {  	[sflag:s25] =	ssyncset.done $0x0  }
0x12c: {  	s12 =	rddreg [dreg:$0x10];
	[sflag:s25] =	ssyncadd.s32 $0xFFFFD800  }
0x12d: {  	[tilespmem:s28], [sflag:$0x7] =	stream.linear.gather [spmem:s12], $0x2800, $0x38;
	[tilespmem:$0x1D080] =	vst v63  }
0x12e: {  	_ =	swait.ge [sflag:s25], $0x2800  }
0x12f: {  	[sflag:s25] =	ssyncset.done $0x0  }
0x130: {  	s17 =	rddreg [dreg:$0x8];
	[sflag:s25] =	ssyncadd.s32 $0xFFFFD800  }
0x131: {  	[hbm4b:s17+s4] =	stream.linear.scatter [tilespmem:s28], [sflag:$0x7], $0x2800, $0x38;
	[tilespmem:$0x1D080] =	vst v63  }
0x132: {  	_ =	swait.ge [sflag:s25], $0x2800  }
0x133: {  	[sflag:s25] =	ssyncset.done $0x0  }
0x134: {  	s19 =	rddreg [dreg:$0x11];
	[sflag:s25] =	ssyncadd.s32 $0xFFFFD800  }
0x135: {  	[tilespmem:s28], [sflag:$0x7] =	stream.linear.gather [spmem:s19], $0x2800, $0x38;
	[tilespmem:$0x1D080] =	vst v63  }
0x136: {  	_ =	swait.ge [sflag:s25], $0x2800  }
0x137: {  	[sflag:s25] =	ssyncset.done $0x0  }
0x138: {  	s20 =	rddreg [dreg:$0x9];
	[sflag:s25] =	ssyncadd.s32 $0xFFFFD800  }
0x139: {  	[hbm4b:s20+s4] =	stream.linear.scatter [tilespmem:s28], [sflag:$0x7], $0x2800, $0x38;
	[tilespmem:$0x1D080] =	vst v63  }
0x13a: {  	_ =	swait.ge [sflag:s25], $0x2800  }
0x13b: {  	[sflag:s25] =	ssyncset.done $0x0  }
0x13c: {  	s10 =	rddreg [dreg:$0x12];
	[sflag:s25] =	ssyncadd.s32 $0xFFFFD800  }
0x13d: {  	[tilespmem:s28], [sflag:$0x7] =	stream.linear.gather [spmem:s10], $0x2800, $0x38;
	[tilespmem:$0x1D080] =	vst v63  }
0x13e: {  	_ =	swait.ge [sflag:s25], $0x2800  }
0x13f: {  	[sflag:s25] =	ssyncset.done $0x0  }
0x140: {  	s11 =	rddreg [dreg:$0xa];
	[sflag:s25] =	ssyncadd.s32 $0xFFFFD800  }
0x141: {  	[hbm4b:s11+s4] =	stream.linear.scatter [tilespmem:s28], [sflag:$0x7], $0x2800, $0x38;
	[tilespmem:$0x1D080] =	vst v63  }
0x142: {  	_ =	swait.ge [sflag:s25], $0x2800  }
0x143: {  	[sflag:s25] =	ssyncset.done $0x0  }
0x144: {  	s12 =	rddreg [dreg:$0x13];
	[sflag:s25] =	ssyncadd.s32 $0xFFFFD800  }
0x145: {  	[tilespmem:s28], [sflag:$0x7] =	stream.linear.gather [spmem:s12], $0x2800, $0x38;
	[tilespmem:$0x1D080] =	vst v63  }
0x146: {  	_ =	swait.ge [sflag:s25], $0x2800  }
0x147: {  	[sflag:s25] =	ssyncset.done $0x0  }
0x148: {  	s17 =	rddreg [dreg:$0xb];
	[sflag:s25] =	ssyncadd.s32 $0xFFFFD800  }
0x149: {  	[hbm4b:s17+s4] =	stream.linear.scatter [tilespmem:s28], [sflag:$0x7], $0x2800, $0x38;
	[tilespmem:$0x1D080] =	vst v63  }
0x14a: {  	_ =	swait.ge [sflag:s25], $0x2800  }
0x14b: {  	[sflag:s25] =	ssyncset.done $0x0  }
0x14c: {  	s19 =	rddreg [dreg:$0xc];
	[sflag:s25] =	ssyncadd.s32 $0xFFFFD800  }
0x14d: {  	[tilespmem:s28], [sflag:$0x7] =	stream.linear.gather [spmem:s19], $0x2000, $0x38;
	[tilespmem:$0x1D080] =	vst v63  }
0x14e: {  	_ =	swait.ge [sflag:s25], $0x2000  }
0x14f: {  	[sflag:s25] =	ssyncset.done $0x0  }
.Ltmp12:
0x150: {  	s20 =	rddreg [dreg:$0x4];
	[sflag:s25] =	ssyncadd.s32 $0xFFFFE000;
	(pc) =	sbr.rel .LBB2_15-.Ltmp12, $4  }
0x151: {  	[hbm4b:s20+s4] =	stream.linear.scatter [tilespmem:s28], [sflag:$0x7], $0x2000, $0x38;
	[tilespmem:$0x1D080] =	vst v63  }
0x152: {  	_ =	swait.ge [sflag:s25], $0x2000  }
0x153: {  	[sflag:s25] =	ssyncset.done $0x0  }
0x154: {  	[sflag:s25] =	ssyncadd.s32 $0xFFFFE000  }
.LBB2_16:
0x155: {  	_ =	sfence.sel $0x180000  }
0x156: {  	[bflag:$0x0] =	sbarrier.arrive $0xFFFF  }
0x157: {  	_ =	strace $0x9000004A  }
0x158: {  	s0 =	stileid.u32;
	[bflag:$0x2] =	sbarrier.arrive $0xFFFF  }
0x159: {  	p0 =	sne.s32 s0, $0x0;
	s0 =	rddreg [dreg:$0x3]  }
0x15a: {  	s0 =	sadd.s32 @!p0 $0x100000, s0  }
0x15b: {  	[sflag:s0] =	ssyncadd.tile.s32 @!p0 $0x1;
	_ =	shalt  }
.Lfunc_end2:
_tile_overlayer_lowered:
.L_overlay_start_2:
0x15c: {  	(tag) =	ssettag $0x2  }
0x15d: {  	s0 =	rddreg [dreg:$0x0];
	s2 =	stileid.u32  }
0x15e: {  	s1 =	rddreg [dreg:$0x1];
	p0 =	sne.s32 s2, $0x0  }
0x15f: {  	s3 =	rddreg [dreg:$0x2];
	[bflag:$0x3] =	sbarrier.arrive $0xFFFF;
	s2 =	simm.s32 @!p0 $0x1C07  }
0x160: {  	[timem:s3], [sflag:s2] =	dma.local @!p0 [hbm:s0], s1  }
0x161: {  	s0 =	simm.s32 @!p0 $0x7  }
0x162: {  	_ =	swait.ge @!p0 [sflag:s0], s1  }
0x163: {  	s1 =	ssub.s32 @!p0 $0x0, s1;
	[sflag:s0] =	ssyncset.done @!p0 $0x0  }
0x164: {  	[sflag:s0] =	ssyncadd.s32 @!p0 s1  }
0x165: {  	[bflag:$0x3] =	sbarrier.arrive $0xFFFF  }
0x166: {  	_ =	shalt  }

// kernel: kernel.14.cloned.1.call-start
scs
__scs_entry_jumppad:
0x0: {  	(pc) =	sbr.rel $0x88, $3  }
0x1: {  	(tag) =	ssettag $0x0;
	lr =	simm.s32 $0x1  }
0x2: {  	[smem:$0x3F9B] =	sst lr;
	_ =	strace $0xD0000000  }
0x3: {  	_ = 	snop  }
0x4: {  	_ = 	snop  }
0x5: {  	_ = 	snop  }
0x6: {  	_ = 	snop  }
0x7: {  	_ = 	snop  }
__scs_overlays_trampoline_lowered:
0x8: {  	[smem:$0x3FAA] =	sst s0  }
0x9: {  	[smem:$0x3FAB] =	sst s1  }
0xa: {  	[smem:$0x3FAC] =	sst s2  }
0xb: {  	[smem:$0x3FAD] =	sst s3  }
0xc: {  	[smem:$0x3FAE] =	sst s4  }
0xd: {  	[smem:$0x3FAF] =	sst s5  }
0xe: {  	[smem:$0x3FB0] =	sst s6  }
0xf: {  	[smem:$0x3FB1] =	sst s7  }
0x10: {  	[smem:$0x3FB2] =	sst s8  }
0x11: {  	[smem:$0x3FB3] =	sst s9;
	s0 =	simm.s32 @!p0 $0x0  }
0x12: {  	s1 =	sld [smem:$0x3F99];
	s0 =	simm.s32 @p0 $0x1  }
0x13: {  	[smem:$0x3FB4] =	sst s0;
	s0 =	simm.s32 @!p1 $0x0  }
0x14: {  	s2 =	sld [smem:$0x3F98];
	s0 =	simm.s32 @p1 $0x1  }
0x15: {  	[smem:$0x3FB5] =	sst s0;
	s0 =	simm.s32 @!p2 $0x0  }
0x16: {  	s3 =	sld [smem:$0x3FDB];
	s0 =	simm.s32 @p2 $0x1  }
0x17: {  	s4 =	simm.s32 $0x1BF5;
	[smem:$0x3FB7] =	sst s0  }
0x18: {  	s0 =	sld [smem:$0x3F9A];
	_ =	swait.ge [sflag:s4], $0x0  }
0x19: {  	s7 =	sld [smem:$0x3F9B]  }
0x1a: {  	s8 =	sadd.s32 $0xFFFFE003, lr  }
0x1b: {  	s9 =	sadd.s32 $0xFFFFFEF7, lr;
	s5 =	simm.s32 $0xFFFFFFFF;
	p2 =	slt.u32 s8, $0xFFFFF086  }
0x1c: {  	p1 =	slt.u32 s9, $0xF7A;
	s5 =	simm.s32 @!p2 $0x0  }
0x1d: {  	s5 =	simm.s32 @p1 $0x1;
	p0 =	seq.s32 s7, s2  }
0x1e: {  	s7 =	smul.u32 @!p0 $0xF7A, s2;
	p2 =	seq.s32 @!p0 s5, $0x0  }
0x1f: {  	s9 =	smul.u32 $0xF7A, s1;
	s8 =	simm.s32 @!p0 $0x1BF5;
	p2 =	por !p2, p0  }
0x20: {  	[sflag:s8] =	ssyncset.s32 @!p0 $0xFFFFF086;
	s6 =	sadd.s32 @!p0 s3, s7;
	s7 =	simm.s32 @!p0 $0x108  }
0x21: {  	s3 =	sadd.s32 s3, s9;
	s6 =	sadd.s32 @!p0 $0x88, s6;
	s7 =	simm.s32 @p2 $0x1082  }
0x22: {  	[simem:s7], [sflag:s8] =	dma.local @!p0 [hbm:s6], $0xF7A  }
0x23: {  	s9 =	sor.u32 $0xD0000000, s2;
	s6 =	simm.s32 $0x108;
	_ =	swait.ge @!p0 [sflag:s8], $0x0  }
0x24: {  	s3 =	sadd.s32 $0x88, s3;
	s6 =	simm.s32 @!p1 $0x1082;
	[sflag:s4] =	ssyncset.s32 $0xFFFFF086  }
0x25: {  	[simem:s6], [sflag:s4] =	dma.local [hbm:s3], $0xF7A  }
0x26: {  	[smem:$0x3F9B] =	sst s1;
	(tag) =	ssettag s2;
	_ =	strace s9  }
0x27: {  	s1 =	sld [smem:$0x3FAB]  }
0x28: {  	s2 =	sld [smem:$0x3FAC]  }
0x29: {  	s4 =	sld [smem:$0x3FAE]  }
0x2a: {  	p0 =	seq.s32 s5, $0x0;
	s5 =	sld [smem:$0x3FAF]  }
0x2b: {  	s6 =	sld [smem:$0x3FB0]  }
0x2c: {  	s7 =	sld [smem:$0x3FB1]  }
0x2d: {  	s3 =	simm.s32 $0x108;
	s8 =	sld [smem:$0x3FB2]  }
0x2e: {  	s3 =	simm.s32 @!p0 $0x1082;
	s9 =	sld [smem:$0x3FB3]  }
0x2f: {  	lr =	sadd.s32 s0, s3;
	s0 =	sld [smem:$0x3FAA]  }
0x30: {  	s3 =	sld [smem:$0x3FAD]  }
0x31: {  	[smem:$0x3FB6] =	sst s10  }
0x32: {  	s10 =	sld [smem:$0x3FB4];
	_ =	sdelay $0x3  }
0x33: {  	p0 =	seq.s32 s10, $0x1;
	s10 =	sld [smem:$0x3FB6];
	_ =	sdelay $0x3  }
0x34: {  	[smem:$0x3FB6] =	sst s10  }
0x35: {  	s10 =	sld [smem:$0x3FB5];
	_ =	sdelay $0x3  }
0x36: {  	p1 =	seq.s32 s10, $0x1;
	s10 =	sld [smem:$0x3FB6];
	_ =	sdelay $0x3  }
0x37: {  	[smem:$0x3FB6] =	sst s10  }
0x38: {  	s10 =	sld [smem:$0x3FB7]  }
0x39: {  	_ = 	snop;
	(pc) =	sbr.ind lr, $3  }
0x3a: {  	_ = 	snop  }
0x3b: {  	_ = 	snop  }
0x3c: {  	p2 =	seq.s32 s10, $0x1;
	s10 =	sld [smem:$0x3FB6]  }
0x3d: {  	_ =	shalt  }
0x3e: {  	_ =	shalt  }
0x3f: {  	_ =	shalt  }
0x40: {  	_ =	shalt  }
0x41: {  	_ =	shalt  }
0x42: {  	_ =	shalt  }
0x43: {  	_ =	shalt  }
0x44: {  	_ =	shalt  }
0x45: {  	_ =	shalt  }
0x46: {  	_ =	shalt  }
0x47: {  	_ =	shalt  }
0x48: {  	_ =	shalt  }
0x49: {  	_ =	shalt  }
0x4a: {  	_ =	shalt  }
0x4b: {  	_ =	shalt  }
0x4c: {  	_ =	shalt  }
0x4d: {  	_ =	shalt  }
0x4e: {  	_ =	shalt  }
0x4f: {  	_ =	shalt  }
0x50: {  	_ =	shalt  }
0x51: {  	_ =	shalt  }
0x52: {  	_ =	shalt  }
0x53: {  	_ =	shalt  }
0x54: {  	_ =	shalt  }
0x55: {  	_ =	shalt  }
0x56: {  	_ =	shalt  }
0x57: {  	_ =	shalt  }
0x58: {  	_ =	shalt  }
0x59: {  	_ =	shalt  }
0x5a: {  	_ =	shalt  }
0x5b: {  	_ =	shalt  }
0x5c: {  	_ =	shalt  }
0x5d: {  	_ =	shalt  }
0x5e: {  	_ =	shalt  }
0x5f: {  	_ =	shalt  }
0x60: {  	_ =	shalt  }
0x61: {  	_ =	shalt  }
0x62: {  	_ =	shalt  }
0x63: {  	_ =	shalt  }
0x64: {  	_ =	shalt  }
0x65: {  	_ =	shalt  }
0x66: {  	_ =	shalt  }
0x67: {  	_ =	shalt  }
0x68: {  	_ =	shalt  }
0x69: {  	_ =	shalt  }
0x6a: {  	_ =	shalt  }
0x6b: {  	_ =	shalt  }
0x6c: {  	_ =	shalt  }
0x6d: {  	_ =	shalt  }
0x6e: {  	_ =	shalt  }
0x6f: {  	_ =	shalt  }
0x70: {  	_ =	shalt  }
0x71: {  	_ =	shalt  }
0x72: {  	_ =	shalt  }
0x73: {  	_ =	shalt  }
0x74: {  	_ =	shalt  }
0x75: {  	_ =	shalt  }
0x76: {  	_ =	shalt  }
0x77: {  	_ =	shalt  }
0x78: {  	_ =	shalt  }
0x79: {  	_ =	shalt  }
0x7a: {  	_ =	shalt  }
0x7b: {  	_ =	shalt  }
0x7c: {  	_ =	shalt  }
0x7d: {  	_ =	shalt  }
0x7e: {  	_ =	shalt  }
0x7f: {  	_ =	shalt  }
0x80: {  	_ =	shalt  }
0x81: {  	_ =	shalt  }
0x82: {  	_ =	shalt  }
0x83: {  	_ =	shalt  }
0x84: {  	_ =	shalt  }
0x85: {  	_ =	shalt  }
0x86: {  	_ =	shalt  }
0x87: {  	_ =	shalt  }
.Lfunc_end0:
.L_simem_size_0:
called_computation.2_lowered:
.L_overlay_start_0:
0x88: {  	s2 =	sld [smem:$0x3FD9]  }
0x89: {  	s3 =	sld [smem:$0x3FFE];
	_ =	sdelay $0x1  }
0x8a: {  	s1 =	srdreg.scid  }
0x8b: {  	s0 =	sand.u32 $0x1, s1  }
0x8c: {  	s17 =	sshll.u32 s0, $0xA;
	s2 =	sadd.s32 s3, s2  }
0x8d: {  	s2 =	sadd.s32 s2, s17  }
0x8e: {  	[smem:$0x3FC2] =	sst s2  }
0x8f: {  	_ = 	snop  }
0x90: {  	s2 =	sld [smem:$0x3FD0];
	(tm) =	ssettm $0x1  }
0x91: {  	s18 =	sld [smem:$0x3FFB];
	_ =	sdelay $0x3  }
0x92: {  	_ =	strace s18  }
0x93: {  	s3 =	sld [smem:$0x3FFC];
	_ =	sdelay $0x3  }
0x94: {  	_ =	strace s3  }
0x95: {  	s3 =	sld [smem:$0x3FFD];
	_ =	sdelay $0x3  }
0x96: {  	_ =	strace s3  }
0x97: {  	_ =	strace $0x8FFFFFFF  }
0x98: {  	s19 =	sld [smem:$0x3FDB];
	_ =	sdelay $0x1  }
0x99: {  	s4 =	simm.s32 $_scs_section_size  }
0x9a: {  	s5 =	simm.s32 $_size__tile_overlayer_lowered;
	s6 =	simm.s32 $_tile_overlayer_lowered  }
0x9b: {  	s22 =	simm.s32 $0x1BFF;
	s21 =	sshll.u32 s6, $0x1;
	s3 =	sadd.s32 s4, s19  }
0x9c: {  	s7 =	simm.s32 $0x0;
	s20 =	sshll.u32 s5, $0x1;
	s5 =	sadd.s32 s21, s3  }
0x9d: {  	[timem:s7], [sflag:s22] =	dma.local [hbm:s5], s20  }
0x9e: {  	_ =	swait.ge [sflag:s22], s20  }
0x9f: {  	s4 =	ssub.s32 $0x0, s20;
	[sflag:s22] =	ssyncset.done $0x0  }
0xa0: {  	[sflag:s22] =	ssyncadd.s32 s4;
	_ =	sdelay $0x1  }
0xa1: {  	s23 =	simm.s32 $0x1B8B  }
0xa2: {  	_ =	swait.ge [sflag:s23], $0x1  }
0xa3: {  	[sflag:s23] =	ssyncset.done $0x0  }
0xa4: {  	s25 =	simm.s32 $0x1B8E;
	s24 =	sld [smem:$0x3FFE];
	[sflag:s23] =	ssyncadd.s32 $0xFFFFFFFF  }
0xa5: {  	s26 =	simm.s32 $execute0_lowered;
	[smem:$0x3FD2] =	sst s25  }
0xa6: {  	s5 =	sshll.u32 s26, $0x1;
	_ =	strace $0x8000004C;
	[dreg:$0x1] =	wrdreg $0xFFFFFFFF  }
0xa7: {  	s28 =	simm.s32 $_size_execute0_lowered;
	s3 =	sadd.s32 s3, s5;
	[dreg:$0x0] =	wrdreg $0x0  }
0xa8: {  	s5 =	sshll.u32 s28, $0x1;
	[dreg:$0x2] =	wrdreg s3  }
0xa9: {  	[dreg:$0x3] =	wrdreg s5  }
0xaa: {  	[dreg:$0x4] =	wrdreg $0xC0  }
0xab: {  	_ =	task [dreg:s7], $0x5FFFF  }
0xac: {  	[dreg:$0x1] =	wrdreg $0xFFFFFFFF  }
0xad: {  	[dreg:$0x0] =	wrdreg $0x60  }
0xae: {  	[dreg:$0x2] =	wrdreg s2  }
0xaf: {  	[dreg:$0x3] =	wrdreg s24  }
0xb0: {  	[dreg:$0x4] =	wrdreg $0x98000  }
0xb1: {  	[dreg:$0x5] =	wrdreg $0x9  }
0xb2: {  	_ =	task.clear_ibuf [dreg:s7], $0x6FFFF;
	_ =	strace $0x9000004C  }
0xb3: {  	s29 =	simm.s32 $0x9;
	_ =	strace $0x8000004E  }
0xb4: {  	_ =	swait.ge [sflag:s29], $0x1  }
0xb5: {  	[sflag:s29] =	ssyncadd.s32 $0xFFFFFFFF  }
0xb6: {  	_ =	strace $0x9000004E  }
0xb7: {  	_ =	sfence  }
0xb8: {  	s30 =	sld [smem:$0x0];
	_ =	sdelay $0x2  }
0xb9: {  	s31 =	sshll.u32 s1, $0xD;
	s1 =	sshrl.u32 s1, $0x2  }
0xba: {  	s3 =	sand.u32 $0x4000, s31;
	s1 =	sadd.s32 s1, s30  }
0xbb: {  	s0 =	sor.u32 s3, s0;
	s1 =	sshll.u32 s1, $0x11  }
0xbc: {  	s0 =	sor.u32 s1, s0  }
0xbd: {  	s0 =	sadd.s32 $0x8F2B, s0  }
0xbe: {  	[sflag:s0] =	ssyncadd.remote.s32 $0x1  }
0xbf: {  	_ =	sfence.sel $0xFFFF  }
0xc0: {  	[dreg:$0x0] =	wrdreg $0xFFFFFFFF;
	(pc) =	sbr.abs _section_cstart, $3  }
0xc1: {  	[dreg:$0x1] =	wrdreg $0xFFFFFFFF  }
0xc2: {  	_ =	task.clear_ibuf [dreg:s7], $0x2FFFF;
	_ =	strace $0x9FFFFFFF  }
0xc3: {  	(tm) =	ssettm $0x7FFFFFFF  }
tec
execute0_lowered:
.L_overlay_start_1:
0x0: {  	(tag) =	ssettag $0x1  }
0x1: {  	s1 =	rddreg [dreg:$0x0]  }
0x2: {  	s0 =	rddreg [dreg:$0x1]  }
0x3: {  	s2 =	rddreg [dreg:$0x2];
	s4 =	simm.s32 $0x0;
	s3 =	srdreg.scid  }
0x4: {  	s21 =	stileid.u32;
	[smem:$0x7FF] =	sst s4  }
0x5: {  	s3 =	sand.u32 $0x1, s3;
	s6 =	smul.u32 $0x13800, s21;
	s7 =	sadd.s32 $0x3BE00, s0  }
0x6: {  	s10 =	smul.u32 $0x4E000, s21;
	p0 =	seq.s32 s21, $0xF;
	_ =	strace $0x8000004D  }
0x7: {  	s5 =	ssub.s32 $0x2, s3;
	s9 =	smul.u32 $0x138800, s3;
	s3 =	sshll.u32 s3, $0x4  }
0x8: {  	s8 =	sshrl.u32 s5, $0x1;
	s17 =	sadd.s32 $0x2800, s6;
	s3 =	sor.u32 s21, s3  }
0x9: {  	s26 =	sshrl.u32 s10, $0x2;
	s5 =	ssub.s32 s5, s8;
	s8 =	sadd.s32 $0x11800, s6  }
0xa: {  	s12 =	sadd.s32 s9, s6;
	s18 =	sadd.s32 s9, s17;
	s15 =	sadd.s32 s26, s2  }
0xb: {  	s11 =	sadd.s32 s9, s8;
	s12 =	sshrl.u32 s12, $0x3;
	s10 =	smax.u32 s5, $0x1  }
0xc: {  	s21 =	sadd.s32 $0xC800, s15;
	s11 =	sshrl.u32 s11, $0x3;
	[dreg:$0xd] =	wrdreg s10  }
0xd: {  	s16 =	sadd.s32 s7, s12;
	[smem:$0x7F8] =	sst s21;
	s11 =	sadd.s32 s7, s11  }
0xe: {  	s12 =	sadd.s32 $0x5000, s6;
	[dreg:$0x4] =	wrdreg s11;
	s11 =	sshrl.u32 s18, $0x3  }
0xf: {  	s19 =	sadd.s32 s9, s12;
	s18 =	sadd.s32 $0x7800, s6;
	s11 =	sadd.s32 s7, s11  }
0x10: {  	s13 =	sadd.s32 s9, s18;
	[dreg:$0x6] =	wrdreg s11;
	s11 =	sshrl.u32 s19, $0x3  }
0x11: {  	[dreg:$0x5] =	wrdreg s16;
	s13 =	sshrl.u32 s13, $0x3;
	s11 =	sadd.s32 s7, s11  }
0x12: {  	s19 =	sadd.s32 $0xA000, s6;
	s20 =	sadd.s32 s7, s13;
	[dreg:$0x7] =	wrdreg s11  }
0x13: {  	s22 =	sadd.s32 s9, s19;
	[dreg:$0x8] =	wrdreg s20  }
0x14: {  	s11 =	sshrl.u32 s22, $0x3;
	s20 =	sadd.s32 $0xC800, s6;
	s22 =	sadd.s32 s18, s2  }
0x15: {  	s6 =	sadd.s32 $0xF000, s6;
	s18 =	sadd.s32 $0x5000, s15;
	[dreg:$0x10] =	wrdreg s22  }
0x16: {  	s11 =	sadd.s32 s7, s11;
	s23 =	sadd.s32 s9, s20;
	[dreg:$0x1e] =	wrdreg s18  }
0x17: {  	s24 =	sadd.s32 s9, s6;
	s22 =	sadd.s32 $0x124800, s2;
	[dreg:$0x9] =	wrdreg s11  }
0x18: {  	s11 =	sshrl.u32 s23, $0x3;
	s23 =	sadd.s32 s19, s2;
	[smem:$0x7F9] =	sst s22  }
0x19: {  	s13 =	sshrl.u32 s24, $0x3;
	s24 =	sadd.s32 s20, s2;
	[dreg:$0x11] =	wrdreg s23  }
0x1a: {  	s19 =	sadd.s32 $0x7800, s15;
	[dreg:$0x12] =	wrdreg s24  }
0x1b: {  	s20 =	sadd.s32 $0xA000, s15;
	[dreg:$0x1f] =	wrdreg s19  }
0x1c: {  	s11 =	sadd.s32 s7, s11;
	[smem:$0x7F7] =	sst s20  }
0x1d: {  	s9 =	sshrl.u32 s9, $0x3;
	s25 =	sadd.s32 s7, s13;
	[dreg:$0xa] =	wrdreg s11  }
0x1e: {  	s7 =	sadd.s32 s7, s9;
	s9 =	sadd.s32 s8, s2;
	[dreg:$0xb] =	wrdreg s25  }
0x1f: {  	s23 =	sadd.s32 $0xF000, s15;
	[dreg:$0xc] =	wrdreg s9  }
0x20: {  	s28 =	simm.s32 $0x2000;
	s24 =	sadd.s32 $0x127000, s2;
	[smem:$0x7FA] =	sst s23  }
0x21: {  	s29 =	simm.s32 $0x80;
	s11 =	sadd.s32 s17, s2;
	[smem:$0x7FB] =	sst s24  }
0x22: {  	s30 =	simm.s32 $0x4800;
	s17 =	sadd.s32 s12, s2;
	[dreg:$0xe] =	wrdreg s11  }
0x23: {  	s31 =	simm.s32 $0x3;
	s25 =	sadd.s32 s6, s2;
	[dreg:$0xf] =	wrdreg s17  }
0x24: {  	s14 =	sadd.s32 $0x27E00, s0;
	s26 =	sadd.s32 $0x24900, s7;
	[dreg:$0x13] =	wrdreg s25  }
0x25: {  	s16 =	smul.u32 $0x5000, s3;
	s3 =	sadd.s32 $0x24E00, s7;
	[dreg:$0x14] =	wrdreg s26  }
0x26: {  	s21 =	sadd.s32 $0x12E800, s2;
	s5 =	sadd.s32 $0x25300, s7;
	[dreg:$0x15] =	wrdreg s3  }
0x27: {  	s18 =	simm.s32 $0x6;
	s6 =	sadd.s32 $0x25800, s7;
	[dreg:$0x16] =	wrdreg s5  }
0x28: {  	s22 =	sadd.s32 $0x131000, s2;
	s8 =	sadd.s32 $0x25D00, s7;
	[dreg:$0x17] =	wrdreg s6  }
0x29: {  	s13 =	sadd.s32 $0x13E00, s0;
	s9 =	sadd.s32 $0x26200, s7;
	[dreg:$0x18] =	wrdreg s8  }
0x2a: {  	s0 =	simm.s32 $0x7000;
	s10 =	sadd.s32 $0x26700, s7;
	[dreg:$0x19] =	wrdreg s9  }
0x2b: {  	s12 =	sadd.s32 $0x11800, s15;
	s23 =	sadd.s32 $0x133800, s2;
	[dreg:$0x1a] =	wrdreg s10  }
0x2c: {  	s24 =	sadd.s32 $0x136000, s2;
	s11 =	sadd.s32 $0x26C00, s7;
	[dreg:$0x1c] =	wrdreg s12  }
.Ltmp0:
0x2d: {  	s17 =	sadd.s32 $0x2800, s15;
	s25 =	sadd.s32 $0x129800, s2;
	(pc) =	sbr.rel .LBB2_1-.Ltmp0, $4  }
0x2e: {  	s26 =	sadd.s32 $0x12C000, s2;
	s3 =	simm.s32 $0x5;
	[dreg:$0x1b] =	wrdreg s11  }
0x2f: {  	s5 =	simm.s32 $0x4;
	s6 =	simm.s32 $0x2;
	[dreg:$0x1d] =	wrdreg s17  }
0x30: {  	s7 =	simm.s32 $0x1;
	s8 =	simm.s32 $0x0;
	[smem:$0x7FC] =	sst s25  }
0x31: {  	v0 =	vimm.f32 $0.0e+00;
	[smem:$0x7FD] =	sst s26;
	s25 =	simm.s32 $0x7;
	s26 =	simm.s32 $0x50  }
.LBB2_14:
0x32: {  	s9 =	sld [smem:$0x7F9];
	_ =	sdelay $0x2  }
0x33: {  	[tilespmem:s28], [sflag:$0x7] =	stream.linear.gather [spmem:s9], $0x2800, $0x38;
	[tilespmem:$0x1D080] =	vst v63  }
0x34: {  	_ =	swait.ge [sflag:s25], $0x2800  }
0x35: {  	[sflag:s25] =	ssyncset.done $0x0  }
0x36: {  	s11 =	rddreg [dreg:$0x14];
	[sflag:s25] =	ssyncadd.s32 $0xFFFFD800  }
0x37: {  	[hbm4b:s11+s4] =	stream.linear.scatter [tilespmem:s28], [sflag:$0x7], $0x2800, $0x38;
	[tilespmem:$0x1D080] =	vst v63  }
0x38: {  	_ =	swait.ge [sflag:s25], $0x2800  }
0x39: {  	s12 =	sld [smem:$0x7FB]  }
0x3a: {  	[sflag:s25] =	ssyncset.done $0x0  }
0x3b: {  	[sflag:s25] =	ssyncadd.s32 $0xFFFFD800  }
0x3c: {  	[tilespmem:s28], [sflag:$0x7] =	stream.linear.gather [spmem:s12], $0x2800, $0x38;
	[tilespmem:$0x1D080] =	vst v63  }
0x3d: {  	_ =	swait.ge [sflag:s25], $0x2800  }
0x3e: {  	[sflag:s25] =	ssyncset.done $0x0  }
0x3f: {  	s17 =	rddreg [dreg:$0x15];
	[sflag:s25] =	ssyncadd.s32 $0xFFFFD800  }
0x40: {  	[hbm4b:s17+s4] =	stream.linear.scatter [tilespmem:s28], [sflag:$0x7], $0x2800, $0x38;
	[tilespmem:$0x1D080] =	vst v63  }
0x41: {  	_ =	swait.ge [sflag:s25], $0x2800  }
0x42: {  	s19 =	sld [smem:$0x7FC]  }
0x43: {  	[sflag:s25] =	ssyncset.done $0x0  }
0x44: {  	[sflag:s25] =	ssyncadd.s32 $0xFFFFD800  }
0x45: {  	[tilespmem:s28], [sflag:$0x7] =	stream.linear.gather [spmem:s19], $0x2800, $0x38;
	[tilespmem:$0x1D080] =	vst v63  }
0x46: {  	_ =	swait.ge [sflag:s25], $0x2800  }
0x47: {  	[sflag:s25] =	ssyncset.done $0x0  }
0x48: {  	s20 =	rddreg [dreg:$0x16];
	[sflag:s25] =	ssyncadd.s32 $0xFFFFD800  }
0x49: {  	[hbm4b:s20+s4] =	stream.linear.scatter [tilespmem:s28], [sflag:$0x7], $0x2800, $0x38;
	[tilespmem:$0x1D080] =	vst v63  }
0x4a: {  	_ =	swait.ge [sflag:s25], $0x2800  }
0x4b: {  	s10 =	sld [smem:$0x7FD]  }
0x4c: {  	[sflag:s25] =	ssyncset.done $0x0  }
0x4d: {  	[sflag:s25] =	ssyncadd.s32 $0xFFFFD800  }
0x4e: {  	[tilespmem:s28], [sflag:$0x7] =	stream.linear.gather [spmem:s10], $0x2800, $0x38;
	[tilespmem:$0x1D080] =	vst v63  }
0x4f: {  	_ =	swait.ge [sflag:s25], $0x2800  }
0x50: {  	[sflag:s25] =	ssyncset.done $0x0  }
0x51: {  	s11 =	rddreg [dreg:$0x17];
	[sflag:s25] =	ssyncadd.s32 $0xFFFFD800  }
0x52: {  	[hbm4b:s11+s4] =	stream.linear.scatter [tilespmem:s28], [sflag:$0x7], $0x2800, $0x38;
	[tilespmem:$0x1D080] =	vst v63  }
0x53: {  	_ =	swait.ge [sflag:s25], $0x2800  }
0x54: {  	[sflag:s25] =	ssyncset.done $0x0  }
0x55: {  	[sflag:s25] =	ssyncadd.s32 $0xFFFFD800  }
0x56: {  	[tilespmem:s28], [sflag:$0x7] =	stream.linear.gather [spmem:s21], $0x2800, $0x38;
	[tilespmem:$0x1D080] =	vst v63  }
0x57: {  	_ =	swait.ge [sflag:s25], $0x2800  }
0x58: {  	[sflag:s25] =	ssyncset.done $0x0  }
0x59: {  	s12 =	rddreg [dreg:$0x18];
	[sflag:s25] =	ssyncadd.s32 $0xFFFFD800  }
0x5a: {  	[hbm4b:s12+s4] =	stream.linear.scatter [tilespmem:s28], [sflag:$0x7], $0x2800, $0x38;
	[tilespmem:$0x1D080] =	vst v63  }
0x5b: {  	_ =	swait.ge [sflag:s25], $0x2800  }
0x5c: {  	[sflag:s25] =	ssyncset.done $0x0  }
0x5d: {  	[sflag:s25] =	ssyncadd.s32 $0xFFFFD800  }
0x5e: {  	[tilespmem:s28], [sflag:$0x7] =	stream.linear.gather [spmem:s22], $0x2800, $0x38;
	[tilespmem:$0x1D080] =	vst v63  }
0x5f: {  	_ =	swait.ge [sflag:s25], $0x2800  }
0x60: {  	[sflag:s25] =	ssyncset.done $0x0  }
0x61: {  	s17 =	rddreg [dreg:$0x19];
	[sflag:s25] =	ssyncadd.s32 $0xFFFFD800  }
0x62: {  	[hbm4b:s17+s4] =	stream.linear.scatter [tilespmem:s28], [sflag:$0x7], $0x2800, $0x38;
	[tilespmem:$0x1D080] =	vst v63  }
0x63: {  	_ =	swait.ge [sflag:s25], $0x2800  }
0x64: {  	[sflag:s25] =	ssyncset.done $0x0  }
0x65: {  	[sflag:s25] =	ssyncadd.s32 $0xFFFFD800  }
0x66: {  	[tilespmem:s28], [sflag:$0x7] =	stream.linear.gather [spmem:s23], $0x2800, $0x38;
	[tilespmem:$0x1D080] =	vst v63  }
0x67: {  	_ =	swait.ge [sflag:s25], $0x2800  }
0x68: {  	[sflag:s25] =	ssyncset.done $0x0  }
0x69: {  	s19 =	rddreg [dreg:$0x1a];
	[sflag:s25] =	ssyncadd.s32 $0xFFFFD800  }
0x6a: {  	[hbm4b:s19+s4] =	stream.linear.scatter [tilespmem:s28], [sflag:$0x7], $0x2800, $0x38;
	[tilespmem:$0x1D080] =	vst v63  }
0x6b: {  	_ =	swait.ge [sflag:s25], $0x2800  }
0x6c: {  	[sflag:s25] =	ssyncset.done $0x0  }
0x6d: {  	[sflag:s25] =	ssyncadd.s32 $0xFFFFD800  }
0x6e: {  	[tilespmem:s28], [sflag:$0x7] =	stream.linear.gather [spmem:s24], $0x2800, $0x38;
	[tilespmem:$0x1D080] =	vst v63  }
0x6f: {  	_ =	swait.ge [sflag:s25], $0x2800  }
0x70: {  	[sflag:s25] =	ssyncset.done $0x0  }
0x71: {  	s20 =	rddreg [dreg:$0x1b];
	[sflag:s25] =	ssyncadd.s32 $0xFFFFD800  }
0x72: {  	[hbm4b:s20+s4] =	stream.linear.scatter [tilespmem:s28], [sflag:$0x7], $0x2800, $0x38;
	[tilespmem:$0x1D080] =	vst v63  }
0x73: {  	_ =	swait.ge [sflag:s25], $0x2800  }
0x74: {  	[sflag:s25] =	ssyncset.done $0x0  }
0x75: {  	[sflag:s25] =	ssyncadd.s32 $0xFFFFD800  }
.LBB2_15:
0x76: {  	s8 =	sadd.s32 $0x1, s8;
	s9 =	rddreg [dreg:$0xd]  }
0x77: {  	p1 =	sne.s32 s8, s9  }
.Ltmp1:
0x78: {  	_ = 	snop;
	(pc) =	sbr.rel @!p1 .LBB2_16-.Ltmp1, $1  }
0x79: {  	_ =	sdelay $0x3  }
.LBB2_1:
0x7a: {  	s9 =	sand.u32 $0xFE00, s4  }
0x7b: {  	s10 =	sand.u32 $0x70, s4;
	s11 =	sshrl.u32 s9, $0x2  }
0x7c: {  	s9 =	simm.s32 $0x40;
	s11 =	sor.u32 s10, s11;
	s10 =	simm.s32 $0x0  }
.LBB2_2:
0x7d: {  	p1 =	sne.s32 s9, $0x9FC0  }
0x7e: {  	[tilespmem:s11+$0x2000] =	vst v0;
	s10 =	sadd.s32 $0x10, s10;
	s11 =	smov.u32 s9;
	s9 =	sadd.s32 $0x40, s9  }
.Ltmp2:
0x7f: {  	(pc) =	sbr.rel @p1 .LBB2_2-.Ltmp2, $4  }
0x80: {  	_ = 	snop  }
0x81: {  	s11 =	sand.u32 $0xFE00, s11  }
0x82: {  	s12 =	sand.u32 $0x70, s10;
	s11 =	sshrl.u32 s11, $0x2  }
0x83: {  	s11 =	sor.u32 s12, s11  }
0x84: {  	s10 =	sld [smem:$0x7F9];
	_ =	sdelay $0x1  }
0x85: {  	[tilespmem:s11+$0x2000] =	vst v0;
	s9 =	simm.s32 @p0 $0x2000  }
0x86: {  	[spmem:s10] =	stream.linear.scatter @p0 [tilespmem:s9], [sflag:$0x7], $0x2800, $0x38;
	[tilespmem:$0x1D080] =	vst v63  }
0x87: {  	s10 =	simm.s32 @p0 $0x7  }
0x88: {  	_ =	swait.ge @p0 [sflag:s10], $0x2800  }
0x89: {  	s11 =	sld [smem:$0x7FB]  }
0x8a: {  	[sflag:s10] =	ssyncset.done @p0 $0x0  }
0x8b: {  	[sflag:s10] =	ssyncadd.s32 @p0 $0xFFFFD800  }
0x8c: {  	[spmem:s11] =	stream.linear.scatter @p0 [tilespmem:s9], [sflag:$0x7], $0x2800, $0x38;
	[tilespmem:$0x1D080] =	vst v63  }
0x8d: {  	_ =	swait.ge @p0 [sflag:s10], $0x2800  }
0x8e: {  	s11 =	sld [smem:$0x7FC]  }
0x8f: {  	[sflag:s10] =	ssyncset.done @p0 $0x0  }
0x90: {  	[sflag:s10] =	ssyncadd.s32 @p0 $0xFFFFD800  }
0x91: {  	[spmem:s11] =	stream.linear.scatter @p0 [tilespmem:s9], [sflag:$0x7], $0x2800, $0x38;
	[tilespmem:$0x1D080] =	vst v63  }
0x92: {  	_ =	swait.ge @p0 [sflag:s10], $0x2800  }
0x93: {  	s11 =	sld [smem:$0x7FD]  }
0x94: {  	[sflag:s10] =	ssyncset.done @p0 $0x0  }
0x95: {  	[sflag:s10] =	ssyncadd.s32 @p0 $0xFFFFD800  }
0x96: {  	[spmem:s11] =	stream.linear.scatter @p0 [tilespmem:s9], [sflag:$0x7], $0x2800, $0x38;
	[tilespmem:$0x1D080] =	vst v63  }
0x97: {  	_ =	swait.ge @p0 [sflag:s10], $0x2800  }
0x98: {  	[sflag:s10] =	ssyncset.done @p0 $0x0  }
0x99: {  	[sflag:s10] =	ssyncadd.s32 @p0 $0xFFFFD800  }
0x9a: {  	[spmem:s21] =	stream.linear.scatter @p0 [tilespmem:s9], [sflag:$0x7], $0x2800, $0x38;
	[tilespmem:$0x1D080] =	vst v63  }
0x9b: {  	_ =	swait.ge @p0 [sflag:s10], $0x2800  }
0x9c: {  	[sflag:s10] =	ssyncset.done @p0 $0x0  }
0x9d: {  	[sflag:s10] =	ssyncadd.s32 @p0 $0xFFFFD800  }
0x9e: {  	[spmem:s22] =	stream.linear.scatter @p0 [tilespmem:s9], [sflag:$0x7], $0x2800, $0x38;
	[tilespmem:$0x1D080] =	vst v63  }
0x9f: {  	_ =	swait.ge @p0 [sflag:s10], $0x2800  }
0xa0: {  	[sflag:s10] =	ssyncset.done @p0 $0x0  }
0xa1: {  	[sflag:s10] =	ssyncadd.s32 @p0 $0xFFFFD800  }
0xa2: {  	[spmem:s23] =	stream.linear.scatter @p0 [tilespmem:s9], [sflag:$0x7], $0x2800, $0x38;
	[tilespmem:$0x1D080] =	vst v63  }
0xa3: {  	_ =	swait.ge @p0 [sflag:s10], $0x2800  }
0xa4: {  	[sflag:s10] =	ssyncset.done @p0 $0x0  }
0xa5: {  	[sflag:s10] =	ssyncadd.s32 @p0 $0xFFFFD800  }
0xa6: {  	[spmem:s24] =	stream.linear.scatter @p0 [tilespmem:s9], [sflag:$0x7], $0x2800, $0x38;
	[tilespmem:$0x1D080] =	vst v63  }
0xa7: {  	_ =	swait.ge @p0 [sflag:s10], $0x2800  }
0xa8: {  	[sflag:s10] =	ssyncset.done @p0 $0x0  }
0xa9: {  	s9 =	simm.s32 @!p0 $0x2000;
	[sflag:s10] =	ssyncadd.s32 @p0 $0xFFFFD800;
	s10 =	simm.s32 @!p0 $0x7  }
0xaa: {  	[spmem:s15] =	stream.linear.scatter @!p0 [tilespmem:s9], [sflag:$0x7], $0x2800, $0x38;
	[tilespmem:$0x1D080] =	vst v63  }
0xab: {  	_ =	swait.ge @!p0 [sflag:s10], $0x2800  }
0xac: {  	[sflag:s10] =	ssyncset.done @!p0 $0x0  }
0xad: {  	s11 =	rddreg [dreg:$0x1d];
	[sflag:s10] =	ssyncadd.s32 @!p0 $0xFFFFD800  }
0xae: {  	[spmem:s11] =	stream.linear.scatter @!p0 [tilespmem:s9], [sflag:$0x7], $0x2800, $0x38;
	[tilespmem:$0x1D080] =	vst v63  }
0xaf: {  	_ =	swait.ge @!p0 [sflag:s10], $0x2800  }
0xb0: {  	[sflag:s10] =	ssyncset.done @!p0 $0x0  }
0xb1: {  	s11 =	rddreg [dreg:$0x1e];
	[sflag:s10] =	ssyncadd.s32 @!p0 $0xFFFFD800  }
0xb2: {  	[spmem:s11] =	stream.linear.scatter @!p0 [tilespmem:s9], [sflag:$0x7], $0x2800, $0x38;
	[tilespmem:$0x1D080] =	vst v63  }
0xb3: {  	_ =	swait.ge @!p0 [sflag:s10], $0x2800  }
0xb4: {  	[sflag:s10] =	ssyncset.done @!p0 $0x0  }
0xb5: {  	s11 =	rddreg [dreg:$0x1f];
	[sflag:s10] =	ssyncadd.s32 @!p0 $0xFFFFD800  }
0xb6: {  	[spmem:s11] =	stream.linear.scatter @!p0 [tilespmem:s9], [sflag:$0x7], $0x2800, $0x38;
	[tilespmem:$0x1D080] =	vst v63  }
0xb7: {  	_ =	swait.ge @!p0 [sflag:s10], $0x2800  }
0xb8: {  	s11 =	sld [smem:$0x7F7]  }
0xb9: {  	[sflag:s10] =	ssyncset.done @!p0 $0x0  }
0xba: {  	[sflag:s10] =	ssyncadd.s32 @!p0 $0xFFFFD800  }
0xbb: {  	[spmem:s11] =	stream.linear.scatter @!p0 [tilespmem:s9], [sflag:$0x7], $0x2800, $0x38;
	[tilespmem:$0x1D080] =	vst v63  }
0xbc: {  	_ =	swait.ge @!p0 [sflag:s10], $0x2800  }
0xbd: {  	s11 =	sld [smem:$0x7F8]  }
0xbe: {  	[sflag:s10] =	ssyncset.done @!p0 $0x0  }
0xbf: {  	[sflag:s10] =	ssyncadd.s32 @!p0 $0xFFFFD800  }
0xc0: {  	[spmem:s11] =	stream.linear.scatter @!p0 [tilespmem:s9], [sflag:$0x7], $0x2800, $0x38;
	[tilespmem:$0x1D080] =	vst v63  }
0xc1: {  	_ =	swait.ge @!p0 [sflag:s10], $0x2800  }
0xc2: {  	s11 =	sld [smem:$0x7FA]  }
0xc3: {  	[sflag:s10] =	ssyncset.done @!p0 $0x0  }
0xc4: {  	[sflag:s10] =	ssyncadd.s32 @!p0 $0xFFFFD800  }
0xc5: {  	[spmem:s11] =	stream.linear.scatter @!p0 [tilespmem:s9], [sflag:$0x7], $0x2800, $0x38;
	[tilespmem:$0x1D080] =	vst v63  }
0xc6: {  	_ =	swait.ge @!p0 [sflag:s10], $0x2800  }
0xc7: {  	[sflag:s10] =	ssyncset.done @!p0 $0x0  }
0xc8: {  	s11 =	rddreg [dreg:$0x1c];
	[sflag:s10] =	ssyncadd.s32 @!p0 $0xFFFFD800  }
0xc9: {  	[spmem:s11] =	stream.linear.scatter @!p0 [tilespmem:s9], [sflag:$0x7], $0x2000, $0x38;
	[tilespmem:$0x1D080] =	vst v63  }
.Ltmp3:
0xca: {  	_ =	swait.ge @!p0 [sflag:s10], $0x2000;
	(pc) =	sbr.rel .LBB2_4-.Ltmp3, $4  }
0xcb: {  	[sflag:s10] =	ssyncset.done @!p0 $0x0  }
0xcc: {  	[sflag:s10] =	ssyncadd.s32 @!p0 $0xFFFFE000  }
0xcd: {  	[bflag:$0x0] =	sbarrier.arrive $0xFFFF  }
0xce: {  	s9 =	simm.s32 $0x0;
	s10 =	simm.s32 $0x0  }
.LBB2_11:
0xcf: {  	_ =	swait.ge [sflag:s3], $0x2800  }
0xd0: {  	[sflag:s3] =	ssyncset.done $0x0  }
0xd1: {  	s10 =	sadd.s32 $0x1, s10;
	[sflag:s3] =	ssyncadd.s32 $0xFFFFD800  }
0xd2: {  	p1 =	sne.s32 s10, $0x5;
	_ =	swait.ge [sflag:s18], $0x2800  }
.Ltmp4:
0xd3: {  	[sflag:s18] =	ssyncset.done $0x0;
	(pc) =	sbr.rel @!p1 .LBB2_12-.Ltmp4, $4  }
0xd4: {  	[sflag:s18] =	ssyncadd.s32 $0xFFFFD800  }
0xd5: {  	_ =	swait.ge [sflag:s5], $0x2800  }
0xd6: {  	[sflag:s5] =	ssyncset.done $0x0  }
0xd7: {  	[sflag:s5] =	ssyncadd.s32 $0xFFFFD800  }
.LBB2_4:
0xd8: {  	s11 =	sshll.u32 s10, $0xC  }
0xd9: {  	s11 =	sadd.s32 s16, s11  }
0xda: {  	s11 =	sshrl.u32 s11, $0x3  }
0xdb: {  	s12 =	sadd.s32 s13, s11  }
0xdc: {  	[tilespmem:s9], [sflag:$0x7] =	stream.linear.gather [hbm4b:s12+s9], $0xC80, $0x38;
	[tilespmem:$0x1D080] =	vst v63  }
0xdd: {  	_ =	swait.ge [sflag:s25], $0xC80  }
0xde: {  	[sflag:s25] =	ssyncset.done $0x0  }
0xdf: {  	s11 =	sadd.s32 s14, s11;
	s12 =	simm.s32 $0x1000;
	[sflag:s25] =	ssyncadd.s32 $0xFFFFF380  }
0xe0: {  	[tilespmem:s12], [sflag:$0x7] =	stream.linear.gather [hbm4b:s11+s9], $0xC80, $0x38;
	[tilespmem:$0x1D080] =	vst v63  }
0xe1: {  	_ =	swait.ge [sflag:s25], $0xC80  }
.Ltmp5:
0xe2: {  	[sflag:s25] =	ssyncset.done $0x0;
	(pc) =	sbr.rel .LBB2_5-.Ltmp5, $4  }
0xe3: {  	[sflag:s25] =	ssyncadd.s32 $0xFFFFF380  }
0xe4: {  	[tilespmem:s28], [sflag:$0x1] =	stream.indirect.gather [hbm4b:s1+s26], $0x80, s9, s26, $0xb8;
	[tilespmem:$0x1D080] =	vst v63  }
0xe5: {  	s17 =	simm.s32 $0x0;
	s11 =	simm.s32 $0x100  }
0xe6: {  	[tilespmem:s30], [sflag:$0x2] =	stream.indirect.gather [hbm4b:s1+s26], $0x80, s29, s26, $0xb8;
	[tilespmem:$0x1D080] =	vst v63  }
.LBB2_9:
0xe7: {  	_ =	swait.ge [sflag:s31], $0x2800  }
0xe8: {  	p1 =	sgt.u32 s17, $0x16;
	[sflag:s31] =	ssyncset.done $0x0  }
0xe9: {  	s19 =	simm.s32 @!p1 $0x5;
	[sflag:s31] =	ssyncadd.s32 $0xFFFFD800  }
0xea: {  	[spmem:s2] =	stream.indirect.scatter.add.f32 [tilespmem:s0], [sflag:$0x6], $0x80, s12, s26, $0xb8;
	[tilespmem:$0x1D080] =	vst v63  }
0xeb: {  	_ =	swait.ge @!p1 [sflag:s19], $0x2800  }
0xec: {  	[sflag:s19] =	ssyncset.done @!p1 $0x0  }
0xed: {  	s20 =	simm.s32 @!p1 $0x4800;
	[sflag:s19] =	ssyncadd.s32 @!p1 $0xFFFFD800;
	s19 =	simm.s32 @!p1 $0x50  }
0xee: {  	[tilespmem:s20], [sflag:$0x2] =	stream.indirect.gather @!p1 [hbm4b:s1+s19], $0x80, s11, s19, $0xb8;
	[tilespmem:$0x1D080] =	vst v63  }
.LBB2_10:
0xef: {  	s17 =	sadd.s32 $0x1, s17  }
0xf0: {  	p1 =	sne.s32 s17, $0x19  }
.Ltmp6:
0xf1: {  	_ = 	snop;
	(pc) =	sbr.rel @!p1 .LBB2_11-.Ltmp6, $2  }
0xf2: {  	_ =	sdelay $0x2  }
0xf3: {  	s11 =	sadd.s32 $0x80, s11;
	s12 =	sadd.s32 $0x80, s12  }
.LBB2_5:
0xf4: {  	s19 =	smul.u32 $0xAB, s17;
	_ =	sdelay $0x1  }
0xf5: {  	s19 =	sshrl.u32 s19, $0x9  }
0xf6: {  	s19 =	sand.u32 $0x7F, s19  }
0xf7: {  	s19 =	smul.u32 $0x3, s19;
	_ =	sdelay $0x1  }
0xf8: {  	s19 =	ssub.s32 s17, s19  }
0xf9: {  	s19 =	sand.u32 $0xFF, s19  }
0xfa: {  	p1 =	seq.s32 s19, $0x2  }
.Ltmp7:
0xfb: {  	_ = 	snop;
	(pc) =	sbr.rel @p1 .LBB2_9-.Ltmp7, $1  }
0xfc: {  	_ =	sdelay $0x3  }
0xfd: {  	p1 =	seq.s32 s19, $0x1  }
.Ltmp8:
0xfe: {  	_ = 	snop;
	(pc) =	sbr.rel @!p1 .LBB2_7-.Ltmp8, $1  }
0xff: {  	_ =	sdelay $0x3  }
0x100: {  	_ =	swait.ge [sflag:s6], $0x2800  }
0x101: {  	[sflag:s6] =	ssyncset.done $0x0  }
0x102: {  	p1 =	sgt.u32 s17, $0x16;
	[sflag:s6] =	ssyncadd.s32 $0xFFFFD800  }
0x103: {  	[spmem:s2] =	stream.indirect.scatter.add.f32 [tilespmem:s30], [sflag:$0x5], $0x80, s12, s26, $0xb8;
	[tilespmem:$0x1D080] =	vst v63  }
.Ltmp9:
0x104: {  	s19 =	simm.s32 @!p1 $0x4;
	(pc) =	sbr.rel .LBB2_10-.Ltmp9, $4  }
0x105: {  	_ =	swait.ge @!p1 [sflag:s19], $0x2800  }
0x106: {  	[sflag:s19] =	ssyncset.done @!p1 $0x0  }
0x107: {  	s20 =	simm.s32 @!p1 $0x2000;
	[sflag:s19] =	ssyncadd.s32 @!p1 $0xFFFFD800;
	s19 =	simm.s32 @!p1 $0x50  }
0x108: {  	[tilespmem:s20], [sflag:$0x1] =	stream.indirect.gather @!p1 [hbm4b:s1+s19], $0x80, s11, s19, $0xb8;
	[tilespmem:$0x1D080] =	vst v63  }
.LBB2_7:
0x109: {  	_ =	swait.ge [sflag:s7], $0x2800;
	p1 =	sgt.u32 s17, $0x16  }
0x10a: {  	[sflag:s7] =	ssyncset.done $0x0;
	p2 =	seq.s32 @!p1 s17, $0x0  }
0x10b: {  	[sflag:s7] =	ssyncadd.s32 $0xFFFFD800;
	p2 =	por p2, p1  }
0x10c: {  	[spmem:s2] =	stream.indirect.scatter.add.f32 [tilespmem:s28], [sflag:$0x4], $0x80, s12, s26, $0xb8;
	[tilespmem:$0x1D080] =	vst v63  }
.Ltmp10:
0x10d: {  	s19 =	simm.s32 @!p2 $0x6;
	(pc) =	sbr.rel .LBB2_10-.Ltmp10, $4  }
0x10e: {  	_ =	swait.ge @!p2 [sflag:s19], $0x2800  }
0x10f: {  	[sflag:s19] =	ssyncset.done @!p2 $0x0  }
0x110: {  	s20 =	simm.s32 @!p1 $0x7000;
	[sflag:s19] =	ssyncadd.s32 @!p2 $0xFFFFD800;
	s19 =	simm.s32 @!p1 $0x50  }
0x111: {  	[tilespmem:s20], [sflag:$0x3] =	stream.indirect.gather @!p1 [hbm4b:s1+s19], $0x80, s11, s19, $0xb8;
	[tilespmem:$0x1D080] =	vst v63  }
.LBB2_12:
.Ltmp11:
0x112: {  	(pc) =	sbr.rel @p0 .LBB2_14-.Ltmp11, $2  }
0x113: {  	_ =	sdelay $0x1  }
0x114: {  	[bflag:$0x0] =	sbarrier.arrive $0xFFFF;
	_ =	sdelay $0x1  }
0x115: {  	[tilespmem:s28], [sflag:$0x7] =	stream.linear.gather [spmem:s15], $0x2800, $0x38;
	[tilespmem:$0x1D080] =	vst v63  }
0x116: {  	_ =	swait.ge [sflag:s25], $0x2800  }
0x117: {  	[sflag:s25] =	ssyncset.done $0x0  }
0x118: {  	s9 =	rddreg [dreg:$0x5];
	[sflag:s25] =	ssyncadd.s32 $0xFFFFD800  }
0x119: {  	[hbm4b:s9+s4] =	stream.linear.scatter [tilespmem:s28], [sflag:$0x7], $0x2800, $0x38;
	[tilespmem:$0x1D080] =	vst v63  }
0x11a: {  	_ =	swait.ge [sflag:s25], $0x2800  }
0x11b: {  	[sflag:s25] =	ssyncset.done $0x0  }
0x11c: {  	s19 =	rddreg [dreg:$0xe];
	[sflag:s25] =	ssyncadd.s32 $0xFFFFD800  }
0x11d: {  	[tilespmem:s28], [sflag:$0x7] =	stream.linear.gather [spmem:s19], $0x2800, $0x38;
	[tilespmem:$0x1D080] =	vst v63  }
0x11e: {  	_ =	swait.ge [sflag:s25], $0x2800  }
0x11f: {  	[sflag:s25] =	ssyncset.done $0x0  }
0x120: {  	s20 =	rddreg [dreg:$0x6];
	[sflag:s25] =	ssyncadd.s32 $0xFFFFD800  }
0x121: {  	[hbm4b:s20+s4] =	stream.linear.scatter [tilespmem:s28], [sflag:$0x7], $0x2800, $0x38;
	[tilespmem:$0x1D080] =	vst v63  }
0x122: {  	_ =	swait.ge [sflag:s25], $0x2800  }
0x123: {  	[sflag:s25] =	ssyncset.done $0x0  }
0x124: {  	s10 =	rddreg [dreg:$0xf];
	[sflag:s25] =	ssyncadd.s32 $0xFFFFD800  }
0x125: {  	[tilespmem:s28], [sflag:$0x7] =	stream.linear.gather [spmem:s10], $0x2800, $0x38;
	[tilespmem:$0x1D080] =	vst v63  }
0x126: {  	_ =	swait.ge [sflag:s25], $0x2800  }
0x127: {  	[sflag:s25] =	ssyncset.done $0x0  }
0x128: {  	s11 =	rddreg [dreg:$0x7];
	[sflag:s25] =	ssyncadd.s32 $0xFFFFD800  }
0x129: {  	[hbm4b:s11+s4] =	stream.linear.scatter [tilespmem:s28], [sflag:$0x7], $0x2800, $0x38;
	[tilespmem:$0x1D080] =	vst v63  }
0x12a: {  	_ =	swait.ge [sflag:s25], $0x2800  }
0x12b: {  	[sflag:s25] =	ssyncset.done $0x0  }
0x12c: {  	s12 =	rddreg [dreg:$0x10];
	[sflag:s25] =	ssyncadd.s32 $0xFFFFD800  }
0x12d: {  	[tilespmem:s28], [sflag:$0x7] =	stream.linear.gather [spmem:s12], $0x2800, $0x38;
	[tilespmem:$0x1D080] =	vst v63  }
0x12e: {  	_ =	swait.ge [sflag:s25], $0x2800  }
0x12f: {  	[sflag:s25] =	ssyncset.done $0x0  }
0x130: {  	s17 =	rddreg [dreg:$0x8];
	[sflag:s25] =	ssyncadd.s32 $0xFFFFD800  }
0x131: {  	[hbm4b:s17+s4] =	stream.linear.scatter [tilespmem:s28], [sflag:$0x7], $0x2800, $0x38;
	[tilespmem:$0x1D080] =	vst v63  }
0x132: {  	_ =	swait.ge [sflag:s25], $0x2800  }
0x133: {  	[sflag:s25] =	ssyncset.done $0x0  }
0x134: {  	s19 =	rddreg [dreg:$0x11];
	[sflag:s25] =	ssyncadd.s32 $0xFFFFD800  }
0x135: {  	[tilespmem:s28], [sflag:$0x7] =	stream.linear.gather [spmem:s19], $0x2800, $0x38;
	[tilespmem:$0x1D080] =	vst v63  }
0x136: {  	_ =	swait.ge [sflag:s25], $0x2800  }
0x137: {  	[sflag:s25] =	ssyncset.done $0x0  }
0x138: {  	s20 =	rddreg [dreg:$0x9];
	[sflag:s25] =	ssyncadd.s32 $0xFFFFD800  }
0x139: {  	[hbm4b:s20+s4] =	stream.linear.scatter [tilespmem:s28], [sflag:$0x7], $0x2800, $0x38;
	[tilespmem:$0x1D080] =	vst v63  }
0x13a: {  	_ =	swait.ge [sflag:s25], $0x2800  }
0x13b: {  	[sflag:s25] =	ssyncset.done $0x0  }
0x13c: {  	s10 =	rddreg [dreg:$0x12];
	[sflag:s25] =	ssyncadd.s32 $0xFFFFD800  }
0x13d: {  	[tilespmem:s28], [sflag:$0x7] =	stream.linear.gather [spmem:s10], $0x2800, $0x38;
	[tilespmem:$0x1D080] =	vst v63  }
0x13e: {  	_ =	swait.ge [sflag:s25], $0x2800  }
0x13f: {  	[sflag:s25] =	ssyncset.done $0x0  }
0x140: {  	s11 =	rddreg [dreg:$0xa];
	[sflag:s25] =	ssyncadd.s32 $0xFFFFD800  }
0x141: {  	[hbm4b:s11+s4] =	stream.linear.scatter [tilespmem:s28], [sflag:$0x7], $0x2800, $0x38;
	[tilespmem:$0x1D080] =	vst v63  }
0x142: {  	_ =	swait.ge [sflag:s25], $0x2800  }
0x143: {  	[sflag:s25] =	ssyncset.done $0x0  }
0x144: {  	s12 =	rddreg [dreg:$0x13];
	[sflag:s25] =	ssyncadd.s32 $0xFFFFD800  }
0x145: {  	[tilespmem:s28], [sflag:$0x7] =	stream.linear.gather [spmem:s12], $0x2800, $0x38;
	[tilespmem:$0x1D080] =	vst v63  }
0x146: {  	_ =	swait.ge [sflag:s25], $0x2800  }
0x147: {  	[sflag:s25] =	ssyncset.done $0x0  }
0x148: {  	s17 =	rddreg [dreg:$0xb];
	[sflag:s25] =	ssyncadd.s32 $0xFFFFD800  }
0x149: {  	[hbm4b:s17+s4] =	stream.linear.scatter [tilespmem:s28], [sflag:$0x7], $0x2800, $0x38;
	[tilespmem:$0x1D080] =	vst v63  }
0x14a: {  	_ =	swait.ge [sflag:s25], $0x2800  }
0x14b: {  	[sflag:s25] =	ssyncset.done $0x0  }
0x14c: {  	s19 =	rddreg [dreg:$0xc];
	[sflag:s25] =	ssyncadd.s32 $0xFFFFD800  }
0x14d: {  	[tilespmem:s28], [sflag:$0x7] =	stream.linear.gather [spmem:s19], $0x2000, $0x38;
	[tilespmem:$0x1D080] =	vst v63  }
0x14e: {  	_ =	swait.ge [sflag:s25], $0x2000  }
0x14f: {  	[sflag:s25] =	ssyncset.done $0x0  }
.Ltmp12:
0x150: {  	s20 =	rddreg [dreg:$0x4];
	[sflag:s25] =	ssyncadd.s32 $0xFFFFE000;
	(pc) =	sbr.rel .LBB2_15-.Ltmp12, $4  }
0x151: {  	[hbm4b:s20+s4] =	stream.linear.scatter [tilespmem:s28], [sflag:$0x7], $0x2000, $0x38;
	[tilespmem:$0x1D080] =	vst v63  }
0x152: {  	_ =	swait.ge [sflag:s25], $0x2000  }
0x153: {  	[sflag:s25] =	ssyncset.done $0x0  }
0x154: {  	[sflag:s25] =	ssyncadd.s32 $0xFFFFE000  }
.LBB2_16:
0x155: {  	_ =	sfence.sel $0x180000  }
0x156: {  	[bflag:$0x0] =	sbarrier.arrive $0xFFFF  }
0x157: {  	_ =	strace $0x9000004D  }
0x158: {  	s0 =	stileid.u32;
	[bflag:$0x2] =	sbarrier.arrive $0xFFFF  }
0x159: {  	p0 =	sne.s32 s0, $0x0;
	s0 =	rddreg [dreg:$0x3]  }
0x15a: {  	s0 =	sadd.s32 @!p0 $0x100000, s0  }
0x15b: {  	[sflag:s0] =	ssyncadd.tile.s32 @!p0 $0x1;
	_ =	shalt  }
.Lfunc_end2:
_tile_overlayer_lowered:
.L_overlay_start_2:
0x15c: {  	(tag) =	ssettag $0x2  }
0x15d: {  	s0 =	rddreg [dreg:$0x0];
	s2 =	stileid.u32  }
0x15e: {  	s1 =	rddreg [dreg:$0x1];
	p0 =	sne.s32 s2, $0x0  }
0x15f: {  	s3 =	rddreg [dreg:$0x2];
	[bflag:$0x3] =	sbarrier.arrive $0xFFFF;
	s2 =	simm.s32 @!p0 $0x1C07  }
0x160: {  	[timem:s3], [sflag:s2] =	dma.local @!p0 [hbm:s0], s1  }
0x161: {  	s0 =	simm.s32 @!p0 $0x7  }
0x162: {  	_ =	swait.ge @!p0 [sflag:s0], s1  }
0x163: {  	s1 =	ssub.s32 @!p0 $0x0, s1;
	[sflag:s0] =	ssyncset.done @!p0 $0x0  }
0x164: {  	[sflag:s0] =	ssyncadd.s32 @!p0 s1  }
0x165: {  	[bflag:$0x3] =	sbarrier.arrive $0xFFFF  }
0x166: {  	_ =	shalt  }

// kernel: kernel.8.cloned.1.call-start
scs
__scs_entry_jumppad:
0x0: {  	(pc) =	sbr.rel $0x88, $3  }
0x1: {  	(tag) =	ssettag $0x0;
	lr =	simm.s32 $0x1  }
0x2: {  	[smem:$0x3F9B] =	sst lr;
	_ =	strace $0xD0000000  }
0x3: {  	_ = 	snop  }
0x4: {  	_ = 	snop  }
0x5: {  	_ = 	snop  }
0x6: {  	_ = 	snop  }
0x7: {  	_ = 	snop  }
__scs_overlays_trampoline_lowered:
0x8: {  	[smem:$0x3FAA] =	sst s0  }
0x9: {  	[smem:$0x3FAB] =	sst s1  }
0xa: {  	[smem:$0x3FAC] =	sst s2  }
0xb: {  	[smem:$0x3FAD] =	sst s3  }
0xc: {  	[smem:$0x3FAE] =	sst s4  }
0xd: {  	[smem:$0x3FAF] =	sst s5  }
0xe: {  	[smem:$0x3FB0] =	sst s6  }
0xf: {  	[smem:$0x3FB1] =	sst s7  }
0x10: {  	[smem:$0x3FB2] =	sst s8  }
0x11: {  	[smem:$0x3FB3] =	sst s9;
	s0 =	simm.s32 @!p0 $0x0  }
0x12: {  	s1 =	sld [smem:$0x3F99];
	s0 =	simm.s32 @p0 $0x1  }
0x13: {  	[smem:$0x3FB4] =	sst s0;
	s0 =	simm.s32 @!p1 $0x0  }
0x14: {  	s2 =	sld [smem:$0x3F98];
	s0 =	simm.s32 @p1 $0x1  }
0x15: {  	[smem:$0x3FB5] =	sst s0;
	s0 =	simm.s32 @!p2 $0x0  }
0x16: {  	s3 =	sld [smem:$0x3FDB];
	s0 =	simm.s32 @p2 $0x1  }
0x17: {  	s4 =	simm.s32 $0x1BF5;
	[smem:$0x3FB7] =	sst s0  }
0x18: {  	s0 =	sld [smem:$0x3F9A];
	_ =	swait.ge [sflag:s4], $0x0  }
0x19: {  	s7 =	sld [smem:$0x3F9B]  }
0x1a: {  	s8 =	sadd.s32 $0xFFFFE003, lr  }
0x1b: {  	s9 =	sadd.s32 $0xFFFFFEF7, lr;
	s5 =	simm.s32 $0xFFFFFFFF;
	p2 =	slt.u32 s8, $0xFFFFF086  }
0x1c: {  	p1 =	slt.u32 s9, $0xF7A;
	s5 =	simm.s32 @!p2 $0x0  }
0x1d: {  	s5 =	simm.s32 @p1 $0x1;
	p0 =	seq.s32 s7, s2  }
0x1e: {  	s7 =	smul.u32 @!p0 $0xF7A, s2;
	p2 =	seq.s32 @!p0 s5, $0x0  }
0x1f: {  	s9 =	smul.u32 $0xF7A, s1;
	s8 =	simm.s32 @!p0 $0x1BF5;
	p2 =	por !p2, p0  }
0x20: {  	[sflag:s8] =	ssyncset.s32 @!p0 $0xFFFFF086;
	s6 =	sadd.s32 @!p0 s3, s7;
	s7 =	simm.s32 @!p0 $0x108  }
0x21: {  	s3 =	sadd.s32 s3, s9;
	s6 =	sadd.s32 @!p0 $0x88, s6;
	s7 =	simm.s32 @p2 $0x1082  }
0x22: {  	[simem:s7], [sflag:s8] =	dma.local @!p0 [hbm:s6], $0xF7A  }
0x23: {  	s9 =	sor.u32 $0xD0000000, s2;
	s6 =	simm.s32 $0x108;
	_ =	swait.ge @!p0 [sflag:s8], $0x0  }
0x24: {  	s3 =	sadd.s32 $0x88, s3;
	s6 =	simm.s32 @!p1 $0x1082;
	[sflag:s4] =	ssyncset.s32 $0xFFFFF086  }
0x25: {  	[simem:s6], [sflag:s4] =	dma.local [hbm:s3], $0xF7A  }
0x26: {  	[smem:$0x3F9B] =	sst s1;
	(tag) =	ssettag s2;
	_ =	strace s9  }
0x27: {  	s1 =	sld [smem:$0x3FAB]  }
0x28: {  	s2 =	sld [smem:$0x3FAC]  }
0x29: {  	s4 =	sld [smem:$0x3FAE]  }
0x2a: {  	p0 =	seq.s32 s5, $0x0;
	s5 =	sld [smem:$0x3FAF]  }
0x2b: {  	s6 =	sld [smem:$0x3FB0]  }
0x2c: {  	s7 =	sld [smem:$0x3FB1]  }
0x2d: {  	s3 =	simm.s32 $0x108;
	s8 =	sld [smem:$0x3FB2]  }
0x2e: {  	s3 =	simm.s32 @!p0 $0x1082;
	s9 =	sld [smem:$0x3FB3]  }
0x2f: {  	lr =	sadd.s32 s0, s3;
	s0 =	sld [smem:$0x3FAA]  }
0x30: {  	s3 =	sld [smem:$0x3FAD]  }
0x31: {  	[smem:$0x3FB6] =	sst s10  }
0x32: {  	s10 =	sld [smem:$0x3FB4];
	_ =	sdelay $0x3  }
0x33: {  	p0 =	seq.s32 s10, $0x1;
	s10 =	sld [smem:$0x3FB6];
	_ =	sdelay $0x3  }
0x34: {  	[smem:$0x3FB6] =	sst s10  }
0x35: {  	s10 =	sld [smem:$0x3FB5];
	_ =	sdelay $0x3  }
0x36: {  	p1 =	seq.s32 s10, $0x1;
	s10 =	sld [smem:$0x3FB6];
	_ =	sdelay $0x3  }
0x37: {  	[smem:$0x3FB6] =	sst s10  }
0x38: {  	s10 =	sld [smem:$0x3FB7]  }
0x39: {  	_ = 	snop;
	(pc) =	sbr.ind lr, $3  }
0x3a: {  	_ = 	snop  }
0x3b: {  	_ = 	snop  }
0x3c: {  	p2 =	seq.s32 s10, $0x1;
	s10 =	sld [smem:$0x3FB6]  }
0x3d: {  	_ =	shalt  }
0x3e: {  	_ =	shalt  }
0x3f: {  	_ =	shalt  }
0x40: {  	_ =	shalt  }
0x41: {  	_ =	shalt  }
0x42: {  	_ =	shalt  }
0x43: {  	_ =	shalt  }
0x44: {  	_ =	shalt  }
0x45: {  	_ =	shalt  }
0x46: {  	_ =	shalt  }
0x47: {  	_ =	shalt  }
0x48: {  	_ =	shalt  }
0x49: {  	_ =	shalt  }
0x4a: {  	_ =	shalt  }
0x4b: {  	_ =	shalt  }
0x4c: {  	_ =	shalt  }
0x4d: {  	_ =	shalt  }
0x4e: {  	_ =	shalt  }
0x4f: {  	_ =	shalt  }
0x50: {  	_ =	shalt  }
0x51: {  	_ =	shalt  }
0x52: {  	_ =	shalt  }
0x53: {  	_ =	shalt  }
0x54: {  	_ =	shalt  }
0x55: {  	_ =	shalt  }
0x56: {  	_ =	shalt  }
0x57: {  	_ =	shalt  }
0x58: {  	_ =	shalt  }
0x59: {  	_ =	shalt  }
0x5a: {  	_ =	shalt  }
0x5b: {  	_ =	shalt  }
0x5c: {  	_ =	shalt  }
0x5d: {  	_ =	shalt  }
0x5e: {  	_ =	shalt  }
0x5f: {  	_ =	shalt  }
0x60: {  	_ =	shalt  }
0x61: {  	_ =	shalt  }
0x62: {  	_ =	shalt  }
0x63: {  	_ =	shalt  }
0x64: {  	_ =	shalt  }
0x65: {  	_ =	shalt  }
0x66: {  	_ =	shalt  }
0x67: {  	_ =	shalt  }
0x68: {  	_ =	shalt  }
0x69: {  	_ =	shalt  }
0x6a: {  	_ =	shalt  }
0x6b: {  	_ =	shalt  }
0x6c: {  	_ =	shalt  }
0x6d: {  	_ =	shalt  }
0x6e: {  	_ =	shalt  }
0x6f: {  	_ =	shalt  }
0x70: {  	_ =	shalt  }
0x71: {  	_ =	shalt  }
0x72: {  	_ =	shalt  }
0x73: {  	_ =	shalt  }
0x74: {  	_ =	shalt  }
0x75: {  	_ =	shalt  }
0x76: {  	_ =	shalt  }
0x77: {  	_ =	shalt  }
0x78: {  	_ =	shalt  }
0x79: {  	_ =	shalt  }
0x7a: {  	_ =	shalt  }
0x7b: {  	_ =	shalt  }
0x7c: {  	_ =	shalt  }
0x7d: {  	_ =	shalt  }
0x7e: {  	_ =	shalt  }
0x7f: {  	_ =	shalt  }
0x80: {  	_ =	shalt  }
0x81: {  	_ =	shalt  }
0x82: {  	_ =	shalt  }
0x83: {  	_ =	shalt  }
0x84: {  	_ =	shalt  }
0x85: {  	_ =	shalt  }
0x86: {  	_ =	shalt  }
0x87: {  	_ =	shalt  }
.Lfunc_end0:
.L_simem_size_0:
called_computation_lowered:
.L_overlay_start_0:
0x88: {  	s2 =	sld [smem:$0x3FD9]  }
0x89: {  	s3 =	sld [smem:$0x3FFE];
	_ =	sdelay $0x1  }
0x8a: {  	s1 =	srdreg.scid  }
0x8b: {  	s0 =	sand.u32 $0x1, s1  }
0x8c: {  	s17 =	sshll.u32 s0, $0xA;
	s2 =	sadd.s32 s3, s2  }
0x8d: {  	s2 =	sadd.s32 s2, s17  }
0x8e: {  	[smem:$0x3FC2] =	sst s2  }
0x8f: {  	_ = 	snop  }
0x90: {  	s2 =	sld [smem:$0x3FD0];
	(tm) =	ssettm $0x1  }
0x91: {  	s18 =	sld [smem:$0x3FFB];
	_ =	sdelay $0x3  }
0x92: {  	_ =	strace s18  }
0x93: {  	s3 =	sld [smem:$0x3FFC];
	_ =	sdelay $0x3  }
0x94: {  	_ =	strace s3  }
0x95: {  	s3 =	sld [smem:$0x3FFD];
	_ =	sdelay $0x3  }
0x96: {  	_ =	strace s3  }
0x97: {  	_ =	strace $0x8FFFFFFF  }
0x98: {  	s19 =	sld [smem:$0x3FDB];
	_ =	sdelay $0x1  }
0x99: {  	s4 =	simm.s32 $_scs_section_size  }
0x9a: {  	s5 =	simm.s32 $_size__tile_overlayer_lowered;
	s6 =	simm.s32 $_tile_overlayer_lowered  }
0x9b: {  	s22 =	simm.s32 $0x1BFF;
	s21 =	sshll.u32 s6, $0x1;
	s3 =	sadd.s32 s4, s19  }
0x9c: {  	s7 =	simm.s32 $0x0;
	s20 =	sshll.u32 s5, $0x1;
	s5 =	sadd.s32 s21, s3  }
0x9d: {  	[timem:s7], [sflag:s22] =	dma.local [hbm:s5], s20  }
0x9e: {  	_ =	swait.ge [sflag:s22], s20  }
0x9f: {  	s4 =	ssub.s32 $0x0, s20;
	[sflag:s22] =	ssyncset.done $0x0  }
0xa0: {  	[sflag:s22] =	ssyncadd.s32 s4;
	_ =	sdelay $0x1  }
0xa1: {  	s23 =	simm.s32 $0x1B8B  }
0xa2: {  	_ =	swait.ge [sflag:s23], $0x1  }
0xa3: {  	[sflag:s23] =	ssyncset.done $0x0  }
0xa4: {  	s25 =	simm.s32 $0x1B8E;
	s24 =	sld [smem:$0x3FFE];
	[sflag:s23] =	ssyncadd.s32 $0xFFFFFFFF  }
0xa5: {  	s26 =	simm.s32 $execute0_lowered;
	[smem:$0x3FD2] =	sst s25  }
0xa6: {  	s5 =	sshll.u32 s26, $0x1;
	_ =	strace $0x80000046;
	[dreg:$0x1] =	wrdreg $0xFFFFFFFF  }
0xa7: {  	s28 =	simm.s32 $_size_execute0_lowered;
	s3 =	sadd.s32 s3, s5;
	[dreg:$0x0] =	wrdreg $0x0  }
0xa8: {  	s5 =	sshll.u32 s28, $0x1;
	[dreg:$0x2] =	wrdreg s3  }
0xa9: {  	[dreg:$0x3] =	wrdreg s5  }
0xaa: {  	[dreg:$0x4] =	wrdreg $0xC0  }
0xab: {  	_ =	task [dreg:s7], $0x5FFFF  }
0xac: {  	[dreg:$0x1] =	wrdreg $0xFFFFFFFF  }
0xad: {  	[dreg:$0x0] =	wrdreg $0x60  }
0xae: {  	[dreg:$0x2] =	wrdreg s2  }
0xaf: {  	[dreg:$0x3] =	wrdreg s24  }
0xb0: {  	[dreg:$0x4] =	wrdreg $0x82800  }
0xb1: {  	[dreg:$0x5] =	wrdreg $0x84F80  }
0xb2: {  	[dreg:$0x6] =	wrdreg $0x9  }
0xb3: {  	_ =	task.clear_ibuf [dreg:s7], $0x7FFFF;
	_ =	strace $0x90000046  }
0xb4: {  	s29 =	simm.s32 $0x9;
	_ =	strace $0x80000048  }
0xb5: {  	_ =	swait.ge [sflag:s29], $0x1  }
0xb6: {  	[sflag:s29] =	ssyncadd.s32 $0xFFFFFFFF  }
0xb7: {  	_ =	strace $0x90000048  }
0xb8: {  	_ =	sfence  }
0xb9: {  	s30 =	sld [smem:$0x0];
	_ =	sdelay $0x2  }
0xba: {  	s31 =	sshll.u32 s1, $0xD;
	s1 =	sshrl.u32 s1, $0x2  }
0xbb: {  	s3 =	sand.u32 $0x4000, s31;
	s1 =	sadd.s32 s1, s30  }
0xbc: {  	s0 =	sor.u32 s3, s0;
	s1 =	sshll.u32 s1, $0x11  }
0xbd: {  	s0 =	sor.u32 s1, s0  }
0xbe: {  	s0 =	sadd.s32 $0x8F2B, s0  }
0xbf: {  	[sflag:s0] =	ssyncadd.remote.s32 $0x1  }
0xc0: {  	_ =	sfence.sel $0xFFFF  }
0xc1: {  	[dreg:$0x0] =	wrdreg $0xFFFFFFFF;
	(pc) =	sbr.abs _section_cstart, $3  }
0xc2: {  	[dreg:$0x1] =	wrdreg $0xFFFFFFFF  }
0xc3: {  	_ =	task.clear_ibuf [dreg:s7], $0x2FFFF;
	_ =	strace $0x9FFFFFFF  }
0xc4: {  	(tm) =	ssettm $0x7FFFFFFF  }
0xc5: {  	_ =	shalt  }
tec
execute0_lowered:
.L_overlay_start_1:
0x0: {  	(tag) =	ssettag $0x1  }
0x1: {  	s7 =	rddreg [dreg:$0x0]  }
0x2: {  	s16 =	rddreg [dreg:$0x1]  }
0x3: {  	s1 =	rddreg [dreg:$0x2]  }
0x4: {  	s2 =	rddreg [dreg:$0x3]  }
0x5: {  	s0 =	rddreg [dreg:$0x4];
	s4 =	simm.s32 $0x0;
	s5 =	srdreg.scid  }
0x6: {  	s3 =	stileid.u32;
	s18 =	simm.s32 $0x3;
	s19 =	simm.s32 $0x4000  }
0x7: {  	s20 =	simm.s32 $0x50;
	s21 =	simm.s32 $0x8000;
	s22 =	simm.s32 $0x1  }
0x8: {  	s23 =	simm.s32 $0x2;
	s24 =	simm.s32 $0x0;
	[smem:$0x7FF] =	sst s4  }
0x9: {  	s9 =	sand.u32 $0x1, s5;
	s6 =	sshll.u32 s3, $0xB;
	s8 =	smul.u32 $0x270, s3  }
0xa: {  	s15 =	sadd.s32 $0x13092, s16;
	p0 =	seq.s32 s3, $0xF;
	s5 =	sshll.u32 s9, $0xF  }
0xb: {  	_ =	strace $0x80000047;
	s30 =	ssub.s32 $0x2, s9;
	p4 =	seq.s32 s9, $0x1  }
0xc: {  	s10 =	sor.u32 s6, s5;
	s31 =	sshrl.u32 s8, $0x3;
	s12 =	sshrl.u32 s30, $0x1  }
0xd: {  	s5 =	sadd.s32 s8, s1;
	s6 =	sadd.s32 s8, s2;
	p2 =	seq.s32 @p4 s3, $0xF  }
0xe: {  	p5 =	seq.s32 @!p4 s3, $0xF;
	s11 =	sadd.s32 s10, s16;
	s14 =	sadd.s32 s31, s16  }
0xf: {  	s17 =	ssub.s32 s30, s12;
	s7 =	sadd.s32 s7, s10;
	s12 =	sadd.s32 $0x13692, s16  }
0x10: {  	p1 =	por !p2, !p4;
	p2 =	por p2, !p4;
	p3 =	por !p5, p4  }
0x11: {  	p4 =	por p5, p4;
	s8 =	sadd.s32 $0x2600, s11;
	s9 =	sadd.s32 $0x12600, s14  }
0x12: {  	s10 =	sadd.s32 $0x13200, s14;
	s11 =	sadd.s32 $0x12A92, s16;
	s13 =	sadd.s32 $0x12C00, s14  }
0x13: {  	v0 =	vimm.f32 $0.0e+00;
	v1 =	vimm.f32 $1.000000000e+00;
	s14 =	sadd.s32 $0x13800, s14;
	s16 =	sadd.s32 $0x13C92, s16;
	s17 =	smax.u32 s17, $0x1  }
.LBB2_1:
0x14: {  	[tilespmem:$0x8000] =	vst v0  }
0x15: {  	[tilespmem:$0x8010] =	vst v0  }
0x16: {  	[tilespmem:$0x8020] =	vst v0  }
0x17: {  	[tilespmem:$0x8030] =	vst v0  }
0x18: {  	[tilespmem:$0x8040] =	vst v0  }
0x19: {  	[tilespmem:$0x8050] =	vst v0  }
0x1a: {  	[tilespmem:$0x8060] =	vst v0  }
0x1b: {  	[tilespmem:$0x8070] =	vst v0  }
0x1c: {  	[tilespmem:$0x8080] =	vst v0  }
0x1d: {  	[tilespmem:$0x8090] =	vst v0  }
0x1e: {  	[tilespmem:$0x80A0] =	vst v0  }
0x1f: {  	[tilespmem:$0x80B0] =	vst v0  }
0x20: {  	[tilespmem:$0x80C0] =	vst v0  }
0x21: {  	[tilespmem:$0x80D0] =	vst v0  }
0x22: {  	[tilespmem:$0x80E0] =	vst v0  }
0x23: {  	[tilespmem:$0x80F0] =	vst v0  }
0x24: {  	[tilespmem:$0x8100] =	vst v0  }
0x25: {  	[tilespmem:$0x8110] =	vst v0  }
0x26: {  	[tilespmem:$0x8120] =	vst v0  }
0x27: {  	[tilespmem:$0x8130] =	vst v0  }
0x28: {  	[tilespmem:$0x8140] =	vst v0  }
0x29: {  	[tilespmem:$0x8150] =	vst v0  }
0x2a: {  	[tilespmem:$0x8160] =	vst v0  }
0x2b: {  	[tilespmem:$0x8170] =	vst v0  }
0x2c: {  	[tilespmem:$0x8180] =	vst v0  }
0x2d: {  	[tilespmem:$0x8190] =	vst v0  }
0x2e: {  	[tilespmem:$0x81A0] =	vst v0  }
0x2f: {  	[tilespmem:$0x81B0] =	vst v0  }
0x30: {  	[tilespmem:$0x81C0] =	vst v0  }
0x31: {  	[tilespmem:$0x81D0] =	vst v0  }
0x32: {  	[tilespmem:$0x81E0] =	vst v0  }
0x33: {  	[tilespmem:$0x81F0] =	vst v0  }
0x34: {  	[tilespmem:$0x8200] =	vst v0  }
0x35: {  	[tilespmem:$0x8210] =	vst v0  }
0x36: {  	[tilespmem:$0x8220] =	vst v0  }
0x37: {  	[tilespmem:$0x8230] =	vst v0  }
0x38: {  	[tilespmem:$0x8240] =	vst v0  }
0x39: {  	[tilespmem:$0x8250] =	vst v0  }
0x3a: {  	[tilespmem:$0x8260] =	vst v0  }
0x3b: {  	[tilespmem:$0x8270] =	vst v0;
	s25 =	simm.s32 @p0 $0x8000;
	s26 =	simm.s32 @p0 $0x3  }
0x3c: {  	[spmem:s5] =	stream.linear.scatter @p0 [tilespmem:s25], [sflag:$0x3], $0x280, $0x38;
	[tilespmem:$0x8770] =	vst v63  }
0x3d: {  	_ =	swait.ge @p0 [sflag:s26], $0x280  }
0x3e: {  	[sflag:s26] =	ssyncset.done @p0 $0x0  }
0x3f: {  	[sflag:s26] =	ssyncadd.s32 @p0 $0xFFFFFD80  }
0x40: {  	[spmem:s6] =	stream.linear.scatter @p0 [tilespmem:s25], [sflag:$0x3], $0x280, $0x38;
	[tilespmem:$0x8770] =	vst v63  }
0x41: {  	_ =	swait.ge @p0 [sflag:s26], $0x280  }
0x42: {  	[sflag:s26] =	ssyncset.done @p0 $0x0  }
0x43: {  	s25 =	simm.s32 @!p0 $0x8000;
	[sflag:s26] =	ssyncadd.s32 @p0 $0xFFFFFD80;
	s26 =	simm.s32 @!p0 $0x3  }
0x44: {  	[spmem:s5] =	stream.linear.scatter @!p0 [tilespmem:s25], [sflag:$0x3], $0x270, $0x38;
	[tilespmem:$0x8770] =	vst v63  }
0x45: {  	_ =	swait.ge @!p0 [sflag:s26], $0x270  }
0x46: {  	[sflag:s26] =	ssyncset.done @!p0 $0x0  }
0x47: {  	[sflag:s26] =	ssyncadd.s32 @!p0 $0xFFFFFD90  }
0x48: {  	[spmem:s6] =	stream.linear.scatter @!p0 [tilespmem:s25], [sflag:$0x3], $0x270, $0x38;
	[tilespmem:$0x8770] =	vst v63  }
0x49: {  	_ =	swait.ge @!p0 [sflag:s26], $0x270  }
0x4a: {  	[sflag:s26] =	ssyncset.done @!p0 $0x0  }
0x4b: {  	[sflag:s26] =	ssyncadd.s32 @!p0 $0xFFFFFD90  }
0x4c: {  	[tilespmem:s4], [sflag:$0x3] =	stream.linear.gather [hbm4b:s7+s4], $0x3E80, $0x38;
	[tilespmem:$0x8770] =	vst v63  }
0x4d: {  	_ =	swait.ge [sflag:s18], $0x3E80  }
0x4e: {  	[sflag:s18] =	ssyncset.done $0x0  }
0x4f: {  	[sflag:s18] =	ssyncadd.s32 $0xFFFFC180  }
0x50: {  	[tilespmem:s19], [sflag:$0x3] =	stream.linear.gather [hbm4b:s8+s4], $0x3E80, $0x38;
	[tilespmem:$0x8770] =	vst v63  }
0x51: {  	_ =	swait.ge [sflag:s18], $0x3E80  }
0x52: {  	[sflag:s18] =	ssyncset.done $0x0  }
0x53: {  	[sflag:s18] =	ssyncadd.s32 $0xFFFFC180  }
0x54: {  	[bflag:$0x0] =	sbarrier.arrive $0xFFFF  }
0x55: {  	[tilespmem:$0x8000] =	vst v1  }
0x56: {  	[tilespmem:$0x8010] =	vst v1  }
0x57: {  	[tilespmem:$0x8020] =	vst v1  }
0x58: {  	[tilespmem:$0x8030] =	vst v1  }
0x59: {  	[tilespmem:$0x8040] =	vst v1  }
0x5a: {  	[tilespmem:$0x8050] =	vst v1  }
0x5b: {  	[tilespmem:$0x8060] =	vst v1  }
0x5c: {  	[tilespmem:$0x8070] =	vst v1  }
0x5d: {  	[tilespmem:$0x8080] =	vst v1  }
0x5e: {  	[tilespmem:$0x8090] =	vst v1  }
0x5f: {  	[tilespmem:$0x80A0] =	vst v1  }
0x60: {  	[tilespmem:$0x80B0] =	vst v1  }
0x61: {  	[tilespmem:$0x80C0] =	vst v1  }
0x62: {  	[tilespmem:$0x80D0] =	vst v1  }
0x63: {  	[tilespmem:$0x80E0] =	vst v1  }
0x64: {  	[tilespmem:$0x80F0] =	vst v1  }
0x65: {  	[tilespmem:$0x8100] =	vst v1  }
0x66: {  	[tilespmem:$0x8110] =	vst v1  }
0x67: {  	[tilespmem:$0x8120] =	vst v1  }
0x68: {  	[tilespmem:$0x8130] =	vst v1  }
0x69: {  	[tilespmem:$0x8140] =	vst v1  }
0x6a: {  	[tilespmem:$0x8150] =	vst v1  }
0x6b: {  	[tilespmem:$0x8160] =	vst v1  }
0x6c: {  	[tilespmem:$0x8170] =	vst v1  }
0x6d: {  	[tilespmem:$0x8180] =	vst v1  }
0x6e: {  	[tilespmem:$0x8190] =	vst v1  }
0x6f: {  	[tilespmem:$0x81A0] =	vst v1  }
0x70: {  	[tilespmem:$0x81B0] =	vst v1  }
0x71: {  	[tilespmem:$0x81C0] =	vst v1  }
0x72: {  	[tilespmem:$0x81D0] =	vst v1  }
0x73: {  	[tilespmem:$0x81E0] =	vst v1  }
0x74: {  	[tilespmem:$0x81F0] =	vst v1  }
0x75: {  	[tilespmem:$0x8200] =	vst v1  }
0x76: {  	[tilespmem:$0x8210] =	vst v1  }
0x77: {  	[tilespmem:$0x8220] =	vst v1  }
0x78: {  	[tilespmem:$0x8230] =	vst v1  }
0x79: {  	[tilespmem:$0x8240] =	vst v1  }
0x7a: {  	[tilespmem:$0x8250] =	vst v1  }
0x7b: {  	[tilespmem:$0x8260] =	vst v1  }
0x7c: {  	[tilespmem:$0x8270] =	vst v1  }
0x7d: {  	[spmem:s1] =	stream.indirect.scatter.add.f32 [tilespmem:s21], [sflag:$0x1], $0x1, s4, s20, $0xb8;
	[tilespmem:$0x8770] =	vst v63  }
0x7e: {  	_ = 	snop  }
0x7f: {  	[spmem:s2] =	stream.indirect.scatter.add.f32 [tilespmem:s21], [sflag:$0x2], $0x1, s19, s20, $0xb8;
	[tilespmem:$0x8770] =	vst v63  }
0x80: {  	s30 =	simm.s32 $0x80  }
0x81: {  	[spmem:s1] =	stream.indirect.scatter.add.f32 [tilespmem:s21], [sflag:$0x1], $0x1, s30, s20, $0xb8;
	[tilespmem:$0x8770] =	vst v63  }
0x82: {  	s31 =	simm.s32 $0x4080  }
0x83: {  	[spmem:s2] =	stream.indirect.scatter.add.f32 [tilespmem:s21], [sflag:$0x2], $0x1, s31, s20, $0xb8;
	[tilespmem:$0x8770] =	vst v63  }
0x84: {  	_ =	swait.ge [sflag:s22], $0x50  }
0x85: {  	[sflag:s22] =	ssyncset.done $0x0  }
0x86: {  	[sflag:s22] =	ssyncadd.s32 $0xFFFFFFB0  }
0x87: {  	_ =	swait.ge [sflag:s23], $0x50  }
0x88: {  	s25 =	simm.s32 $0x400;
	s26 =	simm.s32 $0x600;
	[sflag:s23] =	ssyncset.done $0x0  }
.LBB2_2:
0x89: {  	s28 =	sshra.s32 s25, $0x2  }
0x8a: {  	[sflag:s23] =	ssyncadd.s32 $0xFFFFFFB0;
	s25 =	smov.u32 s26;
	s29 =	sadd.s32 $0x200, s26  }
0x8b: {  	[spmem:s1] =	stream.indirect.scatter.add.f32 [tilespmem:s21], [sflag:$0x1], $0x1, s28, s20, $0xb8;
	[tilespmem:$0x8770] =	vst v63  }
0x8c: {  	p5 =	sne.s32 s26, $0xF800;
	s26 =	sadd.s32 $0x4000, s28  }
0x8d: {  	[spmem:s2] =	stream.indirect.scatter.add.f32 [tilespmem:s21], [sflag:$0x2], $0x1, s26, s20, $0xb8;
	[tilespmem:$0x8770] =	vst v63  }
.Ltmp0:
0x8e: {  	_ =	swait.ge [sflag:s22], $0x50;
	(pc) =	sbr.rel @p5 .LBB2_2-.Ltmp0, $4  }
0x8f: {  	[sflag:s22] =	ssyncset.done $0x0  }
0x90: {  	[sflag:s22] =	ssyncadd.s32 $0xFFFFFFB0  }
0x91: {  	_ =	swait.ge [sflag:s23], $0x50  }
0x92: {  	s26 =	smov.u32 s29;
	[sflag:s23] =	ssyncset.done $0x0  }
0x93: {  	s25 =	sshra.s32 s25, $0x2;
	[sflag:s23] =	ssyncadd.s32 $0xFFFFFFB0  }
0x94: {  	[spmem:s1] =	stream.indirect.scatter.add.f32 [tilespmem:s21], [sflag:$0x1], $0x1, s25, s20, $0xb8;
	[tilespmem:$0x8770] =	vst v63  }
0x95: {  	s25 =	sadd.s32 $0x4000, s25  }
0x96: {  	[spmem:s2] =	stream.indirect.scatter.add.f32 [tilespmem:s21], [sflag:$0x2], $0x1, s25, s20, $0xb8;
	[tilespmem:$0x8770] =	vst v63  }
0x97: {  	_ =	swait.ge [sflag:s22], $0x50  }
0x98: {  	[sflag:s22] =	ssyncset.done $0x0  }
0x99: {  	[sflag:s22] =	ssyncadd.s32 $0xFFFFFFB0  }
0x9a: {  	_ =	swait.ge [sflag:s23], $0x50  }
0x9b: {  	[sflag:s23] =	ssyncset.done $0x0  }
0x9c: {  	[sflag:s23] =	ssyncadd.s32 $0xFFFFFFB0  }
0x9d: {  	_ =	swait.ge [sflag:s22], $0x50  }
0x9e: {  	[sflag:s22] =	ssyncset.done $0x0  }
0x9f: {  	[sflag:s22] =	ssyncadd.s32 $0xFFFFFFB0  }
0xa0: {  	_ =	swait.ge [sflag:s23], $0x50  }
0xa1: {  	[sflag:s23] =	ssyncset.done $0x0  }
0xa2: {  	[sflag:s23] =	ssyncadd.s32 $0xFFFFFFB0  }
0xa3: {  	s26 =	simm.s32 @!p1 $0x3;
	s25 =	simm.s32 @!p1 $0x8000;
	[bflag:$0x0] =	sbarrier.arrive $0xFFFF  }
0xa4: {  	[tilespmem:s25], [sflag:$0x3] =	stream.linear.gather @!p1 [spmem:s5], $0x280, $0x38;
	[tilespmem:$0x8770] =	vst v63  }
0xa5: {  	_ =	swait.ge @!p1 [sflag:s26], $0x280  }
0xa6: {  	[sflag:s26] =	ssyncset.done @!p1 $0x0  }
0xa7: {  	s28 =	simm.s32 @!p1 $0x0;
	[sflag:s26] =	ssyncadd.s32 @!p1 $0xFFFFFD80  }
0xa8: {  	[hbm4b:s15+s28] =	stream.linear.scatter @!p1 [tilespmem:s25], [sflag:$0x3], $0x280, $0x38;
	[tilespmem:$0x8770] =	vst v63  }
0xa9: {  	_ =	swait.ge @!p1 [sflag:s26], $0x280  }
0xaa: {  	[sflag:s26] =	ssyncset.done @!p1 $0x0  }
0xab: {  	[sflag:s26] =	ssyncadd.s32 @!p1 $0xFFFFFD80  }
0xac: {  	[tilespmem:s25], [sflag:$0x3] =	stream.linear.gather @!p1 [spmem:s6], $0x280, $0x38;
	[tilespmem:$0x8770] =	vst v63  }
0xad: {  	_ =	swait.ge @!p1 [sflag:s26], $0x280  }
0xae: {  	[sflag:s26] =	ssyncset.done @!p1 $0x0  }
0xaf: {  	[sflag:s26] =	ssyncadd.s32 @!p1 $0xFFFFFD80  }
0xb0: {  	[hbm4b:s16+s28] =	stream.linear.scatter @!p1 [tilespmem:s25], [sflag:$0x3], $0x280, $0x38;
	[tilespmem:$0x8770] =	vst v63  }
0xb1: {  	_ =	swait.ge @!p1 [sflag:s26], $0x280  }
0xb2: {  	[sflag:s26] =	ssyncset.done @!p1 $0x0  }
0xb3: {  	s25 =	simm.s32 @!p2 $0x8000;
	[sflag:s26] =	ssyncadd.s32 @!p1 $0xFFFFFD80;
	s26 =	simm.s32 @!p2 $0x3  }
0xb4: {  	[tilespmem:s25], [sflag:$0x3] =	stream.linear.gather @!p2 [spmem:s5], $0x270, $0x38;
	[tilespmem:$0x8770] =	vst v63  }
0xb5: {  	_ =	swait.ge @!p2 [sflag:s26], $0x270  }
0xb6: {  	[sflag:s26] =	ssyncset.done @!p2 $0x0  }
0xb7: {  	s28 =	simm.s32 @!p2 $0x0;
	[sflag:s26] =	ssyncadd.s32 @!p2 $0xFFFFFD90  }
0xb8: {  	[hbm4b:s13+s28] =	stream.linear.scatter @!p2 [tilespmem:s25], [sflag:$0x3], $0x270, $0x38;
	[tilespmem:$0x8770] =	vst v63  }
0xb9: {  	_ =	swait.ge @!p2 [sflag:s26], $0x270  }
0xba: {  	[sflag:s26] =	ssyncset.done @!p2 $0x0  }
0xbb: {  	[sflag:s26] =	ssyncadd.s32 @!p2 $0xFFFFFD90  }
0xbc: {  	[tilespmem:s25], [sflag:$0x3] =	stream.linear.gather @!p2 [spmem:s6], $0x270, $0x38;
	[tilespmem:$0x8770] =	vst v63  }
0xbd: {  	_ =	swait.ge @!p2 [sflag:s26], $0x270  }
0xbe: {  	[sflag:s26] =	ssyncset.done @!p2 $0x0  }
0xbf: {  	[sflag:s26] =	ssyncadd.s32 @!p2 $0xFFFFFD90  }
0xc0: {  	[hbm4b:s14+s28] =	stream.linear.scatter @!p2 [tilespmem:s25], [sflag:$0x3], $0x270, $0x38;
	[tilespmem:$0x8770] =	vst v63  }
0xc1: {  	_ =	swait.ge @!p2 [sflag:s26], $0x270  }
0xc2: {  	[sflag:s26] =	ssyncset.done @!p2 $0x0  }
0xc3: {  	s25 =	simm.s32 @!p3 $0x8000;
	[sflag:s26] =	ssyncadd.s32 @!p2 $0xFFFFFD90;
	s26 =	simm.s32 @!p3 $0x3  }
0xc4: {  	[tilespmem:s25], [sflag:$0x3] =	stream.linear.gather @!p3 [spmem:s5], $0x280, $0x38;
	[tilespmem:$0x8770] =	vst v63  }
0xc5: {  	_ =	swait.ge @!p3 [sflag:s26], $0x280  }
0xc6: {  	[sflag:s26] =	ssyncset.done @!p3 $0x0  }
0xc7: {  	s28 =	simm.s32 @!p3 $0x0;
	[sflag:s26] =	ssyncadd.s32 @!p3 $0xFFFFFD80  }
0xc8: {  	[hbm4b:s11+s28] =	stream.linear.scatter @!p3 [tilespmem:s25], [sflag:$0x3], $0x280, $0x38;
	[tilespmem:$0x8770] =	vst v63  }
0xc9: {  	_ =	swait.ge @!p3 [sflag:s26], $0x280  }
0xca: {  	[sflag:s26] =	ssyncset.done @!p3 $0x0  }
0xcb: {  	[sflag:s26] =	ssyncadd.s32 @!p3 $0xFFFFFD80  }
0xcc: {  	[tilespmem:s25], [sflag:$0x3] =	stream.linear.gather @!p3 [spmem:s6], $0x280, $0x38;
	[tilespmem:$0x8770] =	vst v63  }
0xcd: {  	_ =	swait.ge @!p3 [sflag:s26], $0x280  }
0xce: {  	[sflag:s26] =	ssyncset.done @!p3 $0x0  }
0xcf: {  	[sflag:s26] =	ssyncadd.s32 @!p3 $0xFFFFFD80  }
0xd0: {  	[hbm4b:s12+s28] =	stream.linear.scatter @!p3 [tilespmem:s25], [sflag:$0x3], $0x280, $0x38;
	[tilespmem:$0x8770] =	vst v63  }
0xd1: {  	_ =	swait.ge @!p3 [sflag:s26], $0x280  }
0xd2: {  	[sflag:s26] =	ssyncset.done @!p3 $0x0  }
0xd3: {  	s25 =	simm.s32 @!p4 $0x8000;
	[sflag:s26] =	ssyncadd.s32 @!p3 $0xFFFFFD80;
	s26 =	simm.s32 @!p4 $0x3  }
0xd4: {  	[tilespmem:s25], [sflag:$0x3] =	stream.linear.gather @!p4 [spmem:s5], $0x270, $0x38;
	[tilespmem:$0x8770] =	vst v63  }
0xd5: {  	_ =	swait.ge @!p4 [sflag:s26], $0x270  }
0xd6: {  	[sflag:s26] =	ssyncset.done @!p4 $0x0  }
0xd7: {  	s28 =	simm.s32 @!p4 $0x0;
	[sflag:s26] =	ssyncadd.s32 @!p4 $0xFFFFFD90  }
0xd8: {  	[hbm4b:s9+s28] =	stream.linear.scatter @!p4 [tilespmem:s25], [sflag:$0x3], $0x270, $0x38;
	[tilespmem:$0x8770] =	vst v63  }
0xd9: {  	_ =	swait.ge @!p4 [sflag:s26], $0x270  }
0xda: {  	[sflag:s26] =	ssyncset.done @!p4 $0x0  }
0xdb: {  	[sflag:s26] =	ssyncadd.s32 @!p4 $0xFFFFFD90  }
0xdc: {  	[tilespmem:s25], [sflag:$0x3] =	stream.linear.gather @!p4 [spmem:s6], $0x270, $0x38;
	[tilespmem:$0x8770] =	vst v63  }
0xdd: {  	s24 =	sadd.s32 $0x1, s24;
	_ =	swait.ge @!p4 [sflag:s26], $0x270  }
0xde: {  	p5 =	sne.s32 s24, s17;
	[sflag:s26] =	ssyncset.done @!p4 $0x0  }
.Ltmp1:
0xdf: {  	[sflag:s26] =	ssyncadd.s32 @!p4 $0xFFFFFD90;
	(pc) =	sbr.rel @p5 .LBB2_1-.Ltmp1, $4  }
0xe0: {  	[hbm4b:s10+s28] =	stream.linear.scatter @!p4 [tilespmem:s25], [sflag:$0x3], $0x270, $0x38;
	[tilespmem:$0x8770] =	vst v63  }
0xe1: {  	_ =	swait.ge @!p4 [sflag:s26], $0x270  }
0xe2: {  	[sflag:s26] =	ssyncset.done @!p4 $0x0  }
0xe3: {  	[sflag:s26] =	ssyncadd.s32 @!p4 $0xFFFFFD90  }
0xe4: {  	_ =	sfence.sel $0x180000  }
0xe5: {  	[bflag:$0x0] =	sbarrier.arrive $0xFFFF  }
0xe6: {  	p0 =	sne.s32 s3, $0x0;
	_ =	strace $0x90000047  }
0xe7: {  	s0 =	sadd.s32 @!p0 $0x100000, s0;
	[bflag:$0x2] =	sbarrier.arrive $0xFFFF  }
0xe8: {  	[sflag:s0] =	ssyncadd.tile.s32 @!p0 $0x1;
	_ =	shalt  }
.Lfunc_end2:
_tile_overlayer_lowered:
.L_overlay_start_2:
0xe9: {  	(tag) =	ssettag $0x2  }
0xea: {  	s0 =	rddreg [dreg:$0x0];
	s2 =	stileid.u32  }
0xeb: {  	s1 =	rddreg [dreg:$0x1];
	p0 =	sne.s32 s2, $0x0  }
0xec: {  	s3 =	rddreg [dreg:$0x2];
	[bflag:$0x3] =	sbarrier.arrive $0xFFFF;
	s2 =	simm.s32 @!p0 $0x1C03  }
0xed: {  	[timem:s3], [sflag:s2] =	dma.local @!p0 [hbm:s0], s1  }
0xee: {  	s0 =	simm.s32 @!p0 $0x3  }
0xef: {  	_ =	swait.ge @!p0 [sflag:s0], s1  }
0xf0: {  	s1 =	ssub.s32 @!p0 $0x0, s1;
	[sflag:s0] =	ssyncset.done @!p0 $0x0  }
0xf1: {  	[sflag:s0] =	ssyncadd.s32 @!p0 s1  }
0xf2: {  	[bflag:$0x3] =	sbarrier.arrive $0xFFFF  }
0xf3: {  	_ =	shalt  }

</sc_bundles>
